<compile_context>
chip_gen: v7x
topology: tpu7x:2x2x1
jax: 0.10.2.dev20260603
libtpu: 0.0.44.dev20260713+nightly
codegen_flags: <defaults>
</compile_context>

<pallas_src>
import jax
import jax.numpy as jnp
from jax import lax
from jax.experimental import pallas as pl
from jax.experimental.pallas import tpu as pltpu
from jax.experimental.pallas import tpu_sc as plsc

ATTR_W = 1.0
REP_W = 1.5
TAU = 0.7
SUPP_W = 0.5
CLAMP = 20.0

_B, _N, _D, _S = 4, 8192, 16, 128
_CAP = 1024
_NP = _CAP + 256
_TRP = 256
_CHUNK = _N // 8
_NV = _CHUNK // 16



def _sc_compact_kernel(cp_hbm, sid_hbm, emb_hbm, ce_hbm, csid_hbm,
                       cp_v, sid_v, lidx, lsid, cnt_v, tbl_sh, tbl_v,
                       srcb, dstb, rows, sidvals, sem):
    c = lax.axis_index("c")
    s = lax.axis_index("s")
    batch = c * 2 + s // 8
    rank = s % 8
    base = batch * _N + rank * _CHUNK
    lane = lax.iota(jnp.int32, 16)

    pltpu.async_copy(cp_hbm.at[pl.ds(base, _CHUNK)], cp_v, sem).wait()
    pltpu.async_copy(sid_hbm.at[pl.ds(base, _CHUNK)], sid_v, sem).wait()

    def body(i, wcount):
        o = i * 16
        cp16 = cp_v[pl.ds(o, 16)]
        sid16 = sid_v[pl.ds(o, 16)]
        m = cp16 == 1
        mi = jnp.where(m, 1, 0).astype(jnp.int32)
        cum = plsc.cumsum(mi)
        pos = wcount + cum - mi
        zeros = jnp.zeros((16,), jnp.int32)
        lidx[pl.ds(o, 16)] = zeros
        lsid[pl.ds(o, 16)] = zeros
        gidx = rank * _CHUNK + o + lane
        plsc.store_scatter(lidx, [pos], gidx, mask=m)
        plsc.store_scatter(lsid, [pos], sid16, mask=m)
        return wcount + jnp.sum(mi)

    wcount = lax.fori_loop(0, _NV, body, jnp.int32(0))

    cnt_v[...] = jnp.broadcast_to(wcount, (16,))
    pltpu.sync_copy(cnt_v, tbl_sh.at[s])
    plsc.subcore_barrier()
    pltpu.sync_copy(tbl_sh, tbl_v)
    g0 = (s // 8) * 8
    cnts = plsc.load_gather(tbl_v, [g0 + (lane & 7), jnp.zeros((16,), jnp.int32)])
    grp = jnp.where(lane < 8, cnts, 0)
    my_off = jnp.sum(jnp.where(lane < rank, grp, 0))

    dst_base = batch * _NP + my_off
    trash = batch * _NP + _CAP
    hi = batch * _NP + _NP - 1
    for ci in range(8):
        c0 = ci * 128

        @pl.when(wcount > c0)
        def _chunk():
            for v in range(8):
                o = c0 + v * 16
                li = lidx[pl.ds(o, 16)]
                ls = lsid[pl.ds(o, 16)]
                valid = (o + lane) < wcount
                srcb[pl.ds(v * 16, 16)] = batch * _N + li
                dst = jnp.where(valid, dst_base + o + lane, trash)
                dstb[pl.ds(v * 16, 16)] = jnp.minimum(dst, hi)
                sidvals[pl.ds(v * 16, 16)] = ls
            pltpu.async_copy(emb_hbm.at[srcb], rows, sem).wait()
            pltpu.async_copy(rows, ce_hbm.at[dstb], sem).wait()
            pltpu.async_copy(sidvals, csid_hbm.at[dstb], sem).wait()


_sc_out_type = (jax.ShapeDtypeStruct((_B * _NP, _D), jnp.float32),
                jax.ShapeDtypeStruct((_B * _NP,), jnp.int32))
_sc_scratch = [
    pltpu.VMEM((_CHUNK,), jnp.int32),
    pltpu.VMEM((_CHUNK,), jnp.int32),
    pltpu.VMEM((_CHUNK,), jnp.int32),
    pltpu.VMEM((_CHUNK,), jnp.int32),
    pltpu.VMEM((16,), jnp.int32),
    pltpu.VMEM_SHARED((16, 16), jnp.int32),
    pltpu.VMEM((16, 16), jnp.int32),
    pltpu.VMEM((128,), jnp.int32),
    pltpu.VMEM((128,), jnp.int32),
    pltpu.VMEM((128, _D), jnp.float32),
    pltpu.VMEM((128,), jnp.int32),
    pltpu.SemaphoreType.DMA,
]


def _sc_compact(cp_flat, sid_flat, emb_flat):
    mesh = plsc.VectorSubcoreMesh(core_axis_name="c", subcore_axis_name="s")
    f = pl.kernel(_sc_compact_kernel, out_type=_sc_out_type, mesh=mesh,
                  scratch_types=_sc_scratch,
                  compiler_params=pltpu.CompilerParams(
                      needs_layout_passes=False,
                      use_tc_tiling_on_sc=False))
    return f(cp_flat, sid_flat, emb_flat)



def _stats_kernel(beta_ref, emb_ref, sid_row_ref, cp_row_ref, stat_ref):
    sid = sid_row_ref[0]
    cp = (cp_row_ref[0] == 1)
    bta = beta_ref[0]
    emb_raw = emb_ref[0]

    b2 = jnp.where(jnp.isfinite(bta), bta, 0.0)
    b2 = jnp.clip(b2, -CLAMP, CLAMP)
    embc = jnp.where(jnp.isfinite(emb_raw), emb_raw, 0.0)

    e = jnp.exp(b2 / TAU - CLAMP / TAU)
    cpf = cp.astype(jnp.float32)

    iota_s = lax.broadcasted_iota(jnp.int32, (_S, _N), 0)
    member = (sid == iota_s)
    memf = member.astype(jnp.float32)

    ones_row = jnp.ones((1, _N), jnp.float32)
    vals = jnp.concatenate([ones_row, cpf, e, e * cpf], axis=0)
    sums = lax.dot_general(memf, vals, (((1,), (1,)), ((), ())),
                           preferred_element_type=jnp.float32)
    counts = sums[:, 0:1]
    cp_counts = sums[:, 1:2]
    z_raw = sums[:, 2:3]
    cpz = sums[:, 3:4]
    z = jnp.where(counts > 0, z_raw, 1.0)

    p_cp = cpz / z
    slice_ce = -jnp.log(p_cp + 1e-9)
    noncp_sum = (z_raw - cpz) / z
    noncp_n = counts - cp_counts
    supp = jnp.where(noncp_n > 0, noncp_sum / jnp.maximum(noncp_n, 1.0), 0.0)
    sel = cp_counts == 1.0
    slice_count = jnp.sum(sel.astype(jnp.float32))
    beta_loss = jnp.sum(jnp.where(sel, slice_ce + SUPP_W * supp, 0.0))
    beta_loss = beta_loss / jnp.maximum(slice_count, 1.0)

    iota_n = lax.broadcasted_iota(jnp.int32, (_S, _N), 1)
    cpmem = member & cp
    min_idx = jnp.min(jnp.where(cpmem, iota_n, _N), axis=1, keepdims=True)
    onehot = (iota_n == min_idx).astype(jnp.float32)
    cp_vec = lax.dot_general(onehot, embc, (((1,), (1,)), ((), ())),
                             preferred_element_type=jnp.float32)

    nj = jnp.sum(embc * embc, axis=0, keepdims=True)
    ns = jnp.sum(cp_vec * cp_vec, axis=1, keepdims=True)
    cross = lax.dot_general(cp_vec, embc, (((1,), (0,)), ((), ())),
                            preferred_element_type=jnp.float32)
    d2 = jnp.maximum(nj + ns - 2.0 * cross, 0.0)
    d2 = jnp.minimum(d2, 50.0)
    d2sum = jnp.sum(memf * d2, axis=1, keepdims=True)
    d2_mean = d2sum / jnp.maximum(counts, 1.0)
    att_sel = cp_counts > 0
    att_count = jnp.sum(att_sel.astype(jnp.float32))
    attraction = jnp.sum(jnp.where(att_sel, d2_mean, 0.0))
    attraction = jnp.where(att_count > 0,
                           ATTR_W * attraction / jnp.maximum(att_count, 1.0),
                           0.0)

    k_total = jnp.sum(cp_counts)
    rep_den = k_total * k_total - jnp.sum(cp_counts * cp_counts)
    cp_total = jnp.sum(cpf)
    vf = ((cp_total > 0) & (slice_count > 0)).astype(jnp.float32)

    one = jnp.ones((1, 1), jnp.float32)
    row = jnp.concatenate(
        [one * beta_loss, one * attraction, one * vf, one * k_total,
         one * rep_den, 0.0 * one, 0.0 * one, 0.0 * one], axis=1)
    stat_ref[...] = row.reshape(1, 1, 8)



def _fallback_kernel(emb_ref, sid_row_ref, cp_row_ref, sid_col_ref,
                     cp_col_ref, out_ref):
    emb_raw = emb_ref[0]
    embc = jnp.where(jnp.isfinite(emb_raw), emb_raw, 0.0)
    ones_d = jnp.ones((1, _D), jnp.float32)
    nj = lax.dot_general(ones_d, embc * embc, (((1,), (1,)), ((), ())),
                         preferred_element_type=jnp.float32)
    sid = sid_row_ref[0]
    cp = (cp_row_ref[0] == 1)

    def _full_tile(t, acc):
        r0 = t * _TRP
        er_raw = emb_ref[0, pl.ds(r0, _TRP), :]
        emb_r = jnp.where(jnp.isfinite(er_raw), er_raw, 0.0)
        gram = lax.dot_general(emb_r, embc, (((1,), (1,)), ((), ())),
                               preferred_element_type=jnp.float32)
        nr = jnp.sum(emb_r * emb_r, axis=1, keepdims=True)
        d2p = jnp.minimum(jnp.maximum(nr + nj - 2.0 * gram, 0.0), 50.0)
        pmask = ((cp_col_ref[0, pl.ds(r0, _TRP), :] == 1) & cp
                 & (sid_col_ref[0, pl.ds(r0, _TRP), :] != sid))
        return acc + jnp.sum(jnp.where(pmask, jnp.exp(-d2p), 0.0))

    rep_num = lax.fori_loop(0, _N // _TRP, _full_tile, 0.0)
    out_ref[...] = jnp.ones((1, 1, 1), jnp.float32) * rep_num


def _fallback(embed, slice_id, is_cp):
    B, N, D = embed.shape
    return pl.pallas_call(
        _fallback_kernel,
        grid=(B,),
        in_specs=[
            pl.BlockSpec((1, N, D), lambda b: (b, 0, 0)),
            pl.BlockSpec((1, 1, N), lambda b: (b, 0, 0)),
            pl.BlockSpec((1, 1, N), lambda b: (b, 0, 0)),
            pl.BlockSpec((1, N, 1), lambda b: (b, 0, 0)),
            pl.BlockSpec((1, N, 1), lambda b: (b, 0, 0)),
        ],
        out_specs=pl.BlockSpec((1, 1, 1), lambda b: (b, 0, 0)),
        out_shape=jax.ShapeDtypeStruct((B, 1, 1), jnp.float32),
    )(embed, slice_id.reshape(B, 1, N), is_cp.reshape(B, 1, N),
      slice_id.reshape(B, N, 1), is_cp.reshape(B, N, 1)).reshape(B)



def _rep_kernel(stat_ref, fb_ref, ce_ref, csid_row_ref, csid_col_ref,
                tot_ref, beta_out_ref, attr_out_ref, repl_out_ref, acc_ref):
    b = pl.program_id(0)
    nb = pl.num_programs(0)

    @pl.when(b == 0)
    def _init():
        for i in range(8):
            acc_ref[i] = 0.0

    k_total = stat_ref[b, 3]
    rep_den = stat_ref[b, 4]
    ki = k_total.astype(jnp.int32)
    ones_d = jnp.ones((1, _D), jnp.float32)

    ntiles = jnp.where(ki <= _CAP, (ki + _TRP - 1) // _TRP, 0)

    def _rep_tile(t, acc):
        tr = t // ntiles
        tc = t % ntiles
        r0 = tr * _TRP
        c0 = tc * _TRP
        cer_raw = ce_ref[0, pl.ds(r0, _TRP), :]
        cec_raw = ce_ref[0, pl.ds(c0, _TRP), :]
        ce_r = jnp.where(jnp.isfinite(cer_raw), cer_raw, 0.0)
        ce_c = jnp.where(jnp.isfinite(cec_raw), cec_raw, 0.0)
        gram = lax.dot_general(ce_r, ce_c, (((1,), (1,)), ((), ())),
                               preferred_element_type=jnp.float32)
        nr = jnp.sum(ce_r * ce_r, axis=1, keepdims=True)
        nc = lax.dot_general(ones_d, ce_c * ce_c, (((1,), (1,)), ((), ())),
                             preferred_element_type=jnp.float32)
        d2p = jnp.minimum(jnp.maximum(nr + nc - 2.0 * gram, 0.0), 50.0)
        sr = csid_col_ref[0, pl.ds(r0, _TRP), :]
        sc = csid_row_ref[0, :, pl.ds(c0, _TRP)]
        ir = lax.broadcasted_iota(jnp.int32, (_TRP, 1), 0) + r0
        ic = lax.broadcasted_iota(jnp.int32, (1, _TRP), 1) + c0
        pmask = (ir < ki) & (ic < ki) & (sr != sc)
        return acc + jnp.sum(jnp.where(pmask, jnp.exp(-d2p), 0.0))

    rep_fast = lax.fori_loop(0, ntiles * ntiles, _rep_tile, 0.0)

    rep_num = jnp.where(ki <= _CAP, rep_fast, fb_ref[b])
    repulsion = jnp.where(rep_den > 0,
                          rep_num / jnp.maximum(rep_den, 1.0) * REP_W, 0.0)

    beta_loss = stat_ref[b, 0]
    attraction = stat_ref[b, 1]
    vf = stat_ref[b, 2]
    acc_ref[0] += vf * (beta_loss + attraction + repulsion)
    acc_ref[1] += vf * beta_loss
    acc_ref[2] += vf * attraction
    acc_ref[3] += vf * repulsion
    acc_ref[4] += vf

    @pl.when(b == nb - 1)
    def _fin():
        valid = acc_ref[4]
        denom = jnp.maximum(valid, 1.0)
        scale = jnp.where(valid > 0, 1.0 / denom, 0.0)
        one = jnp.ones((1, 1), jnp.float32)
        tot_ref[...] = one * (acc_ref[0] * scale)
        beta_out_ref[...] = one * (acc_ref[1] * scale)
        attr_out_ref[...] = one * (acc_ref[2] * scale)
        repl_out_ref[...] = one * (acc_ref[3] * scale)


def kernel(beta, embed, slice_id, is_cp):
    B, N, D = embed.shape
    NP = _NP
    ce2, csid2 = _sc_compact(is_cp.reshape(B * N),
                             slice_id.reshape(B * N),
                             embed.reshape(B * N, D))
    ce = ce2.reshape(B, NP, D)
    csid_row = csid2.reshape(B, 1, NP)
    csid_col = csid2.reshape(B, NP, 1)
    embt = jnp.transpose(embed, (0, 2, 1))

    beta_row = beta.reshape(B, 1, N)
    sid_row = slice_id.reshape(B, 1, N)
    cp_row = is_cp.reshape(B, 1, N)

    stats = pl.pallas_call(
        _stats_kernel,
        grid=(B,),
        in_specs=[
            pl.BlockSpec((1, 1, N), lambda b: (b, 0, 0)),
            pl.BlockSpec((1, D, N), lambda b: (b, 0, 0)),
            pl.BlockSpec((1, 1, N), lambda b: (b, 0, 0)),
            pl.BlockSpec((1, 1, N), lambda b: (b, 0, 0)),
        ],
        out_specs=pl.BlockSpec((1, 1, 8), lambda b: (b, 0, 0)),
        out_shape=jax.ShapeDtypeStruct((B, 1, 8), jnp.float32),
    )(beta_row, embt, sid_row, cp_row)

    ktot = stats[:, 0, 3]
    fb = lax.cond(jnp.any(ktot > float(_CAP)),
                  lambda: _fallback(embed, slice_id, is_cp),
                  lambda: jnp.zeros((B,), jnp.float32))

    out_shape = [jax.ShapeDtypeStruct((1, 1), jnp.float32)] * 4
    scalar_spec = pl.BlockSpec((1, 1), lambda b: (0, 0))
    outs = pl.pallas_call(
        _rep_kernel,
        grid=(B,),
        in_specs=[
            pl.BlockSpec(memory_space=pltpu.SMEM),
            pl.BlockSpec(memory_space=pltpu.SMEM),
            pl.BlockSpec((1, NP, D), lambda b: (b, 0, 0)),
            pl.BlockSpec((1, 1, NP), lambda b: (b, 0, 0)),
            pl.BlockSpec((1, NP, 1), lambda b: (b, 0, 0)),
        ],
        out_specs=[scalar_spec] * 4,
        out_shape=out_shape,
        scratch_shapes=[pltpu.SMEM((8,), jnp.float32)],
    )(stats.reshape(B, 8), fb, ce, csid_row, csid_col)
    return tuple(o.reshape(()) for o in outs)

# --- scband reference (transcript-rebuilt; emitter-appended) ---
"""Pipeline reference for scband-object-condensation-loss-25726854103375 (READ-ONLY COPY).

The authoritative reference and input builder live on the scoring server;
editing this copy changes nothing except your own understanding.
"""

import jax, jax.numpy as jnp
import numpy as np

ATTR_W = 1.0
REP_W = 1.5
TAU = 0.7
SUPP_W = 0.5
CLAMP = 20.0
NUM_SLICES = 128
PAIR_CHUNK = 256


def setup_inputs(seed: int = 0) -> dict:
    key = jax.random.key(seed)
    k1, k2, k3, k4 = jax.random.split(key, 4)
    B, N, D, S = 4, 8192, 16, 128
    beta = jax.random.normal(k1, (B, N, 1), dtype=jnp.float32)
    embed = jax.random.normal(k2, (B, N, D), dtype=jnp.float32)
    slice_id = jnp.sort(jax.random.randint(k3, (B, N), 0, S), axis=-1)
    is_cp = jax.random.randint(k4, (B, N), 0, 50)
    return {"beta": beta, "embed": embed, "slice_id": slice_id, "is_cp": is_cp}


def _loss(beta, embed, slice_id, is_cp):
    beta2 = jnp.nan_to_num(jnp.squeeze(beta, -1), nan=0.0, posinf=0.0, neginf=0.0)
    emb = jnp.nan_to_num(embed, nan=0.0, posinf=0.0, neginf=0.0)
    B, N, D = embed.shape
    S = NUM_SLICES
    zero = jnp.asarray(0.0, dtype=jnp.float32)
    total = zero
    beta_log = zero
    attr_log = zero
    repl_log = zero
    valid = jnp.asarray(0.0, dtype=jnp.float32)
    slice_range = jnp.arange(S)
    for b in range(B):
        sid = slice_id[b]
        cp_mask = is_cp[b] == 1
        beta_b = jnp.clip(beta2[b], -CLAMP, CLAMP)
        emb_b = emb[b]
        member = slice_range[:, None] == sid[None, :]
        counts = member.sum(-1)
        cp_member = member & cp_mask[None, :]
        cp_counts = cp_member.sum(-1)
        sel = cp_counts == 1
        logits = beta_b / TAU
        masked_logits = jnp.where(member, logits[None, :], -jnp.inf)
        m = jnp.max(masked_logits, axis=-1)
        e = jnp.where(member, jnp.exp(masked_logits - m[:, None]), 0.0)
        z = jnp.where(counts > 0, e.sum(-1), 1.0)
        p = e / z[:, None]
        p_cp = jnp.where(cp_member, p, 0.0).sum(-1)
        slice_ce = -jnp.log(p_cp + 1e-9)
        noncp = member & jnp.logical_not(cp_mask)[None, :]
        noncp_sum = jnp.where(noncp, p, 0.0).sum(-1)
        noncp_n = counts - cp_counts
        supp = jnp.where(
            noncp_n > 0,
            noncp_sum / jnp.maximum(noncp_n, 1).astype(jnp.float32),
            0.0,
        )
        slice_count = sel.sum()
        beta_loss = jnp.where(sel, slice_ce + SUPP_W * supp, 0.0).sum()
        beta_loss = beta_loss / jnp.maximum(slice_count, 1).astype(jnp.float32)
        att_sel = cp_counts > 0
        first_cp = jnp.argmax(cp_member, axis=-1)
        cp_vec = emb_b[first_cp]
        d2 = jnp.minimum(((emb_b[None, :, :] - cp_vec[:, None, :]) ** 2).sum(-1), 50.0)
        d2_mean = jnp.where(member, d2, 0.0).sum(-1) / jnp.maximum(counts, 1).astype(jnp.float32)
        att_count = att_sel.sum()
        attraction = jnp.where(att_sel, d2_mean, 0.0).sum() / jnp.maximum(att_count, 1).astype(jnp.float32)
        attraction = jnp.where(att_count > 0, ATTR_W * attraction, 0.0)
        rep_num = zero
        rep_den = jnp.asarray(0, dtype=counts.dtype)
        for c0 in range(0, N, PAIR_CHUNK):
            e_c = emb_b[c0:c0 + PAIR_CHUNK]
            pd2 = jnp.minimum(((e_c[:, None, :] - emb_b[None, :, :]) ** 2).sum(-1), 50.0)
            pmask = (
                cp_mask[c0:c0 + PAIR_CHUNK, None]
                & cp_mask[None, :]
                & (sid[c0:c0 + PAIR_CHUNK, None] != sid[None, :])
            )
            rep_num = rep_num + jnp.where(pmask, jnp.exp(-pd2), 0.0).sum()
            rep_den = rep_den + pmask.sum()
        repulsion = jnp.where(
            rep_den > 0,
            rep_num / jnp.maximum(rep_den, 1).astype(jnp.float32) * REP_W,
            0.0,
        )
        batch_valid = cp_mask.any() & (slice_count > 0)
        vf = batch_valid.astype(jnp.float32)
        beta_log = beta_log + vf * beta_loss
        attr_log = attr_log + vf * attraction
        repl_log = repl_log + vf * repulsion
        total = total + vf * (beta_loss + attraction + repulsion)
        valid = valid + vf
    denom = jnp.maximum(valid, 1.0)
    has_valid = valid > 0
    return (
        jnp.where(has_valid, total / denom, zero),
        jnp.where(has_valid, beta_log / denom, zero),
        jnp.where(has_valid, attr_log / denom, zero),
        jnp.where(has_valid, repl_log / denom, zero),
    )


def reference(beta, embed, slice_id, is_cp):
    final_loss, beta_log, attr_log, repl_log = _loss(beta, embed, slice_id, is_cp)
    return (final_loss, beta_log, attr_log, repl_log)

if __name__ == "__main__":
    import jax
    _d = setup_inputs()
    print(jax.jit(kernel)(*tuple(_d.values())))

</pallas_src>

<mosaic_0001>
#map = affine_map<(d0, d1) -> (0)>
#map1 = affine_map<(d0, d1) -> (0, 0)>
module attributes {stable_mosaic.version = 14 : i64} {
  func.func @_sc_compact_kernel(%arg0: i32, %arg1: i32, %arg2: memref<32768xi32, #tpu.memory_space<hbm>>, %arg3: memref<32768xi32, #tpu.memory_space<hbm>>, %arg4: memref<32768x16xf32, #tpu.memory_space<hbm>>, %arg5: memref<5120x16xf32, #tpu.memory_space<hbm>>, %arg6: memref<5120xi32, #tpu.memory_space<hbm>>, %arg7: memref<1024xi32, #tpu.memory_space<vmem>>, %arg8: memref<1024xi32, #tpu.memory_space<vmem>>, %arg9: memref<1024xi32, #tpu.memory_space<vmem>>, %arg10: memref<1024xi32, #tpu.memory_space<vmem>>, %arg11: memref<16xi32, #tpu.memory_space<vmem>>, %arg12: memref<16x16xi32, #tpu.memory_space<vmem_shared>>, %arg13: memref<16x16xi32, #tpu.memory_space<vmem>>, %arg14: memref<128xi32, #tpu.memory_space<vmem>>, %arg15: memref<128xi32, #tpu.memory_space<vmem>>, %arg16: memref<128x16xf32, #tpu.memory_space<vmem>>, %arg17: memref<128xi32, #tpu.memory_space<vmem>>, %arg18: memref<!tpu.dma_semaphore, #tpu.memory_space<semaphore_mem>>) attributes {dimension_semantics = [#tpu.dimension_semantics<core_parallel>, #tpu.dimension_semantics<subcore_parallel>], iteration_bounds = array<i64: 2, 16>, scalar_prefetch = 0 : i64, scratch_operands = 12 : i64, tpu.core_type = #tpu.core_type<sc_vector_subcore>, window_params = [{transform_indices = #map}, {transform_indices = #map}, {transform_indices = #map1}, {transform_indices = #map1}, {transform_indices = #map}]} {
    %mul3A = arith.constant 2 : i32
    %mul3A_0 = arith.muli %arg0, %mul3A : i32
    %jit3A = arith.constant 8 : i32
    %div3A = arith.divsi %arg1, %jit3A : i32
    %sign3A = arith.constant 0 : i32
    %sign3A_1 = arith.cmpi sgt, %arg1, %sign3A : i32
    %sign3A_2 = arith.extui %sign3A_1 : i1 to i32
    %sign3A_3 = arith.constant 0 : i32
    %sign3A_4 = arith.cmpi slt, %arg1, %sign3A_3 : i32
    %sign3A_5 = arith.extui %sign3A_4 : i1 to i32
    %sign3A_6 = arith.subi %sign3A_2, %sign3A_5 : i32
    %sign3A_7 = arith.constant 0 : i32
    %sign3A_8 = arith.cmpi sgt, %jit3A, %sign3A_7 : i32
    %sign3A_9 = arith.extui %sign3A_8 : i1 to i32
    %sign3A_10 = arith.constant 0 : i32
    %sign3A_11 = arith.cmpi slt, %jit3A, %sign3A_10 : i32
    %sign3A_12 = arith.extui %sign3A_11 : i1 to i32
    %sign3A_13 = arith.subi %sign3A_9, %sign3A_12 : i32
    %ne3A = arith.cmpi ne, %sign3A_6, %sign3A_13 : i32
    %rem3A = arith.remsi %arg1, %jit3A : i32
    %ne3A_14 = arith.constant 0 : i32
    %ne3A_15 = arith.cmpi ne, %rem3A, %ne3A_14 : i32
    %and3A = arith.andi %ne3A, %ne3A_15 : i1
    %sub3A = arith.constant 1 : i32
    %sub3A_16 = arith.subi %div3A, %sub3A : i32
    %select_n3A = arith.select %and3A, %sub3A_16, %div3A : i32
    %add3A = arith.addi %mul3A_0, %select_n3A : i32
    %jit3A_17 = arith.constant 8 : i32
    %eq3A = arith.constant 0 : i32
    %eq3A_18 = arith.cmpi eq, %jit3A_17, %eq3A : i32
    %jit3A_19 = arith.constant 1 : i32
    %select_n3A_20 = arith.select %eq3A_18, %jit3A_19, %jit3A_17 : i32
    %rem3A_21 = arith.remsi %arg1, %select_n3A_20 : i32
    %ne3A_22 = arith.constant 0 : i32
    %ne3A_23 = arith.cmpi ne, %rem3A_21, %ne3A_22 : i32
    %lt3A = arith.constant 0 : i32
    %lt3A_24 = arith.cmpi slt, %rem3A_21, %lt3A : i32
    %lt3A_25 = arith.constant 0 : i32
    %lt3A_26 = arith.cmpi slt, %select_n3A_20, %lt3A_25 : i32
    %ne3A_27 = arith.xori %lt3A_24, %lt3A_26 : i1
    %and3A_28 = arith.andi %ne3A_27, %ne3A_23 : i1
    %add3A_29 = arith.addi %rem3A_21, %select_n3A_20 : i32
    %select_n3A_30 = arith.select %and3A_28, %add3A_29, %rem3A_21 : i32
    %mul3A_31 = arith.constant 8192 : i32
    %mul3A_32 = arith.muli %add3A, %mul3A_31 : i32
    %mul3A_33 = arith.constant 1024 : i32
    %mul3A_34 = arith.muli %select_n3A_30, %mul3A_33 : i32
    %add3A_35 = arith.addi %mul3A_32, %mul3A_34 : i32
    %iota3A = tpu.iota {dimensions = array<i32: 0>} : vector<16xi32>
    %dma_start3A = tpu.memref_slice %arg2[%add3A_35] : memref<32768xi32, #tpu.memory_space<hbm>> -> memref<1024xi32, #tpu.memory_space<hbm>>
    %dma_start3A_36 = tpu.memref_slice %arg2[%add3A_35] : memref<32768xi32, #tpu.memory_space<hbm>> -> memref<1024xi32, #tpu.memory_space<hbm>>
    tpu.enqueue_dma source(%dma_start3A_36 : memref<1024xi32, #tpu.memory_space<hbm>>) target(%arg7 : memref<1024xi32, #tpu.memory_space<vmem>>) target_semaphore(%arg18 : memref<!tpu.dma_semaphore, #tpu.memory_space<semaphore_mem>>)
    %dma_wait3A = tpu.memref_slice %arg2[%add3A_35] : memref<32768xi32, #tpu.memory_space<hbm>> -> memref<1024xi32, #tpu.memory_space<hbm>>
    %dma_wait3A_37 = tpu.memref_slice %arg2[%add3A_35] : memref<32768xi32, #tpu.memory_space<hbm>> -> memref<1024xi32, #tpu.memory_space<hbm>>
    tpu.wait_dma2 semaphore(%arg18 : memref<!tpu.dma_semaphore, #tpu.memory_space<semaphore_mem>>) src(%dma_wait3A_37 : memref<1024xi32, #tpu.memory_space<hbm>>) dst(%arg7 : memref<1024xi32, #tpu.memory_space<vmem>>)
    %dma_start3A_38 = tpu.memref_slice %arg3[%add3A_35] : memref<32768xi32, #tpu.memory_space<hbm>> -> memref<1024xi32, #tpu.memory_space<hbm>>
    %dma_start3A_39 = tpu.memref_slice %arg3[%add3A_35] : memref<32768xi32, #tpu.memory_space<hbm>> -> memref<1024xi32, #tpu.memory_space<hbm>>
    tpu.enqueue_dma source(%dma_start3A_39 : memref<1024xi32, #tpu.memory_space<hbm>>) target(%arg8 : memref<1024xi32, #tpu.memory_space<vmem>>) target_semaphore(%arg18 : memref<!tpu.dma_semaphore, #tpu.memory_space<semaphore_mem>>)
    %dma_wait3A_40 = tpu.memref_slice %arg3[%add3A_35] : memref<32768xi32, #tpu.memory_space<hbm>> -> memref<1024xi32, #tpu.memory_space<hbm>>
    %dma_wait3A_41 = tpu.memref_slice %arg3[%add3A_35] : memref<32768xi32, #tpu.memory_space<hbm>> -> memref<1024xi32, #tpu.memory_space<hbm>>
    tpu.wait_dma2 semaphore(%arg18 : memref<!tpu.dma_semaphore, #tpu.memory_space<semaphore_mem>>) src(%dma_wait3A_41 : memref<1024xi32, #tpu.memory_space<hbm>>) dst(%arg8 : memref<1024xi32, #tpu.memory_space<vmem>>)
    %scan3A = arith.constant 0 : i32
    %scan3A_42 = arith.constant 0 : i32
    %scan3A_43 = arith.constant 64 : i32
    %scan3A_44 = arith.addi %scan3A_42, %scan3A_43 : i32
    %scan3A_45 = arith.constant 1 : i32
    %scan3A_46 = scf.for %scan3A_146 = %scan3A_42 to %scan3A_44 step %scan3A_45 iter_args(%scan3A_147 = %scan3A) -> (i32)  : i32 {
      %mul3A_148 = arith.constant 16 : i32
      %mul3A_149 = arith.muli %scan3A_146, %mul3A_148 : i32
      %get3A = arith.index_cast %mul3A_149 : i32 to index
      %get3A_150 = tpu.vector_load %arg7[%get3A] {strides = array<i32>} : memref<1024xi32, #tpu.memory_space<vmem>>, vector<16xi32>,
      %get3A_151 = arith.index_cast %mul3A_149 : i32 to index
      %get3A_152 = tpu.vector_load %arg8[%get3A_151] {strides = array<i32>} : memref<1024xi32, #tpu.memory_space<vmem>>, vector<16xi32>,
      %eq3A_153 = arith.constant 1 : i32
      %eq3A_154 = vector.broadcast %eq3A_153 : i32 to vector<16xi32>
      %eq3A_155 = arith.cmpi eq, %get3A_150, %eq3A_154 : vector<16xi32>
      %jit3A_156 = arith.constant 1 : i32
      %jit3A_157 = arith.constant 0 : i32
      %broadcast_in_dim3A_158 = vector.broadcast %jit3A_156 : i32 to vector<16xi32>
      %broadcast_in_dim3A_159 = vector.broadcast %jit3A_157 : i32 to vector<16xi32>
      %select_n3A_160 = arith.select %eq3A_155, %broadcast_in_dim3A_158, %broadcast_in_dim3A_159 : vector<16xi1>, vector<16xi32>
      %broadcast_in_dim3A_161 = arith.constant true
      %broadcast_in_dim3A_162 = vector.broadcast %broadcast_in_dim3A_161 : i1 to vector<16xi1>
      %masked_cumsum3A = tpu.scan <sum>, %select_n3A_160 masked %broadcast_in_dim3A_162 : vector<16xi32>, vector<16xi1> -> vector<16xi32>
      %add3A_163 = vector.broadcast %scan3A_147 : i32 to vector<16xi32>
      %add3A_164 = arith.addi %add3A_163, %masked_cumsum3A : vector<16xi32>
      %sub3A_165 = arith.subi %add3A_164, %select_n3A_160 : vector<16xi32>
      %broadcast_in_dim3A_166 = arith.constant 0 : i32
      %broadcast_in_dim3A_167 = vector.broadcast %broadcast_in_dim3A_166 : i32 to vector<16xi32>
      %swap3A_168 = arith.index_cast %mul3A_149 : i32 to index
      %swap3A_169 = tpu.vector_load %arg9[%swap3A_168] {strides = array<i32>} : memref<1024xi32, #tpu.memory_space<vmem>>, vector<16xi32>,
      tpu.vector_store %arg9[%swap3A_168], %broadcast_in_dim3A_167 {strides = array<i32>} : memref<1024xi32, #tpu.memory_space<vmem>>, vector<16xi32>,
      %swap3A_170 = arith.index_cast %mul3A_149 : i32 to index
      %swap3A_171 = tpu.vector_load %arg10[%swap3A_170] {strides = array<i32>} : memref<1024xi32, #tpu.memory_space<vmem>>, vector<16xi32>,
      tpu.vector_store %arg10[%swap3A_170], %broadcast_in_dim3A_167 {strides = array<i32>} : memref<1024xi32, #tpu.memory_space<vmem>>, vector<16xi32>,
      %mul3A_172 = arith.constant 1024 : i32
      %mul3A_173 = arith.muli %select_n3A_30, %mul3A_172 : i32
      %add3A_174 = arith.addi %mul3A_173, %mul3A_149 : i32
      %add3A_175 = vector.broadcast %add3A_174 : i32 to vector<16xi32>
      %add3A_176 = arith.addi %add3A_175, %iota3A : vector<16xi32>
      tpu.vector_store_idx %arg9[%sub3A_165], %add3A_176 masked %eq3A_155 : memref<1024xi32, #tpu.memory_space<vmem>>[vector<16xi32>], vector<16xi32>, vector<16xi1>
      tpu.vector_store_idx %arg10[%sub3A_165], %get3A_152 masked %eq3A_155 : memref<1024xi32, #tpu.memory_space<vmem>>[vector<16xi32>], vector<16xi32>, vector<16xi1>
      %reduce_sum3A_177 = arith.constant true
      %reduce_sum3A_178 = vector.broadcast %reduce_sum3A_177 : i1 to vector<16xi1>
      %reduce_sum3A_179 = tpu.scan <sum>, %select_n3A_160 masked %reduce_sum3A_178 : vector<16xi32>, vector<16xi1> -> vector<16xi32>
      %reduce_sum3A_180 = vector.extract %reduce_sum3A_179[15] : i32 from vector<16xi32>
      %add3A_181 = arith.addi %scan3A_147, %reduce_sum3A_180 : i32
      scf.yield %add3A_181 : i32
    }
    %scan3A_47 = arith.constant 64 : i32
    %broadcast_in_dim3A = vector.broadcast %scan3A_46 : i32 to vector<16xi32>
    %swap3A = arith.constant 0 : index
    %swap3A_48 = tpu.vector_load %arg11[%swap3A] {strides = array<i32>} : memref<16xi32, #tpu.memory_space<vmem>>, vector<16xi32>,
    tpu.vector_store %arg11[%swap3A], %broadcast_in_dim3A {strides = array<i32>} : memref<16xi32, #tpu.memory_space<vmem>>, vector<16xi32>,
    "tpu.region"() ({
      %run_scoped3A = tpu.sem_alloc : memref<!tpu.dma_semaphore, #tpu.memory_space<semaphore_mem>>
      %dma_start3A_146 = arith.constant 0 : i32
      %dma_start3A_147 = tpu.memref_slice %arg12[%arg1, %dma_start3A_146] : memref<16x16xi32, #tpu.memory_space<vmem_shared>> -> memref<1x16xi32, #tpu.memory_space<vmem_shared>>
      %dma_start3A_148 = tpu.memref_squeeze %dma_start3A_147 : memref<1x16xi32, #tpu.memory_space<vmem_shared>> -> memref<16xi32, #tpu.memory_space<vmem_shared>>
      %dma_start3A_149 = arith.constant 0 : i32
      %dma_start3A_150 = tpu.memref_slice %arg12[%arg1, %dma_start3A_149] : memref<16x16xi32, #tpu.memory_space<vmem_shared>> -> memref<1x16xi32, #tpu.memory_space<vmem_shared>>
      %dma_start3A_151 = tpu.memref_squeeze %dma_start3A_150 : memref<1x16xi32, #tpu.memory_space<vmem_shared>> -> memref<16xi32, #tpu.memory_space<vmem_shared>>
      tpu.enqueue_dma source(%arg11 : memref<16xi32, #tpu.memory_space<vmem>>) target(%dma_start3A_151 : memref<16xi32, #tpu.memory_space<vmem_shared>>) target_semaphore(%run_scoped3A : memref<!tpu.dma_semaphore, #tpu.memory_space<semaphore_mem>>)
      %dma_wait3A_152 = arith.constant 0 : i32
      %dma_wait3A_153 = tpu.memref_slice %arg12[%arg1, %dma_wait3A_152] : memref<16x16xi32, #tpu.memory_space<vmem_shared>> -> memref<1x16xi32, #tpu.memory_space<vmem_shared>>
      %dma_wait3A_154 = tpu.memref_squeeze %dma_wait3A_153 : memref<1x16xi32, #tpu.memory_space<vmem_shared>> -> memref<16xi32, #tpu.memory_space<vmem_shared>>
      %dma_wait3A_155 = arith.constant 0 : i32
      %dma_wait3A_156 = tpu.memref_slice %arg12[%arg1, %dma_wait3A_155] : memref<16x16xi32, #tpu.memory_space<vmem_shared>> -> memref<1x16xi32, #tpu.memory_space<vmem_shared>>
      %dma_wait3A_157 = tpu.memref_squeeze %dma_wait3A_156 : memref<1x16xi32, #tpu.memory_space<vmem_shared>> -> memref<16xi32, #tpu.memory_space<vmem_shared>>
      tpu.wait_dma2 semaphore(%run_scoped3A : memref<!tpu.dma_semaphore, #tpu.memory_space<semaphore_mem>>) src(%arg11 : memref<16xi32, #tpu.memory_space<vmem>>) dst(%dma_wait3A_157 : memref<16xi32, #tpu.memory_space<vmem_shared>>)
      tpu.yield
    }) : () -> ()
    %barrier3A = arith.constant 0 : index
    tpu.barrier barrier_id(%barrier3A)
    "tpu.region"() ({
      %run_scoped3A = tpu.sem_alloc : memref<!tpu.dma_semaphore, #tpu.memory_space<semaphore_mem>>
      tpu.enqueue_dma source(%arg12 : memref<16x16xi32, #tpu.memory_space<vmem_shared>>) target(%arg13 : memref<16x16xi32, #tpu.memory_space<vmem>>) target_semaphore(%run_scoped3A : memref<!tpu.dma_semaphore, #tpu.memory_space<semaphore_mem>>)
      tpu.wait_dma2 semaphore(%run_scoped3A : memref<!tpu.dma_semaphore, #tpu.memory_space<semaphore_mem>>) src(%arg12 : memref<16x16xi32, #tpu.memory_space<vmem_shared>>) dst(%arg13 : memref<16x16xi32, #tpu.memory_space<vmem>>)
      tpu.yield
    }) : () -> ()
    %jit3A_49 = arith.constant 8 : i32
    %div3A_50 = arith.divsi %arg1, %jit3A_49 : i32
    %sign3A_51 = arith.constant 0 : i32
    %sign3A_52 = arith.cmpi sgt, %arg1, %sign3A_51 : i32
    %sign3A_53 = arith.extui %sign3A_52 : i1 to i32
    %sign3A_54 = arith.constant 0 : i32
    %sign3A_55 = arith.cmpi slt, %arg1, %sign3A_54 : i32
    %sign3A_56 = arith.extui %sign3A_55 : i1 to i32
    %sign3A_57 = arith.subi %sign3A_53, %sign3A_56 : i32
    %sign3A_58 = arith.constant 0 : i32
    %sign3A_59 = arith.cmpi sgt, %jit3A_49, %sign3A_58 : i32
    %sign3A_60 = arith.extui %sign3A_59 : i1 to i32
    %sign3A_61 = arith.constant 0 : i32
    %sign3A_62 = arith.cmpi slt, %jit3A_49, %sign3A_61 : i32
    %sign3A_63 = arith.extui %sign3A_62 : i1 to i32
    %sign3A_64 = arith.subi %sign3A_60, %sign3A_63 : i32
    %ne3A_65 = arith.cmpi ne, %sign3A_57, %sign3A_64 : i32
    %rem3A_66 = arith.remsi %arg1, %jit3A_49 : i32
    %ne3A_67 = arith.constant 0 : i32
    %ne3A_68 = arith.cmpi ne, %rem3A_66, %ne3A_67 : i32
    %and3A_69 = arith.andi %ne3A_65, %ne3A_68 : i1
    %sub3A_70 = arith.constant 1 : i32
    %sub3A_71 = arith.subi %div3A_50, %sub3A_70 : i32
    %select_n3A_72 = arith.select %and3A_69, %sub3A_71, %div3A_50 : i32
    %mul3A_73 = arith.constant 8 : i32
    %mul3A_74 = arith.muli %select_n3A_72, %mul3A_73 : i32
    %and3A_75 = arith.constant 7 : i32
    %and3A_76 = vector.broadcast %and3A_75 : i32 to vector<16xi32>
    %and3A_77 = arith.andi %iota3A, %and3A_76 : vector<16xi32>
    %add3A_78 = vector.broadcast %mul3A_74 : i32 to vector<16xi32>
    %add3A_79 = arith.addi %add3A_78, %and3A_77 : vector<16xi32>
    %broadcast_in_dim3A_80 = arith.constant 0 : i32
    %broadcast_in_dim3A_81 = vector.broadcast %broadcast_in_dim3A_80 : i32 to vector<16xi32>
    %gather3A = tpu.vector_load_idx %arg13[%add3A_79, %broadcast_in_dim3A_81] : memref<16x16xi32, #tpu.memory_space<vmem>>[vector<16xi32>, vector<16xi32>], vector<16xi32>,
    %lt3A_82 = arith.constant 8 : i32
    %lt3A_83 = vector.broadcast %lt3A_82 : i32 to vector<16xi32>
    %lt3A_84 = arith.cmpi slt, %iota3A, %lt3A_83 : vector<16xi32>
    %jit3A_85 = arith.constant 0 : i32
    %broadcast_in_dim3A_86 = vector.broadcast %jit3A_85 : i32 to vector<16xi32>
    %select_n3A_87 = arith.select %lt3A_84, %gather3A, %broadcast_in_dim3A_86 : vector<16xi1>, vector<16xi32>
    %lt3A_88 = vector.broadcast %select_n3A_30 : i32 to vector<16xi32>
    %lt3A_89 = arith.cmpi slt, %iota3A, %lt3A_88 : vector<16xi32>
    %jit3A_90 = arith.constant 0 : i32
    %broadcast_in_dim3A_91 = vector.broadcast %jit3A_90 : i32 to vector<16xi32>
    %select_n3A_92 = arith.select %lt3A_89, %select_n3A_87, %broadcast_in_dim3A_91 : vector<16xi1>, vector<16xi32>
    %reduce_sum3A = arith.constant true
    %reduce_sum3A_93 = vector.broadcast %reduce_sum3A : i1 to vector<16xi1>
    %reduce_sum3A_94 = tpu.scan <sum>, %select_n3A_92 masked %reduce_sum3A_93 : vector<16xi32>, vector<16xi1> -> vector<16xi32>
    %reduce_sum3A_95 = vector.extract %reduce_sum3A_94[15] : i32 from vector<16xi32>
    %mul3A_96 = arith.constant 1280 : i32
    %mul3A_97 = arith.muli %add3A, %mul3A_96 : i32
    %add3A_98 = arith.addi %mul3A_97, %reduce_sum3A_95 : i32
    %mul3A_99 = arith.constant 1280 : i32
    %mul3A_100 = arith.muli %add3A, %mul3A_99 : i32
    %add3A_101 = arith.constant 1024 : i32
    %add3A_102 = arith.addi %mul3A_100, %add3A_101 : i32
    %mul3A_103 = arith.constant 1280 : i32
    %mul3A_104 = arith.muli %add3A, %mul3A_103 : i32
    %add3A_105 = arith.constant 1280 : i32
    %add3A_106 = arith.addi %mul3A_104, %add3A_105 : i32
    %sub3A_107 = arith.constant 1 : i32
    %sub3A_108 = arith.subi %add3A_106, %sub3A_107 : i32
    %gt3A = arith.constant 0 : i32
    %gt3A_109 = arith.cmpi sgt, %scan3A_46, %gt3A : i32
    %convert_element_type3A = arith.extui %gt3A_109 : i1 to i32
    %cond3A = arith.constant 0 : i32
    %cond3A_110 = arith.cmpi ne, %convert_element_type3A, %cond3A : i32
    scf.if %cond3A_110 {
      %get3A = arith.constant 0 : index
      %get3A_146 = tpu.vector_load %arg9[%get3A] {strides = array<i32>} : memref<1024xi32, #tpu.memory_space<vmem>>, vector<16xi32>,
      %get3A_147 = arith.constant 0 : index
      %get3A_148 = tpu.vector_load %arg10[%get3A_147] {strides = array<i32>} : memref<1024xi32, #tpu.memory_space<vmem>>, vector<16xi32>,
      %add3A_149 = arith.constant 0 : i32
      %add3A_150 = vector.broadcast %add3A_149 : i32 to vector<16xi32>
      %add3A_151 = arith.addi %add3A_150, %iota3A : vector<16xi32>
      %lt3A_152 = vector.broadcast %scan3A_46 : i32 to vector<16xi32>
      %lt3A_153 = arith.cmpi slt, %add3A_151, %lt3A_152 : vector<16xi32>
      %mul3A_154 = arith.constant 8192 : i32
      %mul3A_155 = arith.muli %add3A, %mul3A_154 : i32
      %add3A_156 = vector.broadcast %mul3A_155 : i32 to vector<16xi32>
      %add3A_157 = arith.addi %add3A_156, %get3A_146 : vector<16xi32>
      %swap3A_158 = arith.constant 0 : index
      %swap3A_159 = tpu.vector_load %arg14[%swap3A_158] {strides = array<i32>} : memref<128xi32, #tpu.memory_space<vmem>>, vector<16xi32>,
      tpu.vector_store %arg14[%swap3A_158], %add3A_157 {strides = array<i32>} : memref<128xi32, #tpu.memory_space<vmem>>, vector<16xi32>,
      %add3A_160 = arith.constant 0 : i32
      %add3A_161 = arith.addi %add3A_98, %add3A_160 : i32
      %add3A_162 = vector.broadcast %add3A_161 : i32 to vector<16xi32>
      %add3A_163 = arith.addi %add3A_162, %iota3A : vector<16xi32>
      %broadcast_in_dim3A_164 = vector.broadcast %add3A_102 : i32 to vector<16xi32>
      %select_n3A_165 = arith.select %lt3A_153, %add3A_163, %broadcast_in_dim3A_164 : vector<16xi1>, vector<16xi32>
      %min3A = vector.broadcast %sub3A_108 : i32 to vector<16xi32>
      %min3A_166 = arith.minsi %select_n3A_165, %min3A : vector<16xi32>
      %swap3A_167 = arith.constant 0 : index
      %swap3A_168 = tpu.vector_load %arg15[%swap3A_167] {strides = array<i32>} : memref<128xi32, #tpu.memory_space<vmem>>, vector<16xi32>,
      tpu.vector_store %arg15[%swap3A_167], %min3A_166 {strides = array<i32>} : memref<128xi32, #tpu.memory_space<vmem>>, vector<16xi32>,
      %swap3A_169 = arith.constant 0 : index
      %swap3A_170 = tpu.vector_load %arg17[%swap3A_169] {strides = array<i32>} : memref<128xi32, #tpu.memory_space<vmem>>, vector<16xi32>,
      tpu.vector_store %arg17[%swap3A_169], %get3A_148 {strides = array<i32>} : memref<128xi32, #tpu.memory_space<vmem>>, vector<16xi32>,
      %get3A_171 = arith.constant 16 : index
      %get3A_172 = tpu.vector_load %arg9[%get3A_171] {strides = array<i32>} : memref<1024xi32, #tpu.memory_space<vmem>>, vector<16xi32>,
      %get3A_173 = arith.constant 16 : index
      %get3A_174 = tpu.vector_load %arg10[%get3A_173] {strides = array<i32>} : memref<1024xi32, #tpu.memory_space<vmem>>, vector<16xi32>,
      %add3A_175 = arith.constant 16 : i32
      %add3A_176 = vector.broadcast %add3A_175 : i32 to vector<16xi32>
      %add3A_177 = arith.addi %add3A_176, %iota3A : vector<16xi32>
      %lt3A_178 = vector.broadcast %scan3A_46 : i32 to vector<16xi32>
      %lt3A_179 = arith.cmpi slt, %add3A_177, %lt3A_178 : vector<16xi32>
      %mul3A_180 = arith.constant 8192 : i32
      %mul3A_181 = arith.muli %add3A, %mul3A_180 : i32
      %add3A_182 = vector.broadcast %mul3A_181 : i32 to vector<16xi32>
      %add3A_183 = arith.addi %add3A_182, %get3A_172 : vector<16xi32>
      %swap3A_184 = arith.constant 16 : index
      %swap3A_185 = tpu.vector_load %arg14[%swap3A_184] {strides = array<i32>} : memref<128xi32, #tpu.memory_space<vmem>>, vector<16xi32>,
      tpu.vector_store %arg14[%swap3A_184], %add3A_183 {strides = array<i32>} : memref<128xi32, #tpu.memory_space<vmem>>, vector<16xi32>,
      %add3A_186 = arith.constant 16 : i32
      %add3A_187 = arith.addi %add3A_98, %add3A_186 : i32
      %add3A_188 = vector.broadcast %add3A_187 : i32 to vector<16xi32>
      %add3A_189 = arith.addi %add3A_188, %iota3A : vector<16xi32>
      %broadcast_in_dim3A_190 = vector.broadcast %add3A_102 : i32 to vector<16xi32>
      %select_n3A_191 = arith.select %lt3A_179, %add3A_189, %broadcast_in_dim3A_190 : vector<16xi1>, vector<16xi32>
      %min3A_192 = vector.broadcast %sub3A_108 : i32 to vector<16xi32>
      %min3A_193 = arith.minsi %select_n3A_191, %min3A_192 : vector<16xi32>
      %swap3A_194 = arith.constant 16 : index
      %swap3A_195 = tpu.vector_load %arg15[%swap3A_194] {strides = array<i32>} : memref<128xi32, #tpu.memory_space<vmem>>, vector<16xi32>,
      tpu.vector_store %arg15[%swap3A_194], %min3A_193 {strides = array<i32>} : memref<128xi32, #tpu.memory_space<vmem>>, vector<16xi32>,
      %swap3A_196 = arith.constant 16 : index
      %swap3A_197 = tpu.vector_load %arg17[%swap3A_196] {strides = array<i32>} : memref<128xi32, #tpu.memory_space<vmem>>, vector<16xi32>,
      tpu.vector_store %arg17[%swap3A_196], %get3A_174 {strides = array<i32>} : memref<128xi32, #tpu.memory_space<vmem>>, vector<16xi32>,
      %get3A_198 = arith.constant 32 : index
      %get3A_199 = tpu.vector_load %arg9[%get3A_198] {strides = array<i32>} : memref<1024xi32, #tpu.memory_space<vmem>>, vector<16xi32>,
      %get3A_200 = arith.constant 32 : index
      %get3A_201 = tpu.vector_load %arg10[%get3A_200] {strides = array<i32>} : memref<1024xi32, #tpu.memory_space<vmem>>, vector<16xi32>,
      %add3A_202 = arith.constant 32 : i32
      %add3A_203 = vector.broadcast %add3A_202 : i32 to vector<16xi32>
      %add3A_204 = arith.addi %add3A_203, %iota3A : vector<16xi32>
      %lt3A_205 = vector.broadcast %scan3A_46 : i32 to vector<16xi32>
      %lt3A_206 = arith.cmpi slt, %add3A_204, %lt3A_205 : vector<16xi32>
      %mul3A_207 = arith.constant 8192 : i32
      %mul3A_208 = arith.muli %add3A, %mul3A_207 : i32
      %add3A_209 = vector.broadcast %mul3A_208 : i32 to vector<16xi32>
      %add3A_210 = arith.addi %add3A_209, %get3A_199 : vector<16xi32>
      %swap3A_211 = arith.constant 32 : index
      %swap3A_212 = tpu.vector_load %arg14[%swap3A_211] {strides = array<i32>} : memref<128xi32, #tpu.memory_space<vmem>>, vector<16xi32>,
      tpu.vector_store %arg14[%swap3A_211], %add3A_210 {strides = array<i32>} : memref<128xi32, #tpu.memory_space<vmem>>, vector<16xi32>,
      %add3A_213 = arith.constant 32 : i32
      %add3A_214 = arith.addi %add3A_98, %add3A_213 : i32
      %add3A_215 = vector.broadcast %add3A_214 : i32 to vector<16xi32>
      %add3A_216 = arith.addi %add3A_215, %iota3A : vector<16xi32>
      %broadcast_in_dim3A_217 = vector.broadcast %add3A_102 : i32 to vector<16xi32>
      %select_n3A_218 = arith.select %lt3A_206, %add3A_216, %broadcast_in_dim3A_217 : vector<16xi1>, vector<16xi32>
      %min3A_219 = vector.broadcast %sub3A_108 : i32 to vector<16xi32>
      %min3A_220 = arith.minsi %select_n3A_218, %min3A_219 : vector<16xi32>
      %swap3A_221 = arith.constant 32 : index
      %swap3A_222 = tpu.vector_load %arg15[%swap3A_221] {strides = array<i32>} : memref<128xi32, #tpu.memory_space<vmem>>, vector<16xi32>,
      tpu.vector_store %arg15[%swap3A_221], %min3A_220 {strides = array<i32>} : memref<128xi32, #tpu.memory_space<vmem>>, vector<16xi32>,
      %swap3A_223 = arith.constant 32 : index
      %swap3A_224 = tpu.vector_load %arg17[%swap3A_223] {strides = array<i32>} : memref<128xi32, #tpu.memory_space<vmem>>, vector<16xi32>,
      tpu.vector_store %arg17[%swap3A_223], %get3A_201 {strides = array<i32>} : memref<128xi32, #tpu.memory_space<vmem>>, vector<16xi32>,
      %get3A_225 = arith.constant 48 : index
      %get3A_226 = tpu.vector_load %arg9[%get3A_225] {strides = array<i32>} : memref<1024xi32, #tpu.memory_space<vmem>>, vector<16xi32>,
      %get3A_227 = arith.constant 48 : index
      %get3A_228 = tpu.vector_load %arg10[%get3A_227] {strides = array<i32>} : memref<1024xi32, #tpu.memory_space<vmem>>, vector<16xi32>,
      %add3A_229 = arith.constant 48 : i32
      %add3A_230 = vector.broadcast %add3A_229 : i32 to vector<16xi32>
      %add3A_231 = arith.addi %add3A_230, %iota3A : vector<16xi32>
      %lt3A_232 = vector.broadcast %scan3A_46 : i32 to vector<16xi32>
      %lt3A_233 = arith.cmpi slt, %add3A_231, %lt3A_232 : vector<16xi32>
      %mul3A_234 = arith.constant 8192 : i32
      %mul3A_235 = arith.muli %add3A, %mul3A_234 : i32
      %add3A_236 = vector.broadcast %mul3A_235 : i32 to vector<16xi32>
      %add3A_237 = arith.addi %add3A_236, %get3A_226 : vector<16xi32>
      %swap3A_238 = arith.constant 48 : index
      %swap3A_239 = tpu.vector_load %arg14[%swap3A_238] {strides = array<i32>} : memref<128xi32, #tpu.memory_space<vmem>>, vector<16xi32>,
      tpu.vector_store %arg14[%swap3A_238], %add3A_237 {strides = array<i32>} : memref<128xi32, #tpu.memory_space<vmem>>, vector<16xi32>,
      %add3A_240 = arith.constant 48 : i32
      %add3A_241 = arith.addi %add3A_98, %add3A_240 : i32
      %add3A_242 = vector.broadcast %add3A_241 : i32 to vector<16xi32>
      %add3A_243 = arith.addi %add3A_242, %iota3A : vector<16xi32>
      %broadcast_in_dim3A_244 = vector.broadcast %add3A_102 : i32 to vector<16xi32>
      %select_n3A_245 = arith.select %lt3A_233, %add3A_243, %broadcast_in_dim3A_244 : vector<16xi1>, vector<16xi32>
      %min3A_246 = vector.broadcast %sub3A_108 : i32 to vector<16xi32>
      %min3A_247 = arith.minsi %select_n3A_245, %min3A_246 : vector<16xi32>
      %swap3A_248 = arith.constant 48 : index
      %swap3A_249 = tpu.vector_load %arg15[%swap3A_248] {strides = array<i32>} : memref<128xi32, #tpu.memory_space<vmem>>, vector<16xi32>,
      tpu.vector_store %arg15[%swap3A_248], %min3A_247 {strides = array<i32>} : memref<128xi32, #tpu.memory_space<vmem>>, vector<16xi32>,
      %swap3A_250 = arith.constant 48 : index
      %swap3A_251 = tpu.vector_load %arg17[%swap3A_250] {strides = array<i32>} : memref<128xi32, #tpu.memory_space<vmem>>, vector<16xi32>,
      tpu.vector_store %arg17[%swap3A_250], %get3A_228 {strides = array<i32>} : memref<128xi32, #tpu.memory_space<vmem>>, vector<16xi32>,
      %get3A_252 = arith.constant 64 : index
      %get3A_253 = tpu.vector_load %arg9[%get3A_252] {strides = array<i32>} : memref<1024xi32, #tpu.memory_space<vmem>>, vector<16xi32>,
      %get3A_254 = arith.constant 64 : index
      %get3A_255 = tpu.vector_load %arg10[%get3A_254] {strides = array<i32>} : memref<1024xi32, #tpu.memory_space<vmem>>, vector<16xi32>,
      %add3A_256 = arith.constant 64 : i32
      %add3A_257 = vector.broadcast %add3A_256 : i32 to vector<16xi32>
      %add3A_258 = arith.addi %add3A_257, %iota3A : vector<16xi32>
      %lt3A_259 = vector.broadcast %scan3A_46 : i32 to vector<16xi32>
      %lt3A_260 = arith.cmpi slt, %add3A_258, %lt3A_259 : vector<16xi32>
      %mul3A_261 = arith.constant 8192 : i32
      %mul3A_262 = arith.muli %add3A, %mul3A_261 : i32
      %add3A_263 = vector.broadcast %mul3A_262 : i32 to vector<16xi32>
      %add3A_264 = arith.addi %add3A_263, %get3A_253 : vector<16xi32>
      %swap3A_265 = arith.constant 64 : index
      %swap3A_266 = tpu.vector_load %arg14[%swap3A_265] {strides = array<i32>} : memref<128xi32, #tpu.memory_space<vmem>>, vector<16xi32>,
      tpu.vector_store %arg14[%swap3A_265], %add3A_264 {strides = array<i32>} : memref<128xi32, #tpu.memory_space<vmem>>, vector<16xi32>,
      %add3A_267 = arith.constant 64 : i32
      %add3A_268 = arith.addi %add3A_98, %add3A_267 : i32
      %add3A_269 = vector.broadcast %add3A_268 : i32 to vector<16xi32>
      %add3A_270 = arith.addi %add3A_269, %iota3A : vector<16xi32>
      %broadcast_in_dim3A_271 = vector.broadcast %add3A_102 : i32 to vector<16xi32>
      %select_n3A_272 = arith.select %lt3A_260, %add3A_270, %broadcast_in_dim3A_271 : vector<16xi1>, vector<16xi32>
      %min3A_273 = vector.broadcast %sub3A_108 : i32 to vector<16xi32>
      %min3A_274 = arith.minsi %select_n3A_272, %min3A_273 : vector<16xi32>
      %swap3A_275 = arith.constant 64 : index
      %swap3A_276 = tpu.vector_load %arg15[%swap3A_275] {strides = array<i32>} : memref<128xi32, #tpu.memory_space<vmem>>, vector<16xi32>,
      tpu.vector_store %arg15[%swap3A_275], %min3A_274 {strides = array<i32>} : memref<128xi32, #tpu.memory_space<vmem>>, vector<16xi32>,
      %swap3A_277 = arith.constant 64 : index
      %swap3A_278 = tpu.vector_load %arg17[%swap3A_277] {strides = array<i32>} : memref<128xi32, #tpu.memory_space<vmem>>, vector<16xi32>,
      tpu.vector_store %arg17[%swap3A_277], %get3A_255 {strides = array<i32>} : memref<128xi32, #tpu.memory_space<vmem>>, vector<16xi32>,
      %get3A_279 = arith.constant 80 : index
      %get3A_280 = tpu.vector_load %arg9[%get3A_279] {strides = array<i32>} : memref<1024xi32, #tpu.memory_space<vmem>>, vector<16xi32>,
      %get3A_281 = arith.constant 80 : index
      %get3A_282 = tpu.vector_load %arg10[%get3A_281] {strides = array<i32>} : memref<1024xi32, #tpu.memory_space<vmem>>, vector<16xi32>,
      %add3A_283 = arith.constant 80 : i32
      %add3A_284 = vector.broadcast %add3A_283 : i32 to vector<16xi32>
      %add3A_285 = arith.addi %add3A_284, %iota3A : vector<16xi32>
      %lt3A_286 = vector.broadcast %scan3A_46 : i32 to vector<16xi32>
      %lt3A_287 = arith.cmpi slt, %add3A_285, %lt3A_286 : vector<16xi32>
      %mul3A_288 = arith.constant 8192 : i32
      %mul3A_289 = arith.muli %add3A, %mul3A_288 : i32
      %add3A_290 = vector.broadcast %mul3A_289 : i32 to vector<16xi32>
      %add3A_291 = arith.addi %add3A_290, %get3A_280 : vector<16xi32>
      %swap3A_292 = arith.constant 80 : index
      %swap3A_293 = tpu.vector_load %arg14[%swap3A_292] {strides = array<i32>} : memref<128xi32, #tpu.memory_space<vmem>>, vector<16xi32>,
      tpu.vector_store %arg14[%swap3A_292], %add3A_291 {strides = array<i32>} : memref<128xi32, #tpu.memory_space<vmem>>, vector<16xi32>,
      %add3A_294 = arith.constant 80 : i32
      %add3A_295 = arith.addi %add3A_98, %add3A_294 : i32
      %add3A_296 = vector.broadcast %add3A_295 : i32 to vector<16xi32>
      %add3A_297 = arith.addi %add3A_296, %iota3A : vector<16xi32>
      %broadcast_in_dim3A_298 = vector.broadcast %add3A_102 : i32 to vector<16xi32>
      %select_n3A_299 = arith.select %lt3A_287, %add3A_297, %broadcast_in_dim3A_298 : vector<16xi1>, vector<16xi32>
      %min3A_300 = vector.broadcast %sub3A_108 : i32 to vector<16xi32>
      %min3A_301 = arith.minsi %select_n3A_299, %min3A_300 : vector<16xi32>
      %swap3A_302 = arith.constant 80 : index
      %swap3A_303 = tpu.vector_load %arg15[%swap3A_302] {strides = array<i32>} : memref<128xi32, #tpu.memory_space<vmem>>, vector<16xi32>,
      tpu.vector_store %arg15[%swap3A_302], %min3A_301 {strides = array<i32>} : memref<128xi32, #tpu.memory_space<vmem>>, vector<16xi32>,
      %swap3A_304 = arith.constant 80 : index
      %swap3A_305 = tpu.vector_load %arg17[%swap3A_304] {strides = array<i32>} : memref<128xi32, #tpu.memory_space<vmem>>, vector<16xi32>,
      tpu.vector_store %arg17[%swap3A_304], %get3A_282 {strides = array<i32>} : memref<128xi32, #tpu.memory_space<vmem>>, vector<16xi32>,
      %get3A_306 = arith.constant 96 : index
      %get3A_307 = tpu.vector_load %arg9[%get3A_306] {strides = array<i32>} : memref<1024xi32, #tpu.memory_space<vmem>>, vector<16xi32>,
      %get3A_308 = arith.constant 96 : index
      %get3A_309 = tpu.vector_load %arg10[%get3A_308] {strides = array<i32>} : memref<1024xi32, #tpu.memory_space<vmem>>, vector<16xi32>,
      %add3A_310 = arith.constant 96 : i32
      %add3A_311 = vector.broadcast %add3A_310 : i32 to vector<16xi32>
      %add3A_312 = arith.addi %add3A_311, %iota3A : vector<16xi32>
      %lt3A_313 = vector.broadcast %scan3A_46 : i32 to vector<16xi32>
      %lt3A_314 = arith.cmpi slt, %add3A_312, %lt3A_313 : vector<16xi32>
      %mul3A_315 = arith.constant 8192 : i32
      %mul3A_316 = arith.muli %add3A, %mul3A_315 : i32
      %add3A_317 = vector.broadcast %mul3A_316 : i32 to vector<16xi32>
      %add3A_318 = arith.addi %add3A_317, %get3A_307 : vector<16xi32>
      %swap3A_319 = arith.constant 96 : index
      %swap3A_320 = tpu.vector_load %arg14[%swap3A_319] {strides = array<i32>} : memref<128xi32, #tpu.memory_space<vmem>>, vector<16xi32>,
      tpu.vector_store %arg14[%swap3A_319], %add3A_318 {strides = array<i32>} : memref<128xi32, #tpu.memory_space<vmem>>, vector<16xi32>,
      %add3A_321 = arith.constant 96 : i32
      %add3A_322 = arith.addi %add3A_98, %add3A_321 : i32
      %add3A_323 = vector.broadcast %add3A_322 : i32 to vector<16xi32>
      %add3A_324 = arith.addi %add3A_323, %iota3A : vector<16xi32>
      %broadcast_in_dim3A_325 = vector.broadcast %add3A_102 : i32 to vector<16xi32>
      %select_n3A_326 = arith.select %lt3A_314, %add3A_324, %broadcast_in_dim3A_325 : vector<16xi1>, vector<16xi32>
      %min3A_327 = vector.broadcast %sub3A_108 : i32 to vector<16xi32>
      %min3A_328 = arith.minsi %select_n3A_326, %min3A_327 : vector<16xi32>
      %swap3A_329 = arith.constant 96 : index
      %swap3A_330 = tpu.vector_load %arg15[%swap3A_329] {strides = array<i32>} : memref<128xi32, #tpu.memory_space<vmem>>, vector<16xi32>,
      tpu.vector_store %arg15[%swap3A_329], %min3A_328 {strides = array<i32>} : memref<128xi32, #tpu.memory_space<vmem>>, vector<16xi32>,
      %swap3A_331 = arith.constant 96 : index
      %swap3A_332 = tpu.vector_load %arg17[%swap3A_331] {strides = array<i32>} : memref<128xi32, #tpu.memory_space<vmem>>, vector<16xi32>,
      tpu.vector_store %arg17[%swap3A_331], %get3A_309 {strides = array<i32>} : memref<128xi32, #tpu.memory_space<vmem>>, vector<16xi32>,
      %get3A_333 = arith.constant 112 : index
      %get3A_334 = tpu.vector_load %arg9[%get3A_333] {strides = array<i32>} : memref<1024xi32, #tpu.memory_space<vmem>>, vector<16xi32>,
      %get3A_335 = arith.constant 112 : index
      %get3A_336 = tpu.vector_load %arg10[%get3A_335] {strides = array<i32>} : memref<1024xi32, #tpu.memory_space<vmem>>, vector<16xi32>,
      %add3A_337 = arith.constant 112 : i32
      %add3A_338 = vector.broadcast %add3A_337 : i32 to vector<16xi32>
      %add3A_339 = arith.addi %add3A_338, %iota3A : vector<16xi32>
      %lt3A_340 = vector.broadcast %scan3A_46 : i32 to vector<16xi32>
      %lt3A_341 = arith.cmpi slt, %add3A_339, %lt3A_340 : vector<16xi32>
      %mul3A_342 = arith.constant 8192 : i32
      %mul3A_343 = arith.muli %add3A, %mul3A_342 : i32
      %add3A_344 = vector.broadcast %mul3A_343 : i32 to vector<16xi32>
      %add3A_345 = arith.addi %add3A_344, %get3A_334 : vector<16xi32>
      %swap3A_346 = arith.constant 112 : index
      %swap3A_347 = tpu.vector_load %arg14[%swap3A_346] {strides = array<i32>} : memref<128xi32, #tpu.memory_space<vmem>>, vector<16xi32>,
      tpu.vector_store %arg14[%swap3A_346], %add3A_345 {strides = array<i32>} : memref<128xi32, #tpu.memory_space<vmem>>, vector<16xi32>,
      %add3A_348 = arith.constant 112 : i32
      %add3A_349 = arith.addi %add3A_98, %add3A_348 : i32
      %add3A_350 = vector.broadcast %add3A_349 : i32 to vector<16xi32>
      %add3A_351 = arith.addi %add3A_350, %iota3A : vector<16xi32>
      %broadcast_in_dim3A_352 = vector.broadcast %add3A_102 : i32 to vector<16xi32>
      %select_n3A_353 = arith.select %lt3A_341, %add3A_351, %broadcast_in_dim3A_352 : vector<16xi1>, vector<16xi32>
      %min3A_354 = vector.broadcast %sub3A_108 : i32 to vector<16xi32>
      %min3A_355 = arith.minsi %select_n3A_353, %min3A_354 : vector<16xi32>
      %swap3A_356 = arith.constant 112 : index
      %swap3A_357 = tpu.vector_load %arg15[%swap3A_356] {strides = array<i32>} : memref<128xi32, #tpu.memory_space<vmem>>, vector<16xi32>,
      tpu.vector_store %arg15[%swap3A_356], %min3A_355 {strides = array<i32>} : memref<128xi32, #tpu.memory_space<vmem>>, vector<16xi32>,
      %swap3A_358 = arith.constant 112 : index
      %swap3A_359 = tpu.vector_load %arg17[%swap3A_358] {strides = array<i32>} : memref<128xi32, #tpu.memory_space<vmem>>, vector<16xi32>,
      tpu.vector_store %arg17[%swap3A_358], %get3A_336 {strides = array<i32>} : memref<128xi32, #tpu.memory_space<vmem>>, vector<16xi32>,
      %dma_start3A_360 = arith.constant 0 : i32
      %dma_start3A_361 = arith.constant 0 : i32
      %dma_start3A_362 = tpu.memref_slice %arg4[%dma_start3A_360, %dma_start3A_361] : memref<32768x16xf32, #tpu.memory_space<hbm>> -> memref<32768x16xf32, #tpu.memory_space<hbm>>
      tpu.enqueue_indirect_dma source(%dma_start3A_362 : memref<32768x16xf32, #tpu.memory_space<hbm>>) target(%arg16 : memref<128x16xf32, #tpu.memory_space<vmem>>) offsets(%arg14 : memref<128xi32, #tpu.memory_space<vmem>>) semaphore(%arg18 : memref<!tpu.dma_semaphore, #tpu.memory_space<semaphore_mem>>)
      %dma_wait3A_363 = arith.constant 0 : i32
      %dma_wait3A_364 = arith.constant 0 : i32
      %dma_wait3A_365 = tpu.memref_slice %arg4[%dma_wait3A_363, %dma_wait3A_364] : memref<32768x16xf32, #tpu.memory_space<hbm>> -> memref<32768x16xf32, #tpu.memory_space<hbm>>
      tpu.wait_indirect_dma semaphore(%arg18 : memref<!tpu.dma_semaphore, #tpu.memory_space<semaphore_mem>>) src(%dma_wait3A_365 : memref<32768x16xf32, #tpu.memory_space<hbm>>) dst(%arg16 : memref<128x16xf32, #tpu.memory_space<vmem>>)
      %dma_start3A_366 = arith.constant 0 : i32
      %dma_start3A_367 = arith.constant 0 : i32
      %dma_start3A_368 = tpu.memref_slice %arg5[%dma_start3A_366, %dma_start3A_367] : memref<5120x16xf32, #tpu.memory_space<hbm>> -> memref<5120x16xf32, #tpu.memory_space<hbm>>
      tpu.enqueue_indirect_dma source(%arg16 : memref<128x16xf32, #tpu.memory_space<vmem>>) target(%dma_start3A_368 : memref<5120x16xf32, #tpu.memory_space<hbm>>) offsets(%arg15 : memref<128xi32, #tpu.memory_space<vmem>>) semaphore(%arg18 : memref<!tpu.dma_semaphore, #tpu.memory_space<semaphore_mem>>)
      %dma_wait3A_369 = arith.constant 0 : i32
      %dma_wait3A_370 = arith.constant 0 : i32
      %dma_wait3A_371 = tpu.memref_slice %arg5[%dma_wait3A_369, %dma_wait3A_370] : memref<5120x16xf32, #tpu.memory_space<hbm>> -> memref<5120x16xf32, #tpu.memory_space<hbm>>
      tpu.wait_indirect_dma semaphore(%arg18 : memref<!tpu.dma_semaphore, #tpu.memory_space<semaphore_mem>>) src(%arg16 : memref<128x16xf32, #tpu.memory_space<vmem>>) dst(%dma_wait3A_371 : memref<5120x16xf32, #tpu.memory_space<hbm>>)
      %dma_start3A_372 = arith.constant 0 : i32
      %dma_start3A_373 = tpu.memref_slice %arg6[%dma_start3A_372] : memref<5120xi32, #tpu.memory_space<hbm>> -> memref<5120xi32, #tpu.memory_space<hbm>>
      tpu.enqueue_indirect_dma source(%arg17 : memref<128xi32, #tpu.memory_space<vmem>>) target(%dma_start3A_373 : memref<5120xi32, #tpu.memory_space<hbm>>) offsets(%arg15 : memref<128xi32, #tpu.memory_space<vmem>>) semaphore(%arg18 : memref<!tpu.dma_semaphore, #tpu.memory_space<semaphore_mem>>)
      %dma_wait3A_374 = arith.constant 0 : i32
      %dma_wait3A_375 = tpu.memref_slice %arg6[%dma_wait3A_374] : memref<5120xi32, #tpu.memory_space<hbm>> -> memref<5120xi32, #tpu.memory_space<hbm>>
      tpu.wait_indirect_dma semaphore(%arg18 : memref<!tpu.dma_semaphore, #tpu.memory_space<semaphore_mem>>) src(%arg17 : memref<128xi32, #tpu.memory_space<vmem>>) dst(%dma_wait3A_375 : memref<5120xi32, #tpu.memory_space<hbm>>)
    } else {
    }
    %gt3A_111 = arith.constant 128 : i32
    %gt3A_112 = arith.cmpi sgt, %scan3A_46, %gt3A_111 : i32
    %convert_element_type3A_113 = arith.extui %gt3A_112 : i1 to i32
    %cond3A_114 = arith.constant 0 : i32
    %cond3A_115 = arith.cmpi ne, %convert_element_type3A_113, %cond3A_114 : i32
    scf.if %cond3A_115 {
      %get3A = arith.constant 128 : index
      %get3A_146 = tpu.vector_load %arg9[%get3A] {strides = array<i32>} : memref<1024xi32, #tpu.memory_space<vmem>>, vector<16xi32>,
      %get3A_147 = arith.constant 128 : index
      %get3A_148 = tpu.vector_load %arg10[%get3A_147] {strides = array<i32>} : memref<1024xi32, #tpu.memory_space<vmem>>, vector<16xi32>,
      %add3A_149 = arith.constant 128 : i32
      %add3A_150 = vector.broadcast %add3A_149 : i32 to vector<16xi32>
      %add3A_151 = arith.addi %add3A_150, %iota3A : vector<16xi32>
      %lt3A_152 = vector.broadcast %scan3A_46 : i32 to vector<16xi32>
      %lt3A_153 = arith.cmpi slt, %add3A_151, %lt3A_152 : vector<16xi32>
      %mul3A_154 = arith.constant 8192 : i32
      %mul3A_155 = arith.muli %add3A, %mul3A_154 : i32
      %add3A_156 = vector.broadcast %mul3A_155 : i32 to vector<16xi32>
      %add3A_157 = arith.addi %add3A_156, %get3A_146 : vector<16xi32>
      %swap3A_158 = arith.constant 0 : index
      %swap3A_159 = tpu.vector_load %arg14[%swap3A_158] {strides = array<i32>} : memref<128xi32, #tpu.memory_space<vmem>>, vector<16xi32>,
      tpu.vector_store %arg14[%swap3A_158], %add3A_157 {strides = array<i32>} : memref<128xi32, #tpu.memory_space<vmem>>, vector<16xi32>,
      %add3A_160 = arith.constant 128 : i32
      %add3A_161 = arith.addi %add3A_98, %add3A_160 : i32
      %add3A_162 = vector.broadcast %add3A_161 : i32 to vector<16xi32>
      %add3A_163 = arith.addi %add3A_162, %iota3A : vector<16xi32>
      %broadcast_in_dim3A_164 = vector.broadcast %add3A_102 : i32 to vector<16xi32>
      %select_n3A_165 = arith.select %lt3A_153, %add3A_163, %broadcast_in_dim3A_164 : vector<16xi1>, vector<16xi32>
      %min3A = vector.broadcast %sub3A_108 : i32 to vector<16xi32>
      %min3A_166 = arith.minsi %select_n3A_165, %min3A : vector<16xi32>
      %swap3A_167 = arith.constant 0 : index
      %swap3A_168 = tpu.vector_load %arg15[%swap3A_167] {strides = array<i32>} : memref<128xi32, #tpu.memory_space<vmem>>, vector<16xi32>,
      tpu.vector_store %arg15[%swap3A_167], %min3A_166 {strides = array<i32>} : memref<128xi32, #tpu.memory_space<vmem>>, vector<16xi32>,
      %swap3A_169 = arith.constant 0 : index
      %swap3A_170 = tpu.vector_load %arg17[%swap3A_169] {strides = array<i32>} : memref<128xi32, #tpu.memory_space<vmem>>, vector<16xi32>,
      tpu.vector_store %arg17[%swap3A_169], %get3A_148 {strides = array<i32>} : memref<128xi32, #tpu.memory_space<vmem>>, vector<16xi32>,
      %get3A_171 = arith.constant 144 : index
      %get3A_172 = tpu.vector_load %arg9[%get3A_171] {strides = array<i32>} : memref<1024xi32, #tpu.memory_space<vmem>>, vector<16xi32>,
      %get3A_173 = arith.constant 144 : index
      %get3A_174 = tpu.vector_load %arg10[%get3A_173] {strides = array<i32>} : memref<1024xi32, #tpu.memory_space<vmem>>, vector<16xi32>,
      %add3A_175 = arith.constant 144 : i32
      %add3A_176 = vector.broadcast %add3A_175 : i32 to vector<16xi32>
      %add3A_177 = arith.addi %add3A_176, %iota3A : vector<16xi32>
      %lt3A_178 = vector.broadcast %scan3A_46 : i32 to vector<16xi32>
      %lt3A_179 = arith.cmpi slt, %add3A_177, %lt3A_178 : vector<16xi32>
      %mul3A_180 = arith.constant 8192 : i32
      %mul3A_181 = arith.muli %add3A, %mul3A_180 : i32
      %add3A_182 = vector.broadcast %mul3A_181 : i32 to vector<16xi32>
      %add3A_183 = arith.addi %add3A_182, %get3A_172 : vector<16xi32>
      %swap3A_184 = arith.constant 16 : index
      %swap3A_185 = tpu.vector_load %arg14[%swap3A_184] {strides = array<i32>} : memref<128xi32, #tpu.memory_space<vmem>>, vector<16xi32>,
      tpu.vector_store %arg14[%swap3A_184], %add3A_183 {strides = array<i32>} : memref<128xi32, #tpu.memory_space<vmem>>, vector<16xi32>,
      %add3A_186 = arith.constant 144 : i32
      %add3A_187 = arith.addi %add3A_98, %add3A_186 : i32
      %add3A_188 = vector.broadcast %add3A_187 : i32 to vector<16xi32>
      %add3A_189 = arith.addi %add3A_188, %iota3A : vector<16xi32>
      %broadcast_in_dim3A_190 = vector.broadcast %add3A_102 : i32 to vector<16xi32>
      %select_n3A_191 = arith.select %lt3A_179, %add3A_189, %broadcast_in_dim3A_190 : vector<16xi1>, vector<16xi32>
      %min3A_192 = vector.broadcast %sub3A_108 : i32 to vector<16xi32>
      %min3A_193 = arith.minsi %select_n3A_191, %min3A_192 : vector<16xi32>
      %swap3A_194 = arith.constant 16 : index
      %swap3A_195 = tpu.vector_load %arg15[%swap3A_194] {strides = array<i32>} : memref<128xi32, #tpu.memory_space<vmem>>, vector<16xi32>,
      tpu.vector_store %arg15[%swap3A_194], %min3A_193 {strides = array<i32>} : memref<128xi32, #tpu.memory_space<vmem>>, vector<16xi32>,
      %swap3A_196 = arith.constant 16 : index
      %swap3A_197 = tpu.vector_load %arg17[%swap3A_196] {strides = array<i32>} : memref<128xi32, #tpu.memory_space<vmem>>, vector<16xi32>,
      tpu.vector_store %arg17[%swap3A_196], %get3A_174 {strides = array<i32>} : memref<128xi32, #tpu.memory_space<vmem>>, vector<16xi32>,
      %get3A_198 = arith.constant 160 : index
      %get3A_199 = tpu.vector_load %arg9[%get3A_198] {strides = array<i32>} : memref<1024xi32, #tpu.memory_space<vmem>>, vector<16xi32>,
      %get3A_200 = arith.constant 160 : index
      %get3A_201 = tpu.vector_load %arg10[%get3A_200] {strides = array<i32>} : memref<1024xi32, #tpu.memory_space<vmem>>, vector<16xi32>,
      %add3A_202 = arith.constant 160 : i32
      %add3A_203 = vector.broadcast %add3A_202 : i32 to vector<16xi32>
      %add3A_204 = arith.addi %add3A_203, %iota3A : vector<16xi32>
      %lt3A_205 = vector.broadcast %scan3A_46 : i32 to vector<16xi32>
      %lt3A_206 = arith.cmpi slt, %add3A_204, %lt3A_205 : vector<16xi32>
      %mul3A_207 = arith.constant 8192 : i32
      %mul3A_208 = arith.muli %add3A, %mul3A_207 : i32
      %add3A_209 = vector.broadcast %mul3A_208 : i32 to vector<16xi32>
      %add3A_210 = arith.addi %add3A_209, %get3A_199 : vector<16xi32>
      %swap3A_211 = arith.constant 32 : index
      %swap3A_212 = tpu.vector_load %arg14[%swap3A_211] {strides = array<i32>} : memref<128xi32, #tpu.memory_space<vmem>>, vector<16xi32>,
      tpu.vector_store %arg14[%swap3A_211], %add3A_210 {strides = array<i32>} : memref<128xi32, #tpu.memory_space<vmem>>, vector<16xi32>,
      %add3A_213 = arith.constant 160 : i32
      %add3A_214 = arith.addi %add3A_98, %add3A_213 : i32
      %add3A_215 = vector.broadcast %add3A_214 : i32 to vector<16xi32>
      %add3A_216 = arith.addi %add3A_215, %iota3A : vector<16xi32>
      %broadcast_in_dim3A_217 = vector.broadcast %add3A_102 : i32 to vector<16xi32>
      %select_n3A_218 = arith.select %lt3A_206, %add3A_216, %broadcast_in_dim3A_217 : vector<16xi1>, vector<16xi32>
      %min3A_219 = vector.broadcast %sub3A_108 : i32 to vector<16xi32>
      %min3A_220 = arith.minsi %select_n3A_218, %min3A_219 : vector<16xi32>
      %swap3A_221 = arith.constant 32 : index
      %swap3A_222 = tpu.vector_load %arg15[%swap3A_221] {strides = array<i32>} : memref<128xi32, #tpu.memory_space<vmem>>, vector<16xi32>,
      tpu.vector_store %arg15[%swap3A_221], %min3A_220 {strides = array<i32>} : memref<128xi32, #tpu.memory_space<vmem>>, vector<16xi32>,
      %swap3A_223 = arith.constant 32 : index
      %swap3A_224 = tpu.vector_load %arg17[%swap3A_223] {strides = array<i32>} : memref<128xi32, #tpu.memory_space<vmem>>, vector<16xi32>,
      tpu.vector_store %arg17[%swap3A_223], %get3A_201 {strides = array<i32>} : memref<128xi32, #tpu.memory_space<vmem>>, vector<16xi32>,
      %get3A_225 = arith.constant 176 : index
      %get3A_226 = tpu.vector_load %arg9[%get3A_225] {strides = array<i32>} : memref<1024xi32, #tpu.memory_space<vmem>>, vector<16xi32>,
      %get3A_227 = arith.constant 176 : index
      %get3A_228 = tpu.vector_load %arg10[%get3A_227] {strides = array<i32>} : memref<1024xi32, #tpu.memory_space<vmem>>, vector<16xi32>,
      %add3A_229 = arith.constant 176 : i32
      %add3A_230 = vector.broadcast %add3A_229 : i32 to vector<16xi32>
      %add3A_231 = arith.addi %add3A_230, %iota3A : vector<16xi32>
      %lt3A_232 = vector.broadcast %scan3A_46 : i32 to vector<16xi32>
      %lt3A_233 = arith.cmpi slt, %add3A_231, %lt3A_232 : vector<16xi32>
      %mul3A_234 = arith.constant 8192 : i32
      %mul3A_235 = arith.muli %add3A, %mul3A_234 : i32
      %add3A_236 = vector.broadcast %mul3A_235 : i32 to vector<16xi32>
      %add3A_237 = arith.addi %add3A_236, %get3A_226 : vector<16xi32>
      %swap3A_238 = arith.constant 48 : index
      %swap3A_239 = tpu.vector_load %arg14[%swap3A_238] {strides = array<i32>} : memref<128xi32, #tpu.memory_space<vmem>>, vector<16xi32>,
      tpu.vector_store %arg14[%swap3A_238], %add3A_237 {strides = array<i32>} : memref<128xi32, #tpu.memory_space<vmem>>, vector<16xi32>,
      %add3A_240 = arith.constant 176 : i32
      %add3A_241 = arith.addi %add3A_98, %add3A_240 : i32
      %add3A_242 = vector.broadcast %add3A_241 : i32 to vector<16xi32>
      %add3A_243 = arith.addi %add3A_242, %iota3A : vector<16xi32>
      %broadcast_in_dim3A_244 = vector.broadcast %add3A_102 : i32 to vector<16xi32>
      %select_n3A_245 = arith.select %lt3A_233, %add3A_243, %broadcast_in_dim3A_244 : vector<16xi1>, vector<16xi32>
      %min3A_246 = vector.broadcast %sub3A_108 : i32 to vector<16xi32>
      %min3A_247 = arith.minsi %select_n3A_245, %min3A_246 : vector<16xi32>
      %swap3A_248 = arith.constant 48 : index
      %swap3A_249 = tpu.vector_load %arg15[%swap3A_248] {strides = array<i32>} : memref<128xi32, #tpu.memory_space<vmem>>, vector<16xi32>,
      tpu.vector_store %arg15[%swap3A_248], %min3A_247 {strides = array<i32>} : memref<128xi32, #tpu.memory_space<vmem>>, vector<16xi32>,
      %swap3A_250 = arith.constant 48 : index
      %swap3A_251 = tpu.vector_load %arg17[%swap3A_250] {strides = array<i32>} : memref<128xi32, #tpu.memory_space<vmem>>, vector<16xi32>,
      tpu.vector_store %arg17[%swap3A_250], %get3A_228 {strides = array<i32>} : memref<128xi32, #tpu.memory_space<vmem>>, vector<16xi32>,
      %get3A_252 = arith.constant 192 : index
      %get3A_253 = tpu.vector_load %arg9[%get3A_252] {strides = array<i32>} : memref<1024xi32, #tpu.memory_space<vmem>>, vector<16xi32>,
      %get3A_254 = arith.constant 192 : index
      %get3A_255 = tpu.vector_load %arg10[%get3A_254] {strides = array<i32>} : memref<1024xi32, #tpu.memory_space<vmem>>, vector<16xi32>,
      %add3A_256 = arith.constant 192 : i32
      %add3A_257 = vector.broadcast %add3A_256 : i32 to vector<16xi32>
      %add3A_258 = arith.addi %add3A_257, %iota3A : vector<16xi32>
      %lt3A_259 = vector.broadcast %scan3A_46 : i32 to vector<16xi32>
      %lt3A_260 = arith.cmpi slt, %add3A_258, %lt3A_259 : vector<16xi32>
      %mul3A_261 = arith.constant 8192 : i32
      %mul3A_262 = arith.muli %add3A, %mul3A_261 : i32
      %add3A_263 = vector.broadcast %mul3A_262 : i32 to vector<16xi32>
      %add3A_264 = arith.addi %add3A_263, %get3A_253 : vector<16xi32>
      %swap3A_265 = arith.constant 64 : index
      %swap3A_266 = tpu.vector_load %arg14[%swap3A_265] {strides = array<i32>} : memref<128xi32, #tpu.memory_space<vmem>>, vector<16xi32>,
      tpu.vector_store %arg14[%swap3A_265], %add3A_264 {strides = array<i32>} : memref<128xi32, #tpu.memory_space<vmem>>, vector<16xi32>,
      %add3A_267 = arith.constant 192 : i32
      %add3A_268 = arith.addi %add3A_98, %add3A_267 : i32
      %add3A_269 = vector.broadcast %add3A_268 : i32 to vector<16xi32>
      %add3A_270 = arith.addi %add3A_269, %iota3A : vector<16xi32>
      %broadcast_in_dim3A_271 = vector.broadcast %add3A_102 : i32 to vector<16xi32>
      %select_n3A_272 = arith.select %lt3A_260, %add3A_270, %broadcast_in_dim3A_271 : vector<16xi1>, vector<16xi32>
      %min3A_273 = vector.broadcast %sub3A_108 : i32 to vector<16xi32>
      %min3A_274 = arith.minsi %select_n3A_272, %min3A_273 : vector<16xi32>
      %swap3A_275 = arith.constant 64 : index
      %swap3A_276 = tpu.vector_load %arg15[%swap3A_275] {strides = array<i32>} : memref<128xi32, #tpu.memory_space<vmem>>, vector<16xi32>,
      tpu.vector_store %arg15[%swap3A_275], %min3A_274 {strides = array<i32>} : memref<128xi32, #tpu.memory_space<vmem>>, vector<16xi32>,
      %swap3A_277 = arith.constant 64 : index
      %swap3A_278 = tpu.vector_load %arg17[%swap3A_277] {strides = array<i32>} : memref<128xi32, #tpu.memory_space<vmem>>, vector<16xi32>,
      tpu.vector_store %arg17[%swap3A_277], %get3A_255 {strides = array<i32>} : memref<128xi32, #tpu.memory_space<vmem>>, vector<16xi32>,
      %get3A_279 = arith.constant 208 : index
      %get3A_280 = tpu.vector_load %arg9[%get3A_279] {strides = array<i32>} : memref<1024xi32, #tpu.memory_space<vmem>>, vector<16xi32>,
      %get3A_281 = arith.constant 208 : index
      %get3A_282 = tpu.vector_load %arg10[%get3A_281] {strides = array<i32>} : memref<1024xi32, #tpu.memory_space<vmem>>, vector<16xi32>,
      %add3A_283 = arith.constant 208 : i32
      %add3A_284 = vector.broadcast %add3A_283 : i32 to vector<16xi32>
      %add3A_285 = arith.addi %add3A_284, %iota3A : vector<16xi32>
      %lt3A_286 = vector.broadcast %scan3A_46 : i32 to vector<16xi32>
      %lt3A_287 = arith.cmpi slt, %add3A_285, %lt3A_286 : vector<16xi32>
      %mul3A_288 = arith.constant 8192 : i32
      %mul3A_289 = arith.muli %add3A, %mul3A_288 : i32
      %add3A_290 = vector.broadcast %mul3A_289 : i32 to vector<16xi32>
      %add3A_291 = arith.addi %add3A_290, %get3A_280 : vector<16xi32>
      %swap3A_292 = arith.constant 80 : index
      %swap3A_293 = tpu.vector_load %arg14[%swap3A_292] {strides = array<i32>} : memref<128xi32, #tpu.memory_space<vmem>>, vector<16xi32>,
      tpu.vector_store %arg14[%swap3A_292], %add3A_291 {strides = array<i32>} : memref<128xi32, #tpu.memory_space<vmem>>, vector<16xi32>,
      %add3A_294 = arith.constant 208 : i32
      %add3A_295 = arith.addi %add3A_98, %add3A_294 : i32
      %add3A_296 = vector.broadcast %add3A_295 : i32 to vector<16xi32>
      %add3A_297 = arith.addi %add3A_296, %iota3A : vector<16xi32>
      %broadcast_in_dim3A_298 = vector.broadcast %add3A_102 : i32 to vector<16xi32>
      %select_n3A_299 = arith.select %lt3A_287, %add3A_297, %broadcast_in_dim3A_298 : vector<16xi1>, vector<16xi32>
      %min3A_300 = vector.broadcast %sub3A_108 : i32 to vector<16xi32>
      %min3A_301 = arith.minsi %select_n3A_299, %min3A_300 : vector<16xi32>
      %swap3A_302 = arith.constant 80 : index
      %swap3A_303 = tpu.vector_load %arg15[%swap3A_302] {strides = array<i32>} : memref<128xi32, #tpu.memory_space<vmem>>, vector<16xi32>,
      tpu.vector_store %arg15[%swap3A_302], %min3A_301 {strides = array<i32>} : memref<128xi32, #tpu.memory_space<vmem>>, vector<16xi32>,
      %swap3A_304 = arith.constant 80 : index
      %swap3A_305 = tpu.vector_load %arg17[%swap3A_304] {strides = array<i32>} : memref<128xi32, #tpu.memory_space<vmem>>, vector<16xi32>,
      tpu.vector_store %arg17[%swap3A_304], %get3A_282 {strides = array<i32>} : memref<128xi32, #tpu.memory_space<vmem>>, vector<16xi32>,
      %get3A_306 = arith.constant 224 : index
      %get3A_307 = tpu.vector_load %arg9[%get3A_306] {strides = array<i32>} : memref<1024xi32, #tpu.memory_space<vmem>>, vector<16xi32>,
      %get3A_308 = arith.constant 224 : index
      %get3A_309 = tpu.vector_load %arg10[%get3A_308] {strides = array<i32>} : memref<1024xi32, #tpu.memory_space<vmem>>, vector<16xi32>,
      %add3A_310 = arith.constant 224 : i32
      %add3A_311 = vector.broadcast %add3A_310 : i32 to vector<16xi32>
      %add3A_312 = arith.addi %add3A_311, %iota3A : vector<16xi32>
      %lt3A_313 = vector.broadcast %scan3A_46 : i32 to vector<16xi32>
      %lt3A_314 = arith.cmpi slt, %add3A_312, %lt3A_313 : vector<16xi32>
      %mul3A_315 = arith.constant 8192 : i32
      %mul3A_316 = arith.muli %add3A, %mul3A_315 : i32
      %add3A_317 = vector.broadcast %mul3A_316 : i32 to vector<16xi32>
      %add3A_318 = arith.addi %add3A_317, %get3A_307 : vector<16xi32>
      %swap3A_319 = arith.constant 96 : index
      %swap3A_320 = tpu.vector_load %arg14[%swap3A_319] {strides = array<i32>} : memref<128xi32, #tpu.memory_space<vmem>>, vector<16xi32>,
      tpu.vector_store %arg14[%swap3A_319], %add3A_318 {strides = array<i32>} : memref<128xi32, #tpu.memory_space<vmem>>, vector<16xi32>,
      %add3A_321 = arith.constant 224 : i32
      %add3A_322 = arith.addi %add3A_98, %add3A_321 : i32
      %add3A_323 = vector.broadcast %add3A_322 : i32 to vector<16xi32>
      %add3A_324 = arith.addi %add3A_323, %iota3A : vector<16xi32>
      %broadcast_in_dim3A_325 = vector.broadcast %add3A_102 : i32 to vector<16xi32>
      %select_n3A_326 = arith.select %lt3A_314, %add3A_324, %broadcast_in_dim3A_325 : vector<16xi1>, vector<16xi32>
      %min3A_327 = vector.broadcast %sub3A_108 : i32 to vector<16xi32>
      %min3A_328 = arith.minsi %select_n3A_326, %min3A_327 : vector<16xi32>
      %swap3A_329 = arith.constant 96 : index
      %swap3A_330 = tpu.vector_load %arg15[%swap3A_329] {strides = array<i32>} : memref<128xi32, #tpu.memory_space<vmem>>, vector<16xi32>,
      tpu.vector_store %arg15[%swap3A_329], %min3A_328 {strides = array<i32>} : memref<128xi32, #tpu.memory_space<vmem>>, vector<16xi32>,
      %swap3A_331 = arith.constant 96 : index
      %swap3A_332 = tpu.vector_load %arg17[%swap3A_331] {strides = array<i32>} : memref<128xi32, #tpu.memory_space<vmem>>, vector<16xi32>,
      tpu.vector_store %arg17[%swap3A_331], %get3A_309 {strides = array<i32>} : memref<128xi32, #tpu.memory_space<vmem>>, vector<16xi32>,
      %get3A_333 = arith.constant 240 : index
      %get3A_334 = tpu.vector_load %arg9[%get3A_333] {strides = array<i32>} : memref<1024xi32, #tpu.memory_space<vmem>>, vector<16xi32>,
      %get3A_335 = arith.constant 240 : index
      %get3A_336 = tpu.vector_load %arg10[%get3A_335] {strides = array<i32>} : memref<1024xi32, #tpu.memory_space<vmem>>, vector<16xi32>,
      %add3A_337 = arith.constant 240 : i32
      %add3A_338 = vector.broadcast %add3A_337 : i32 to vector<16xi32>
      %add3A_339 = arith.addi %add3A_338, %iota3A : vector<16xi32>
      %lt3A_340 = vector.broadcast %scan3A_46 : i32 to vector<16xi32>
      %lt3A_341 = arith.cmpi slt, %add3A_339, %lt3A_340 : vector<16xi32>
      %mul3A_342 = arith.constant 8192 : i32
      %mul3A_343 = arith.muli %add3A, %mul3A_342 : i32
      %add3A_344 = vector.broadcast %mul3A_343 : i32 to vector<16xi32>
      %add3A_345 = arith.addi %add3A_344, %get3A_334 : vector<16xi32>
      %swap3A_346 = arith.constant 112 : index
      %swap3A_347 = tpu.vector_load %arg14[%swap3A_346] {strides = array<i32>} : memref<128xi32, #tpu.memory_space<vmem>>, vector<16xi32>,
      tpu.vector_store %arg14[%swap3A_346], %add3A_345 {strides = array<i32>} : memref<128xi32, #tpu.memory_space<vmem>>, vector<16xi32>,
      %add3A_348 = arith.constant 240 : i32
      %add3A_349 = arith.addi %add3A_98, %add3A_348 : i32
      %add3A_350 = vector.broadcast %add3A_349 : i32 to vector<16xi32>
      %add3A_351 = arith.addi %add3A_350, %iota3A : vector<16xi32>
      %broadcast_in_dim3A_352 = vector.broadcast %add3A_102 : i32 to vector<16xi32>
      %select_n3A_353 = arith.select %lt3A_341, %add3A_351, %broadcast_in_dim3A_352 : vector<16xi1>, vector<16xi32>
      %min3A_354 = vector.broadcast %sub3A_108 : i32 to vector<16xi32>
      %min3A_355 = arith.minsi %select_n3A_353, %min3A_354 : vector<16xi32>
      %swap3A_356 = arith.constant 112 : index
      %swap3A_357 = tpu.vector_load %arg15[%swap3A_356] {strides = array<i32>} : memref<128xi32, #tpu.memory_space<vmem>>, vector<16xi32>,
      tpu.vector_store %arg15[%swap3A_356], %min3A_355 {strides = array<i32>} : memref<128xi32, #tpu.memory_space<vmem>>, vector<16xi32>,
      %swap3A_358 = arith.constant 112 : index
      %swap3A_359 = tpu.vector_load %arg17[%swap3A_358] {strides = array<i32>} : memref<128xi32, #tpu.memory_space<vmem>>, vector<16xi32>,
      tpu.vector_store %arg17[%swap3A_358], %get3A_336 {strides = array<i32>} : memref<128xi32, #tpu.memory_space<vmem>>, vector<16xi32>,
      %dma_start3A_360 = arith.constant 0 : i32
      %dma_start3A_361 = arith.constant 0 : i32
      %dma_start3A_362 = tpu.memref_slice %arg4[%dma_start3A_360, %dma_start3A_361] : memref<32768x16xf32, #tpu.memory_space<hbm>> -> memref<32768x16xf32, #tpu.memory_space<hbm>>
      tpu.enqueue_indirect_dma source(%dma_start3A_362 : memref<32768x16xf32, #tpu.memory_space<hbm>>) target(%arg16 : memref<128x16xf32, #tpu.memory_space<vmem>>) offsets(%arg14 : memref<128xi32, #tpu.memory_space<vmem>>) semaphore(%arg18 : memref<!tpu.dma_semaphore, #tpu.memory_space<semaphore_mem>>)
      %dma_wait3A_363 = arith.constant 0 : i32
      %dma_wait3A_364 = arith.constant 0 : i32
      %dma_wait3A_365 = tpu.memref_slice %arg4[%dma_wait3A_363, %dma_wait3A_364] : memref<32768x16xf32, #tpu.memory_space<hbm>> -> memref<32768x16xf32, #tpu.memory_space<hbm>>
      tpu.wait_indirect_dma semaphore(%arg18 : memref<!tpu.dma_semaphore, #tpu.memory_space<semaphore_mem>>) src(%dma_wait3A_365 : memref<32768x16xf32, #tpu.memory_space<hbm>>) dst(%arg16 : memref<128x16xf32, #tpu.memory_space<vmem>>)
      %dma_start3A_366 = arith.constant 0 : i32
      %dma_start3A_367 = arith.constant 0 : i32
      %dma_start3A_368 = tpu.memref_slice %arg5[%dma_start3A_366, %dma_start3A_367] : memref<5120x16xf32, #tpu.memory_space<hbm>> -> memref<5120x16xf32, #tpu.memory_space<hbm>>
      tpu.enqueue_indirect_dma source(%arg16 : memref<128x16xf32, #tpu.memory_space<vmem>>) target(%dma_start3A_368 : memref<5120x16xf32, #tpu.memory_space<hbm>>) offsets(%arg15 : memref<128xi32, #tpu.memory_space<vmem>>) semaphore(%arg18 : memref<!tpu.dma_semaphore, #tpu.memory_space<semaphore_mem>>)
      %dma_wait3A_369 = arith.constant 0 : i32
      %dma_wait3A_370 = arith.constant 0 : i32
      %dma_wait3A_371 = tpu.memref_slice %arg5[%dma_wait3A_369, %dma_wait3A_370] : memref<5120x16xf32, #tpu.memory_space<hbm>> -> memref<5120x16xf32, #tpu.memory_space<hbm>>
      tpu.wait_indirect_dma semaphore(%arg18 : memref<!tpu.dma_semaphore, #tpu.memory_space<semaphore_mem>>) src(%arg16 : memref<128x16xf32, #tpu.memory_space<vmem>>) dst(%dma_wait3A_371 : memref<5120x16xf32, #tpu.memory_space<hbm>>)
      %dma_start3A_372 = arith.constant 0 : i32
      %dma_start3A_373 = tpu.memref_slice %arg6[%dma_start3A_372] : memref<5120xi32, #tpu.memory_space<hbm>> -> memref<5120xi32, #tpu.memory_space<hbm>>
      tpu.enqueue_indirect_dma source(%arg17 : memref<128xi32, #tpu.memory_space<vmem>>) target(%dma_start3A_373 : memref<5120xi32, #tpu.memory_space<hbm>>) offsets(%arg15 : memref<128xi32, #tpu.memory_space<vmem>>) semaphore(%arg18 : memref<!tpu.dma_semaphore, #tpu.memory_space<semaphore_mem>>)
      %dma_wait3A_374 = arith.constant 0 : i32
      %dma_wait3A_375 = tpu.memref_slice %arg6[%dma_wait3A_374] : memref<5120xi32, #tpu.memory_space<hbm>> -> memref<5120xi32, #tpu.memory_space<hbm>>
      tpu.wait_indirect_dma semaphore(%arg18 : memref<!tpu.dma_semaphore, #tpu.memory_space<semaphore_mem>>) src(%arg17 : memref<128xi32, #tpu.memory_space<vmem>>) dst(%dma_wait3A_375 : memref<5120xi32, #tpu.memory_space<hbm>>)
    } else {
    }
    %gt3A_116 = arith.constant 256 : i32
    %gt3A_117 = arith.cmpi sgt, %scan3A_46, %gt3A_116 : i32
    %convert_element_type3A_118 = arith.extui %gt3A_117 : i1 to i32
    %cond3A_119 = arith.constant 0 : i32
    %cond3A_120 = arith.cmpi ne, %convert_element_type3A_118, %cond3A_119 : i32
    scf.if %cond3A_120 {
      %get3A = arith.constant 256 : index
      %get3A_146 = tpu.vector_load %arg9[%get3A] {strides = array<i32>} : memref<1024xi32, #tpu.memory_space<vmem>>, vector<16xi32>,
      %get3A_147 = arith.constant 256 : index
      %get3A_148 = tpu.vector_load %arg10[%get3A_147] {strides = array<i32>} : memref<1024xi32, #tpu.memory_space<vmem>>, vector<16xi32>,
      %add3A_149 = arith.constant 256 : i32
      %add3A_150 = vector.broadcast %add3A_149 : i32 to vector<16xi32>
      %add3A_151 = arith.addi %add3A_150, %iota3A : vector<16xi32>
      %lt3A_152 = vector.broadcast %scan3A_46 : i32 to vector<16xi32>
      %lt3A_153 = arith.cmpi slt, %add3A_151, %lt3A_152 : vector<16xi32>
      %mul3A_154 = arith.constant 8192 : i32
      %mul3A_155 = arith.muli %add3A, %mul3A_154 : i32
      %add3A_156 = vector.broadcast %mul3A_155 : i32 to vector<16xi32>
      %add3A_157 = arith.addi %add3A_156, %get3A_146 : vector<16xi32>
      %swap3A_158 = arith.constant 0 : index
      %swap3A_159 = tpu.vector_load %arg14[%swap3A_158] {strides = array<i32>} : memref<128xi32, #tpu.memory_space<vmem>>, vector<16xi32>,
      tpu.vector_store %arg14[%swap3A_158], %add3A_157 {strides = array<i32>} : memref<128xi32, #tpu.memory_space<vmem>>, vector<16xi32>,
      %add3A_160 = arith.constant 256 : i32
      %add3A_161 = arith.addi %add3A_98, %add3A_160 : i32
      %add3A_162 = vector.broadcast %add3A_161 : i32 to vector<16xi32>
      %add3A_163 = arith.addi %add3A_162, %iota3A : vector<16xi32>
      %broadcast_in_dim3A_164 = vector.broadcast %add3A_102 : i32 to vector<16xi32>
      %select_n3A_165 = arith.select %lt3A_153, %add3A_163, %broadcast_in_dim3A_164 : vector<16xi1>, vector<16xi32>
      %min3A = vector.broadcast %sub3A_108 : i32 to vector<16xi32>
      %min3A_166 = arith.minsi %select_n3A_165, %min3A : vector<16xi32>
      %swap3A_167 = arith.constant 0 : index
      %swap3A_168 = tpu.vector_load %arg15[%swap3A_167] {strides = array<i32>} : memref<128xi32, #tpu.memory_space<vmem>>, vector<16xi32>,
      tpu.vector_store %arg15[%swap3A_167], %min3A_166 {strides = array<i32>} : memref<128xi32, #tpu.memory_space<vmem>>, vector<16xi32>,
      %swap3A_169 = arith.constant 0 : index
      %swap3A_170 = tpu.vector_load %arg17[%swap3A_169] {strides = array<i32>} : memref<128xi32, #tpu.memory_space<vmem>>, vector<16xi32>,
      tpu.vector_store %arg17[%swap3A_169], %get3A_148 {strides = array<i32>} : memref<128xi32, #tpu.memory_space<vmem>>, vector<16xi32>,
      %get3A_171 = arith.constant 272 : index
      %get3A_172 = tpu.vector_load %arg9[%get3A_171] {strides = array<i32>} : memref<1024xi32, #tpu.memory_space<vmem>>, vector<16xi32>,
      %get3A_173 = arith.constant 272 : index
      %get3A_174 = tpu.vector_load %arg10[%get3A_173] {strides = array<i32>} : memref<1024xi32, #tpu.memory_space<vmem>>, vector<16xi32>,
      %add3A_175 = arith.constant 272 : i32
      %add3A_176 = vector.broadcast %add3A_175 : i32 to vector<16xi32>
      %add3A_177 = arith.addi %add3A_176, %iota3A : vector<16xi32>
      %lt3A_178 = vector.broadcast %scan3A_46 : i32 to vector<16xi32>
      %lt3A_179 = arith.cmpi slt, %add3A_177, %lt3A_178 : vector<16xi32>
      %mul3A_180 = arith.constant 8192 : i32
      %mul3A_181 = arith.muli %add3A, %mul3A_180 : i32
      %add3A_182 = vector.broadcast %mul3A_181 : i32 to vector<16xi32>
      %add3A_183 = arith.addi %add3A_182, %get3A_172 : vector<16xi32>
      %swap3A_184 = arith.constant 16 : index
      %swap3A_185 = tpu.vector_load %arg14[%swap3A_184] {strides = array<i32>} : memref<128xi32, #tpu.memory_space<vmem>>, vector<16xi32>,
      tpu.vector_store %arg14[%swap3A_184], %add3A_183 {strides = array<i32>} : memref<128xi32, #tpu.memory_space<vmem>>, vector<16xi32>,
      %add3A_186 = arith.constant 272 : i32
      %add3A_187 = arith.addi %add3A_98, %add3A_186 : i32
      %add3A_188 = vector.broadcast %add3A_187 : i32 to vector<16xi32>
      %add3A_189 = arith.addi %add3A_188, %iota3A : vector<16xi32>
      %broadcast_in_dim3A_190 = vector.broadcast %add3A_102 : i32 to vector<16xi32>
      %select_n3A_191 = arith.select %lt3A_179, %add3A_189, %broadcast_in_dim3A_190 : vector<16xi1>, vector<16xi32>
      %min3A_192 = vector.broadcast %sub3A_108 : i32 to vector<16xi32>
      %min3A_193 = arith.minsi %select_n3A_191, %min3A_192 : vector<16xi32>
      %swap3A_194 = arith.constant 16 : index
      %swap3A_195 = tpu.vector_load %arg15[%swap3A_194] {strides = array<i32>} : memref<128xi32, #tpu.memory_space<vmem>>, vector<16xi32>,
      tpu.vector_store %arg15[%swap3A_194], %min3A_193 {strides = array<i32>} : memref<128xi32, #tpu.memory_space<vmem>>, vector<16xi32>,
      %swap3A_196 = arith.constant 16 : index
      %swap3A_197 = tpu.vector_load %arg17[%swap3A_196] {strides = array<i32>} : memref<128xi32, #tpu.memory_space<vmem>>, vector<16xi32>,
      tpu.vector_store %arg17[%swap3A_196], %get3A_174 {strides = array<i32>} : memref<128xi32, #tpu.memory_space<vmem>>, vector<16xi32>,
      %get3A_198 = arith.constant 288 : index
      %get3A_199 = tpu.vector_load %arg9[%get3A_198] {strides = array<i32>} : memref<1024xi32, #tpu.memory_space<vmem>>, vector<16xi32>,
      %get3A_200 = arith.constant 288 : index
      %get3A_201 = tpu.vector_load %arg10[%get3A_200] {strides = array<i32>} : memref<1024xi32, #tpu.memory_space<vmem>>, vector<16xi32>,
      %add3A_202 = arith.constant 288 : i32
      %add3A_203 = vector.broadcast %add3A_202 : i32 to vector<16xi32>
      %add3A_204 = arith.addi %add3A_203, %iota3A : vector<16xi32>
      %lt3A_205 = vector.broadcast %scan3A_46 : i32 to vector<16xi32>
      %lt3A_206 = arith.cmpi slt, %add3A_204, %lt3A_205 : vector<16xi32>
      %mul3A_207 = arith.constant 8192 : i32
      %mul3A_208 = arith.muli %add3A, %mul3A_207 : i32
      %add3A_209 = vector.broadcast %mul3A_208 : i32 to vector<16xi32>
      %add3A_210 = arith.addi %add3A_209, %get3A_199 : vector<16xi32>
      %swap3A_211 = arith.constant 32 : index
      %swap3A_212 = tpu.vector_load %arg14[%swap3A_211] {strides = array<i32>} : memref<128xi32, #tpu.memory_space<vmem>>, vector<16xi32>,
      tpu.vector_store %arg14[%swap3A_211], %add3A_210 {strides = array<i32>} : memref<128xi32, #tpu.memory_space<vmem>>, vector<16xi32>,
      %add3A_213 = arith.constant 288 : i32
      %add3A_214 = arith.addi %add3A_98, %add3A_213 : i32
      %add3A_215 = vector.broadcast %add3A_214 : i32 to vector<16xi32>
      %add3A_216 = arith.addi %add3A_215, %iota3A : vector<16xi32>
      %broadcast_in_dim3A_217 = vector.broadcast %add3A_102 : i32 to vector<16xi32>
      %select_n3A_218 = arith.select %lt3A_206, %add3A_216, %broadcast_in_dim3A_217 : vector<16xi1>, vector<16xi32>
      %min3A_219 = vector.broadcast %sub3A_108 : i32 to vector<16xi32>
      %min3A_220 = arith.minsi %select_n3A_218, %min3A_219 : vector<16xi32>
      %swap3A_221 = arith.constant 32 : index
      %swap3A_222 = tpu.vector_load %arg15[%swap3A_221] {strides = array<i32>} : memref<128xi32, #tpu.memory_space<vmem>>, vector<16xi32>,
      tpu.vector_store %arg15[%swap3A_221], %min3A_220 {strides = array<i32>} : memref<128xi32, #tpu.memory_space<vmem>>, vector<16xi32>,
      %swap3A_223 = arith.constant 32 : index
      %swap3A_224 = tpu.vector_load %arg17[%swap3A_223] {strides = array<i32>} : memref<128xi32, #tpu.memory_space<vmem>>, vector<16xi32>,
      tpu.vector_store %arg17[%swap3A_223], %get3A_201 {strides = array<i32>} : memref<128xi32, #tpu.memory_space<vmem>>, vector<16xi32>,
      %get3A_225 = arith.constant 304 : index
      %get3A_226 = tpu.vector_load %arg9[%get3A_225] {strides = array<i32>} : memref<1024xi32, #tpu.memory_space<vmem>>, vector<16xi32>,
      %get3A_227 = arith.constant 304 : index
      %get3A_228 = tpu.vector_load %arg10[%get3A_227] {strides = array<i32>} : memref<1024xi32, #tpu.memory_space<vmem>>, vector<16xi32>,
      %add3A_229 = arith.constant 304 : i32
      %add3A_230 = vector.broadcast %add3A_229 : i32 to vector<16xi32>
      %add3A_231 = arith.addi %add3A_230, %iota3A : vector<16xi32>
      %lt3A_232 = vector.broadcast %scan3A_46 : i32 to vector<16xi32>
      %lt3A_233 = arith.cmpi slt, %add3A_231, %lt3A_232 : vector<16xi32>
      %mul3A_234 = arith.constant 8192 : i32
      %mul3A_235 = arith.muli %add3A, %mul3A_234 : i32
      %add3A_236 = vector.broadcast %mul3A_235 : i32 to vector<16xi32>
      %add3A_237 = arith.addi %add3A_236, %get3A_226 : vector<16xi32>
      %swap3A_238 = arith.constant 48 : index
      %swap3A_239 = tpu.vector_load %arg14[%swap3A_238] {strides = array<i32>} : memref<128xi32, #tpu.memory_space<vmem>>, vector<16xi32>,
      tpu.vector_store %arg14[%swap3A_238], %add3A_237 {strides = array<i32>} : memref<128xi32, #tpu.memory_space<vmem>>, vector<16xi32>,
      %add3A_240 = arith.constant 304 : i32
      %add3A_241 = arith.addi %add3A_98, %add3A_240 : i32
      %add3A_242 = vector.broadcast %add3A_241 : i32 to vector<16xi32>
      %add3A_243 = arith.addi %add3A_242, %iota3A : vector<16xi32>
      %broadcast_in_dim3A_244 = vector.broadcast %add3A_102 : i32 to vector<16xi32>
      %select_n3A_245 = arith.select %lt3A_233, %add3A_243, %broadcast_in_dim3A_244 : vector<16xi1>, vector<16xi32>
      %min3A_246 = vector.broadcast %sub3A_108 : i32 to vector<16xi32>
      %min3A_247 = arith.minsi %select_n3A_245, %min3A_246 : vector<16xi32>
      %swap3A_248 = arith.constant 48 : index
      %swap3A_249 = tpu.vector_load %arg15[%swap3A_248] {strides = array<i32>} : memref<128xi32, #tpu.memory_space<vmem>>, vector<16xi32>,
      tpu.vector_store %arg15[%swap3A_248], %min3A_247 {strides = array<i32>} : memref<128xi32, #tpu.memory_space<vmem>>, vector<16xi32>,
      %swap3A_250 = arith.constant 48 : index
      %swap3A_251 = tpu.vector_load %arg17[%swap3A_250] {strides = array<i32>} : memref<128xi32, #tpu.memory_space<vmem>>, vector<16xi32>,
      tpu.vector_store %arg17[%swap3A_250], %get3A_228 {strides = array<i32>} : memref<128xi32, #tpu.memory_space<vmem>>, vector<16xi32>,
      %get3A_252 = arith.constant 320 : index
      %get3A_253 = tpu.vector_load %arg9[%get3A_252] {strides = array<i32>} : memref<1024xi32, #tpu.memory_space<vmem>>, vector<16xi32>,
      %get3A_254 = arith.constant 320 : index
      %get3A_255 = tpu.vector_load %arg10[%get3A_254] {strides = array<i32>} : memref<1024xi32, #tpu.memory_space<vmem>>, vector<16xi32>,
      %add3A_256 = arith.constant 320 : i32
      %add3A_257 = vector.broadcast %add3A_256 : i32 to vector<16xi32>
      %add3A_258 = arith.addi %add3A_257, %iota3A : vector<16xi32>
      %lt3A_259 = vector.broadcast %scan3A_46 : i32 to vector<16xi32>
      %lt3A_260 = arith.cmpi slt, %add3A_258, %lt3A_259 : vector<16xi32>
      %mul3A_261 = arith.constant 8192 : i32
      %mul3A_262 = arith.muli %add3A, %mul3A_261 : i32
      %add3A_263 = vector.broadcast %mul3A_262 : i32 to vector<16xi32>
      %add3A_264 = arith.addi %add3A_263, %get3A_253 : vector<16xi32>
      %swap3A_265 = arith.constant 64 : index
      %swap3A_266 = tpu.vector_load %arg14[%swap3A_265] {strides = array<i32>} : memref<128xi32, #tpu.memory_space<vmem>>, vector<16xi32>,
      tpu.vector_store %arg14[%swap3A_265], %add3A_264 {strides = array<i32>} : memref<128xi32, #tpu.memory_space<vmem>>, vector<16xi32>,
      %add3A_267 = arith.constant 320 : i32
      %add3A_268 = arith.addi %add3A_98, %add3A_267 : i32
      %add3A_269 = vector.broadcast %add3A_268 : i32 to vector<16xi32>
      %add3A_270 = arith.addi %add3A_269, %iota3A : vector<16xi32>
      %broadcast_in_dim3A_271 = vector.broadcast %add3A_102 : i32 to vector<16xi32>
      %select_n3A_272 = arith.select %lt3A_260, %add3A_270, %broadcast_in_dim3A_271 : vector<16xi1>, vector<16xi32>
      %min3A_273 = vector.broadcast %sub3A_108 : i32 to vector<16xi32>
      %min3A_274 = arith.minsi %select_n3A_272, %min3A_273 : vector<16xi32>
      %swap3A_275 = arith.constant 64 : index
      %swap3A_276 = tpu.vector_load %arg15[%swap3A_275] {strides = array<i32>} : memref<128xi32, #tpu.memory_space<vmem>>, vector<16xi32>,
      tpu.vector_store %arg15[%swap3A_275], %min3A_274 {strides = array<i32>} : memref<128xi32, #tpu.memory_space<vmem>>, vector<16xi32>,
      %swap3A_277 = arith.constant 64 : index
      %swap3A_278 = tpu.vector_load %arg17[%swap3A_277] {strides = array<i32>} : memref<128xi32, #tpu.memory_space<vmem>>, vector<16xi32>,
      tpu.vector_store %arg17[%swap3A_277], %get3A_255 {strides = array<i32>} : memref<128xi32, #tpu.memory_space<vmem>>, vector<16xi32>,
      %get3A_279 = arith.constant 336 : index
      %get3A_280 = tpu.vector_load %arg9[%get3A_279] {strides = array<i32>} : memref<1024xi32, #tpu.memory_space<vmem>>, vector<16xi32>,
      %get3A_281 = arith.constant 336 : index
      %get3A_282 = tpu.vector_load %arg10[%get3A_281] {strides = array<i32>} : memref<1024xi32, #tpu.memory_space<vmem>>, vector<16xi32>,
      %add3A_283 = arith.constant 336 : i32
      %add3A_284 = vector.broadcast %add3A_283 : i32 to vector<16xi32>
      %add3A_285 = arith.addi %add3A_284, %iota3A : vector<16xi32>
      %lt3A_286 = vector.broadcast %scan3A_46 : i32 to vector<16xi32>
      %lt3A_287 = arith.cmpi slt, %add3A_285, %lt3A_286 : vector<16xi32>
      %mul3A_288 = arith.constant 8192 : i32
      %mul3A_289 = arith.muli %add3A, %mul3A_288 : i32
      %add3A_290 = vector.broadcast %mul3A_289 : i32 to vector<16xi32>
      %add3A_291 = arith.addi %add3A_290, %get3A_280 : vector<16xi32>
      %swap3A_292 = arith.constant 80 : index
      %swap3A_293 = tpu.vector_load %arg14[%swap3A_292] {strides = array<i32>} : memref<128xi32, #tpu.memory_space<vmem>>, vector<16xi32>,
      tpu.vector_store %arg14[%swap3A_292], %add3A_291 {strides = array<i32>} : memref<128xi32, #tpu.memory_space<vmem>>, vector<16xi32>,
      %add3A_294 = arith.constant 336 : i32
      %add3A_295 = arith.addi %add3A_98, %add3A_294 : i32
      %add3A_296 = vector.broadcast %add3A_295 : i32 to vector<16xi32>
      %add3A_297 = arith.addi %add3A_296, %iota3A : vector<16xi32>
      %broadcast_in_dim3A_298 = vector.broadcast %add3A_102 : i32 to vector<16xi32>
      %select_n3A_299 = arith.select %lt3A_287, %add3A_297, %broadcast_in_dim3A_298 : vector<16xi1>, vector<16xi32>
      %min3A_300 = vector.broadcast %sub3A_108 : i32 to vector<16xi32>
      %min3A_301 = arith.minsi %select_n3A_299, %min3A_300 : vector<16xi32>
      %swap3A_302 = arith.constant 80 : index
      %swap3A_303 = tpu.vector_load %arg15[%swap3A_302] {strides = array<i32>} : memref<128xi32, #tpu.memory_space<vmem>>, vector<16xi32>,
      tpu.vector_store %arg15[%swap3A_302], %min3A_301 {strides = array<i32>} : memref<128xi32, #tpu.memory_space<vmem>>, vector<16xi32>,
      %swap3A_304 = arith.constant 80 : index
      %swap3A_305 = tpu.vector_load %arg17[%swap3A_304] {strides = array<i32>} : memref<128xi32, #tpu.memory_space<vmem>>, vector<16xi32>,
      tpu.vector_store %arg17[%swap3A_304], %get3A_282 {strides = array<i32>} : memref<128xi32, #tpu.memory_space<vmem>>, vector<16xi32>,
      %get3A_306 = arith.constant 352 : index
      %get3A_307 = tpu.vector_load %arg9[%get3A_306] {strides = array<i32>} : memref<1024xi32, #tpu.memory_space<vmem>>, vector<16xi32>,
      %get3A_308 = arith.constant 352 : index
      %get3A_309 = tpu.vector_load %arg10[%get3A_308] {strides = array<i32>} : memref<1024xi32, #tpu.memory_space<vmem>>, vector<16xi32>,
      %add3A_310 = arith.constant 352 : i32
      %add3A_311 = vector.broadcast %add3A_310 : i32 to vector<16xi32>
      %add3A_312 = arith.addi %add3A_311, %iota3A : vector<16xi32>
      %lt3A_313 = vector.broadcast %scan3A_46 : i32 to vector<16xi32>
      %lt3A_314 = arith.cmpi slt, %add3A_312, %lt3A_313 : vector<16xi32>
      %mul3A_315 = arith.constant 8192 : i32
      %mul3A_316 = arith.muli %add3A, %mul3A_315 : i32
      %add3A_317 = vector.broadcast %mul3A_316 : i32 to vector<16xi32>
      %add3A_318 = arith.addi %add3A_317, %get3A_307 : vector<16xi32>
      %swap3A_319 = arith.constant 96 : index
      %swap3A_320 = tpu.vector_load %arg14[%swap3A_319] {strides = array<i32>} : memref<128xi32, #tpu.memory_space<vmem>>, vector<16xi32>,
      tpu.vector_store %arg14[%swap3A_319], %add3A_318 {strides = array<i32>} : memref<128xi32, #tpu.memory_space<vmem>>, vector<16xi32>,
      %add3A_321 = arith.constant 352 : i32
      %add3A_322 = arith.addi %add3A_98, %add3A_321 : i32
      %add3A_323 = vector.broadcast %add3A_322 : i32 to vector<16xi32>
      %add3A_324 = arith.addi %add3A_323, %iota3A : vector<16xi32>
      %broadcast_in_dim3A_325 = vector.broadcast %add3A_102 : i32 to vector<16xi32>
      %select_n3A_326 = arith.select %lt3A_314, %add3A_324, %broadcast_in_dim3A_325 : vector<16xi1>, vector<16xi32>
      %min3A_327 = vector.broadcast %sub3A_108 : i32 to vector<16xi32>
      %min3A_328 = arith.minsi %select_n3A_326, %min3A_327 : vector<16xi32>
      %swap3A_329 = arith.constant 96 : index
      %swap3A_330 = tpu.vector_load %arg15[%swap3A_329] {strides = array<i32>} : memref<128xi32, #tpu.memory_space<vmem>>, vector<16xi32>,
      tpu.vector_store %arg15[%swap3A_329], %min3A_328 {strides = array<i32>} : memref<128xi32, #tpu.memory_space<vmem>>, vector<16xi32>,
      %swap3A_331 = arith.constant 96 : index
      %swap3A_332 = tpu.vector_load %arg17[%swap3A_331] {strides = array<i32>} : memref<128xi32, #tpu.memory_space<vmem>>, vector<16xi32>,
      tpu.vector_store %arg17[%swap3A_331], %get3A_309 {strides = array<i32>} : memref<128xi32, #tpu.memory_space<vmem>>, vector<16xi32>,
      %get3A_333 = arith.constant 368 : index
      %get3A_334 = tpu.vector_load %arg9[%get3A_333] {strides = array<i32>} : memref<1024xi32, #tpu.memory_space<vmem>>, vector<16xi32>,
      %get3A_335 = arith.constant 368 : index
      %get3A_336 = tpu.vector_load %arg10[%get3A_335] {strides = array<i32>} : memref<1024xi32, #tpu.memory_space<vmem>>, vector<16xi32>,
      %add3A_337 = arith.constant 368 : i32
      %add3A_338 = vector.broadcast %add3A_337 : i32 to vector<16xi32>
      %add3A_339 = arith.addi %add3A_338, %iota3A : vector<16xi32>
      %lt3A_340 = vector.broadcast %scan3A_46 : i32 to vector<16xi32>
      %lt3A_341 = arith.cmpi slt, %add3A_339, %lt3A_340 : vector<16xi32>
      %mul3A_342 = arith.constant 8192 : i32
      %mul3A_343 = arith.muli %add3A, %mul3A_342 : i32
      %add3A_344 = vector.broadcast %mul3A_343 : i32 to vector<16xi32>
      %add3A_345 = arith.addi %add3A_344, %get3A_334 : vector<16xi32>
      %swap3A_346 = arith.constant 112 : index
      %swap3A_347 = tpu.vector_load %arg14[%swap3A_346] {strides = array<i32>} : memref<128xi32, #tpu.memory_space<vmem>>, vector<16xi32>,
      tpu.vector_store %arg14[%swap3A_346], %add3A_345 {strides = array<i32>} : memref<128xi32, #tpu.memory_space<vmem>>, vector<16xi32>,
      %add3A_348 = arith.constant 368 : i32
      %add3A_349 = arith.addi %add3A_98, %add3A_348 : i32
      %add3A_350 = vector.broadcast %add3A_349 : i32 to vector<16xi32>
      %add3A_351 = arith.addi %add3A_350, %iota3A : vector<16xi32>
      %broadcast_in_dim3A_352 = vector.broadcast %add3A_102 : i32 to vector<16xi32>
      %select_n3A_353 = arith.select %lt3A_341, %add3A_351, %broadcast_in_dim3A_352 : vector<16xi1>, vector<16xi32>
      %min3A_354 = vector.broadcast %sub3A_108 : i32 to vector<16xi32>
      %min3A_355 = arith.minsi %select_n3A_353, %min3A_354 : vector<16xi32>
      %swap3A_356 = arith.constant 112 : index
      %swap3A_357 = tpu.vector_load %arg15[%swap3A_356] {strides = array<i32>} : memref<128xi32, #tpu.memory_space<vmem>>, vector<16xi32>,
      tpu.vector_store %arg15[%swap3A_356], %min3A_355 {strides = array<i32>} : memref<128xi32, #tpu.memory_space<vmem>>, vector<16xi32>,
      %swap3A_358 = arith.constant 112 : index
      %swap3A_359 = tpu.vector_load %arg17[%swap3A_358] {strides = array<i32>} : memref<128xi32, #tpu.memory_space<vmem>>, vector<16xi32>,
      tpu.vector_store %arg17[%swap3A_358], %get3A_336 {strides = array<i32>} : memref<128xi32, #tpu.memory_space<vmem>>, vector<16xi32>,
      %dma_start3A_360 = arith.constant 0 : i32
      %dma_start3A_361 = arith.constant 0 : i32
      %dma_start3A_362 = tpu.memref_slice %arg4[%dma_start3A_360, %dma_start3A_361] : memref<32768x16xf32, #tpu.memory_space<hbm>> -> memref<32768x16xf32, #tpu.memory_space<hbm>>
      tpu.enqueue_indirect_dma source(%dma_start3A_362 : memref<32768x16xf32, #tpu.memory_space<hbm>>) target(%arg16 : memref<128x16xf32, #tpu.memory_space<vmem>>) offsets(%arg14 : memref<128xi32, #tpu.memory_space<vmem>>) semaphore(%arg18 : memref<!tpu.dma_semaphore, #tpu.memory_space<semaphore_mem>>)
      %dma_wait3A_363 = arith.constant 0 : i32
      %dma_wait3A_364 = arith.constant 0 : i32
      %dma_wait3A_365 = tpu.memref_slice %arg4[%dma_wait3A_363, %dma_wait3A_364] : memref<32768x16xf32, #tpu.memory_space<hbm>> -> memref<32768x16xf32, #tpu.memory_space<hbm>>
      tpu.wait_indirect_dma semaphore(%arg18 : memref<!tpu.dma_semaphore, #tpu.memory_space<semaphore_mem>>) src(%dma_wait3A_365 : memref<32768x16xf32, #tpu.memory_space<hbm>>) dst(%arg16 : memref<128x16xf32, #tpu.memory_space<vmem>>)
      %dma_start3A_366 = arith.constant 0 : i32
      %dma_start3A_367 = arith.constant 0 : i32
      %dma_start3A_368 = tpu.memref_slice %arg5[%dma_start3A_366, %dma_start3A_367] : memref<5120x16xf32, #tpu.memory_space<hbm>> -> memref<5120x16xf32, #tpu.memory_space<hbm>>
      tpu.enqueue_indirect_dma source(%arg16 : memref<128x16xf32, #tpu.memory_space<vmem>>) target(%dma_start3A_368 : memref<5120x16xf32, #tpu.memory_space<hbm>>) offsets(%arg15 : memref<128xi32, #tpu.memory_space<vmem>>) semaphore(%arg18 : memref<!tpu.dma_semaphore, #tpu.memory_space<semaphore_mem>>)
      %dma_wait3A_369 = arith.constant 0 : i32
      %dma_wait3A_370 = arith.constant 0 : i32
      %dma_wait3A_371 = tpu.memref_slice %arg5[%dma_wait3A_369, %dma_wait3A_370] : memref<5120x16xf32, #tpu.memory_space<hbm>> -> memref<5120x16xf32, #tpu.memory_space<hbm>>
      tpu.wait_indirect_dma semaphore(%arg18 : memref<!tpu.dma_semaphore, #tpu.memory_space<semaphore_mem>>) src(%arg16 : memref<128x16xf32, #tpu.memory_space<vmem>>) dst(%dma_wait3A_371 : memref<5120x16xf32, #tpu.memory_space<hbm>>)
      %dma_start3A_372 = arith.constant 0 : i32
      %dma_start3A_373 = tpu.memref_slice %arg6[%dma_start3A_372] : memref<5120xi32, #tpu.memory_space<hbm>> -> memref<5120xi32, #tpu.memory_space<hbm>>
      tpu.enqueue_indirect_dma source(%arg17 : memref<128xi32, #tpu.memory_space<vmem>>) target(%dma_start3A_373 : memref<5120xi32, #tpu.memory_space<hbm>>) offsets(%arg15 : memref<128xi32, #tpu.memory_space<vmem>>) semaphore(%arg18 : memref<!tpu.dma_semaphore, #tpu.memory_space<semaphore_mem>>)
      %dma_wait3A_374 = arith.constant 0 : i32
      %dma_wait3A_375 = tpu.memref_slice %arg6[%dma_wait3A_374] : memref<5120xi32, #tpu.memory_space<hbm>> -> memref<5120xi32, #tpu.memory_space<hbm>>
      tpu.wait_indirect_dma semaphore(%arg18 : memref<!tpu.dma_semaphore, #tpu.memory_space<semaphore_mem>>) src(%arg17 : memref<128xi32, #tpu.memory_space<vmem>>) dst(%dma_wait3A_375 : memref<5120xi32, #tpu.memory_space<hbm>>)
    } else {
    }
    %gt3A_121 = arith.constant 384 : i32
    %gt3A_122 = arith.cmpi sgt, %scan3A_46, %gt3A_121 : i32
    %convert_element_type3A_123 = arith.extui %gt3A_122 : i1 to i32
    %cond3A_124 = arith.constant 0 : i32
    %cond3A_125 = arith.cmpi ne, %convert_element_type3A_123, %cond3A_124 : i32
    scf.if %cond3A_125 {
      %get3A = arith.constant 384 : index
      %get3A_146 = tpu.vector_load %arg9[%get3A] {strides = array<i32>} : memref<1024xi32, #tpu.memory_space<vmem>>, vector<16xi32>,
      %get3A_147 = arith.constant 384 : index
      %get3A_148 = tpu.vector_load %arg10[%get3A_147] {strides = array<i32>} : memref<1024xi32, #tpu.memory_space<vmem>>, vector<16xi32>,
      %add3A_149 = arith.constant 384 : i32
      %add3A_150 = vector.broadcast %add3A_149 : i32 to vector<16xi32>
      %add3A_151 = arith.addi %add3A_150, %iota3A : vector<16xi32>
      %lt3A_152 = vector.broadcast %scan3A_46 : i32 to vector<16xi32>
      %lt3A_153 = arith.cmpi slt, %add3A_151, %lt3A_152 : vector<16xi32>
      %mul3A_154 = arith.constant 8192 : i32
      %mul3A_155 = arith.muli %add3A, %mul3A_154 : i32
      %add3A_156 = vector.broadcast %mul3A_155 : i32 to vector<16xi32>
      %add3A_157 = arith.addi %add3A_156, %get3A_146 : vector<16xi32>
      %swap3A_158 = arith.constant 0 : index
      %swap3A_159 = tpu.vector_load %arg14[%swap3A_158] {strides = array<i32>} : memref<128xi32, #tpu.memory_space<vmem>>, vector<16xi32>,
      tpu.vector_store %arg14[%swap3A_158], %add3A_157 {strides = array<i32>} : memref<128xi32, #tpu.memory_space<vmem>>, vector<16xi32>,
      %add3A_160 = arith.constant 384 : i32
      %add3A_161 = arith.addi %add3A_98, %add3A_160 : i32
      %add3A_162 = vector.broadcast %add3A_161 : i32 to vector<16xi32>
      %add3A_163 = arith.addi %add3A_162, %iota3A : vector<16xi32>
      %broadcast_in_dim3A_164 = vector.broadcast %add3A_102 : i32 to vector<16xi32>
      %select_n3A_165 = arith.select %lt3A_153, %add3A_163, %broadcast_in_dim3A_164 : vector<16xi1>, vector<16xi32>
      %min3A = vector.broadcast %sub3A_108 : i32 to vector<16xi32>
      %min3A_166 = arith.minsi %select_n3A_165, %min3A : vector<16xi32>
      %swap3A_167 = arith.constant 0 : index
      %swap3A_168 = tpu.vector_load %arg15[%swap3A_167] {strides = array<i32>} : memref<128xi32, #tpu.memory_space<vmem>>, vector<16xi32>,
      tpu.vector_store %arg15[%swap3A_167], %min3A_166 {strides = array<i32>} : memref<128xi32, #tpu.memory_space<vmem>>, vector<16xi32>,
      %swap3A_169 = arith.constant 0 : index
      %swap3A_170 = tpu.vector_load %arg17[%swap3A_169] {strides = array<i32>} : memref<128xi32, #tpu.memory_space<vmem>>, vector<16xi32>,
      tpu.vector_store %arg17[%swap3A_169], %get3A_148 {strides = array<i32>} : memref<128xi32, #tpu.memory_space<vmem>>, vector<16xi32>,
      %get3A_171 = arith.constant 400 : index
      %get3A_172 = tpu.vector_load %arg9[%get3A_171] {strides = array<i32>} : memref<1024xi32, #tpu.memory_space<vmem>>, vector<16xi32>,
      %get3A_173 = arith.constant 400 : index
      %get3A_174 = tpu.vector_load %arg10[%get3A_173] {strides = array<i32>} : memref<1024xi32, #tpu.memory_space<vmem>>, vector<16xi32>,
      %add3A_175 = arith.constant 400 : i32
      %add3A_176 = vector.broadcast %add3A_175 : i32 to vector<16xi32>
      %add3A_177 = arith.addi %add3A_176, %iota3A : vector<16xi32>
      %lt3A_178 = vector.broadcast %scan3A_46 : i32 to vector<16xi32>
      %lt3A_179 = arith.cmpi slt, %add3A_177, %lt3A_178 : vector<16xi32>
      %mul3A_180 = arith.constant 8192 : i32
      %mul3A_181 = arith.muli %add3A, %mul3A_180 : i32
      %add3A_182 = vector.broadcast %mul3A_181 : i32 to vector<16xi32>
      %add3A_183 = arith.addi %add3A_182, %get3A_172 : vector<16xi32>
      %swap3A_184 = arith.constant 16 : index
      %swap3A_185 = tpu.vector_load %arg14[%swap3A_184] {strides = array<i32>} : memref<128xi32, #tpu.memory_space<vmem>>, vector<16xi32>,
      tpu.vector_store %arg14[%swap3A_184], %add3A_183 {strides = array<i32>} : memref<128xi32, #tpu.memory_space<vmem>>, vector<16xi32>,
      %add3A_186 = arith.constant 400 : i32
      %add3A_187 = arith.addi %add3A_98, %add3A_186 : i32
      %add3A_188 = vector.broadcast %add3A_187 : i32 to vector<16xi32>
      %add3A_189 = arith.addi %add3A_188, %iota3A : vector<16xi32>
      %broadcast_in_dim3A_190 = vector.broadcast %add3A_102 : i32 to vector<16xi32>
      %select_n3A_191 = arith.select %lt3A_179, %add3A_189, %broadcast_in_dim3A_190 : vector<16xi1>, vector<16xi32>
      %min3A_192 = vector.broadcast %sub3A_108 : i32 to vector<16xi32>
      %min3A_193 = arith.minsi %select_n3A_191, %min3A_192 : vector<16xi32>
      %swap3A_194 = arith.constant 16 : index
      %swap3A_195 = tpu.vector_load %arg15[%swap3A_194] {strides = array<i32>} : memref<128xi32, #tpu.memory_space<vmem>>, vector<16xi32>,
      tpu.vector_store %arg15[%swap3A_194], %min3A_193 {strides = array<i32>} : memref<128xi32, #tpu.memory_space<vmem>>, vector<16xi32>,
      %swap3A_196 = arith.constant 16 : index
      %swap3A_197 = tpu.vector_load %arg17[%swap3A_196] {strides = array<i32>} : memref<128xi32, #tpu.memory_space<vmem>>, vector<16xi32>,
      tpu.vector_store %arg17[%swap3A_196], %get3A_174 {strides = array<i32>} : memref<128xi32, #tpu.memory_space<vmem>>, vector<16xi32>,
      %get3A_198 = arith.constant 416 : index
      %get3A_199 = tpu.vector_load %arg9[%get3A_198] {strides = array<i32>} : memref<1024xi32, #tpu.memory_space<vmem>>, vector<16xi32>,
      %get3A_200 = arith.constant 416 : index
      %get3A_201 = tpu.vector_load %arg10[%get3A_200] {strides = array<i32>} : memref<1024xi32, #tpu.memory_space<vmem>>, vector<16xi32>,
      %add3A_202 = arith.constant 416 : i32
      %add3A_203 = vector.broadcast %add3A_202 : i32 to vector<16xi32>
      %add3A_204 = arith.addi %add3A_203, %iota3A : vector<16xi32>
      %lt3A_205 = vector.broadcast %scan3A_46 : i32 to vector<16xi32>
      %lt3A_206 = arith.cmpi slt, %add3A_204, %lt3A_205 : vector<16xi32>
      %mul3A_207 = arith.constant 8192 : i32
      %mul3A_208 = arith.muli %add3A, %mul3A_207 : i32
      %add3A_209 = vector.broadcast %mul3A_208 : i32 to vector<16xi32>
      %add3A_210 = arith.addi %add3A_209, %get3A_199 : vector<16xi32>
      %swap3A_211 = arith.constant 32 : index
      %swap3A_212 = tpu.vector_load %arg14[%swap3A_211] {strides = array<i32>} : memref<128xi32, #tpu.memory_space<vmem>>, vector<16xi32>,
      tpu.vector_store %arg14[%swap3A_211], %add3A_210 {strides = array<i32>} : memref<128xi32, #tpu.memory_space<vmem>>, vector<16xi32>,
      %add3A_213 = arith.constant 416 : i32
      %add3A_214 = arith.addi %add3A_98, %add3A_213 : i32
      %add3A_215 = vector.broadcast %add3A_214 : i32 to vector<16xi32>
      %add3A_216 = arith.addi %add3A_215, %iota3A : vector<16xi32>
      %broadcast_in_dim3A_217 = vector.broadcast %add3A_102 : i32 to vector<16xi32>
      %select_n3A_218 = arith.select %lt3A_206, %add3A_216, %broadcast_in_dim3A_217 : vector<16xi1>, vector<16xi32>
      %min3A_219 = vector.broadcast %sub3A_108 : i32 to vector<16xi32>
      %min3A_220 = arith.minsi %select_n3A_218, %min3A_219 : vector<16xi32>
      %swap3A_221 = arith.constant 32 : index
      %swap3A_222 = tpu.vector_load %arg15[%swap3A_221] {strides = array<i32>} : memref<128xi32, #tpu.memory_space<vmem>>, vector<16xi32>,
      tpu.vector_store %arg15[%swap3A_221], %min3A_220 {strides = array<i32>} : memref<128xi32, #tpu.memory_space<vmem>>, vector<16xi32>,
      %swap3A_223 = arith.constant 32 : index
      %swap3A_224 = tpu.vector_load %arg17[%swap3A_223] {strides = array<i32>} : memref<128xi32, #tpu.memory_space<vmem>>, vector<16xi32>,
      tpu.vector_store %arg17[%swap3A_223], %get3A_201 {strides = array<i32>} : memref<128xi32, #tpu.memory_space<vmem>>, vector<16xi32>,
      %get3A_225 = arith.constant 432 : index
      %get3A_226 = tpu.vector_load %arg9[%get3A_225] {strides = array<i32>} : memref<1024xi32, #tpu.memory_space<vmem>>, vector<16xi32>,
      %get3A_227 = arith.constant 432 : index
      %get3A_228 = tpu.vector_load %arg10[%get3A_227] {strides = array<i32>} : memref<1024xi32, #tpu.memory_space<vmem>>, vector<16xi32>,
      %add3A_229 = arith.constant 432 : i32
      %add3A_230 = vector.broadcast %add3A_229 : i32 to vector<16xi32>
      %add3A_231 = arith.addi %add3A_230, %iota3A : vector<16xi32>
      %lt3A_232 = vector.broadcast %scan3A_46 : i32 to vector<16xi32>
      %lt3A_233 = arith.cmpi slt, %add3A_231, %lt3A_232 : vector<16xi32>
      %mul3A_234 = arith.constant 8192 : i32
      %mul3A_235 = arith.muli %add3A, %mul3A_234 : i32
      %add3A_236 = vector.broadcast %mul3A_235 : i32 to vector<16xi32>
      %add3A_237 = arith.addi %add3A_236, %get3A_226 : vector<16xi32>
      %swap3A_238 = arith.constant 48 : index
      %swap3A_239 = tpu.vector_load %arg14[%swap3A_238] {strides = array<i32>} : memref<128xi32, #tpu.memory_space<vmem>>, vector<16xi32>,
      tpu.vector_store %arg14[%swap3A_238], %add3A_237 {strides = array<i32>} : memref<128xi32, #tpu.memory_space<vmem>>, vector<16xi32>,
      %add3A_240 = arith.constant 432 : i32
      %add3A_241 = arith.addi %add3A_98, %add3A_240 : i32
      %add3A_242 = vector.broadcast %add3A_241 : i32 to vector<16xi32>
      %add3A_243 = arith.addi %add3A_242, %iota3A : vector<16xi32>
      %broadcast_in_dim3A_244 = vector.broadcast %add3A_102 : i32 to vector<16xi32>
      %select_n3A_245 = arith.select %lt3A_233, %add3A_243, %broadcast_in_dim3A_244 : vector<16xi1>, vector<16xi32>
      %min3A_246 = vector.broadcast %sub3A_108 : i32 to vector<16xi32>
      %min3A_247 = arith.minsi %select_n3A_245, %min3A_246 : vector<16xi32>
      %swap3A_248 = arith.constant 48 : index
      %swap3A_249 = tpu.vector_load %arg15[%swap3A_248] {strides = array<i32>} : memref<128xi32, #tpu.memory_space<vmem>>, vector<16xi32>,
      tpu.vector_store %arg15[%swap3A_248], %min3A_247 {strides = array<i32>} : memref<128xi32, #tpu.memory_space<vmem>>, vector<16xi32>,
      %swap3A_250 = arith.constant 48 : index
      %swap3A_251 = tpu.vector_load %arg17[%swap3A_250] {strides = array<i32>} : memref<128xi32, #tpu.memory_space<vmem>>, vector<16xi32>,
      tpu.vector_store %arg17[%swap3A_250], %get3A_228 {strides = array<i32>} : memref<128xi32, #tpu.memory_space<vmem>>, vector<16xi32>,
      %get3A_252 = arith.constant 448 : index
      %get3A_253 = tpu.vector_load %arg9[%get3A_252] {strides = array<i32>} : memref<1024xi32, #tpu.memory_space<vmem>>, vector<16xi32>,
      %get3A_254 = arith.constant 448 : index
      %get3A_255 = tpu.vector_load %arg10[%get3A_254] {strides = array<i32>} : memref<1024xi32, #tpu.memory_space<vmem>>, vector<16xi32>,
      %add3A_256 = arith.constant 448 : i32
      %add3A_257 = vector.broadcast %add3A_256 : i32 to vector<16xi32>
      %add3A_258 = arith.addi %add3A_257, %iota3A : vector<16xi32>
      %lt3A_259 = vector.broadcast %scan3A_46 : i32 to vector<16xi32>
      %lt3A_260 = arith.cmpi slt, %add3A_258, %lt3A_259 : vector<16xi32>
      %mul3A_261 = arith.constant 8192 : i32
      %mul3A_262 = arith.muli %add3A, %mul3A_261 : i32
      %add3A_263 = vector.broadcast %mul3A_262 : i32 to vector<16xi32>
      %add3A_264 = arith.addi %add3A_263, %get3A_253 : vector<16xi32>
      %swap3A_265 = arith.constant 64 : index
      %swap3A_266 = tpu.vector_load %arg14[%swap3A_265] {strides = array<i32>} : memref<128xi32, #tpu.memory_space<vmem>>, vector<16xi32>,
      tpu.vector_store %arg14[%swap3A_265], %add3A_264 {strides = array<i32>} : memref<128xi32, #tpu.memory_space<vmem>>, vector<16xi32>,
      %add3A_267 = arith.constant 448 : i32
      %add3A_268 = arith.addi %add3A_98, %add3A_267 : i32
      %add3A_269 = vector.broadcast %add3A_268 : i32 to vector<16xi32>
      %add3A_270 = arith.addi %add3A_269, %iota3A : vector<16xi32>
      %broadcast_in_dim3A_271 = vector.broadcast %add3A_102 : i32 to vector<16xi32>
      %select_n3A_272 = arith.select %lt3A_260, %add3A_270, %broadcast_in_dim3A_271 : vector<16xi1>, vector<16xi32>
      %min3A_273 = vector.broadcast %sub3A_108 : i32 to vector<16xi32>
      %min3A_274 = arith.minsi %select_n3A_272, %min3A_273 : vector<16xi32>
      %swap3A_275 = arith.constant 64 : index
      %swap3A_276 = tpu.vector_load %arg15[%swap3A_275] {strides = array<i32>} : memref<128xi32, #tpu.memory_space<vmem>>, vector<16xi32>,
      tpu.vector_store %arg15[%swap3A_275], %min3A_274 {strides = array<i32>} : memref<128xi32, #tpu.memory_space<vmem>>, vector<16xi32>,
      %swap3A_277 = arith.constant 64 : index
      %swap3A_278 = tpu.vector_load %arg17[%swap3A_277] {strides = array<i32>} : memref<128xi32, #tpu.memory_space<vmem>>, vector<16xi32>,
      tpu.vector_store %arg17[%swap3A_277], %get3A_255 {strides = array<i32>} : memref<128xi32, #tpu.memory_space<vmem>>, vector<16xi32>,
      %get3A_279 = arith.constant 464 : index
      %get3A_280 = tpu.vector_load %arg9[%get3A_279] {strides = array<i32>} : memref<1024xi32, #tpu.memory_space<vmem>>, vector<16xi32>,
      %get3A_281 = arith.constant 464 : index
      %get3A_282 = tpu.vector_load %arg10[%get3A_281] {strides = array<i32>} : memref<1024xi32, #tpu.memory_space<vmem>>, vector<16xi32>,
      %add3A_283 = arith.constant 464 : i32
      %add3A_284 = vector.broadcast %add3A_283 : i32 to vector<16xi32>
      %add3A_285 = arith.addi %add3A_284, %iota3A : vector<16xi32>
      %lt3A_286 = vector.broadcast %scan3A_46 : i32 to vector<16xi32>
      %lt3A_287 = arith.cmpi slt, %add3A_285, %lt3A_286 : vector<16xi32>
      %mul3A_288 = arith.constant 8192 : i32
      %mul3A_289 = arith.muli %add3A, %mul3A_288 : i32
      %add3A_290 = vector.broadcast %mul3A_289 : i32 to vector<16xi32>
      %add3A_291 = arith.addi %add3A_290, %get3A_280 : vector<16xi32>
      %swap3A_292 = arith.constant 80 : index
      %swap3A_293 = tpu.vector_load %arg14[%swap3A_292] {strides = array<i32>} : memref<128xi32, #tpu.memory_space<vmem>>, vector<16xi32>,
      tpu.vector_store %arg14[%swap3A_292], %add3A_291 {strides = array<i32>} : memref<128xi32, #tpu.memory_space<vmem>>, vector<16xi32>,
      %add3A_294 = arith.constant 464 : i32
      %add3A_295 = arith.addi %add3A_98, %add3A_294 : i32
      %add3A_296 = vector.broadcast %add3A_295 : i32 to vector<16xi32>
      %add3A_297 = arith.addi %add3A_296, %iota3A : vector<16xi32>
      %broadcast_in_dim3A_298 = vector.broadcast %add3A_102 : i32 to vector<16xi32>
      %select_n3A_299 = arith.select %lt3A_287, %add3A_297, %broadcast_in_dim3A_298 : vector<16xi1>, vector<16xi32>
      %min3A_300 = vector.broadcast %sub3A_108 : i32 to vector<16xi32>
      %min3A_301 = arith.minsi %select_n3A_299, %min3A_300 : vector<16xi32>
      %swap3A_302 = arith.constant 80 : index
      %swap3A_303 = tpu.vector_load %arg15[%swap3A_302] {strides = array<i32>} : memref<128xi32, #tpu.memory_space<vmem>>, vector<16xi32>,
      tpu.vector_store %arg15[%swap3A_302], %min3A_301 {strides = array<i32>} : memref<128xi32, #tpu.memory_space<vmem>>, vector<16xi32>,
      %swap3A_304 = arith.constant 80 : index
      %swap3A_305 = tpu.vector_load %arg17[%swap3A_304] {strides = array<i32>} : memref<128xi32, #tpu.memory_space<vmem>>, vector<16xi32>,
      tpu.vector_store %arg17[%swap3A_304], %get3A_282 {strides = array<i32>} : memref<128xi32, #tpu.memory_space<vmem>>, vector<16xi32>,
      %get3A_306 = arith.constant 480 : index
      %get3A_307 = tpu.vector_load %arg9[%get3A_306] {strides = array<i32>} : memref<1024xi32, #tpu.memory_space<vmem>>, vector<16xi32>,
      %get3A_308 = arith.constant 480 : index
      %get3A_309 = tpu.vector_load %arg10[%get3A_308] {strides = array<i32>} : memref<1024xi32, #tpu.memory_space<vmem>>, vector<16xi32>,
      %add3A_310 = arith.constant 480 : i32
      %add3A_311 = vector.broadcast %add3A_310 : i32 to vector<16xi32>
      %add3A_312 = arith.addi %add3A_311, %iota3A : vector<16xi32>
      %lt3A_313 = vector.broadcast %scan3A_46 : i32 to vector<16xi32>
      %lt3A_314 = arith.cmpi slt, %add3A_312, %lt3A_313 : vector<16xi32>
      %mul3A_315 = arith.constant 8192 : i32
      %mul3A_316 = arith.muli %add3A, %mul3A_315 : i32
      %add3A_317 = vector.broadcast %mul3A_316 : i32 to vector<16xi32>
      %add3A_318 = arith.addi %add3A_317, %get3A_307 : vector<16xi32>
      %swap3A_319 = arith.constant 96 : index
      %swap3A_320 = tpu.vector_load %arg14[%swap3A_319] {strides = array<i32>} : memref<128xi32, #tpu.memory_space<vmem>>, vector<16xi32>,
      tpu.vector_store %arg14[%swap3A_319], %add3A_318 {strides = array<i32>} : memref<128xi32, #tpu.memory_space<vmem>>, vector<16xi32>,
      %add3A_321 = arith.constant 480 : i32
      %add3A_322 = arith.addi %add3A_98, %add3A_321 : i32
      %add3A_323 = vector.broadcast %add3A_322 : i32 to vector<16xi32>
      %add3A_324 = arith.addi %add3A_323, %iota3A : vector<16xi32>
      %broadcast_in_dim3A_325 = vector.broadcast %add3A_102 : i32 to vector<16xi32>
      %select_n3A_326 = arith.select %lt3A_314, %add3A_324, %broadcast_in_dim3A_325 : vector<16xi1>, vector<16xi32>
      %min3A_327 = vector.broadcast %sub3A_108 : i32 to vector<16xi32>
      %min3A_328 = arith.minsi %select_n3A_326, %min3A_327 : vector<16xi32>
      %swap3A_329 = arith.constant 96 : index
      %swap3A_330 = tpu.vector_load %arg15[%swap3A_329] {strides = array<i32>} : memref<128xi32, #tpu.memory_space<vmem>>, vector<16xi32>,
      tpu.vector_store %arg15[%swap3A_329], %min3A_328 {strides = array<i32>} : memref<128xi32, #tpu.memory_space<vmem>>, vector<16xi32>,
      %swap3A_331 = arith.constant 96 : index
      %swap3A_332 = tpu.vector_load %arg17[%swap3A_331] {strides = array<i32>} : memref<128xi32, #tpu.memory_space<vmem>>, vector<16xi32>,
      tpu.vector_store %arg17[%swap3A_331], %get3A_309 {strides = array<i32>} : memref<128xi32, #tpu.memory_space<vmem>>, vector<16xi32>,
      %get3A_333 = arith.constant 496 : index
      %get3A_334 = tpu.vector_load %arg9[%get3A_333] {strides = array<i32>} : memref<1024xi32, #tpu.memory_space<vmem>>, vector<16xi32>,
      %get3A_335 = arith.constant 496 : index
      %get3A_336 = tpu.vector_load %arg10[%get3A_335] {strides = array<i32>} : memref<1024xi32, #tpu.memory_space<vmem>>, vector<16xi32>,
      %add3A_337 = arith.constant 496 : i32
      %add3A_338 = vector.broadcast %add3A_337 : i32 to vector<16xi32>
      %add3A_339 = arith.addi %add3A_338, %iota3A : vector<16xi32>
      %lt3A_340 = vector.broadcast %scan3A_46 : i32 to vector<16xi32>
      %lt3A_341 = arith.cmpi slt, %add3A_339, %lt3A_340 : vector<16xi32>
      %mul3A_342 = arith.constant 8192 : i32
      %mul3A_343 = arith.muli %add3A, %mul3A_342 : i32
      %add3A_344 = vector.broadcast %mul3A_343 : i32 to vector<16xi32>
      %add3A_345 = arith.addi %add3A_344, %get3A_334 : vector<16xi32>
      %swap3A_346 = arith.constant 112 : index
      %swap3A_347 = tpu.vector_load %arg14[%swap3A_346] {strides = array<i32>} : memref<128xi32, #tpu.memory_space<vmem>>, vector<16xi32>,
      tpu.vector_store %arg14[%swap3A_346], %add3A_345 {strides = array<i32>} : memref<128xi32, #tpu.memory_space<vmem>>, vector<16xi32>,
      %add3A_348 = arith.constant 496 : i32
      %add3A_349 = arith.addi %add3A_98, %add3A_348 : i32
      %add3A_350 = vector.broadcast %add3A_349 : i32 to vector<16xi32>
      %add3A_351 = arith.addi %add3A_350, %iota3A : vector<16xi32>
      %broadcast_in_dim3A_352 = vector.broadcast %add3A_102 : i32 to vector<16xi32>
      %select_n3A_353 = arith.select %lt3A_341, %add3A_351, %broadcast_in_dim3A_352 : vector<16xi1>, vector<16xi32>
      %min3A_354 = vector.broadcast %sub3A_108 : i32 to vector<16xi32>
      %min3A_355 = arith.minsi %select_n3A_353, %min3A_354 : vector<16xi32>
      %swap3A_356 = arith.constant 112 : index
      %swap3A_357 = tpu.vector_load %arg15[%swap3A_356] {strides = array<i32>} : memref<128xi32, #tpu.memory_space<vmem>>, vector<16xi32>,
      tpu.vector_store %arg15[%swap3A_356], %min3A_355 {strides = array<i32>} : memref<128xi32, #tpu.memory_space<vmem>>, vector<16xi32>,
      %swap3A_358 = arith.constant 112 : index
      %swap3A_359 = tpu.vector_load %arg17[%swap3A_358] {strides = array<i32>} : memref<128xi32, #tpu.memory_space<vmem>>, vector<16xi32>,
      tpu.vector_store %arg17[%swap3A_358], %get3A_336 {strides = array<i32>} : memref<128xi32, #tpu.memory_space<vmem>>, vector<16xi32>,
      %dma_start3A_360 = arith.constant 0 : i32
      %dma_start3A_361 = arith.constant 0 : i32
      %dma_start3A_362 = tpu.memref_slice %arg4[%dma_start3A_360, %dma_start3A_361] : memref<32768x16xf32, #tpu.memory_space<hbm>> -> memref<32768x16xf32, #tpu.memory_space<hbm>>
      tpu.enqueue_indirect_dma source(%dma_start3A_362 : memref<32768x16xf32, #tpu.memory_space<hbm>>) target(%arg16 : memref<128x16xf32, #tpu.memory_space<vmem>>) offsets(%arg14 : memref<128xi32, #tpu.memory_space<vmem>>) semaphore(%arg18 : memref<!tpu.dma_semaphore, #tpu.memory_space<semaphore_mem>>)
      %dma_wait3A_363 = arith.constant 0 : i32
      %dma_wait3A_364 = arith.constant 0 : i32
      %dma_wait3A_365 = tpu.memref_slice %arg4[%dma_wait3A_363, %dma_wait3A_364] : memref<32768x16xf32, #tpu.memory_space<hbm>> -> memref<32768x16xf32, #tpu.memory_space<hbm>>
      tpu.wait_indirect_dma semaphore(%arg18 : memref<!tpu.dma_semaphore, #tpu.memory_space<semaphore_mem>>) src(%dma_wait3A_365 : memref<32768x16xf32, #tpu.memory_space<hbm>>) dst(%arg16 : memref<128x16xf32, #tpu.memory_space<vmem>>)
      %dma_start3A_366 = arith.constant 0 : i32
      %dma_start3A_367 = arith.constant 0 : i32
      %dma_start3A_368 = tpu.memref_slice %arg5[%dma_start3A_366, %dma_start3A_367] : memref<5120x16xf32, #tpu.memory_space<hbm>> -> memref<5120x16xf32, #tpu.memory_space<hbm>>
      tpu.enqueue_indirect_dma source(%arg16 : memref<128x16xf32, #tpu.memory_space<vmem>>) target(%dma_start3A_368 : memref<5120x16xf32, #tpu.memory_space<hbm>>) offsets(%arg15 : memref<128xi32, #tpu.memory_space<vmem>>) semaphore(%arg18 : memref<!tpu.dma_semaphore, #tpu.memory_space<semaphore_mem>>)
      %dma_wait3A_369 = arith.constant 0 : i32
      %dma_wait3A_370 = arith.constant 0 : i32
      %dma_wait3A_371 = tpu.memref_slice %arg5[%dma_wait3A_369, %dma_wait3A_370] : memref<5120x16xf32, #tpu.memory_space<hbm>> -> memref<5120x16xf32, #tpu.memory_space<hbm>>
      tpu.wait_indirect_dma semaphore(%arg18 : memref<!tpu.dma_semaphore, #tpu.memory_space<semaphore_mem>>) src(%arg16 : memref<128x16xf32, #tpu.memory_space<vmem>>) dst(%dma_wait3A_371 : memref<5120x16xf32, #tpu.memory_space<hbm>>)
      %dma_start3A_372 = arith.constant 0 : i32
      %dma_start3A_373 = tpu.memref_slice %arg6[%dma_start3A_372] : memref<5120xi32, #tpu.memory_space<hbm>> -> memref<5120xi32, #tpu.memory_space<hbm>>
      tpu.enqueue_indirect_dma source(%arg17 : memref<128xi32, #tpu.memory_space<vmem>>) target(%dma_start3A_373 : memref<5120xi32, #tpu.memory_space<hbm>>) offsets(%arg15 : memref<128xi32, #tpu.memory_space<vmem>>) semaphore(%arg18 : memref<!tpu.dma_semaphore, #tpu.memory_space<semaphore_mem>>)
      %dma_wait3A_374 = arith.constant 0 : i32
      %dma_wait3A_375 = tpu.memref_slice %arg6[%dma_wait3A_374] : memref<5120xi32, #tpu.memory_space<hbm>> -> memref<5120xi32, #tpu.memory_space<hbm>>
      tpu.wait_indirect_dma semaphore(%arg18 : memref<!tpu.dma_semaphore, #tpu.memory_space<semaphore_mem>>) src(%arg17 : memref<128xi32, #tpu.memory_space<vmem>>) dst(%dma_wait3A_375 : memref<5120xi32, #tpu.memory_space<hbm>>)
    } else {
    }
    %gt3A_126 = arith.constant 512 : i32
    %gt3A_127 = arith.cmpi sgt, %scan3A_46, %gt3A_126 : i32
    %convert_element_type3A_128 = arith.extui %gt3A_127 : i1 to i32
    %cond3A_129 = arith.constant 0 : i32
    %cond3A_130 = arith.cmpi ne, %convert_element_type3A_128, %cond3A_129 : i32
    scf.if %cond3A_130 {
      %get3A = arith.constant 512 : index
      %get3A_146 = tpu.vector_load %arg9[%get3A] {strides = array<i32>} : memref<1024xi32, #tpu.memory_space<vmem>>, vector<16xi32>,
      %get3A_147 = arith.constant 512 : index
      %get3A_148 = tpu.vector_load %arg10[%get3A_147] {strides = array<i32>} : memref<1024xi32, #tpu.memory_space<vmem>>, vector<16xi32>,
      %add3A_149 = arith.constant 512 : i32
      %add3A_150 = vector.broadcast %add3A_149 : i32 to vector<16xi32>
      %add3A_151 = arith.addi %add3A_150, %iota3A : vector<16xi32>
      %lt3A_152 = vector.broadcast %scan3A_46 : i32 to vector<16xi32>
      %lt3A_153 = arith.cmpi slt, %add3A_151, %lt3A_152 : vector<16xi32>
      %mul3A_154 = arith.constant 8192 : i32
      %mul3A_155 = arith.muli %add3A, %mul3A_154 : i32
      %add3A_156 = vector.broadcast %mul3A_155 : i32 to vector<16xi32>
      %add3A_157 = arith.addi %add3A_156, %get3A_146 : vector<16xi32>
      %swap3A_158 = arith.constant 0 : index
      %swap3A_159 = tpu.vector_load %arg14[%swap3A_158] {strides = array<i32>} : memref<128xi32, #tpu.memory_space<vmem>>, vector<16xi32>,
      tpu.vector_store %arg14[%swap3A_158], %add3A_157 {strides = array<i32>} : memref<128xi32, #tpu.memory_space<vmem>>, vector<16xi32>,
      %add3A_160 = arith.constant 512 : i32
      %add3A_161 = arith.addi %add3A_98, %add3A_160 : i32
      %add3A_162 = vector.broadcast %add3A_161 : i32 to vector<16xi32>
      %add3A_163 = arith.addi %add3A_162, %iota3A : vector<16xi32>
      %broadcast_in_dim3A_164 = vector.broadcast %add3A_102 : i32 to vector<16xi32>
      %select_n3A_165 = arith.select %lt3A_153, %add3A_163, %broadcast_in_dim3A_164 : vector<16xi1>, vector<16xi32>
      %min3A = vector.broadcast %sub3A_108 : i32 to vector<16xi32>
      %min3A_166 = arith.minsi %select_n3A_165, %min3A : vector<16xi32>
      %swap3A_167 = arith.constant 0 : index
      %swap3A_168 = tpu.vector_load %arg15[%swap3A_167] {strides = array<i32>} : memref<128xi32, #tpu.memory_space<vmem>>, vector<16xi32>,
      tpu.vector_store %arg15[%swap3A_167], %min3A_166 {strides = array<i32>} : memref<128xi32, #tpu.memory_space<vmem>>, vector<16xi32>,
      %swap3A_169 = arith.constant 0 : index
      %swap3A_170 = tpu.vector_load %arg17[%swap3A_169] {strides = array<i32>} : memref<128xi32, #tpu.memory_space<vmem>>, vector<16xi32>,
      tpu.vector_store %arg17[%swap3A_169], %get3A_148 {strides = array<i32>} : memref<128xi32, #tpu.memory_space<vmem>>, vector<16xi32>,
      %get3A_171 = arith.constant 528 : index
      %get3A_172 = tpu.vector_load %arg9[%get3A_171] {strides = array<i32>} : memref<1024xi32, #tpu.memory_space<vmem>>, vector<16xi32>,
      %get3A_173 = arith.constant 528 : index
      %get3A_174 = tpu.vector_load %arg10[%get3A_173] {strides = array<i32>} : memref<1024xi32, #tpu.memory_space<vmem>>, vector<16xi32>,
      %add3A_175 = arith.constant 528 : i32
      %add3A_176 = vector.broadcast %add3A_175 : i32 to vector<16xi32>
      %add3A_177 = arith.addi %add3A_176, %iota3A : vector<16xi32>
      %lt3A_178 = vector.broadcast %scan3A_46 : i32 to vector<16xi32>
      %lt3A_179 = arith.cmpi slt, %add3A_177, %lt3A_178 : vector<16xi32>
      %mul3A_180 = arith.constant 8192 : i32
      %mul3A_181 = arith.muli %add3A, %mul3A_180 : i32
      %add3A_182 = vector.broadcast %mul3A_181 : i32 to vector<16xi32>
      %add3A_183 = arith.addi %add3A_182, %get3A_172 : vector<16xi32>
      %swap3A_184 = arith.constant 16 : index
      %swap3A_185 = tpu.vector_load %arg14[%swap3A_184] {strides = array<i32>} : memref<128xi32, #tpu.memory_space<vmem>>, vector<16xi32>,
      tpu.vector_store %arg14[%swap3A_184], %add3A_183 {strides = array<i32>} : memref<128xi32, #tpu.memory_space<vmem>>, vector<16xi32>,
      %add3A_186 = arith.constant 528 : i32
      %add3A_187 = arith.addi %add3A_98, %add3A_186 : i32
      %add3A_188 = vector.broadcast %add3A_187 : i32 to vector<16xi32>
      %add3A_189 = arith.addi %add3A_188, %iota3A : vector<16xi32>
      %broadcast_in_dim3A_190 = vector.broadcast %add3A_102 : i32 to vector<16xi32>
      %select_n3A_191 = arith.select %lt3A_179, %add3A_189, %broadcast_in_dim3A_190 : vector<16xi1>, vector<16xi32>
      %min3A_192 = vector.broadcast %sub3A_108 : i32 to vector<16xi32>
      %min3A_193 = arith.minsi %select_n3A_191, %min3A_192 : vector<16xi32>
      %swap3A_194 = arith.constant 16 : index
      %swap3A_195 = tpu.vector_load %arg15[%swap3A_194] {strides = array<i32>} : memref<128xi32, #tpu.memory_space<vmem>>, vector<16xi32>,
      tpu.vector_store %arg15[%swap3A_194], %min3A_193 {strides = array<i32>} : memref<128xi32, #tpu.memory_space<vmem>>, vector<16xi32>,
      %swap3A_196 = arith.constant 16 : index
      %swap3A_197 = tpu.vector_load %arg17[%swap3A_196] {strides = array<i32>} : memref<128xi32, #tpu.memory_space<vmem>>, vector<16xi32>,
      tpu.vector_store %arg17[%swap3A_196], %get3A_174 {strides = array<i32>} : memref<128xi32, #tpu.memory_space<vmem>>, vector<16xi32>,
      %get3A_198 = arith.constant 544 : index
      %get3A_199 = tpu.vector_load %arg9[%get3A_198] {strides = array<i32>} : memref<1024xi32, #tpu.memory_space<vmem>>, vector<16xi32>,
      %get3A_200 = arith.constant 544 : index
      %get3A_201 = tpu.vector_load %arg10[%get3A_200] {strides = array<i32>} : memref<1024xi32, #tpu.memory_space<vmem>>, vector<16xi32>,
      %add3A_202 = arith.constant 544 : i32
      %add3A_203 = vector.broadcast %add3A_202 : i32 to vector<16xi32>
      %add3A_204 = arith.addi %add3A_203, %iota3A : vector<16xi32>
      %lt3A_205 = vector.broadcast %scan3A_46 : i32 to vector<16xi32>
      %lt3A_206 = arith.cmpi slt, %add3A_204, %lt3A_205 : vector<16xi32>
      %mul3A_207 = arith.constant 8192 : i32
      %mul3A_208 = arith.muli %add3A, %mul3A_207 : i32
      %add3A_209 = vector.broadcast %mul3A_208 : i32 to vector<16xi32>
      %add3A_210 = arith.addi %add3A_209, %get3A_199 : vector<16xi32>
      %swap3A_211 = arith.constant 32 : index
      %swap3A_212 = tpu.vector_load %arg14[%swap3A_211] {strides = array<i32>} : memref<128xi32, #tpu.memory_space<vmem>>, vector<16xi32>,
      tpu.vector_store %arg14[%swap3A_211], %add3A_210 {strides = array<i32>} : memref<128xi32, #tpu.memory_space<vmem>>, vector<16xi32>,
      %add3A_213 = arith.constant 544 : i32
      %add3A_214 = arith.addi %add3A_98, %add3A_213 : i32
      %add3A_215 = vector.broadcast %add3A_214 : i32 to vector<16xi32>
      %add3A_216 = arith.addi %add3A_215, %iota3A : vector<16xi32>
      %broadcast_in_dim3A_217 = vector.broadcast %add3A_102 : i32 to vector<16xi32>
      %select_n3A_218 = arith.select %lt3A_206, %add3A_216, %broadcast_in_dim3A_217 : vector<16xi1>, vector<16xi32>
      %min3A_219 = vector.broadcast %sub3A_108 : i32 to vector<16xi32>
      %min3A_220 = arith.minsi %select_n3A_218, %min3A_219 : vector<16xi32>
      %swap3A_221 = arith.constant 32 : index
      %swap3A_222 = tpu.vector_load %arg15[%swap3A_221] {strides = array<i32>} : memref<128xi32, #tpu.memory_space<vmem>>, vector<16xi32>,
      tpu.vector_store %arg15[%swap3A_221], %min3A_220 {strides = array<i32>} : memref<128xi32, #tpu.memory_space<vmem>>, vector<16xi32>,
      %swap3A_223 = arith.constant 32 : index
      %swap3A_224 = tpu.vector_load %arg17[%swap3A_223] {strides = array<i32>} : memref<128xi32, #tpu.memory_space<vmem>>, vector<16xi32>,
      tpu.vector_store %arg17[%swap3A_223], %get3A_201 {strides = array<i32>} : memref<128xi32, #tpu.memory_space<vmem>>, vector<16xi32>,
      %get3A_225 = arith.constant 560 : index
      %get3A_226 = tpu.vector_load %arg9[%get3A_225] {strides = array<i32>} : memref<1024xi32, #tpu.memory_space<vmem>>, vector<16xi32>,
      %get3A_227 = arith.constant 560 : index
      %get3A_228 = tpu.vector_load %arg10[%get3A_227] {strides = array<i32>} : memref<1024xi32, #tpu.memory_space<vmem>>, vector<16xi32>,
      %add3A_229 = arith.constant 560 : i32
      %add3A_230 = vector.broadcast %add3A_229 : i32 to vector<16xi32>
      %add3A_231 = arith.addi %add3A_230, %iota3A : vector<16xi32>
      %lt3A_232 = vector.broadcast %scan3A_46 : i32 to vector<16xi32>
      %lt3A_233 = arith.cmpi slt, %add3A_231, %lt3A_232 : vector<16xi32>
      %mul3A_234 = arith.constant 8192 : i32
      %mul3A_235 = arith.muli %add3A, %mul3A_234 : i32
      %add3A_236 = vector.broadcast %mul3A_235 : i32 to vector<16xi32>
      %add3A_237 = arith.addi %add3A_236, %get3A_226 : vector<16xi32>
      %swap3A_238 = arith.constant 48 : index
      %swap3A_239 = tpu.vector_load %arg14[%swap3A_238] {strides = array<i32>} : memref<128xi32, #tpu.memory_space<vmem>>, vector<16xi32>,
      tpu.vector_store %arg14[%swap3A_238], %add3A_237 {strides = array<i32>} : memref<128xi32, #tpu.memory_space<vmem>>, vector<16xi32>,
      %add3A_240 = arith.constant 560 : i32
      %add3A_241 = arith.addi %add3A_98, %add3A_240 : i32
      %add3A_242 = vector.broadcast %add3A_241 : i32 to vector<16xi32>
      %add3A_243 = arith.addi %add3A_242, %iota3A : vector<16xi32>
      %broadcast_in_dim3A_244 = vector.broadcast %add3A_102 : i32 to vector<16xi32>
      %select_n3A_245 = arith.select %lt3A_233, %add3A_243, %broadcast_in_dim3A_244 : vector<16xi1>, vector<16xi32>
      %min3A_246 = vector.broadcast %sub3A_108 : i32 to vector<16xi32>
      %min3A_247 = arith.minsi %select_n3A_245, %min3A_246 : vector<16xi32>
      %swap3A_248 = arith.constant 48 : index
      %swap3A_249 = tpu.vector_load %arg15[%swap3A_248] {strides = array<i32>} : memref<128xi32, #tpu.memory_space<vmem>>, vector<16xi32>,
      tpu.vector_store %arg15[%swap3A_248], %min3A_247 {strides = array<i32>} : memref<128xi32, #tpu.memory_space<vmem>>, vector<16xi32>,
      %swap3A_250 = arith.constant 48 : index
      %swap3A_251 = tpu.vector_load %arg17[%swap3A_250] {strides = array<i32>} : memref<128xi32, #tpu.memory_space<vmem>>, vector<16xi32>,
      tpu.vector_store %arg17[%swap3A_250], %get3A_228 {strides = array<i32>} : memref<128xi32, #tpu.memory_space<vmem>>, vector<16xi32>,
      %get3A_252 = arith.constant 576 : index
      %get3A_253 = tpu.vector_load %arg9[%get3A_252] {strides = array<i32>} : memref<1024xi32, #tpu.memory_space<vmem>>, vector<16xi32>,
      %get3A_254 = arith.constant 576 : index
      %get3A_255 = tpu.vector_load %arg10[%get3A_254] {strides = array<i32>} : memref<1024xi32, #tpu.memory_space<vmem>>, vector<16xi32>,
      %add3A_256 = arith.constant 576 : i32
      %add3A_257 = vector.broadcast %add3A_256 : i32 to vector<16xi32>
      %add3A_258 = arith.addi %add3A_257, %iota3A : vector<16xi32>
      %lt3A_259 = vector.broadcast %scan3A_46 : i32 to vector<16xi32>
      %lt3A_260 = arith.cmpi slt, %add3A_258, %lt3A_259 : vector<16xi32>
      %mul3A_261 = arith.constant 8192 : i32
      %mul3A_262 = arith.muli %add3A, %mul3A_261 : i32
      %add3A_263 = vector.broadcast %mul3A_262 : i32 to vector<16xi32>
      %add3A_264 = arith.addi %add3A_263, %get3A_253 : vector<16xi32>
      %swap3A_265 = arith.constant 64 : index
      %swap3A_266 = tpu.vector_load %arg14[%swap3A_265] {strides = array<i32>} : memref<128xi32, #tpu.memory_space<vmem>>, vector<16xi32>,
      tpu.vector_store %arg14[%swap3A_265], %add3A_264 {strides = array<i32>} : memref<128xi32, #tpu.memory_space<vmem>>, vector<16xi32>,
      %add3A_267 = arith.constant 576 : i32
      %add3A_268 = arith.addi %add3A_98, %add3A_267 : i32
      %add3A_269 = vector.broadcast %add3A_268 : i32 to vector<16xi32>
      %add3A_270 = arith.addi %add3A_269, %iota3A : vector<16xi32>
      %broadcast_in_dim3A_271 = vector.broadcast %add3A_102 : i32 to vector<16xi32>
      %select_n3A_272 = arith.select %lt3A_260, %add3A_270, %broadcast_in_dim3A_271 : vector<16xi1>, vector<16xi32>
      %min3A_273 = vector.broadcast %sub3A_108 : i32 to vector<16xi32>
      %min3A_274 = arith.minsi %select_n3A_272, %min3A_273 : vector<16xi32>
      %swap3A_275 = arith.constant 64 : index
      %swap3A_276 = tpu.vector_load %arg15[%swap3A_275] {strides = array<i32>} : memref<128xi32, #tpu.memory_space<vmem>>, vector<16xi32>,
      tpu.vector_store %arg15[%swap3A_275], %min3A_274 {strides = array<i32>} : memref<128xi32, #tpu.memory_space<vmem>>, vector<16xi32>,
      %swap3A_277 = arith.constant 64 : index
      %swap3A_278 = tpu.vector_load %arg17[%swap3A_277] {strides = array<i32>} : memref<128xi32, #tpu.memory_space<vmem>>, vector<16xi32>,
      tpu.vector_store %arg17[%swap3A_277], %get3A_255 {strides = array<i32>} : memref<128xi32, #tpu.memory_space<vmem>>, vector<16xi32>,
      %get3A_279 = arith.constant 592 : index
      %get3A_280 = tpu.vector_load %arg9[%get3A_279] {strides = array<i32>} : memref<1024xi32, #tpu.memory_space<vmem>>, vector<16xi32>,
      %get3A_281 = arith.constant 592 : index
      %get3A_282 = tpu.vector_load %arg10[%get3A_281] {strides = array<i32>} : memref<1024xi32, #tpu.memory_space<vmem>>, vector<16xi32>,
      %add3A_283 = arith.constant 592 : i32
      %add3A_284 = vector.broadcast %add3A_283 : i32 to vector<16xi32>
      %add3A_285 = arith.addi %add3A_284, %iota3A : vector<16xi32>
      %lt3A_286 = vector.broadcast %scan3A_46 : i32 to vector<16xi32>
      %lt3A_287 = arith.cmpi slt, %add3A_285, %lt3A_286 : vector<16xi32>
      %mul3A_288 = arith.constant 8192 : i32
      %mul3A_289 = arith.muli %add3A, %mul3A_288 : i32
      %add3A_290 = vector.broadcast %mul3A_289 : i32 to vector<16xi32>
      %add3A_291 = arith.addi %add3A_290, %get3A_280 : vector<16xi32>
      %swap3A_292 = arith.constant 80 : index
      %swap3A_293 = tpu.vector_load %arg14[%swap3A_292] {strides = array<i32>} : memref<128xi32, #tpu.memory_space<vmem>>, vector<16xi32>,
      tpu.vector_store %arg14[%swap3A_292], %add3A_291 {strides = array<i32>} : memref<128xi32, #tpu.memory_space<vmem>>, vector<16xi32>,
      %add3A_294 = arith.constant 592 : i32
      %add3A_295 = arith.addi %add3A_98, %add3A_294 : i32
      %add3A_296 = vector.broadcast %add3A_295 : i32 to vector<16xi32>
      %add3A_297 = arith.addi %add3A_296, %iota3A : vector<16xi32>
      %broadcast_in_dim3A_298 = vector.broadcast %add3A_102 : i32 to vector<16xi32>
      %select_n3A_299 = arith.select %lt3A_287, %add3A_297, %broadcast_in_dim3A_298 : vector<16xi1>, vector<16xi32>
      %min3A_300 = vector.broadcast %sub3A_108 : i32 to vector<16xi32>
      %min3A_301 = arith.minsi %select_n3A_299, %min3A_300 : vector<16xi32>
      %swap3A_302 = arith.constant 80 : index
      %swap3A_303 = tpu.vector_load %arg15[%swap3A_302] {strides = array<i32>} : memref<128xi32, #tpu.memory_space<vmem>>, vector<16xi32>,
      tpu.vector_store %arg15[%swap3A_302], %min3A_301 {strides = array<i32>} : memref<128xi32, #tpu.memory_space<vmem>>, vector<16xi32>,
      %swap3A_304 = arith.constant 80 : index
      %swap3A_305 = tpu.vector_load %arg17[%swap3A_304] {strides = array<i32>} : memref<128xi32, #tpu.memory_space<vmem>>, vector<16xi32>,
      tpu.vector_store %arg17[%swap3A_304], %get3A_282 {strides = array<i32>} : memref<128xi32, #tpu.memory_space<vmem>>, vector<16xi32>,
      %get3A_306 = arith.constant 608 : index
      %get3A_307 = tpu.vector_load %arg9[%get3A_306] {strides = array<i32>} : memref<1024xi32, #tpu.memory_space<vmem>>, vector<16xi32>,
      %get3A_308 = arith.constant 608 : index
      %get3A_309 = tpu.vector_load %arg10[%get3A_308] {strides = array<i32>} : memref<1024xi32, #tpu.memory_space<vmem>>, vector<16xi32>,
      %add3A_310 = arith.constant 608 : i32
      %add3A_311 = vector.broadcast %add3A_310 : i32 to vector<16xi32>
      %add3A_312 = arith.addi %add3A_311, %iota3A : vector<16xi32>
      %lt3A_313 = vector.broadcast %scan3A_46 : i32 to vector<16xi32>
      %lt3A_314 = arith.cmpi slt, %add3A_312, %lt3A_313 : vector<16xi32>
      %mul3A_315 = arith.constant 8192 : i32
      %mul3A_316 = arith.muli %add3A, %mul3A_315 : i32
      %add3A_317 = vector.broadcast %mul3A_316 : i32 to vector<16xi32>
      %add3A_318 = arith.addi %add3A_317, %get3A_307 : vector<16xi32>
      %swap3A_319 = arith.constant 96 : index
      %swap3A_320 = tpu.vector_load %arg14[%swap3A_319] {strides = array<i32>} : memref<128xi32, #tpu.memory_space<vmem>>, vector<16xi32>,
      tpu.vector_store %arg14[%swap3A_319], %add3A_318 {strides = array<i32>} : memref<128xi32, #tpu.memory_space<vmem>>, vector<16xi32>,
      %add3A_321 = arith.constant 608 : i32
      %add3A_322 = arith.addi %add3A_98, %add3A_321 : i32
      %add3A_323 = vector.broadcast %add3A_322 : i32 to vector<16xi32>
      %add3A_324 = arith.addi %add3A_323, %iota3A : vector<16xi32>
      %broadcast_in_dim3A_325 = vector.broadcast %add3A_102 : i32 to vector<16xi32>
      %select_n3A_326 = arith.select %lt3A_314, %add3A_324, %broadcast_in_dim3A_325 : vector<16xi1>, vector<16xi32>
      %min3A_327 = vector.broadcast %sub3A_108 : i32 to vector<16xi32>
      %min3A_328 = arith.minsi %select_n3A_326, %min3A_327 : vector<16xi32>
      %swap3A_329 = arith.constant 96 : index
      %swap3A_330 = tpu.vector_load %arg15[%swap3A_329] {strides = array<i32>} : memref<128xi32, #tpu.memory_space<vmem>>, vector<16xi32>,
      tpu.vector_store %arg15[%swap3A_329], %min3A_328 {strides = array<i32>} : memref<128xi32, #tpu.memory_space<vmem>>, vector<16xi32>,
      %swap3A_331 = arith.constant 96 : index
      %swap3A_332 = tpu.vector_load %arg17[%swap3A_331] {strides = array<i32>} : memref<128xi32, #tpu.memory_space<vmem>>, vector<16xi32>,
      tpu.vector_store %arg17[%swap3A_331], %get3A_309 {strides = array<i32>} : memref<128xi32, #tpu.memory_space<vmem>>, vector<16xi32>,
      %get3A_333 = arith.constant 624 : index
      %get3A_334 = tpu.vector_load %arg9[%get3A_333] {strides = array<i32>} : memref<1024xi32, #tpu.memory_space<vmem>>, vector<16xi32>,
      %get3A_335 = arith.constant 624 : index
      %get3A_336 = tpu.vector_load %arg10[%get3A_335] {strides = array<i32>} : memref<1024xi32, #tpu.memory_space<vmem>>, vector<16xi32>,
      %add3A_337 = arith.constant 624 : i32
      %add3A_338 = vector.broadcast %add3A_337 : i32 to vector<16xi32>
      %add3A_339 = arith.addi %add3A_338, %iota3A : vector<16xi32>
      %lt3A_340 = vector.broadcast %scan3A_46 : i32 to vector<16xi32>
      %lt3A_341 = arith.cmpi slt, %add3A_339, %lt3A_340 : vector<16xi32>
      %mul3A_342 = arith.constant 8192 : i32
      %mul3A_343 = arith.muli %add3A, %mul3A_342 : i32
      %add3A_344 = vector.broadcast %mul3A_343 : i32 to vector<16xi32>
      %add3A_345 = arith.addi %add3A_344, %get3A_334 : vector<16xi32>
      %swap3A_346 = arith.constant 112 : index
      %swap3A_347 = tpu.vector_load %arg14[%swap3A_346] {strides = array<i32>} : memref<128xi32, #tpu.memory_space<vmem>>, vector<16xi32>,
      tpu.vector_store %arg14[%swap3A_346], %add3A_345 {strides = array<i32>} : memref<128xi32, #tpu.memory_space<vmem>>, vector<16xi32>,
      %add3A_348 = arith.constant 624 : i32
      %add3A_349 = arith.addi %add3A_98, %add3A_348 : i32
      %add3A_350 = vector.broadcast %add3A_349 : i32 to vector<16xi32>
      %add3A_351 = arith.addi %add3A_350, %iota3A : vector<16xi32>
      %broadcast_in_dim3A_352 = vector.broadcast %add3A_102 : i32 to vector<16xi32>
      %select_n3A_353 = arith.select %lt3A_341, %add3A_351, %broadcast_in_dim3A_352 : vector<16xi1>, vector<16xi32>
      %min3A_354 = vector.broadcast %sub3A_108 : i32 to vector<16xi32>
      %min3A_355 = arith.minsi %select_n3A_353, %min3A_354 : vector<16xi32>
      %swap3A_356 = arith.constant 112 : index
      %swap3A_357 = tpu.vector_load %arg15[%swap3A_356] {strides = array<i32>} : memref<128xi32, #tpu.memory_space<vmem>>, vector<16xi32>,
      tpu.vector_store %arg15[%swap3A_356], %min3A_355 {strides = array<i32>} : memref<128xi32, #tpu.memory_space<vmem>>, vector<16xi32>,
      %swap3A_358 = arith.constant 112 : index
      %swap3A_359 = tpu.vector_load %arg17[%swap3A_358] {strides = array<i32>} : memref<128xi32, #tpu.memory_space<vmem>>, vector<16xi32>,
      tpu.vector_store %arg17[%swap3A_358], %get3A_336 {strides = array<i32>} : memref<128xi32, #tpu.memory_space<vmem>>, vector<16xi32>,
      %dma_start3A_360 = arith.constant 0 : i32
      %dma_start3A_361 = arith.constant 0 : i32
      %dma_start3A_362 = tpu.memref_slice %arg4[%dma_start3A_360, %dma_start3A_361] : memref<32768x16xf32, #tpu.memory_space<hbm>> -> memref<32768x16xf32, #tpu.memory_space<hbm>>
      tpu.enqueue_indirect_dma source(%dma_start3A_362 : memref<32768x16xf32, #tpu.memory_space<hbm>>) target(%arg16 : memref<128x16xf32, #tpu.memory_space<vmem>>) offsets(%arg14 : memref<128xi32, #tpu.memory_space<vmem>>) semaphore(%arg18 : memref<!tpu.dma_semaphore, #tpu.memory_space<semaphore_mem>>)
      %dma_wait3A_363 = arith.constant 0 : i32
      %dma_wait3A_364 = arith.constant 0 : i32
      %dma_wait3A_365 = tpu.memref_slice %arg4[%dma_wait3A_363, %dma_wait3A_364] : memref<32768x16xf32, #tpu.memory_space<hbm>> -> memref<32768x16xf32, #tpu.memory_space<hbm>>
      tpu.wait_indirect_dma semaphore(%arg18 : memref<!tpu.dma_semaphore, #tpu.memory_space<semaphore_mem>>) src(%dma_wait3A_365 : memref<32768x16xf32, #tpu.memory_space<hbm>>) dst(%arg16 : memref<128x16xf32, #tpu.memory_space<vmem>>)
      %dma_start3A_366 = arith.constant 0 : i32
      %dma_start3A_367 = arith.constant 0 : i32
      %dma_start3A_368 = tpu.memref_slice %arg5[%dma_start3A_366, %dma_start3A_367] : memref<5120x16xf32, #tpu.memory_space<hbm>> -> memref<5120x16xf32, #tpu.memory_space<hbm>>
      tpu.enqueue_indirect_dma source(%arg16 : memref<128x16xf32, #tpu.memory_space<vmem>>) target(%dma_start3A_368 : memref<5120x16xf32, #tpu.memory_space<hbm>>) offsets(%arg15 : memref<128xi32, #tpu.memory_space<vmem>>) semaphore(%arg18 : memref<!tpu.dma_semaphore, #tpu.memory_space<semaphore_mem>>)
      %dma_wait3A_369 = arith.constant 0 : i32
      %dma_wait3A_370 = arith.constant 0 : i32
      %dma_wait3A_371 = tpu.memref_slice %arg5[%dma_wait3A_369, %dma_wait3A_370] : memref<5120x16xf32, #tpu.memory_space<hbm>> -> memref<5120x16xf32, #tpu.memory_space<hbm>>
      tpu.wait_indirect_dma semaphore(%arg18 : memref<!tpu.dma_semaphore, #tpu.memory_space<semaphore_mem>>) src(%arg16 : memref<128x16xf32, #tpu.memory_space<vmem>>) dst(%dma_wait3A_371 : memref<5120x16xf32, #tpu.memory_space<hbm>>)
      %dma_start3A_372 = arith.constant 0 : i32
      %dma_start3A_373 = tpu.memref_slice %arg6[%dma_start3A_372] : memref<5120xi32, #tpu.memory_space<hbm>> -> memref<5120xi32, #tpu.memory_space<hbm>>
      tpu.enqueue_indirect_dma source(%arg17 : memref<128xi32, #tpu.memory_space<vmem>>) target(%dma_start3A_373 : memref<5120xi32, #tpu.memory_space<hbm>>) offsets(%arg15 : memref<128xi32, #tpu.memory_space<vmem>>) semaphore(%arg18 : memref<!tpu.dma_semaphore, #tpu.memory_space<semaphore_mem>>)
      %dma_wait3A_374 = arith.constant 0 : i32
      %dma_wait3A_375 = tpu.memref_slice %arg6[%dma_wait3A_374] : memref<5120xi32, #tpu.memory_space<hbm>> -> memref<5120xi32, #tpu.memory_space<hbm>>
      tpu.wait_indirect_dma semaphore(%arg18 : memref<!tpu.dma_semaphore, #tpu.memory_space<semaphore_mem>>) src(%arg17 : memref<128xi32, #tpu.memory_space<vmem>>) dst(%dma_wait3A_375 : memref<5120xi32, #tpu.memory_space<hbm>>)
    } else {
    }
    %gt3A_131 = arith.constant 640 : i32
    %gt3A_132 = arith.cmpi sgt, %scan3A_46, %gt3A_131 : i32
    %convert_element_type3A_133 = arith.extui %gt3A_132 : i1 to i32
    %cond3A_134 = arith.constant 0 : i32
    %cond3A_135 = arith.cmpi ne, %convert_element_type3A_133, %cond3A_134 : i32
    scf.if %cond3A_135 {
      %get3A = arith.constant 640 : index
      %get3A_146 = tpu.vector_load %arg9[%get3A] {strides = array<i32>} : memref<1024xi32, #tpu.memory_space<vmem>>, vector<16xi32>,
      %get3A_147 = arith.constant 640 : index
      %get3A_148 = tpu.vector_load %arg10[%get3A_147] {strides = array<i32>} : memref<1024xi32, #tpu.memory_space<vmem>>, vector<16xi32>,
      %add3A_149 = arith.constant 640 : i32
      %add3A_150 = vector.broadcast %add3A_149 : i32 to vector<16xi32>
      %add3A_151 = arith.addi %add3A_150, %iota3A : vector<16xi32>
      %lt3A_152 = vector.broadcast %scan3A_46 : i32 to vector<16xi32>
      %lt3A_153 = arith.cmpi slt, %add3A_151, %lt3A_152 : vector<16xi32>
      %mul3A_154 = arith.constant 8192 : i32
      %mul3A_155 = arith.muli %add3A, %mul3A_154 : i32
      %add3A_156 = vector.broadcast %mul3A_155 : i32 to vector<16xi32>
      %add3A_157 = arith.addi %add3A_156, %get3A_146 : vector<16xi32>
      %swap3A_158 = arith.constant 0 : index
      %swap3A_159 = tpu.vector_load %arg14[%swap3A_158] {strides = array<i32>} : memref<128xi32, #tpu.memory_space<vmem>>, vector<16xi32>,
      tpu.vector_store %arg14[%swap3A_158], %add3A_157 {strides = array<i32>} : memref<128xi32, #tpu.memory_space<vmem>>, vector<16xi32>,
      %add3A_160 = arith.constant 640 : i32
      %add3A_161 = arith.addi %add3A_98, %add3A_160 : i32
      %add3A_162 = vector.broadcast %add3A_161 : i32 to vector<16xi32>
      %add3A_163 = arith.addi %add3A_162, %iota3A : vector<16xi32>
      %broadcast_in_dim3A_164 = vector.broadcast %add3A_102 : i32 to vector<16xi32>
      %select_n3A_165 = arith.select %lt3A_153, %add3A_163, %broadcast_in_dim3A_164 : vector<16xi1>, vector<16xi32>
      %min3A = vector.broadcast %sub3A_108 : i32 to vector<16xi32>
      %min3A_166 = arith.minsi %select_n3A_165, %min3A : vector<16xi32>
      %swap3A_167 = arith.constant 0 : index
      %swap3A_168 = tpu.vector_load %arg15[%swap3A_167] {strides = array<i32>} : memref<128xi32, #tpu.memory_space<vmem>>, vector<16xi32>,
      tpu.vector_store %arg15[%swap3A_167], %min3A_166 {strides = array<i32>} : memref<128xi32, #tpu.memory_space<vmem>>, vector<16xi32>,
      %swap3A_169 = arith.constant 0 : index
      %swap3A_170 = tpu.vector_load %arg17[%swap3A_169] {strides = array<i32>} : memref<128xi32, #tpu.memory_space<vmem>>, vector<16xi32>,
      tpu.vector_store %arg17[%swap3A_169], %get3A_148 {strides = array<i32>} : memref<128xi32, #tpu.memory_space<vmem>>, vector<16xi32>,
      %get3A_171 = arith.constant 656 : index
      %get3A_172 = tpu.vector_load %arg9[%get3A_171] {strides = array<i32>} : memref<1024xi32, #tpu.memory_space<vmem>>, vector<16xi32>,
      %get3A_173 = arith.constant 656 : index
      %get3A_174 = tpu.vector_load %arg10[%get3A_173] {strides = array<i32>} : memref<1024xi32, #tpu.memory_space<vmem>>, vector<16xi32>,
      %add3A_175 = arith.constant 656 : i32
      %add3A_176 = vector.broadcast %add3A_175 : i32 to vector<16xi32>
      %add3A_177 = arith.addi %add3A_176, %iota3A : vector<16xi32>
      %lt3A_178 = vector.broadcast %scan3A_46 : i32 to vector<16xi32>
      %lt3A_179 = arith.cmpi slt, %add3A_177, %lt3A_178 : vector<16xi32>
      %mul3A_180 = arith.constant 8192 : i32
      %mul3A_181 = arith.muli %add3A, %mul3A_180 : i32
      %add3A_182 = vector.broadcast %mul3A_181 : i32 to vector<16xi32>
      %add3A_183 = arith.addi %add3A_182, %get3A_172 : vector<16xi32>
      %swap3A_184 = arith.constant 16 : index
      %swap3A_185 = tpu.vector_load %arg14[%swap3A_184] {strides = array<i32>} : memref<128xi32, #tpu.memory_space<vmem>>, vector<16xi32>,
      tpu.vector_store %arg14[%swap3A_184], %add3A_183 {strides = array<i32>} : memref<128xi32, #tpu.memory_space<vmem>>, vector<16xi32>,
      %add3A_186 = arith.constant 656 : i32
      %add3A_187 = arith.addi %add3A_98, %add3A_186 : i32
      %add3A_188 = vector.broadcast %add3A_187 : i32 to vector<16xi32>
      %add3A_189 = arith.addi %add3A_188, %iota3A : vector<16xi32>
      %broadcast_in_dim3A_190 = vector.broadcast %add3A_102 : i32 to vector<16xi32>
      %select_n3A_191 = arith.select %lt3A_179, %add3A_189, %broadcast_in_dim3A_190 : vector<16xi1>, vector<16xi32>
      %min3A_192 = vector.broadcast %sub3A_108 : i32 to vector<16xi32>
      %min3A_193 = arith.minsi %select_n3A_191, %min3A_192 : vector<16xi32>
      %swap3A_194 = arith.constant 16 : index
      %swap3A_195 = tpu.vector_load %arg15[%swap3A_194] {strides = array<i32>} : memref<128xi32, #tpu.memory_space<vmem>>, vector<16xi32>,
      tpu.vector_store %arg15[%swap3A_194], %min3A_193 {strides = array<i32>} : memref<128xi32, #tpu.memory_space<vmem>>, vector<16xi32>,
      %swap3A_196 = arith.constant 16 : index
      %swap3A_197 = tpu.vector_load %arg17[%swap3A_196] {strides = array<i32>} : memref<128xi32, #tpu.memory_space<vmem>>, vector<16xi32>,
      tpu.vector_store %arg17[%swap3A_196], %get3A_174 {strides = array<i32>} : memref<128xi32, #tpu.memory_space<vmem>>, vector<16xi32>,
      %get3A_198 = arith.constant 672 : index
      %get3A_199 = tpu.vector_load %arg9[%get3A_198] {strides = array<i32>} : memref<1024xi32, #tpu.memory_space<vmem>>, vector<16xi32>,
      %get3A_200 = arith.constant 672 : index
      %get3A_201 = tpu.vector_load %arg10[%get3A_200] {strides = array<i32>} : memref<1024xi32, #tpu.memory_space<vmem>>, vector<16xi32>,
      %add3A_202 = arith.constant 672 : i32
      %add3A_203 = vector.broadcast %add3A_202 : i32 to vector<16xi32>
      %add3A_204 = arith.addi %add3A_203, %iota3A : vector<16xi32>
      %lt3A_205 = vector.broadcast %scan3A_46 : i32 to vector<16xi32>
      %lt3A_206 = arith.cmpi slt, %add3A_204, %lt3A_205 : vector<16xi32>
      %mul3A_207 = arith.constant 8192 : i32
      %mul3A_208 = arith.muli %add3A, %mul3A_207 : i32
      %add3A_209 = vector.broadcast %mul3A_208 : i32 to vector<16xi32>
      %add3A_210 = arith.addi %add3A_209, %get3A_199 : vector<16xi32>
      %swap3A_211 = arith.constant 32 : index
      %swap3A_212 = tpu.vector_load %arg14[%swap3A_211] {strides = array<i32>} : memref<128xi32, #tpu.memory_space<vmem>>, vector<16xi32>,
      tpu.vector_store %arg14[%swap3A_211], %add3A_210 {strides = array<i32>} : memref<128xi32, #tpu.memory_space<vmem>>, vector<16xi32>,
      %add3A_213 = arith.constant 672 : i32
      %add3A_214 = arith.addi %add3A_98, %add3A_213 : i32
      %add3A_215 = vector.broadcast %add3A_214 : i32 to vector<16xi32>
      %add3A_216 = arith.addi %add3A_215, %iota3A : vector<16xi32>
      %broadcast_in_dim3A_217 = vector.broadcast %add3A_102 : i32 to vector<16xi32>
      %select_n3A_218 = arith.select %lt3A_206, %add3A_216, %broadcast_in_dim3A_217 : vector<16xi1>, vector<16xi32>
      %min3A_219 = vector.broadcast %sub3A_108 : i32 to vector<16xi32>
      %min3A_220 = arith.minsi %select_n3A_218, %min3A_219 : vector<16xi32>
      %swap3A_221 = arith.constant 32 : index
      %swap3A_222 = tpu.vector_load %arg15[%swap3A_221] {strides = array<i32>} : memref<128xi32, #tpu.memory_space<vmem>>, vector<16xi32>,
      tpu.vector_store %arg15[%swap3A_221], %min3A_220 {strides = array<i32>} : memref<128xi32, #tpu.memory_space<vmem>>, vector<16xi32>,
      %swap3A_223 = arith.constant 32 : index
      %swap3A_224 = tpu.vector_load %arg17[%swap3A_223] {strides = array<i32>} : memref<128xi32, #tpu.memory_space<vmem>>, vector<16xi32>,
      tpu.vector_store %arg17[%swap3A_223], %get3A_201 {strides = array<i32>} : memref<128xi32, #tpu.memory_space<vmem>>, vector<16xi32>,
      %get3A_225 = arith.constant 688 : index
      %get3A_226 = tpu.vector_load %arg9[%get3A_225] {strides = array<i32>} : memref<1024xi32, #tpu.memory_space<vmem>>, vector<16xi32>,
      %get3A_227 = arith.constant 688 : index
      %get3A_228 = tpu.vector_load %arg10[%get3A_227] {strides = array<i32>} : memref<1024xi32, #tpu.memory_space<vmem>>, vector<16xi32>,
      %add3A_229 = arith.constant 688 : i32
      %add3A_230 = vector.broadcast %add3A_229 : i32 to vector<16xi32>
      %add3A_231 = arith.addi %add3A_230, %iota3A : vector<16xi32>
      %lt3A_232 = vector.broadcast %scan3A_46 : i32 to vector<16xi32>
      %lt3A_233 = arith.cmpi slt, %add3A_231, %lt3A_232 : vector<16xi32>
      %mul3A_234 = arith.constant 8192 : i32
      %mul3A_235 = arith.muli %add3A, %mul3A_234 : i32
      %add3A_236 = vector.broadcast %mul3A_235 : i32 to vector<16xi32>
      %add3A_237 = arith.addi %add3A_236, %get3A_226 : vector<16xi32>
      %swap3A_238 = arith.constant 48 : index
      %swap3A_239 = tpu.vector_load %arg14[%swap3A_238] {strides = array<i32>} : memref<128xi32, #tpu.memory_space<vmem>>, vector<16xi32>,
      tpu.vector_store %arg14[%swap3A_238], %add3A_237 {strides = array<i32>} : memref<128xi32, #tpu.memory_space<vmem>>, vector<16xi32>,
      %add3A_240 = arith.constant 688 : i32
      %add3A_241 = arith.addi %add3A_98, %add3A_240 : i32
      %add3A_242 = vector.broadcast %add3A_241 : i32 to vector<16xi32>
      %add3A_243 = arith.addi %add3A_242, %iota3A : vector<16xi32>
      %broadcast_in_dim3A_244 = vector.broadcast %add3A_102 : i32 to vector<16xi32>
      %select_n3A_245 = arith.select %lt3A_233, %add3A_243, %broadcast_in_dim3A_244 : vector<16xi1>, vector<16xi32>
      %min3A_246 = vector.broadcast %sub3A_108 : i32 to vector<16xi32>
      %min3A_247 = arith.minsi %select_n3A_245, %min3A_246 : vector<16xi32>
      %swap3A_248 = arith.constant 48 : index
      %swap3A_249 = tpu.vector_load %arg15[%swap3A_248] {strides = array<i32>} : memref<128xi32, #tpu.memory_space<vmem>>, vector<16xi32>,
      tpu.vector_store %arg15[%swap3A_248], %min3A_247 {strides = array<i32>} : memref<128xi32, #tpu.memory_space<vmem>>, vector<16xi32>,
      %swap3A_250 = arith.constant 48 : index
      %swap3A_251 = tpu.vector_load %arg17[%swap3A_250] {strides = array<i32>} : memref<128xi32, #tpu.memory_space<vmem>>, vector<16xi32>,
      tpu.vector_store %arg17[%swap3A_250], %get3A_228 {strides = array<i32>} : memref<128xi32, #tpu.memory_space<vmem>>, vector<16xi32>,
      %get3A_252 = arith.constant 704 : index
      %get3A_253 = tpu.vector_load %arg9[%get3A_252] {strides = array<i32>} : memref<1024xi32, #tpu.memory_space<vmem>>, vector<16xi32>,
      %get3A_254 = arith.constant 704 : index
      %get3A_255 = tpu.vector_load %arg10[%get3A_254] {strides = array<i32>} : memref<1024xi32, #tpu.memory_space<vmem>>, vector<16xi32>,
      %add3A_256 = arith.constant 704 : i32
      %add3A_257 = vector.broadcast %add3A_256 : i32 to vector<16xi32>
      %add3A_258 = arith.addi %add3A_257, %iota3A : vector<16xi32>
      %lt3A_259 = vector.broadcast %scan3A_46 : i32 to vector<16xi32>
      %lt3A_260 = arith.cmpi slt, %add3A_258, %lt3A_259 : vector<16xi32>
      %mul3A_261 = arith.constant 8192 : i32
      %mul3A_262 = arith.muli %add3A, %mul3A_261 : i32
      %add3A_263 = vector.broadcast %mul3A_262 : i32 to vector<16xi32>
      %add3A_264 = arith.addi %add3A_263, %get3A_253 : vector<16xi32>
      %swap3A_265 = arith.constant 64 : index
      %swap3A_266 = tpu.vector_load %arg14[%swap3A_265] {strides = array<i32>} : memref<128xi32, #tpu.memory_space<vmem>>, vector<16xi32>,
      tpu.vector_store %arg14[%swap3A_265], %add3A_264 {strides = array<i32>} : memref<128xi32, #tpu.memory_space<vmem>>, vector<16xi32>,
      %add3A_267 = arith.constant 704 : i32
      %add3A_268 = arith.addi %add3A_98, %add3A_267 : i32
      %add3A_269 = vector.broadcast %add3A_268 : i32 to vector<16xi32>
      %add3A_270 = arith.addi %add3A_269, %iota3A : vector<16xi32>
      %broadcast_in_dim3A_271 = vector.broadcast %add3A_102 : i32 to vector<16xi32>
      %select_n3A_272 = arith.select %lt3A_260, %add3A_270, %broadcast_in_dim3A_271 : vector<16xi1>, vector<16xi32>
      %min3A_273 = vector.broadcast %sub3A_108 : i32 to vector<16xi32>
      %min3A_274 = arith.minsi %select_n3A_272, %min3A_273 : vector<16xi32>
      %swap3A_275 = arith.constant 64 : index
      %swap3A_276 = tpu.vector_load %arg15[%swap3A_275] {strides = array<i32>} : memref<128xi32, #tpu.memory_space<vmem>>, vector<16xi32>,
      tpu.vector_store %arg15[%swap3A_275], %min3A_274 {strides = array<i32>} : memref<128xi32, #tpu.memory_space<vmem>>, vector<16xi32>,
      %swap3A_277 = arith.constant 64 : index
      %swap3A_278 = tpu.vector_load %arg17[%swap3A_277] {strides = array<i32>} : memref<128xi32, #tpu.memory_space<vmem>>, vector<16xi32>,
      tpu.vector_store %arg17[%swap3A_277], %get3A_255 {strides = array<i32>} : memref<128xi32, #tpu.memory_space<vmem>>, vector<16xi32>,
      %get3A_279 = arith.constant 720 : index
      %get3A_280 = tpu.vector_load %arg9[%get3A_279] {strides = array<i32>} : memref<1024xi32, #tpu.memory_space<vmem>>, vector<16xi32>,
      %get3A_281 = arith.constant 720 : index
      %get3A_282 = tpu.vector_load %arg10[%get3A_281] {strides = array<i32>} : memref<1024xi32, #tpu.memory_space<vmem>>, vector<16xi32>,
      %add3A_283 = arith.constant 720 : i32
      %add3A_284 = vector.broadcast %add3A_283 : i32 to vector<16xi32>
      %add3A_285 = arith.addi %add3A_284, %iota3A : vector<16xi32>
      %lt3A_286 = vector.broadcast %scan3A_46 : i32 to vector<16xi32>
      %lt3A_287 = arith.cmpi slt, %add3A_285, %lt3A_286 : vector<16xi32>
      %mul3A_288 = arith.constant 8192 : i32
      %mul3A_289 = arith.muli %add3A, %mul3A_288 : i32
      %add3A_290 = vector.broadcast %mul3A_289 : i32 to vector<16xi32>
      %add3A_291 = arith.addi %add3A_290, %get3A_280 : vector<16xi32>
      %swap3A_292 = arith.constant 80 : index
      %swap3A_293 = tpu.vector_load %arg14[%swap3A_292] {strides = array<i32>} : memref<128xi32, #tpu.memory_space<vmem>>, vector<16xi32>,
      tpu.vector_store %arg14[%swap3A_292], %add3A_291 {strides = array<i32>} : memref<128xi32, #tpu.memory_space<vmem>>, vector<16xi32>,
      %add3A_294 = arith.constant 720 : i32
      %add3A_295 = arith.addi %add3A_98, %add3A_294 : i32
      %add3A_296 = vector.broadcast %add3A_295 : i32 to vector<16xi32>
      %add3A_297 = arith.addi %add3A_296, %iota3A : vector<16xi32>
      %broadcast_in_dim3A_298 = vector.broadcast %add3A_102 : i32 to vector<16xi32>
      %select_n3A_299 = arith.select %lt3A_287, %add3A_297, %broadcast_in_dim3A_298 : vector<16xi1>, vector<16xi32>
      %min3A_300 = vector.broadcast %sub3A_108 : i32 to vector<16xi32>
      %min3A_301 = arith.minsi %select_n3A_299, %min3A_300 : vector<16xi32>
      %swap3A_302 = arith.constant 80 : index
      %swap3A_303 = tpu.vector_load %arg15[%swap3A_302] {strides = array<i32>} : memref<128xi32, #tpu.memory_space<vmem>>, vector<16xi32>,
      tpu.vector_store %arg15[%swap3A_302], %min3A_301 {strides = array<i32>} : memref<128xi32, #tpu.memory_space<vmem>>, vector<16xi32>,
      %swap3A_304 = arith.constant 80 : index
      %swap3A_305 = tpu.vector_load %arg17[%swap3A_304] {strides = array<i32>} : memref<128xi32, #tpu.memory_space<vmem>>, vector<16xi32>,
      tpu.vector_store %arg17[%swap3A_304], %get3A_282 {strides = array<i32>} : memref<128xi32, #tpu.memory_space<vmem>>, vector<16xi32>,
      %get3A_306 = arith.constant 736 : index
      %get3A_307 = tpu.vector_load %arg9[%get3A_306] {strides = array<i32>} : memref<1024xi32, #tpu.memory_space<vmem>>, vector<16xi32>,
      %get3A_308 = arith.constant 736 : index
      %get3A_309 = tpu.vector_load %arg10[%get3A_308] {strides = array<i32>} : memref<1024xi32, #tpu.memory_space<vmem>>, vector<16xi32>,
      %add3A_310 = arith.constant 736 : i32
      %add3A_311 = vector.broadcast %add3A_310 : i32 to vector<16xi32>
      %add3A_312 = arith.addi %add3A_311, %iota3A : vector<16xi32>
      %lt3A_313 = vector.broadcast %scan3A_46 : i32 to vector<16xi32>
      %lt3A_314 = arith.cmpi slt, %add3A_312, %lt3A_313 : vector<16xi32>
      %mul3A_315 = arith.constant 8192 : i32
      %mul3A_316 = arith.muli %add3A, %mul3A_315 : i32
      %add3A_317 = vector.broadcast %mul3A_316 : i32 to vector<16xi32>
      %add3A_318 = arith.addi %add3A_317, %get3A_307 : vector<16xi32>
      %swap3A_319 = arith.constant 96 : index
      %swap3A_320 = tpu.vector_load %arg14[%swap3A_319] {strides = array<i32>} : memref<128xi32, #tpu.memory_space<vmem>>, vector<16xi32>,
      tpu.vector_store %arg14[%swap3A_319], %add3A_318 {strides = array<i32>} : memref<128xi32, #tpu.memory_space<vmem>>, vector<16xi32>,
      %add3A_321 = arith.constant 736 : i32
      %add3A_322 = arith.addi %add3A_98, %add3A_321 : i32
      %add3A_323 = vector.broadcast %add3A_322 : i32 to vector<16xi32>
      %add3A_324 = arith.addi %add3A_323, %iota3A : vector<16xi32>
      %broadcast_in_dim3A_325 = vector.broadcast %add3A_102 : i32 to vector<16xi32>
      %select_n3A_326 = arith.select %lt3A_314, %add3A_324, %broadcast_in_dim3A_325 : vector<16xi1>, vector<16xi32>
      %min3A_327 = vector.broadcast %sub3A_108 : i32 to vector<16xi32>
      %min3A_328 = arith.minsi %select_n3A_326, %min3A_327 : vector<16xi32>
      %swap3A_329 = arith.constant 96 : index
      %swap3A_330 = tpu.vector_load %arg15[%swap3A_329] {strides = array<i32>} : memref<128xi32, #tpu.memory_space<vmem>>, vector<16xi32>,
      tpu.vector_store %arg15[%swap3A_329], %min3A_328 {strides = array<i32>} : memref<128xi32, #tpu.memory_space<vmem>>, vector<16xi32>,
      %swap3A_331 = arith.constant 96 : index
      %swap3A_332 = tpu.vector_load %arg17[%swap3A_331] {strides = array<i32>} : memref<128xi32, #tpu.memory_space<vmem>>, vector<16xi32>,
      tpu.vector_store %arg17[%swap3A_331], %get3A_309 {strides = array<i32>} : memref<128xi32, #tpu.memory_space<vmem>>, vector<16xi32>,
      %get3A_333 = arith.constant 752 : index
      %get3A_334 = tpu.vector_load %arg9[%get3A_333] {strides = array<i32>} : memref<1024xi32, #tpu.memory_space<vmem>>, vector<16xi32>,
      %get3A_335 = arith.constant 752 : index
      %get3A_336 = tpu.vector_load %arg10[%get3A_335] {strides = array<i32>} : memref<1024xi32, #tpu.memory_space<vmem>>, vector<16xi32>,
      %add3A_337 = arith.constant 752 : i32
      %add3A_338 = vector.broadcast %add3A_337 : i32 to vector<16xi32>
      %add3A_339 = arith.addi %add3A_338, %iota3A : vector<16xi32>
      %lt3A_340 = vector.broadcast %scan3A_46 : i32 to vector<16xi32>
      %lt3A_341 = arith.cmpi slt, %add3A_339, %lt3A_340 : vector<16xi32>
      %mul3A_342 = arith.constant 8192 : i32
      %mul3A_343 = arith.muli %add3A, %mul3A_342 : i32
      %add3A_344 = vector.broadcast %mul3A_343 : i32 to vector<16xi32>
      %add3A_345 = arith.addi %add3A_344, %get3A_334 : vector<16xi32>
      %swap3A_346 = arith.constant 112 : index
      %swap3A_347 = tpu.vector_load %arg14[%swap3A_346] {strides = array<i32>} : memref<128xi32, #tpu.memory_space<vmem>>, vector<16xi32>,
      tpu.vector_store %arg14[%swap3A_346], %add3A_345 {strides = array<i32>} : memref<128xi32, #tpu.memory_space<vmem>>, vector<16xi32>,
      %add3A_348 = arith.constant 752 : i32
      %add3A_349 = arith.addi %add3A_98, %add3A_348 : i32
      %add3A_350 = vector.broadcast %add3A_349 : i32 to vector<16xi32>
      %add3A_351 = arith.addi %add3A_350, %iota3A : vector<16xi32>
      %broadcast_in_dim3A_352 = vector.broadcast %add3A_102 : i32 to vector<16xi32>
      %select_n3A_353 = arith.select %lt3A_341, %add3A_351, %broadcast_in_dim3A_352 : vector<16xi1>, vector<16xi32>
      %min3A_354 = vector.broadcast %sub3A_108 : i32 to vector<16xi32>
      %min3A_355 = arith.minsi %select_n3A_353, %min3A_354 : vector<16xi32>
      %swap3A_356 = arith.constant 112 : index
      %swap3A_357 = tpu.vector_load %arg15[%swap3A_356] {strides = array<i32>} : memref<128xi32, #tpu.memory_space<vmem>>, vector<16xi32>,
      tpu.vector_store %arg15[%swap3A_356], %min3A_355 {strides = array<i32>} : memref<128xi32, #tpu.memory_space<vmem>>, vector<16xi32>,
      %swap3A_358 = arith.constant 112 : index
      %swap3A_359 = tpu.vector_load %arg17[%swap3A_358] {strides = array<i32>} : memref<128xi32, #tpu.memory_space<vmem>>, vector<16xi32>,
      tpu.vector_store %arg17[%swap3A_358], %get3A_336 {strides = array<i32>} : memref<128xi32, #tpu.memory_space<vmem>>, vector<16xi32>,
      %dma_start3A_360 = arith.constant 0 : i32
      %dma_start3A_361 = arith.constant 0 : i32
      %dma_start3A_362 = tpu.memref_slice %arg4[%dma_start3A_360, %dma_start3A_361] : memref<32768x16xf32, #tpu.memory_space<hbm>> -> memref<32768x16xf32, #tpu.memory_space<hbm>>
      tpu.enqueue_indirect_dma source(%dma_start3A_362 : memref<32768x16xf32, #tpu.memory_space<hbm>>) target(%arg16 : memref<128x16xf32, #tpu.memory_space<vmem>>) offsets(%arg14 : memref<128xi32, #tpu.memory_space<vmem>>) semaphore(%arg18 : memref<!tpu.dma_semaphore, #tpu.memory_space<semaphore_mem>>)
      %dma_wait3A_363 = arith.constant 0 : i32
      %dma_wait3A_364 = arith.constant 0 : i32
      %dma_wait3A_365 = tpu.memref_slice %arg4[%dma_wait3A_363, %dma_wait3A_364] : memref<32768x16xf32, #tpu.memory_space<hbm>> -> memref<32768x16xf32, #tpu.memory_space<hbm>>
      tpu.wait_indirect_dma semaphore(%arg18 : memref<!tpu.dma_semaphore, #tpu.memory_space<semaphore_mem>>) src(%dma_wait3A_365 : memref<32768x16xf32, #tpu.memory_space<hbm>>) dst(%arg16 : memref<128x16xf32, #tpu.memory_space<vmem>>)
      %dma_start3A_366 = arith.constant 0 : i32
      %dma_start3A_367 = arith.constant 0 : i32
      %dma_start3A_368 = tpu.memref_slice %arg5[%dma_start3A_366, %dma_start3A_367] : memref<5120x16xf32, #tpu.memory_space<hbm>> -> memref<5120x16xf32, #tpu.memory_space<hbm>>
      tpu.enqueue_indirect_dma source(%arg16 : memref<128x16xf32, #tpu.memory_space<vmem>>) target(%dma_start3A_368 : memref<5120x16xf32, #tpu.memory_space<hbm>>) offsets(%arg15 : memref<128xi32, #tpu.memory_space<vmem>>) semaphore(%arg18 : memref<!tpu.dma_semaphore, #tpu.memory_space<semaphore_mem>>)
      %dma_wait3A_369 = arith.constant 0 : i32
      %dma_wait3A_370 = arith.constant 0 : i32
      %dma_wait3A_371 = tpu.memref_slice %arg5[%dma_wait3A_369, %dma_wait3A_370] : memref<5120x16xf32, #tpu.memory_space<hbm>> -> memref<5120x16xf32, #tpu.memory_space<hbm>>
      tpu.wait_indirect_dma semaphore(%arg18 : memref<!tpu.dma_semaphore, #tpu.memory_space<semaphore_mem>>) src(%arg16 : memref<128x16xf32, #tpu.memory_space<vmem>>) dst(%dma_wait3A_371 : memref<5120x16xf32, #tpu.memory_space<hbm>>)
      %dma_start3A_372 = arith.constant 0 : i32
      %dma_start3A_373 = tpu.memref_slice %arg6[%dma_start3A_372] : memref<5120xi32, #tpu.memory_space<hbm>> -> memref<5120xi32, #tpu.memory_space<hbm>>
      tpu.enqueue_indirect_dma source(%arg17 : memref<128xi32, #tpu.memory_space<vmem>>) target(%dma_start3A_373 : memref<5120xi32, #tpu.memory_space<hbm>>) offsets(%arg15 : memref<128xi32, #tpu.memory_space<vmem>>) semaphore(%arg18 : memref<!tpu.dma_semaphore, #tpu.memory_space<semaphore_mem>>)
      %dma_wait3A_374 = arith.constant 0 : i32
      %dma_wait3A_375 = tpu.memref_slice %arg6[%dma_wait3A_374] : memref<5120xi32, #tpu.memory_space<hbm>> -> memref<5120xi32, #tpu.memory_space<hbm>>
      tpu.wait_indirect_dma semaphore(%arg18 : memref<!tpu.dma_semaphore, #tpu.memory_space<semaphore_mem>>) src(%arg17 : memref<128xi32, #tpu.memory_space<vmem>>) dst(%dma_wait3A_375 : memref<5120xi32, #tpu.memory_space<hbm>>)
    } else {
    }
    %gt3A_136 = arith.constant 768 : i32
    %gt3A_137 = arith.cmpi sgt, %scan3A_46, %gt3A_136 : i32
    %convert_element_type3A_138 = arith.extui %gt3A_137 : i1 to i32
    %cond3A_139 = arith.constant 0 : i32
    %cond3A_140 = arith.cmpi ne, %convert_element_type3A_138, %cond3A_139 : i32
    scf.if %cond3A_140 {
      %get3A = arith.constant 768 : index
      %get3A_146 = tpu.vector_load %arg9[%get3A] {strides = array<i32>} : memref<1024xi32, #tpu.memory_space<vmem>>, vector<16xi32>,
      %get3A_147 = arith.constant 768 : index
      %get3A_148 = tpu.vector_load %arg10[%get3A_147] {strides = array<i32>} : memref<1024xi32, #tpu.memory_space<vmem>>, vector<16xi32>,
      %add3A_149 = arith.constant 768 : i32
      %add3A_150 = vector.broadcast %add3A_149 : i32 to vector<16xi32>
      %add3A_151 = arith.addi %add3A_150, %iota3A : vector<16xi32>
      %lt3A_152 = vector.broadcast %scan3A_46 : i32 to vector<16xi32>
      %lt3A_153 = arith.cmpi slt, %add3A_151, %lt3A_152 : vector<16xi32>
      %mul3A_154 = arith.constant 8192 : i32
      %mul3A_155 = arith.muli %add3A, %mul3A_154 : i32
      %add3A_156 = vector.broadcast %mul3A_155 : i32 to vector<16xi32>
      %add3A_157 = arith.addi %add3A_156, %get3A_146 : vector<16xi32>
      %swap3A_158 = arith.constant 0 : index
      %swap3A_159 = tpu.vector_load %arg14[%swap3A_158] {strides = array<i32>} : memref<128xi32, #tpu.memory_space<vmem>>, vector<16xi32>,
      tpu.vector_store %arg14[%swap3A_158], %add3A_157 {strides = array<i32>} : memref<128xi32, #tpu.memory_space<vmem>>, vector<16xi32>,
      %add3A_160 = arith.constant 768 : i32
      %add3A_161 = arith.addi %add3A_98, %add3A_160 : i32
      %add3A_162 = vector.broadcast %add3A_161 : i32 to vector<16xi32>
      %add3A_163 = arith.addi %add3A_162, %iota3A : vector<16xi32>
      %broadcast_in_dim3A_164 = vector.broadcast %add3A_102 : i32 to vector<16xi32>
      %select_n3A_165 = arith.select %lt3A_153, %add3A_163, %broadcast_in_dim3A_164 : vector<16xi1>, vector<16xi32>
      %min3A = vector.broadcast %sub3A_108 : i32 to vector<16xi32>
      %min3A_166 = arith.minsi %select_n3A_165, %min3A : vector<16xi32>
      %swap3A_167 = arith.constant 0 : index
      %swap3A_168 = tpu.vector_load %arg15[%swap3A_167] {strides = array<i32>} : memref<128xi32, #tpu.memory_space<vmem>>, vector<16xi32>,
      tpu.vector_store %arg15[%swap3A_167], %min3A_166 {strides = array<i32>} : memref<128xi32, #tpu.memory_space<vmem>>, vector<16xi32>,
      %swap3A_169 = arith.constant 0 : index
      %swap3A_170 = tpu.vector_load %arg17[%swap3A_169] {strides = array<i32>} : memref<128xi32, #tpu.memory_space<vmem>>, vector<16xi32>,
      tpu.vector_store %arg17[%swap3A_169], %get3A_148 {strides = array<i32>} : memref<128xi32, #tpu.memory_space<vmem>>, vector<16xi32>,
      %get3A_171 = arith.constant 784 : index
      %get3A_172 = tpu.vector_load %arg9[%get3A_171] {strides = array<i32>} : memref<1024xi32, #tpu.memory_space<vmem>>, vector<16xi32>,
      %get3A_173 = arith.constant 784 : index
      %get3A_174 = tpu.vector_load %arg10[%get3A_173] {strides = array<i32>} : memref<1024xi32, #tpu.memory_space<vmem>>, vector<16xi32>,
      %add3A_175 = arith.constant 784 : i32
      %add3A_176 = vector.broadcast %add3A_175 : i32 to vector<16xi32>
      %add3A_177 = arith.addi %add3A_176, %iota3A : vector<16xi32>
      %lt3A_178 = vector.broadcast %scan3A_46 : i32 to vector<16xi32>
      %lt3A_179 = arith.cmpi slt, %add3A_177, %lt3A_178 : vector<16xi32>
      %mul3A_180 = arith.constant 8192 : i32
      %mul3A_181 = arith.muli %add3A, %mul3A_180 : i32
      %add3A_182 = vector.broadcast %mul3A_181 : i32 to vector<16xi32>
      %add3A_183 = arith.addi %add3A_182, %get3A_172 : vector<16xi32>
      %swap3A_184 = arith.constant 16 : index
      %swap3A_185 = tpu.vector_load %arg14[%swap3A_184] {strides = array<i32>} : memref<128xi32, #tpu.memory_space<vmem>>, vector<16xi32>,
      tpu.vector_store %arg14[%swap3A_184], %add3A_183 {strides = array<i32>} : memref<128xi32, #tpu.memory_space<vmem>>, vector<16xi32>,
      %add3A_186 = arith.constant 784 : i32
      %add3A_187 = arith.addi %add3A_98, %add3A_186 : i32
      %add3A_188 = vector.broadcast %add3A_187 : i32 to vector<16xi32>
      %add3A_189 = arith.addi %add3A_188, %iota3A : vector<16xi32>
      %broadcast_in_dim3A_190 = vector.broadcast %add3A_102 : i32 to vector<16xi32>
      %select_n3A_191 = arith.select %lt3A_179, %add3A_189, %broadcast_in_dim3A_190 : vector<16xi1>, vector<16xi32>
      %min3A_192 = vector.broadcast %sub3A_108 : i32 to vector<16xi32>
      %min3A_193 = arith.minsi %select_n3A_191, %min3A_192 : vector<16xi32>
      %swap3A_194 = arith.constant 16 : index
      %swap3A_195 = tpu.vector_load %arg15[%swap3A_194] {strides = array<i32>} : memref<128xi32, #tpu.memory_space<vmem>>, vector<16xi32>,
      tpu.vector_store %arg15[%swap3A_194], %min3A_193 {strides = array<i32>} : memref<128xi32, #tpu.memory_space<vmem>>, vector<16xi32>,
      %swap3A_196 = arith.constant 16 : index
      %swap3A_197 = tpu.vector_load %arg17[%swap3A_196] {strides = array<i32>} : memref<128xi32, #tpu.memory_space<vmem>>, vector<16xi32>,
      tpu.vector_store %arg17[%swap3A_196], %get3A_174 {strides = array<i32>} : memref<128xi32, #tpu.memory_space<vmem>>, vector<16xi32>,
      %get3A_198 = arith.constant 800 : index
      %get3A_199 = tpu.vector_load %arg9[%get3A_198] {strides = array<i32>} : memref<1024xi32, #tpu.memory_space<vmem>>, vector<16xi32>,
      %get3A_200 = arith.constant 800 : index
      %get3A_201 = tpu.vector_load %arg10[%get3A_200] {strides = array<i32>} : memref<1024xi32, #tpu.memory_space<vmem>>, vector<16xi32>,
      %add3A_202 = arith.constant 800 : i32
      %add3A_203 = vector.broadcast %add3A_202 : i32 to vector<16xi32>
      %add3A_204 = arith.addi %add3A_203, %iota3A : vector<16xi32>
      %lt3A_205 = vector.broadcast %scan3A_46 : i32 to vector<16xi32>
      %lt3A_206 = arith.cmpi slt, %add3A_204, %lt3A_205 : vector<16xi32>
      %mul3A_207 = arith.constant 8192 : i32
      %mul3A_208 = arith.muli %add3A, %mul3A_207 : i32
      %add3A_209 = vector.broadcast %mul3A_208 : i32 to vector<16xi32>
      %add3A_210 = arith.addi %add3A_209, %get3A_199 : vector<16xi32>
      %swap3A_211 = arith.constant 32 : index
      %swap3A_212 = tpu.vector_load %arg14[%swap3A_211] {strides = array<i32>} : memref<128xi32, #tpu.memory_space<vmem>>, vector<16xi32>,
      tpu.vector_store %arg14[%swap3A_211], %add3A_210 {strides = array<i32>} : memref<128xi32, #tpu.memory_space<vmem>>, vector<16xi32>,
      %add3A_213 = arith.constant 800 : i32
      %add3A_214 = arith.addi %add3A_98, %add3A_213 : i32
      %add3A_215 = vector.broadcast %add3A_214 : i32 to vector<16xi32>
      %add3A_216 = arith.addi %add3A_215, %iota3A : vector<16xi32>
      %broadcast_in_dim3A_217 = vector.broadcast %add3A_102 : i32 to vector<16xi32>
      %select_n3A_218 = arith.select %lt3A_206, %add3A_216, %broadcast_in_dim3A_217 : vector<16xi1>, vector<16xi32>
      %min3A_219 = vector.broadcast %sub3A_108 : i32 to vector<16xi32>
      %min3A_220 = arith.minsi %select_n3A_218, %min3A_219 : vector<16xi32>
      %swap3A_221 = arith.constant 32 : index
      %swap3A_222 = tpu.vector_load %arg15[%swap3A_221] {strides = array<i32>} : memref<128xi32, #tpu.memory_space<vmem>>, vector<16xi32>,
      tpu.vector_store %arg15[%swap3A_221], %min3A_220 {strides = array<i32>} : memref<128xi32, #tpu.memory_space<vmem>>, vector<16xi32>,
      %swap3A_223 = arith.constant 32 : index
      %swap3A_224 = tpu.vector_load %arg17[%swap3A_223] {strides = array<i32>} : memref<128xi32, #tpu.memory_space<vmem>>, vector<16xi32>,
      tpu.vector_store %arg17[%swap3A_223], %get3A_201 {strides = array<i32>} : memref<128xi32, #tpu.memory_space<vmem>>, vector<16xi32>,
      %get3A_225 = arith.constant 816 : index
      %get3A_226 = tpu.vector_load %arg9[%get3A_225] {strides = array<i32>} : memref<1024xi32, #tpu.memory_space<vmem>>, vector<16xi32>,
      %get3A_227 = arith.constant 816 : index
      %get3A_228 = tpu.vector_load %arg10[%get3A_227] {strides = array<i32>} : memref<1024xi32, #tpu.memory_space<vmem>>, vector<16xi32>,
      %add3A_229 = arith.constant 816 : i32
      %add3A_230 = vector.broadcast %add3A_229 : i32 to vector<16xi32>
      %add3A_231 = arith.addi %add3A_230, %iota3A : vector<16xi32>
      %lt3A_232 = vector.broadcast %scan3A_46 : i32 to vector<16xi32>
      %lt3A_233 = arith.cmpi slt, %add3A_231, %lt3A_232 : vector<16xi32>
      %mul3A_234 = arith.constant 8192 : i32
      %mul3A_235 = arith.muli %add3A, %mul3A_234 : i32
      %add3A_236 = vector.broadcast %mul3A_235 : i32 to vector<16xi32>
      %add3A_237 = arith.addi %add3A_236, %get3A_226 : vector<16xi32>
      %swap3A_238 = arith.constant 48 : index
      %swap3A_239 = tpu.vector_load %arg14[%swap3A_238] {strides = array<i32>} : memref<128xi32, #tpu.memory_space<vmem>>, vector<16xi32>,
      tpu.vector_store %arg14[%swap3A_238], %add3A_237 {strides = array<i32>} : memref<128xi32, #tpu.memory_space<vmem>>, vector<16xi32>,
      %add3A_240 = arith.constant 816 : i32
      %add3A_241 = arith.addi %add3A_98, %add3A_240 : i32
      %add3A_242 = vector.broadcast %add3A_241 : i32 to vector<16xi32>
      %add3A_243 = arith.addi %add3A_242, %iota3A : vector<16xi32>
      %broadcast_in_dim3A_244 = vector.broadcast %add3A_102 : i32 to vector<16xi32>
      %select_n3A_245 = arith.select %lt3A_233, %add3A_243, %broadcast_in_dim3A_244 : vector<16xi1>, vector<16xi32>
      %min3A_246 = vector.broadcast %sub3A_108 : i32 to vector<16xi32>
      %min3A_247 = arith.minsi %select_n3A_245, %min3A_246 : vector<16xi32>
      %swap3A_248 = arith.constant 48 : index
      %swap3A_249 = tpu.vector_load %arg15[%swap3A_248] {strides = array<i32>} : memref<128xi32, #tpu.memory_space<vmem>>, vector<16xi32>,
      tpu.vector_store %arg15[%swap3A_248], %min3A_247 {strides = array<i32>} : memref<128xi32, #tpu.memory_space<vmem>>, vector<16xi32>,
      %swap3A_250 = arith.constant 48 : index
      %swap3A_251 = tpu.vector_load %arg17[%swap3A_250] {strides = array<i32>} : memref<128xi32, #tpu.memory_space<vmem>>, vector<16xi32>,
      tpu.vector_store %arg17[%swap3A_250], %get3A_228 {strides = array<i32>} : memref<128xi32, #tpu.memory_space<vmem>>, vector<16xi32>,
      %get3A_252 = arith.constant 832 : index
      %get3A_253 = tpu.vector_load %arg9[%get3A_252] {strides = array<i32>} : memref<1024xi32, #tpu.memory_space<vmem>>, vector<16xi32>,
      %get3A_254 = arith.constant 832 : index
      %get3A_255 = tpu.vector_load %arg10[%get3A_254] {strides = array<i32>} : memref<1024xi32, #tpu.memory_space<vmem>>, vector<16xi32>,
      %add3A_256 = arith.constant 832 : i32
      %add3A_257 = vector.broadcast %add3A_256 : i32 to vector<16xi32>
      %add3A_258 = arith.addi %add3A_257, %iota3A : vector<16xi32>
      %lt3A_259 = vector.broadcast %scan3A_46 : i32 to vector<16xi32>
      %lt3A_260 = arith.cmpi slt, %add3A_258, %lt3A_259 : vector<16xi32>
      %mul3A_261 = arith.constant 8192 : i32
      %mul3A_262 = arith.muli %add3A, %mul3A_261 : i32
      %add3A_263 = vector.broadcast %mul3A_262 : i32 to vector<16xi32>
      %add3A_264 = arith.addi %add3A_263, %get3A_253 : vector<16xi32>
      %swap3A_265 = arith.constant 64 : index
      %swap3A_266 = tpu.vector_load %arg14[%swap3A_265] {strides = array<i32>} : memref<128xi32, #tpu.memory_space<vmem>>, vector<16xi32>,
      tpu.vector_store %arg14[%swap3A_265], %add3A_264 {strides = array<i32>} : memref<128xi32, #tpu.memory_space<vmem>>, vector<16xi32>,
      %add3A_267 = arith.constant 832 : i32
      %add3A_268 = arith.addi %add3A_98, %add3A_267 : i32
      %add3A_269 = vector.broadcast %add3A_268 : i32 to vector<16xi32>
      %add3A_270 = arith.addi %add3A_269, %iota3A : vector<16xi32>
      %broadcast_in_dim3A_271 = vector.broadcast %add3A_102 : i32 to vector<16xi32>
      %select_n3A_272 = arith.select %lt3A_260, %add3A_270, %broadcast_in_dim3A_271 : vector<16xi1>, vector<16xi32>
      %min3A_273 = vector.broadcast %sub3A_108 : i32 to vector<16xi32>
      %min3A_274 = arith.minsi %select_n3A_272, %min3A_273 : vector<16xi32>
      %swap3A_275 = arith.constant 64 : index
      %swap3A_276 = tpu.vector_load %arg15[%swap3A_275] {strides = array<i32>} : memref<128xi32, #tpu.memory_space<vmem>>, vector<16xi32>,
      tpu.vector_store %arg15[%swap3A_275], %min3A_274 {strides = array<i32>} : memref<128xi32, #tpu.memory_space<vmem>>, vector<16xi32>,
      %swap3A_277 = arith.constant 64 : index
      %swap3A_278 = tpu.vector_load %arg17[%swap3A_277] {strides = array<i32>} : memref<128xi32, #tpu.memory_space<vmem>>, vector<16xi32>,
      tpu.vector_store %arg17[%swap3A_277], %get3A_255 {strides = array<i32>} : memref<128xi32, #tpu.memory_space<vmem>>, vector<16xi32>,
      %get3A_279 = arith.constant 848 : index
      %get3A_280 = tpu.vector_load %arg9[%get3A_279] {strides = array<i32>} : memref<1024xi32, #tpu.memory_space<vmem>>, vector<16xi32>,
      %get3A_281 = arith.constant 848 : index
      %get3A_282 = tpu.vector_load %arg10[%get3A_281] {strides = array<i32>} : memref<1024xi32, #tpu.memory_space<vmem>>, vector<16xi32>,
      %add3A_283 = arith.constant 848 : i32
      %add3A_284 = vector.broadcast %add3A_283 : i32 to vector<16xi32>
      %add3A_285 = arith.addi %add3A_284, %iota3A : vector<16xi32>
      %lt3A_286 = vector.broadcast %scan3A_46 : i32 to vector<16xi32>
      %lt3A_287 = arith.cmpi slt, %add3A_285, %lt3A_286 : vector<16xi32>
      %mul3A_288 = arith.constant 8192 : i32
      %mul3A_289 = arith.muli %add3A, %mul3A_288 : i32
      %add3A_290 = vector.broadcast %mul3A_289 : i32 to vector<16xi32>
      %add3A_291 = arith.addi %add3A_290, %get3A_280 : vector<16xi32>
      %swap3A_292 = arith.constant 80 : index
      %swap3A_293 = tpu.vector_load %arg14[%swap3A_292] {strides = array<i32>} : memref<128xi32, #tpu.memory_space<vmem>>, vector<16xi32>,
      tpu.vector_store %arg14[%swap3A_292], %add3A_291 {strides = array<i32>} : memref<128xi32, #tpu.memory_space<vmem>>, vector<16xi32>,
      %add3A_294 = arith.constant 848 : i32
      %add3A_295 = arith.addi %add3A_98, %add3A_294 : i32
      %add3A_296 = vector.broadcast %add3A_295 : i32 to vector<16xi32>
      %add3A_297 = arith.addi %add3A_296, %iota3A : vector<16xi32>
      %broadcast_in_dim3A_298 = vector.broadcast %add3A_102 : i32 to vector<16xi32>
      %select_n3A_299 = arith.select %lt3A_287, %add3A_297, %broadcast_in_dim3A_298 : vector<16xi1>, vector<16xi32>
      %min3A_300 = vector.broadcast %sub3A_108 : i32 to vector<16xi32>
      %min3A_301 = arith.minsi %select_n3A_299, %min3A_300 : vector<16xi32>
      %swap3A_302 = arith.constant 80 : index
      %swap3A_303 = tpu.vector_load %arg15[%swap3A_302] {strides = array<i32>} : memref<128xi32, #tpu.memory_space<vmem>>, vector<16xi32>,
      tpu.vector_store %arg15[%swap3A_302], %min3A_301 {strides = array<i32>} : memref<128xi32, #tpu.memory_space<vmem>>, vector<16xi32>,
      %swap3A_304 = arith.constant 80 : index
      %swap3A_305 = tpu.vector_load %arg17[%swap3A_304] {strides = array<i32>} : memref<128xi32, #tpu.memory_space<vmem>>, vector<16xi32>,
      tpu.vector_store %arg17[%swap3A_304], %get3A_282 {strides = array<i32>} : memref<128xi32, #tpu.memory_space<vmem>>, vector<16xi32>,
      %get3A_306 = arith.constant 864 : index
      %get3A_307 = tpu.vector_load %arg9[%get3A_306] {strides = array<i32>} : memref<1024xi32, #tpu.memory_space<vmem>>, vector<16xi32>,
      %get3A_308 = arith.constant 864 : index
      %get3A_309 = tpu.vector_load %arg10[%get3A_308] {strides = array<i32>} : memref<1024xi32, #tpu.memory_space<vmem>>, vector<16xi32>,
      %add3A_310 = arith.constant 864 : i32
      %add3A_311 = vector.broadcast %add3A_310 : i32 to vector<16xi32>
      %add3A_312 = arith.addi %add3A_311, %iota3A : vector<16xi32>
      %lt3A_313 = vector.broadcast %scan3A_46 : i32 to vector<16xi32>
      %lt3A_314 = arith.cmpi slt, %add3A_312, %lt3A_313 : vector<16xi32>
      %mul3A_315 = arith.constant 8192 : i32
      %mul3A_316 = arith.muli %add3A, %mul3A_315 : i32
      %add3A_317 = vector.broadcast %mul3A_316 : i32 to vector<16xi32>
      %add3A_318 = arith.addi %add3A_317, %get3A_307 : vector<16xi32>
      %swap3A_319 = arith.constant 96 : index
      %swap3A_320 = tpu.vector_load %arg14[%swap3A_319] {strides = array<i32>} : memref<128xi32, #tpu.memory_space<vmem>>, vector<16xi32>,
      tpu.vector_store %arg14[%swap3A_319], %add3A_318 {strides = array<i32>} : memref<128xi32, #tpu.memory_space<vmem>>, vector<16xi32>,
      %add3A_321 = arith.constant 864 : i32
      %add3A_322 = arith.addi %add3A_98, %add3A_321 : i32
      %add3A_323 = vector.broadcast %add3A_322 : i32 to vector<16xi32>
      %add3A_324 = arith.addi %add3A_323, %iota3A : vector<16xi32>
      %broadcast_in_dim3A_325 = vector.broadcast %add3A_102 : i32 to vector<16xi32>
      %select_n3A_326 = arith.select %lt3A_314, %add3A_324, %broadcast_in_dim3A_325 : vector<16xi1>, vector<16xi32>
      %min3A_327 = vector.broadcast %sub3A_108 : i32 to vector<16xi32>
      %min3A_328 = arith.minsi %select_n3A_326, %min3A_327 : vector<16xi32>
      %swap3A_329 = arith.constant 96 : index
      %swap3A_330 = tpu.vector_load %arg15[%swap3A_329] {strides = array<i32>} : memref<128xi32, #tpu.memory_space<vmem>>, vector<16xi32>,
      tpu.vector_store %arg15[%swap3A_329], %min3A_328 {strides = array<i32>} : memref<128xi32, #tpu.memory_space<vmem>>, vector<16xi32>,
      %swap3A_331 = arith.constant 96 : index
      %swap3A_332 = tpu.vector_load %arg17[%swap3A_331] {strides = array<i32>} : memref<128xi32, #tpu.memory_space<vmem>>, vector<16xi32>,
      tpu.vector_store %arg17[%swap3A_331], %get3A_309 {strides = array<i32>} : memref<128xi32, #tpu.memory_space<vmem>>, vector<16xi32>,
      %get3A_333 = arith.constant 880 : index
      %get3A_334 = tpu.vector_load %arg9[%get3A_333] {strides = array<i32>} : memref<1024xi32, #tpu.memory_space<vmem>>, vector<16xi32>,
      %get3A_335 = arith.constant 880 : index
      %get3A_336 = tpu.vector_load %arg10[%get3A_335] {strides = array<i32>} : memref<1024xi32, #tpu.memory_space<vmem>>, vector<16xi32>,
      %add3A_337 = arith.constant 880 : i32
      %add3A_338 = vector.broadcast %add3A_337 : i32 to vector<16xi32>
      %add3A_339 = arith.addi %add3A_338, %iota3A : vector<16xi32>
      %lt3A_340 = vector.broadcast %scan3A_46 : i32 to vector<16xi32>
      %lt3A_341 = arith.cmpi slt, %add3A_339, %lt3A_340 : vector<16xi32>
      %mul3A_342 = arith.constant 8192 : i32
      %mul3A_343 = arith.muli %add3A, %mul3A_342 : i32
      %add3A_344 = vector.broadcast %mul3A_343 : i32 to vector<16xi32>
      %add3A_345 = arith.addi %add3A_344, %get3A_334 : vector<16xi32>
      %swap3A_346 = arith.constant 112 : index
      %swap3A_347 = tpu.vector_load %arg14[%swap3A_346] {strides = array<i32>} : memref<128xi32, #tpu.memory_space<vmem>>, vector<16xi32>,
      tpu.vector_store %arg14[%swap3A_346], %add3A_345 {strides = array<i32>} : memref<128xi32, #tpu.memory_space<vmem>>, vector<16xi32>,
      %add3A_348 = arith.constant 880 : i32
      %add3A_349 = arith.addi %add3A_98, %add3A_348 : i32
      %add3A_350 = vector.broadcast %add3A_349 : i32 to vector<16xi32>
      %add3A_351 = arith.addi %add3A_350, %iota3A : vector<16xi32>
      %broadcast_in_dim3A_352 = vector.broadcast %add3A_102 : i32 to vector<16xi32>
      %select_n3A_353 = arith.select %lt3A_341, %add3A_351, %broadcast_in_dim3A_352 : vector<16xi1>, vector<16xi32>
      %min3A_354 = vector.broadcast %sub3A_108 : i32 to vector<16xi32>
      %min3A_355 = arith.minsi %select_n3A_353, %min3A_354 : vector<16xi32>
      %swap3A_356 = arith.constant 112 : index
      %swap3A_357 = tpu.vector_load %arg15[%swap3A_356] {strides = array<i32>} : memref<128xi32, #tpu.memory_space<vmem>>, vector<16xi32>,
      tpu.vector_store %arg15[%swap3A_356], %min3A_355 {strides = array<i32>} : memref<128xi32, #tpu.memory_space<vmem>>, vector<16xi32>,
      %swap3A_358 = arith.constant 112 : index
      %swap3A_359 = tpu.vector_load %arg17[%swap3A_358] {strides = array<i32>} : memref<128xi32, #tpu.memory_space<vmem>>, vector<16xi32>,
      tpu.vector_store %arg17[%swap3A_358], %get3A_336 {strides = array<i32>} : memref<128xi32, #tpu.memory_space<vmem>>, vector<16xi32>,
      %dma_start3A_360 = arith.constant 0 : i32
      %dma_start3A_361 = arith.constant 0 : i32
      %dma_start3A_362 = tpu.memref_slice %arg4[%dma_start3A_360, %dma_start3A_361] : memref<32768x16xf32, #tpu.memory_space<hbm>> -> memref<32768x16xf32, #tpu.memory_space<hbm>>
      tpu.enqueue_indirect_dma source(%dma_start3A_362 : memref<32768x16xf32, #tpu.memory_space<hbm>>) target(%arg16 : memref<128x16xf32, #tpu.memory_space<vmem>>) offsets(%arg14 : memref<128xi32, #tpu.memory_space<vmem>>) semaphore(%arg18 : memref<!tpu.dma_semaphore, #tpu.memory_space<semaphore_mem>>)
      %dma_wait3A_363 = arith.constant 0 : i32
      %dma_wait3A_364 = arith.constant 0 : i32
      %dma_wait3A_365 = tpu.memref_slice %arg4[%dma_wait3A_363, %dma_wait3A_364] : memref<32768x16xf32, #tpu.memory_space<hbm>> -> memref<32768x16xf32, #tpu.memory_space<hbm>>
      tpu.wait_indirect_dma semaphore(%arg18 : memref<!tpu.dma_semaphore, #tpu.memory_space<semaphore_mem>>) src(%dma_wait3A_365 : memref<32768x16xf32, #tpu.memory_space<hbm>>) dst(%arg16 : memref<128x16xf32, #tpu.memory_space<vmem>>)
      %dma_start3A_366 = arith.constant 0 : i32
      %dma_start3A_367 = arith.constant 0 : i32
      %dma_start3A_368 = tpu.memref_slice %arg5[%dma_start3A_366, %dma_start3A_367] : memref<5120x16xf32, #tpu.memory_space<hbm>> -> memref<5120x16xf32, #tpu.memory_space<hbm>>
      tpu.enqueue_indirect_dma source(%arg16 : memref<128x16xf32, #tpu.memory_space<vmem>>) target(%dma_start3A_368 : memref<5120x16xf32, #tpu.memory_space<hbm>>) offsets(%arg15 : memref<128xi32, #tpu.memory_space<vmem>>) semaphore(%arg18 : memref<!tpu.dma_semaphore, #tpu.memory_space<semaphore_mem>>)
      %dma_wait3A_369 = arith.constant 0 : i32
      %dma_wait3A_370 = arith.constant 0 : i32
      %dma_wait3A_371 = tpu.memref_slice %arg5[%dma_wait3A_369, %dma_wait3A_370] : memref<5120x16xf32, #tpu.memory_space<hbm>> -> memref<5120x16xf32, #tpu.memory_space<hbm>>
      tpu.wait_indirect_dma semaphore(%arg18 : memref<!tpu.dma_semaphore, #tpu.memory_space<semaphore_mem>>) src(%arg16 : memref<128x16xf32, #tpu.memory_space<vmem>>) dst(%dma_wait3A_371 : memref<5120x16xf32, #tpu.memory_space<hbm>>)
      %dma_start3A_372 = arith.constant 0 : i32
      %dma_start3A_373 = tpu.memref_slice %arg6[%dma_start3A_372] : memref<5120xi32, #tpu.memory_space<hbm>> -> memref<5120xi32, #tpu.memory_space<hbm>>
      tpu.enqueue_indirect_dma source(%arg17 : memref<128xi32, #tpu.memory_space<vmem>>) target(%dma_start3A_373 : memref<5120xi32, #tpu.memory_space<hbm>>) offsets(%arg15 : memref<128xi32, #tpu.memory_space<vmem>>) semaphore(%arg18 : memref<!tpu.dma_semaphore, #tpu.memory_space<semaphore_mem>>)
      %dma_wait3A_374 = arith.constant 0 : i32
      %dma_wait3A_375 = tpu.memref_slice %arg6[%dma_wait3A_374] : memref<5120xi32, #tpu.memory_space<hbm>> -> memref<5120xi32, #tpu.memory_space<hbm>>
      tpu.wait_indirect_dma semaphore(%arg18 : memref<!tpu.dma_semaphore, #tpu.memory_space<semaphore_mem>>) src(%arg17 : memref<128xi32, #tpu.memory_space<vmem>>) dst(%dma_wait3A_375 : memref<5120xi32, #tpu.memory_space<hbm>>)
    } else {
    }
    %gt3A_141 = arith.constant 896 : i32
    %gt3A_142 = arith.cmpi sgt, %scan3A_46, %gt3A_141 : i32
    %convert_element_type3A_143 = arith.extui %gt3A_142 : i1 to i32
    %cond3A_144 = arith.constant 0 : i32
    %cond3A_145 = arith.cmpi ne, %convert_element_type3A_143, %cond3A_144 : i32
    scf.if %cond3A_145 {
      %get3A = arith.constant 896 : index
      %get3A_146 = tpu.vector_load %arg9[%get3A] {strides = array<i32>} : memref<1024xi32, #tpu.memory_space<vmem>>, vector<16xi32>,
      %get3A_147 = arith.constant 896 : index
      %get3A_148 = tpu.vector_load %arg10[%get3A_147] {strides = array<i32>} : memref<1024xi32, #tpu.memory_space<vmem>>, vector<16xi32>,
      %add3A_149 = arith.constant 896 : i32
      %add3A_150 = vector.broadcast %add3A_149 : i32 to vector<16xi32>
      %add3A_151 = arith.addi %add3A_150, %iota3A : vector<16xi32>
      %lt3A_152 = vector.broadcast %scan3A_46 : i32 to vector<16xi32>
      %lt3A_153 = arith.cmpi slt, %add3A_151, %lt3A_152 : vector<16xi32>
      %mul3A_154 = arith.constant 8192 : i32
      %mul3A_155 = arith.muli %add3A, %mul3A_154 : i32
      %add3A_156 = vector.broadcast %mul3A_155 : i32 to vector<16xi32>
      %add3A_157 = arith.addi %add3A_156, %get3A_146 : vector<16xi32>
      %swap3A_158 = arith.constant 0 : index
      %swap3A_159 = tpu.vector_load %arg14[%swap3A_158] {strides = array<i32>} : memref<128xi32, #tpu.memory_space<vmem>>, vector<16xi32>,
      tpu.vector_store %arg14[%swap3A_158], %add3A_157 {strides = array<i32>} : memref<128xi32, #tpu.memory_space<vmem>>, vector<16xi32>,
      %add3A_160 = arith.constant 896 : i32
      %add3A_161 = arith.addi %add3A_98, %add3A_160 : i32
      %add3A_162 = vector.broadcast %add3A_161 : i32 to vector<16xi32>
      %add3A_163 = arith.addi %add3A_162, %iota3A : vector<16xi32>
      %broadcast_in_dim3A_164 = vector.broadcast %add3A_102 : i32 to vector<16xi32>
      %select_n3A_165 = arith.select %lt3A_153, %add3A_163, %broadcast_in_dim3A_164 : vector<16xi1>, vector<16xi32>
      %min3A = vector.broadcast %sub3A_108 : i32 to vector<16xi32>
      %min3A_166 = arith.minsi %select_n3A_165, %min3A : vector<16xi32>
      %swap3A_167 = arith.constant 0 : index
      %swap3A_168 = tpu.vector_load %arg15[%swap3A_167] {strides = array<i32>} : memref<128xi32, #tpu.memory_space<vmem>>, vector<16xi32>,
      tpu.vector_store %arg15[%swap3A_167], %min3A_166 {strides = array<i32>} : memref<128xi32, #tpu.memory_space<vmem>>, vector<16xi32>,
      %swap3A_169 = arith.constant 0 : index
      %swap3A_170 = tpu.vector_load %arg17[%swap3A_169] {strides = array<i32>} : memref<128xi32, #tpu.memory_space<vmem>>, vector<16xi32>,
      tpu.vector_store %arg17[%swap3A_169], %get3A_148 {strides = array<i32>} : memref<128xi32, #tpu.memory_space<vmem>>, vector<16xi32>,
      %get3A_171 = arith.constant 912 : index
      %get3A_172 = tpu.vector_load %arg9[%get3A_171] {strides = array<i32>} : memref<1024xi32, #tpu.memory_space<vmem>>, vector<16xi32>,
      %get3A_173 = arith.constant 912 : index
      %get3A_174 = tpu.vector_load %arg10[%get3A_173] {strides = array<i32>} : memref<1024xi32, #tpu.memory_space<vmem>>, vector<16xi32>,
      %add3A_175 = arith.constant 912 : i32
      %add3A_176 = vector.broadcast %add3A_175 : i32 to vector<16xi32>
      %add3A_177 = arith.addi %add3A_176, %iota3A : vector<16xi32>
      %lt3A_178 = vector.broadcast %scan3A_46 : i32 to vector<16xi32>
      %lt3A_179 = arith.cmpi slt, %add3A_177, %lt3A_178 : vector<16xi32>
      %mul3A_180 = arith.constant 8192 : i32
      %mul3A_181 = arith.muli %add3A, %mul3A_180 : i32
      %add3A_182 = vector.broadcast %mul3A_181 : i32 to vector<16xi32>
      %add3A_183 = arith.addi %add3A_182, %get3A_172 : vector<16xi32>
      %swap3A_184 = arith.constant 16 : index
      %swap3A_185 = tpu.vector_load %arg14[%swap3A_184] {strides = array<i32>} : memref<128xi32, #tpu.memory_space<vmem>>, vector<16xi32>,
      tpu.vector_store %arg14[%swap3A_184], %add3A_183 {strides = array<i32>} : memref<128xi32, #tpu.memory_space<vmem>>, vector<16xi32>,
      %add3A_186 = arith.constant 912 : i32
      %add3A_187 = arith.addi %add3A_98, %add3A_186 : i32
      %add3A_188 = vector.broadcast %add3A_187 : i32 to vector<16xi32>
      %add3A_189 = arith.addi %add3A_188, %iota3A : vector<16xi32>
      %broadcast_in_dim3A_190 = vector.broadcast %add3A_102 : i32 to vector<16xi32>
      %select_n3A_191 = arith.select %lt3A_179, %add3A_189, %broadcast_in_dim3A_190 : vector<16xi1>, vector<16xi32>
      %min3A_192 = vector.broadcast %sub3A_108 : i32 to vector<16xi32>
      %min3A_193 = arith.minsi %select_n3A_191, %min3A_192 : vector<16xi32>
      %swap3A_194 = arith.constant 16 : index
      %swap3A_195 = tpu.vector_load %arg15[%swap3A_194] {strides = array<i32>} : memref<128xi32, #tpu.memory_space<vmem>>, vector<16xi32>,
      tpu.vector_store %arg15[%swap3A_194], %min3A_193 {strides = array<i32>} : memref<128xi32, #tpu.memory_space<vmem>>, vector<16xi32>,
      %swap3A_196 = arith.constant 16 : index
      %swap3A_197 = tpu.vector_load %arg17[%swap3A_196] {strides = array<i32>} : memref<128xi32, #tpu.memory_space<vmem>>, vector<16xi32>,
      tpu.vector_store %arg17[%swap3A_196], %get3A_174 {strides = array<i32>} : memref<128xi32, #tpu.memory_space<vmem>>, vector<16xi32>,
      %get3A_198 = arith.constant 928 : index
      %get3A_199 = tpu.vector_load %arg9[%get3A_198] {strides = array<i32>} : memref<1024xi32, #tpu.memory_space<vmem>>, vector<16xi32>,
      %get3A_200 = arith.constant 928 : index
      %get3A_201 = tpu.vector_load %arg10[%get3A_200] {strides = array<i32>} : memref<1024xi32, #tpu.memory_space<vmem>>, vector<16xi32>,
      %add3A_202 = arith.constant 928 : i32
      %add3A_203 = vector.broadcast %add3A_202 : i32 to vector<16xi32>
      %add3A_204 = arith.addi %add3A_203, %iota3A : vector<16xi32>
      %lt3A_205 = vector.broadcast %scan3A_46 : i32 to vector<16xi32>
      %lt3A_206 = arith.cmpi slt, %add3A_204, %lt3A_205 : vector<16xi32>
      %mul3A_207 = arith.constant 8192 : i32
      %mul3A_208 = arith.muli %add3A, %mul3A_207 : i32
      %add3A_209 = vector.broadcast %mul3A_208 : i32 to vector<16xi32>
      %add3A_210 = arith.addi %add3A_209, %get3A_199 : vector<16xi32>
      %swap3A_211 = arith.constant 32 : index
      %swap3A_212 = tpu.vector_load %arg14[%swap3A_211] {strides = array<i32>} : memref<128xi32, #tpu.memory_space<vmem>>, vector<16xi32>,
      tpu.vector_store %arg14[%swap3A_211], %add3A_210 {strides = array<i32>} : memref<128xi32, #tpu.memory_space<vmem>>, vector<16xi32>,
      %add3A_213 = arith.constant 928 : i32
      %add3A_214 = arith.addi %add3A_98, %add3A_213 : i32
      %add3A_215 = vector.broadcast %add3A_214 : i32 to vector<16xi32>
      %add3A_216 = arith.addi %add3A_215, %iota3A : vector<16xi32>
      %broadcast_in_dim3A_217 = vector.broadcast %add3A_102 : i32 to vector<16xi32>
      %select_n3A_218 = arith.select %lt3A_206, %add3A_216, %broadcast_in_dim3A_217 : vector<16xi1>, vector<16xi32>
      %min3A_219 = vector.broadcast %sub3A_108 : i32 to vector<16xi32>
      %min3A_220 = arith.minsi %select_n3A_218, %min3A_219 : vector<16xi32>
      %swap3A_221 = arith.constant 32 : index
      %swap3A_222 = tpu.vector_load %arg15[%swap3A_221] {strides = array<i32>} : memref<128xi32, #tpu.memory_space<vmem>>, vector<16xi32>,
      tpu.vector_store %arg15[%swap3A_221], %min3A_220 {strides = array<i32>} : memref<128xi32, #tpu.memory_space<vmem>>, vector<16xi32>,
      %swap3A_223 = arith.constant 32 : index
      %swap3A_224 = tpu.vector_load %arg17[%swap3A_223] {strides = array<i32>} : memref<128xi32, #tpu.memory_space<vmem>>, vector<16xi32>,
      tpu.vector_store %arg17[%swap3A_223], %get3A_201 {strides = array<i32>} : memref<128xi32, #tpu.memory_space<vmem>>, vector<16xi32>,
      %get3A_225 = arith.constant 944 : index
      %get3A_226 = tpu.vector_load %arg9[%get3A_225] {strides = array<i32>} : memref<1024xi32, #tpu.memory_space<vmem>>, vector<16xi32>,
      %get3A_227 = arith.constant 944 : index
      %get3A_228 = tpu.vector_load %arg10[%get3A_227] {strides = array<i32>} : memref<1024xi32, #tpu.memory_space<vmem>>, vector<16xi32>,
      %add3A_229 = arith.constant 944 : i32
      %add3A_230 = vector.broadcast %add3A_229 : i32 to vector<16xi32>
      %add3A_231 = arith.addi %add3A_230, %iota3A : vector<16xi32>
      %lt3A_232 = vector.broadcast %scan3A_46 : i32 to vector<16xi32>
      %lt3A_233 = arith.cmpi slt, %add3A_231, %lt3A_232 : vector<16xi32>
      %mul3A_234 = arith.constant 8192 : i32
      %mul3A_235 = arith.muli %add3A, %mul3A_234 : i32
      %add3A_236 = vector.broadcast %mul3A_235 : i32 to vector<16xi32>
      %add3A_237 = arith.addi %add3A_236, %get3A_226 : vector<16xi32>
      %swap3A_238 = arith.constant 48 : index
      %swap3A_239 = tpu.vector_load %arg14[%swap3A_238] {strides = array<i32>} : memref<128xi32, #tpu.memory_space<vmem>>, vector<16xi32>,
      tpu.vector_store %arg14[%swap3A_238], %add3A_237 {strides = array<i32>} : memref<128xi32, #tpu.memory_space<vmem>>, vector<16xi32>,
      %add3A_240 = arith.constant 944 : i32
      %add3A_241 = arith.addi %add3A_98, %add3A_240 : i32
      %add3A_242 = vector.broadcast %add3A_241 : i32 to vector<16xi32>
      %add3A_243 = arith.addi %add3A_242, %iota3A : vector<16xi32>
      %broadcast_in_dim3A_244 = vector.broadcast %add3A_102 : i32 to vector<16xi32>
      %select_n3A_245 = arith.select %lt3A_233, %add3A_243, %broadcast_in_dim3A_244 : vector<16xi1>, vector<16xi32>
      %min3A_246 = vector.broadcast %sub3A_108 : i32 to vector<16xi32>
      %min3A_247 = arith.minsi %select_n3A_245, %min3A_246 : vector<16xi32>
      %swap3A_248 = arith.constant 48 : index
      %swap3A_249 = tpu.vector_load %arg15[%swap3A_248] {strides = array<i32>} : memref<128xi32, #tpu.memory_space<vmem>>, vector<16xi32>,
      tpu.vector_store %arg15[%swap3A_248], %min3A_247 {strides = array<i32>} : memref<128xi32, #tpu.memory_space<vmem>>, vector<16xi32>,
      %swap3A_250 = arith.constant 48 : index
      %swap3A_251 = tpu.vector_load %arg17[%swap3A_250] {strides = array<i32>} : memref<128xi32, #tpu.memory_space<vmem>>, vector<16xi32>,
      tpu.vector_store %arg17[%swap3A_250], %get3A_228 {strides = array<i32>} : memref<128xi32, #tpu.memory_space<vmem>>, vector<16xi32>,
      %get3A_252 = arith.constant 960 : index
      %get3A_253 = tpu.vector_load %arg9[%get3A_252] {strides = array<i32>} : memref<1024xi32, #tpu.memory_space<vmem>>, vector<16xi32>,
      %get3A_254 = arith.constant 960 : index
      %get3A_255 = tpu.vector_load %arg10[%get3A_254] {strides = array<i32>} : memref<1024xi32, #tpu.memory_space<vmem>>, vector<16xi32>,
      %add3A_256 = arith.constant 960 : i32
      %add3A_257 = vector.broadcast %add3A_256 : i32 to vector<16xi32>
      %add3A_258 = arith.addi %add3A_257, %iota3A : vector<16xi32>
      %lt3A_259 = vector.broadcast %scan3A_46 : i32 to vector<16xi32>
      %lt3A_260 = arith.cmpi slt, %add3A_258, %lt3A_259 : vector<16xi32>
      %mul3A_261 = arith.constant 8192 : i32
      %mul3A_262 = arith.muli %add3A, %mul3A_261 : i32
      %add3A_263 = vector.broadcast %mul3A_262 : i32 to vector<16xi32>
      %add3A_264 = arith.addi %add3A_263, %get3A_253 : vector<16xi32>
      %swap3A_265 = arith.constant 64 : index
      %swap3A_266 = tpu.vector_load %arg14[%swap3A_265] {strides = array<i32>} : memref<128xi32, #tpu.memory_space<vmem>>, vector<16xi32>,
      tpu.vector_store %arg14[%swap3A_265], %add3A_264 {strides = array<i32>} : memref<128xi32, #tpu.memory_space<vmem>>, vector<16xi32>,
      %add3A_267 = arith.constant 960 : i32
      %add3A_268 = arith.addi %add3A_98, %add3A_267 : i32
      %add3A_269 = vector.broadcast %add3A_268 : i32 to vector<16xi32>
      %add3A_270 = arith.addi %add3A_269, %iota3A : vector<16xi32>
      %broadcast_in_dim3A_271 = vector.broadcast %add3A_102 : i32 to vector<16xi32>
      %select_n3A_272 = arith.select %lt3A_260, %add3A_270, %broadcast_in_dim3A_271 : vector<16xi1>, vector<16xi32>
      %min3A_273 = vector.broadcast %sub3A_108 : i32 to vector<16xi32>
      %min3A_274 = arith.minsi %select_n3A_272, %min3A_273 : vector<16xi32>
      %swap3A_275 = arith.constant 64 : index
      %swap3A_276 = tpu.vector_load %arg15[%swap3A_275] {strides = array<i32>} : memref<128xi32, #tpu.memory_space<vmem>>, vector<16xi32>,
      tpu.vector_store %arg15[%swap3A_275], %min3A_274 {strides = array<i32>} : memref<128xi32, #tpu.memory_space<vmem>>, vector<16xi32>,
      %swap3A_277 = arith.constant 64 : index
      %swap3A_278 = tpu.vector_load %arg17[%swap3A_277] {strides = array<i32>} : memref<128xi32, #tpu.memory_space<vmem>>, vector<16xi32>,
      tpu.vector_store %arg17[%swap3A_277], %get3A_255 {strides = array<i32>} : memref<128xi32, #tpu.memory_space<vmem>>, vector<16xi32>,
      %get3A_279 = arith.constant 976 : index
      %get3A_280 = tpu.vector_load %arg9[%get3A_279] {strides = array<i32>} : memref<1024xi32, #tpu.memory_space<vmem>>, vector<16xi32>,
      %get3A_281 = arith.constant 976 : index
      %get3A_282 = tpu.vector_load %arg10[%get3A_281] {strides = array<i32>} : memref<1024xi32, #tpu.memory_space<vmem>>, vector<16xi32>,
      %add3A_283 = arith.constant 976 : i32
      %add3A_284 = vector.broadcast %add3A_283 : i32 to vector<16xi32>
      %add3A_285 = arith.addi %add3A_284, %iota3A : vector<16xi32>
      %lt3A_286 = vector.broadcast %scan3A_46 : i32 to vector<16xi32>
      %lt3A_287 = arith.cmpi slt, %add3A_285, %lt3A_286 : vector<16xi32>
      %mul3A_288 = arith.constant 8192 : i32
      %mul3A_289 = arith.muli %add3A, %mul3A_288 : i32
      %add3A_290 = vector.broadcast %mul3A_289 : i32 to vector<16xi32>
      %add3A_291 = arith.addi %add3A_290, %get3A_280 : vector<16xi32>
      %swap3A_292 = arith.constant 80 : index
      %swap3A_293 = tpu.vector_load %arg14[%swap3A_292] {strides = array<i32>} : memref<128xi32, #tpu.memory_space<vmem>>, vector<16xi32>,
      tpu.vector_store %arg14[%swap3A_292], %add3A_291 {strides = array<i32>} : memref<128xi32, #tpu.memory_space<vmem>>, vector<16xi32>,
      %add3A_294 = arith.constant 976 : i32
      %add3A_295 = arith.addi %add3A_98, %add3A_294 : i32
      %add3A_296 = vector.broadcast %add3A_295 : i32 to vector<16xi32>
      %add3A_297 = arith.addi %add3A_296, %iota3A : vector<16xi32>
      %broadcast_in_dim3A_298 = vector.broadcast %add3A_102 : i32 to vector<16xi32>
      %select_n3A_299 = arith.select %lt3A_287, %add3A_297, %broadcast_in_dim3A_298 : vector<16xi1>, vector<16xi32>
      %min3A_300 = vector.broadcast %sub3A_108 : i32 to vector<16xi32>
      %min3A_301 = arith.minsi %select_n3A_299, %min3A_300 : vector<16xi32>
      %swap3A_302 = arith.constant 80 : index
      %swap3A_303 = tpu.vector_load %arg15[%swap3A_302] {strides = array<i32>} : memref<128xi32, #tpu.memory_space<vmem>>, vector<16xi32>,
      tpu.vector_store %arg15[%swap3A_302], %min3A_301 {strides = array<i32>} : memref<128xi32, #tpu.memory_space<vmem>>, vector<16xi32>,
      %swap3A_304 = arith.constant 80 : index
      %swap3A_305 = tpu.vector_load %arg17[%swap3A_304] {strides = array<i32>} : memref<128xi32, #tpu.memory_space<vmem>>, vector<16xi32>,
      tpu.vector_store %arg17[%swap3A_304], %get3A_282 {strides = array<i32>} : memref<128xi32, #tpu.memory_space<vmem>>, vector<16xi32>,
      %get3A_306 = arith.constant 992 : index
      %get3A_307 = tpu.vector_load %arg9[%get3A_306] {strides = array<i32>} : memref<1024xi32, #tpu.memory_space<vmem>>, vector<16xi32>,
      %get3A_308 = arith.constant 992 : index
      %get3A_309 = tpu.vector_load %arg10[%get3A_308] {strides = array<i32>} : memref<1024xi32, #tpu.memory_space<vmem>>, vector<16xi32>,
      %add3A_310 = arith.constant 992 : i32
      %add3A_311 = vector.broadcast %add3A_310 : i32 to vector<16xi32>
      %add3A_312 = arith.addi %add3A_311, %iota3A : vector<16xi32>
      %lt3A_313 = vector.broadcast %scan3A_46 : i32 to vector<16xi32>
      %lt3A_314 = arith.cmpi slt, %add3A_312, %lt3A_313 : vector<16xi32>
      %mul3A_315 = arith.constant 8192 : i32
      %mul3A_316 = arith.muli %add3A, %mul3A_315 : i32
      %add3A_317 = vector.broadcast %mul3A_316 : i32 to vector<16xi32>
      %add3A_318 = arith.addi %add3A_317, %get3A_307 : vector<16xi32>
      %swap3A_319 = arith.constant 96 : index
      %swap3A_320 = tpu.vector_load %arg14[%swap3A_319] {strides = array<i32>} : memref<128xi32, #tpu.memory_space<vmem>>, vector<16xi32>,
      tpu.vector_store %arg14[%swap3A_319], %add3A_318 {strides = array<i32>} : memref<128xi32, #tpu.memory_space<vmem>>, vector<16xi32>,
      %add3A_321 = arith.constant 992 : i32
      %add3A_322 = arith.addi %add3A_98, %add3A_321 : i32
      %add3A_323 = vector.broadcast %add3A_322 : i32 to vector<16xi32>
      %add3A_324 = arith.addi %add3A_323, %iota3A : vector<16xi32>
      %broadcast_in_dim3A_325 = vector.broadcast %add3A_102 : i32 to vector<16xi32>
      %select_n3A_326 = arith.select %lt3A_314, %add3A_324, %broadcast_in_dim3A_325 : vector<16xi1>, vector<16xi32>
      %min3A_327 = vector.broadcast %sub3A_108 : i32 to vector<16xi32>
      %min3A_328 = arith.minsi %select_n3A_326, %min3A_327 : vector<16xi32>
      %swap3A_329 = arith.constant 96 : index
      %swap3A_330 = tpu.vector_load %arg15[%swap3A_329] {strides = array<i32>} : memref<128xi32, #tpu.memory_space<vmem>>, vector<16xi32>,
      tpu.vector_store %arg15[%swap3A_329], %min3A_328 {strides = array<i32>} : memref<128xi32, #tpu.memory_space<vmem>>, vector<16xi32>,
      %swap3A_331 = arith.constant 96 : index
      %swap3A_332 = tpu.vector_load %arg17[%swap3A_331] {strides = array<i32>} : memref<128xi32, #tpu.memory_space<vmem>>, vector<16xi32>,
      tpu.vector_store %arg17[%swap3A_331], %get3A_309 {strides = array<i32>} : memref<128xi32, #tpu.memory_space<vmem>>, vector<16xi32>,
      %get3A_333 = arith.constant 1008 : index
      %get3A_334 = tpu.vector_load %arg9[%get3A_333] {strides = array<i32>} : memref<1024xi32, #tpu.memory_space<vmem>>, vector<16xi32>,
      %get3A_335 = arith.constant 1008 : index
      %get3A_336 = tpu.vector_load %arg10[%get3A_335] {strides = array<i32>} : memref<1024xi32, #tpu.memory_space<vmem>>, vector<16xi32>,
      %add3A_337 = arith.constant 1008 : i32
      %add3A_338 = vector.broadcast %add3A_337 : i32 to vector<16xi32>
      %add3A_339 = arith.addi %add3A_338, %iota3A : vector<16xi32>
      %lt3A_340 = vector.broadcast %scan3A_46 : i32 to vector<16xi32>
      %lt3A_341 = arith.cmpi slt, %add3A_339, %lt3A_340 : vector<16xi32>
      %mul3A_342 = arith.constant 8192 : i32
      %mul3A_343 = arith.muli %add3A, %mul3A_342 : i32
      %add3A_344 = vector.broadcast %mul3A_343 : i32 to vector<16xi32>
      %add3A_345 = arith.addi %add3A_344, %get3A_334 : vector<16xi32>
      %swap3A_346 = arith.constant 112 : index
      %swap3A_347 = tpu.vector_load %arg14[%swap3A_346] {strides = array<i32>} : memref<128xi32, #tpu.memory_space<vmem>>, vector<16xi32>,
      tpu.vector_store %arg14[%swap3A_346], %add3A_345 {strides = array<i32>} : memref<128xi32, #tpu.memory_space<vmem>>, vector<16xi32>,
      %add3A_348 = arith.constant 1008 : i32
      %add3A_349 = arith.addi %add3A_98, %add3A_348 : i32
      %add3A_350 = vector.broadcast %add3A_349 : i32 to vector<16xi32>
      %add3A_351 = arith.addi %add3A_350, %iota3A : vector<16xi32>
      %broadcast_in_dim3A_352 = vector.broadcast %add3A_102 : i32 to vector<16xi32>
      %select_n3A_353 = arith.select %lt3A_341, %add3A_351, %broadcast_in_dim3A_352 : vector<16xi1>, vector<16xi32>
      %min3A_354 = vector.broadcast %sub3A_108 : i32 to vector<16xi32>
      %min3A_355 = arith.minsi %select_n3A_353, %min3A_354 : vector<16xi32>
      %swap3A_356 = arith.constant 112 : index
      %swap3A_357 = tpu.vector_load %arg15[%swap3A_356] {strides = array<i32>} : memref<128xi32, #tpu.memory_space<vmem>>, vector<16xi32>,
      tpu.vector_store %arg15[%swap3A_356], %min3A_355 {strides = array<i32>} : memref<128xi32, #tpu.memory_space<vmem>>, vector<16xi32>,
      %swap3A_358 = arith.constant 112 : index
      %swap3A_359 = tpu.vector_load %arg17[%swap3A_358] {strides = array<i32>} : memref<128xi32, #tpu.memory_space<vmem>>, vector<16xi32>,
      tpu.vector_store %arg17[%swap3A_358], %get3A_336 {strides = array<i32>} : memref<128xi32, #tpu.memory_space<vmem>>, vector<16xi32>,
      %dma_start3A_360 = arith.constant 0 : i32
      %dma_start3A_361 = arith.constant 0 : i32
      %dma_start3A_362 = tpu.memref_slice %arg4[%dma_start3A_360, %dma_start3A_361] : memref<32768x16xf32, #tpu.memory_space<hbm>> -> memref<32768x16xf32, #tpu.memory_space<hbm>>
      tpu.enqueue_indirect_dma source(%dma_start3A_362 : memref<32768x16xf32, #tpu.memory_space<hbm>>) target(%arg16 : memref<128x16xf32, #tpu.memory_space<vmem>>) offsets(%arg14 : memref<128xi32, #tpu.memory_space<vmem>>) semaphore(%arg18 : memref<!tpu.dma_semaphore, #tpu.memory_space<semaphore_mem>>)
      %dma_wait3A_363 = arith.constant 0 : i32
      %dma_wait3A_364 = arith.constant 0 : i32
      %dma_wait3A_365 = tpu.memref_slice %arg4[%dma_wait3A_363, %dma_wait3A_364] : memref<32768x16xf32, #tpu.memory_space<hbm>> -> memref<32768x16xf32, #tpu.memory_space<hbm>>
      tpu.wait_indirect_dma semaphore(%arg18 : memref<!tpu.dma_semaphore, #tpu.memory_space<semaphore_mem>>) src(%dma_wait3A_365 : memref<32768x16xf32, #tpu.memory_space<hbm>>) dst(%arg16 : memref<128x16xf32, #tpu.memory_space<vmem>>)
      %dma_start3A_366 = arith.constant 0 : i32
      %dma_start3A_367 = arith.constant 0 : i32
      %dma_start3A_368 = tpu.memref_slice %arg5[%dma_start3A_366, %dma_start3A_367] : memref<5120x16xf32, #tpu.memory_space<hbm>> -> memref<5120x16xf32, #tpu.memory_space<hbm>>
      tpu.enqueue_indirect_dma source(%arg16 : memref<128x16xf32, #tpu.memory_space<vmem>>) target(%dma_start3A_368 : memref<5120x16xf32, #tpu.memory_space<hbm>>) offsets(%arg15 : memref<128xi32, #tpu.memory_space<vmem>>) semaphore(%arg18 : memref<!tpu.dma_semaphore, #tpu.memory_space<semaphore_mem>>)
      %dma_wait3A_369 = arith.constant 0 : i32
      %dma_wait3A_370 = arith.constant 0 : i32
      %dma_wait3A_371 = tpu.memref_slice %arg5[%dma_wait3A_369, %dma_wait3A_370] : memref<5120x16xf32, #tpu.memory_space<hbm>> -> memref<5120x16xf32, #tpu.memory_space<hbm>>
      tpu.wait_indirect_dma semaphore(%arg18 : memref<!tpu.dma_semaphore, #tpu.memory_space<semaphore_mem>>) src(%arg16 : memref<128x16xf32, #tpu.memory_space<vmem>>) dst(%dma_wait3A_371 : memref<5120x16xf32, #tpu.memory_space<hbm>>)
      %dma_start3A_372 = arith.constant 0 : i32
      %dma_start3A_373 = tpu.memref_slice %arg6[%dma_start3A_372] : memref<5120xi32, #tpu.memory_space<hbm>> -> memref<5120xi32, #tpu.memory_space<hbm>>
      tpu.enqueue_indirect_dma source(%arg17 : memref<128xi32, #tpu.memory_space<vmem>>) target(%dma_start3A_373 : memref<5120xi32, #tpu.memory_space<hbm>>) offsets(%arg15 : memref<128xi32, #tpu.memory_space<vmem>>) semaphore(%arg18 : memref<!tpu.dma_semaphore, #tpu.memory_space<semaphore_mem>>)
      %dma_wait3A_374 = arith.constant 0 : i32
      %dma_wait3A_375 = tpu.memref_slice %arg6[%dma_wait3A_374] : memref<5120xi32, #tpu.memory_space<hbm>> -> memref<5120xi32, #tpu.memory_space<hbm>>
      tpu.wait_indirect_dma semaphore(%arg18 : memref<!tpu.dma_semaphore, #tpu.memory_space<semaphore_mem>>) src(%arg17 : memref<128xi32, #tpu.memory_space<vmem>>) dst(%dma_wait3A_375 : memref<5120xi32, #tpu.memory_space<hbm>>)
    } else {
    }
    return
  }
}

module attributes {stable_mosaic.version = 14 : i64} {
  func.func @_stats_kernel(%arg0: i32, %arg1: memref<1x1x8192xf32, #tpu.memory_space<vmem>>, %arg2: memref<1x16x8192xf32, #tpu.memory_space<vmem>>, %arg3: memref<1x1x8192xi32, #tpu.memory_space<vmem>>, %arg4: memref<1x1x8192xi32, #tpu.memory_space<vmem>>, %arg5: memref<1x1x8xf32, #tpu.memory_space<vmem>>) attributes {dimension_semantics = [#tpu.dimension_semantics<arbitrary>], iteration_bounds = array<i64: 4>, scalar_prefetch = 0 : i64, scratch_operands = 0 : i64, tpu.core_type = #tpu.core_type<tc>, window_params = [{transform_indices = @transform_0, window_bounds = array<i64: 1, 1, 8192>}, {transform_indices = @transform_1, window_bounds = array<i64: 1, 16, 8192>}, {transform_indices = @transform_2, window_bounds = array<i64: 1, 1, 8192>}, {transform_indices = @transform_3, window_bounds = array<i64: 1, 1, 8192>}, {transform_indices = @transform_4, window_bounds = array<i64: 1, 1, 8>}]} {
    %get3A = arith.constant 0 : index
    %get3A_0 = arith.constant 0 : index
    %get3A_1 = arith.constant 0 : index
    %get3A_2 = vector.load %arg3[%get3A, %get3A_0, %get3A_1] : memref<1x1x8192xi32, #tpu.memory_space<vmem>>, vector<1x1x8192xi32>
    %get3A_3 = vector.shape_cast %get3A_2 : vector<1x1x8192xi32> to vector<1x8192xi32>
    %get3A_4 = arith.constant 0 : index
    %get3A_5 = arith.constant 0 : index
    %get3A_6 = arith.constant 0 : index
    %get3A_7 = vector.load %arg4[%get3A_4, %get3A_5, %get3A_6] : memref<1x1x8192xi32, #tpu.memory_space<vmem>>, vector<1x1x8192xi32>
    %get3A_8 = vector.shape_cast %get3A_7 : vector<1x1x8192xi32> to vector<1x8192xi32>
    %eq3A = arith.constant 1 : i32
    %eq3A_9 = vector.broadcast %eq3A : i32 to vector<1x8192xi32>
    %eq3A_10 = arith.cmpi eq, %get3A_8, %eq3A_9 : vector<1x8192xi32>
    %get3A_11 = arith.constant 0 : index
    %get3A_12 = arith.constant 0 : index
    %get3A_13 = arith.constant 0 : index
    %get3A_14 = vector.load %arg1[%get3A_11, %get3A_12, %get3A_13] : memref<1x1x8192xf32, #tpu.memory_space<vmem>>, vector<1x1x8192xf32>
    %get3A_15 = vector.shape_cast %get3A_14 : vector<1x1x8192xf32> to vector<1x8192xf32>
    %get3A_16 = arith.constant 0 : index
    %get3A_17 = arith.constant 0 : index
    %get3A_18 = arith.constant 0 : index
    %get3A_19 = vector.load %arg2[%get3A_16, %get3A_17, %get3A_18] : memref<1x16x8192xf32, #tpu.memory_space<vmem>>, vector<1x16x8192xf32>
    %get3A_20 = vector.shape_cast %get3A_19 : vector<1x16x8192xf32> to vector<16x8192xf32>
    %is_finite3A = tpu.weird %get3A_15 : vector<1x8192xf32> -> vector<1x8192xi1>
    %is_finite3A_21 = arith.constant dense<true> : vector<1x8192xi1>
    %is_finite3A_22 = arith.xori %is_finite3A, %is_finite3A_21 : vector<1x8192xi1>
    %jit3A = arith.constant 0.000000e+00 : f32
    %broadcast_in_dim3A = vector.broadcast %jit3A : f32 to vector<1x8192xf32>
    %select_n3A = arith.select %is_finite3A_22, %get3A_15, %broadcast_in_dim3A : vector<1x8192xi1>, vector<1x8192xf32>
    %jit3A_23 = arith.constant -2.000000e+01 : f32
    %jit3A_24 = arith.constant 2.000000e+01 : f32
    %max3A = vector.broadcast %jit3A_23 : f32 to vector<1x8192xf32>
    %max3A_25 = arith.maximumf %max3A, %select_n3A : vector<1x8192xf32>
    %min3A = vector.broadcast %jit3A_24 : f32 to vector<1x8192xf32>
    %min3A_26 = arith.minimumf %min3A, %max3A_25 : vector<1x8192xf32>
    %is_finite3A_27 = tpu.weird %get3A_20 : vector<16x8192xf32> -> vector<16x8192xi1>
    %is_finite3A_28 = arith.constant dense<true> : vector<16x8192xi1>
    %is_finite3A_29 = arith.xori %is_finite3A_27, %is_finite3A_28 : vector<16x8192xi1>
    %jit3A_30 = arith.constant 0.000000e+00 : f32
    %broadcast_in_dim3A_31 = vector.broadcast %jit3A_30 : f32 to vector<16x8192xf32>
    %select_n3A_32 = arith.select %is_finite3A_29, %get3A_20, %broadcast_in_dim3A_31 : vector<16x8192xi1>, vector<16x8192xf32>
    %div3A = arith.constant 0.699999988 : f32
    %div3A_33 = vector.broadcast %div3A : f32 to vector<1x8192xf32>
    %div3A_34 = arith.divf %min3A_26, %div3A_33 : vector<1x8192xf32>
    %sub3A = arith.constant 28.5714283 : f32
    %sub3A_35 = vector.broadcast %sub3A : f32 to vector<1x8192xf32>
    %sub3A_36 = arith.subf %div3A_34, %sub3A_35 : vector<1x8192xf32>
    %exp3A = math.exp %sub3A_36 : vector<1x8192xf32>
    %convert_element_type3A = arith.extui %eq3A_10 : vector<1x8192xi1> to vector<1x8192xi32>
    %convert_element_type3A_37 = arith.sitofp %convert_element_type3A : vector<1x8192xi32> to vector<1x8192xf32>
    %iota3A = tpu.iota {dimensions = array<i32: 0>} : vector<128x8192xi32>
    %eq3A_38 = vector.broadcast %get3A_3 : vector<1x8192xi32> to vector<128x8192xi32>
    %eq3A_39 = arith.cmpi eq, %eq3A_38, %iota3A : vector<128x8192xi32>
    %convert_element_type3A_40 = arith.extui %eq3A_39 : vector<128x8192xi1> to vector<128x8192xi32>
    %convert_element_type3A_41 = arith.sitofp %convert_element_type3A_40 : vector<128x8192xi32> to vector<128x8192xf32>
    %broadcast_in_dim3A_42 = arith.constant 1.000000e+00 : f32
    %broadcast_in_dim3A_43 = vector.broadcast %broadcast_in_dim3A_42 : f32 to vector<1x8192xf32>
    %mul3A = arith.mulf %exp3A, %convert_element_type3A_37 : vector<1x8192xf32>
    %concatenate3A = tpu.concatenate %broadcast_in_dim3A_43, %convert_element_type3A_37, %exp3A, %mul3A in 0 : vector<1x8192xf32>, vector<1x8192xf32>, vector<1x8192xf32>, vector<1x8192xf32> -> vector<4x8192xf32>
    %dot_general3A = arith.constant dense<0.000000e+00> : vector<128x4xf32>
    %dot_general3A_44 = tpu.matmul %convert_element_type3A_41, %concatenate3A, %dot_general3A {dimension_numbers = #tpu.dot_dimension_numbers<[1], [1], [0], [0], [0, 0, 1, 0], [], []>, transpose_lhs_hint = false} : vector<128x8192xf32>, vector<4x8192xf32>, vector<128x4xf32> -> vector<128x4xf32>
    %slice3A = vector.extract_strided_slice %dot_general3A_44 {offsets = [0, 0], sizes = [128, 1], strides = [1, 1]} : vector<128x4xf32> to vector<128x1xf32>
    %slice3A_45 = vector.extract_strided_slice %dot_general3A_44 {offsets = [0, 1], sizes = [128, 1], strides = [1, 1]} : vector<128x4xf32> to vector<128x1xf32>
    %slice3A_46 = vector.extract_strided_slice %dot_general3A_44 {offsets = [0, 2], sizes = [128, 1], strides = [1, 1]} : vector<128x4xf32> to vector<128x1xf32>
    %slice3A_47 = vector.extract_strided_slice %dot_general3A_44 {offsets = [0, 3], sizes = [128, 1], strides = [1, 1]} : vector<128x4xf32> to vector<128x1xf32>
    %gt3A = arith.constant 0.000000e+00 : f32
    %gt3A_48 = vector.broadcast %gt3A : f32 to vector<128x1xf32>
    %gt3A_49 = arith.cmpf ogt, %slice3A, %gt3A_48 : vector<128x1xf32>
    %jit3A_50 = arith.constant 1.000000e+00 : f32
    %broadcast_in_dim3A_51 = vector.broadcast %jit3A_50 : f32 to vector<128x1xf32>
    %select_n3A_52 = arith.select %gt3A_49, %slice3A_46, %broadcast_in_dim3A_51 : vector<128x1xi1>, vector<128x1xf32>
    %div3A_53 = arith.divf %slice3A_47, %select_n3A_52 : vector<128x1xf32>
    %add3A = arith.constant 9.99999971E-10 : f32
    %add3A_54 = vector.broadcast %add3A : f32 to vector<128x1xf32>
    %add3A_55 = arith.addf %div3A_53, %add3A_54 : vector<128x1xf32>
    %log3A = math.log %add3A_55 : vector<128x1xf32>
    %neg3A = arith.constant 0.000000e+00 : f32
    %neg3A_56 = vector.broadcast %neg3A : f32 to vector<128x1xf32>
    %neg3A_57 = arith.subf %neg3A_56, %log3A : vector<128x1xf32>
    %sub3A_58 = arith.subf %slice3A_46, %slice3A_47 : vector<128x1xf32>
    %div3A_59 = arith.divf %sub3A_58, %select_n3A_52 : vector<128x1xf32>
    %sub3A_60 = arith.subf %slice3A, %slice3A_45 : vector<128x1xf32>
    %gt3A_61 = arith.constant 0.000000e+00 : f32
    %gt3A_62 = vector.broadcast %gt3A_61 : f32 to vector<128x1xf32>
    %gt3A_63 = arith.cmpf ogt, %sub3A_60, %gt3A_62 : vector<128x1xf32>
    %max3A_64 = arith.constant 1.000000e+00 : f32
    %max3A_65 = vector.broadcast %max3A_64 : f32 to vector<128x1xf32>
    %max3A_66 = arith.maximumf %sub3A_60, %max3A_65 : vector<128x1xf32>
    %div3A_67 = arith.divf %div3A_59, %max3A_66 : vector<128x1xf32>
    %jit3A_68 = arith.constant 0.000000e+00 : f32
    %broadcast_in_dim3A_69 = vector.broadcast %jit3A_68 : f32 to vector<128x1xf32>
    %select_n3A_70 = arith.select %gt3A_63, %div3A_67, %broadcast_in_dim3A_69 : vector<128x1xi1>, vector<128x1xf32>
    %eq3A_71 = arith.constant 1.000000e+00 : f32
    %eq3A_72 = vector.broadcast %eq3A_71 : f32 to vector<128x1xf32>
    %eq3A_73 = arith.cmpf oeq, %slice3A_45, %eq3A_72 : vector<128x1xf32>
    %convert_element_type3A_74 = arith.extui %eq3A_73 : vector<128x1xi1> to vector<128x1xi32>
    %convert_element_type3A_75 = arith.sitofp %convert_element_type3A_74 : vector<128x1xi32> to vector<128x1xf32>
    %reduce_sum3A = vector.shape_cast %convert_element_type3A_75 : vector<128x1xf32> to vector<1x128x1xf32>
    %reduce_sum3A_76 = arith.constant dense<0.000000e+00> : vector<1xf32>
    %reduce_sum3A_77 = vector.multi_reduction <add>, %reduce_sum3A, %reduce_sum3A_76 [1, 2] : vector<1x128x1xf32> to vector<1xf32>
    %reduce_sum3A_78 = vector.shape_cast %reduce_sum3A_77 : vector<1xf32> to vector<1x1x1xf32>
    %reduce_sum3A_79 = vector.extract %reduce_sum3A_78[0, 0, 0] : f32 from vector<1x1x1xf32>
    %mul3A_80 = arith.constant 5.000000e-01 : f32
    %mul3A_81 = vector.broadcast %mul3A_80 : f32 to vector<128x1xf32>
    %mul3A_82 = arith.mulf %mul3A_81, %select_n3A_70 : vector<128x1xf32>
    %add3A_83 = arith.addf %neg3A_57, %mul3A_82 : vector<128x1xf32>
    %jit3A_84 = arith.constant 0.000000e+00 : f32
    %broadcast_in_dim3A_85 = vector.broadcast %jit3A_84 : f32 to vector<128x1xf32>
    %select_n3A_86 = arith.select %eq3A_73, %add3A_83, %broadcast_in_dim3A_85 : vector<128x1xi1>, vector<128x1xf32>
    %reduce_sum3A_87 = vector.shape_cast %select_n3A_86 : vector<128x1xf32> to vector<1x128x1xf32>
    %reduce_sum3A_88 = arith.constant dense<0.000000e+00> : vector<1xf32>
    %reduce_sum3A_89 = vector.multi_reduction <add>, %reduce_sum3A_87, %reduce_sum3A_88 [1, 2] : vector<1x128x1xf32> to vector<1xf32>
    %reduce_sum3A_90 = vector.shape_cast %reduce_sum3A_89 : vector<1xf32> to vector<1x1x1xf32>
    %reduce_sum3A_91 = vector.extract %reduce_sum3A_90[0, 0, 0] : f32 from vector<1x1x1xf32>
    %max3A_92 = arith.constant 1.000000e+00 : f32
    %max3A_93 = arith.maximumf %reduce_sum3A_79, %max3A_92 : f32
    %div3A_94 = arith.divf %reduce_sum3A_91, %max3A_93 : f32
    %iota3A_95 = tpu.iota {dimensions = array<i32: 1>} : vector<128x8192xi32>
    %and3A = vector.broadcast %eq3A_10 : vector<1x8192xi1> to vector<128x8192xi1>
    %and3A_96 = arith.andi %eq3A_39, %and3A : vector<128x8192xi1>
    %jit3A_97 = arith.constant 8192 : i32
    %broadcast_in_dim3A_98 = vector.broadcast %jit3A_97 : i32 to vector<128x8192xi32>
    %select_n3A_99 = arith.select %and3A_96, %iota3A_95, %broadcast_in_dim3A_98 : vector<128x8192xi1>, vector<128x8192xi32>
    %reduce_min3A = arith.constant dense<2147483647> : vector<128xi32>
    %reduce_min3A_100 = vector.multi_reduction <minsi>, %select_n3A_99, %reduce_min3A [1] : vector<128x8192xi32> to vector<128xi32>
    %broadcast_in_dim3A_101 = vector.shape_cast %reduce_min3A_100 : vector<128xi32> to vector<128x1xi32>
    %eq3A_102 = vector.broadcast %broadcast_in_dim3A_101 : vector<128x1xi32> to vector<128x8192xi32>
    %eq3A_103 = arith.cmpi eq, %iota3A_95, %eq3A_102 : vector<128x8192xi32>
    %convert_element_type3A_104 = arith.extui %eq3A_103 : vector<128x8192xi1> to vector<128x8192xi32>
    %convert_element_type3A_105 = arith.sitofp %convert_element_type3A_104 : vector<128x8192xi32> to vector<128x8192xf32>
    %dot_general3A_106 = arith.constant dense<0.000000e+00> : vector<128x16xf32>
    %dot_general3A_107 = tpu.matmul %convert_element_type3A_105, %select_n3A_32, %dot_general3A_106 {dimension_numbers = #tpu.dot_dimension_numbers<[1], [1], [0], [0], [0, 0, 1, 0], [], []>, transpose_lhs_hint = false} : vector<128x8192xf32>, vector<16x8192xf32>, vector<128x16xf32> -> vector<128x16xf32>
    %mul3A_108 = arith.mulf %select_n3A_32, %select_n3A_32 : vector<16x8192xf32>
    %reduce_sum3A_109 = arith.constant dense<0.000000e+00> : vector<8192xf32>
    %reduce_sum3A_110 = vector.multi_reduction <add>, %mul3A_108, %reduce_sum3A_109 [0] : vector<16x8192xf32> to vector<8192xf32>
    %broadcast_in_dim3A_111 = vector.shape_cast %reduce_sum3A_110 : vector<8192xf32> to vector<1x8192xf32>
    %mul3A_112 = arith.mulf %dot_general3A_107, %dot_general3A_107 : vector<128x16xf32>
    %reduce_sum3A_113 = arith.constant dense<0.000000e+00> : vector<128xf32>
    %reduce_sum3A_114 = vector.multi_reduction <add>, %mul3A_112, %reduce_sum3A_113 [1] : vector<128x16xf32> to vector<128xf32>
    %broadcast_in_dim3A_115 = vector.shape_cast %reduce_sum3A_114 : vector<128xf32> to vector<128x1xf32>
    %dot_general3A_116 = arith.constant dense<0.000000e+00> : vector<128x8192xf32>
    %dot_general3A_117 = tpu.matmul %dot_general3A_107, %select_n3A_32, %dot_general3A_116 {dimension_numbers = #tpu.dot_dimension_numbers<[1], [0], [0], [1], [0, 0, 1, 1], [], []>, transpose_lhs_hint = false} : vector<128x16xf32>, vector<16x8192xf32>, vector<128x8192xf32> -> vector<128x8192xf32>
    %add3A_118 = vector.broadcast %broadcast_in_dim3A_111 : vector<1x8192xf32> to vector<128x8192xf32>
    %add3A_119 = vector.broadcast %broadcast_in_dim3A_115 : vector<128x1xf32> to vector<128x8192xf32>
    %add3A_120 = arith.addf %add3A_118, %add3A_119 : vector<128x8192xf32>
    %mul3A_121 = arith.constant 2.000000e+00 : f32
    %mul3A_122 = vector.broadcast %mul3A_121 : f32 to vector<128x8192xf32>
    %mul3A_123 = arith.mulf %mul3A_122, %dot_general3A_117 : vector<128x8192xf32>
    %sub3A_124 = arith.subf %add3A_120, %mul3A_123 : vector<128x8192xf32>
    %max3A_125 = arith.constant 0.000000e+00 : f32
    %max3A_126 = vector.broadcast %max3A_125 : f32 to vector<128x8192xf32>
    %max3A_127 = arith.maximumf %sub3A_124, %max3A_126 : vector<128x8192xf32>
    %min3A_128 = arith.constant 5.000000e+01 : f32
    %min3A_129 = vector.broadcast %min3A_128 : f32 to vector<128x8192xf32>
    %min3A_130 = arith.minimumf %max3A_127, %min3A_129 : vector<128x8192xf32>
    %mul3A_131 = arith.mulf %convert_element_type3A_41, %min3A_130 : vector<128x8192xf32>
    %reduce_sum3A_132 = arith.constant dense<0.000000e+00> : vector<128xf32>
    %reduce_sum3A_133 = vector.multi_reduction <add>, %mul3A_131, %reduce_sum3A_132 [1] : vector<128x8192xf32> to vector<128xf32>
    %broadcast_in_dim3A_134 = vector.shape_cast %reduce_sum3A_133 : vector<128xf32> to vector<128x1xf32>
    %max3A_135 = arith.constant 1.000000e+00 : f32
    %max3A_136 = vector.broadcast %max3A_135 : f32 to vector<128x1xf32>
    %max3A_137 = arith.maximumf %slice3A, %max3A_136 : vector<128x1xf32>
    %div3A_138 = arith.divf %broadcast_in_dim3A_134, %max3A_137 : vector<128x1xf32>
    %gt3A_139 = arith.constant 0.000000e+00 : f32
    %gt3A_140 = vector.broadcast %gt3A_139 : f32 to vector<128x1xf32>
    %gt3A_141 = arith.cmpf ogt, %slice3A_45, %gt3A_140 : vector<128x1xf32>
    %convert_element_type3A_142 = arith.extui %gt3A_141 : vector<128x1xi1> to vector<128x1xi32>
    %convert_element_type3A_143 = arith.sitofp %convert_element_type3A_142 : vector<128x1xi32> to vector<128x1xf32>
    %reduce_sum3A_144 = vector.shape_cast %convert_element_type3A_143 : vector<128x1xf32> to vector<1x128x1xf32>
    %reduce_sum3A_145 = arith.constant dense<0.000000e+00> : vector<1xf32>
    %reduce_sum3A_146 = vector.multi_reduction <add>, %reduce_sum3A_144, %reduce_sum3A_145 [1, 2] : vector<1x128x1xf32> to vector<1xf32>
    %reduce_sum3A_147 = vector.shape_cast %reduce_sum3A_146 : vector<1xf32> to vector<1x1x1xf32>
    %reduce_sum3A_148 = vector.extract %reduce_sum3A_147[0, 0, 0] : f32 from vector<1x1x1xf32>
    %jit3A_149 = arith.constant 0.000000e+00 : f32
    %broadcast_in_dim3A_150 = vector.broadcast %jit3A_149 : f32 to vector<128x1xf32>
    %select_n3A_151 = arith.select %gt3A_141, %div3A_138, %broadcast_in_dim3A_150 : vector<128x1xi1>, vector<128x1xf32>
    %reduce_sum3A_152 = vector.shape_cast %select_n3A_151 : vector<128x1xf32> to vector<1x128x1xf32>
    %reduce_sum3A_153 = arith.constant dense<0.000000e+00> : vector<1xf32>
    %reduce_sum3A_154 = vector.multi_reduction <add>, %reduce_sum3A_152, %reduce_sum3A_153 [1, 2] : vector<1x128x1xf32> to vector<1xf32>
    %reduce_sum3A_155 = vector.shape_cast %reduce_sum3A_154 : vector<1xf32> to vector<1x1x1xf32>
    %reduce_sum3A_156 = vector.extract %reduce_sum3A_155[0, 0, 0] : f32 from vector<1x1x1xf32>
    %gt3A_157 = arith.constant 0.000000e+00 : f32
    %gt3A_158 = arith.cmpf ogt, %reduce_sum3A_148, %gt3A_157 : f32
    %mul3A_159 = arith.constant 1.000000e+00 : f32
    %mul3A_160 = arith.mulf %mul3A_159, %reduce_sum3A_156 : f32
    %max3A_161 = arith.constant 1.000000e+00 : f32
    %max3A_162 = arith.maximumf %reduce_sum3A_148, %max3A_161 : f32
    %div3A_163 = arith.divf %mul3A_160, %max3A_162 : f32
    %jit3A_164 = arith.constant 0.000000e+00 : f32
    %select_n3A_165 = arith.select %gt3A_158, %div3A_163, %jit3A_164 : f32
    %reduce_sum3A_166 = vector.shape_cast %slice3A_45 : vector<128x1xf32> to vector<1x128x1xf32>
    %reduce_sum3A_167 = arith.constant dense<0.000000e+00> : vector<1xf32>
    %reduce_sum3A_168 = vector.multi_reduction <add>, %reduce_sum3A_166, %reduce_sum3A_167 [1, 2] : vector<1x128x1xf32> to vector<1xf32>
    %reduce_sum3A_169 = vector.shape_cast %reduce_sum3A_168 : vector<1xf32> to vector<1x1x1xf32>
    %reduce_sum3A_170 = vector.extract %reduce_sum3A_169[0, 0, 0] : f32 from vector<1x1x1xf32>
    %mul3A_171 = arith.mulf %reduce_sum3A_170, %reduce_sum3A_170 : f32
    %mul3A_172 = arith.mulf %slice3A_45, %slice3A_45 : vector<128x1xf32>
    %reduce_sum3A_173 = vector.shape_cast %mul3A_172 : vector<128x1xf32> to vector<1x128x1xf32>
    %reduce_sum3A_174 = arith.constant dense<0.000000e+00> : vector<1xf32>
    %reduce_sum3A_175 = vector.multi_reduction <add>, %reduce_sum3A_173, %reduce_sum3A_174 [1, 2] : vector<1x128x1xf32> to vector<1xf32>
    %reduce_sum3A_176 = vector.shape_cast %reduce_sum3A_175 : vector<1xf32> to vector<1x1x1xf32>
    %reduce_sum3A_177 = vector.extract %reduce_sum3A_176[0, 0, 0] : f32 from vector<1x1x1xf32>
    %sub3A_178 = arith.subf %mul3A_171, %reduce_sum3A_177 : f32
    %reduce_sum3A_179 = vector.shape_cast %convert_element_type3A_37 : vector<1x8192xf32> to vector<1x1x8192xf32>
    %reduce_sum3A_180 = arith.constant dense<0.000000e+00> : vector<1xf32>
    %reduce_sum3A_181 = vector.multi_reduction <add>, %reduce_sum3A_179, %reduce_sum3A_180 [1, 2] : vector<1x1x8192xf32> to vector<1xf32>
    %reduce_sum3A_182 = vector.shape_cast %reduce_sum3A_181 : vector<1xf32> to vector<1x1x1xf32>
    %reduce_sum3A_183 = vector.extract %reduce_sum3A_182[0, 0, 0] : f32 from vector<1x1x1xf32>
    %gt3A_184 = arith.constant 0.000000e+00 : f32
    %gt3A_185 = arith.cmpf ogt, %reduce_sum3A_183, %gt3A_184 : f32
    %gt3A_186 = arith.constant 0.000000e+00 : f32
    %gt3A_187 = arith.cmpf ogt, %reduce_sum3A_79, %gt3A_186 : f32
    %and3A_188 = arith.andi %gt3A_185, %gt3A_187 : i1
    %convert_element_type3A_189 = arith.extui %and3A_188 : i1 to i32
    %convert_element_type3A_190 = arith.sitofp %convert_element_type3A_189 : i32 to f32
    %broadcast_in_dim3A_191 = arith.constant 1.000000e+00 : f32
    %broadcast_in_dim3A_192 = vector.broadcast %broadcast_in_dim3A_191 : f32 to vector<1x1xf32>
    %mul3A_193 = vector.broadcast %div3A_94 : f32 to vector<1x1xf32>
    %mul3A_194 = arith.mulf %broadcast_in_dim3A_192, %mul3A_193 : vector<1x1xf32>
    %mul3A_195 = vector.broadcast %select_n3A_165 : f32 to vector<1x1xf32>
    %mul3A_196 = arith.mulf %broadcast_in_dim3A_192, %mul3A_195 : vector<1x1xf32>
    %mul3A_197 = vector.broadcast %convert_element_type3A_190 : f32 to vector<1x1xf32>
    %mul3A_198 = arith.mulf %broadcast_in_dim3A_192, %mul3A_197 : vector<1x1xf32>
    %mul3A_199 = vector.broadcast %reduce_sum3A_170 : f32 to vector<1x1xf32>
    %mul3A_200 = arith.mulf %broadcast_in_dim3A_192, %mul3A_199 : vector<1x1xf32>
    %mul3A_201 = vector.broadcast %sub3A_178 : f32 to vector<1x1xf32>
    %mul3A_202 = arith.mulf %broadcast_in_dim3A_192, %mul3A_201 : vector<1x1xf32>
    %mul3A_203 = arith.constant 0.000000e+00 : f32
    %mul3A_204 = vector.broadcast %mul3A_203 : f32 to vector<1x1xf32>
    %mul3A_205 = arith.mulf %mul3A_204, %broadcast_in_dim3A_192 : vector<1x1xf32>
    %mul3A_206 = arith.constant 0.000000e+00 : f32
    %mul3A_207 = vector.broadcast %mul3A_206 : f32 to vector<1x1xf32>
    %mul3A_208 = arith.mulf %mul3A_207, %broadcast_in_dim3A_192 : vector<1x1xf32>
    %mul3A_209 = arith.constant 0.000000e+00 : f32
    %mul3A_210 = vector.broadcast %mul3A_209 : f32 to vector<1x1xf32>
    %mul3A_211 = arith.mulf %mul3A_210, %broadcast_in_dim3A_192 : vector<1x1xf32>
    %concatenate3A_212 = tpu.concatenate %mul3A_194, %mul3A_196, %mul3A_198, %mul3A_200, %mul3A_202, %mul3A_205, %mul3A_208, %mul3A_211 in 1 : vector<1x1xf32>, vector<1x1xf32>, vector<1x1xf32>, vector<1x1xf32>, vector<1x1xf32>, vector<1x1xf32>, vector<1x1xf32>, vector<1x1xf32> -> vector<1x8xf32>
    %reshape3A = vector.shape_cast %concatenate3A_212 : vector<1x8xf32> to vector<1x1x8xf32>
    %swap3A = arith.constant 0 : index
    %swap3A_213 = arith.constant 0 : index
    %swap3A_214 = arith.constant 0 : index
    %swap3A_215 = vector.load %arg5[%swap3A, %swap3A_213, %swap3A_214] : memref<1x1x8xf32, #tpu.memory_space<vmem>>, vector<1x1x8xf32>
    tpu.vector_store %arg5[%swap3A, %swap3A_213, %swap3A_214], %reshape3A {strides = array<i32>} : memref<1x1x8xf32, #tpu.memory_space<vmem>>, vector<1x1x8xf32>,
    return
  }
  func.func @transform_0(%arg0: i32) -> (i32, i32, i32) {
    %c0_i32 = arith.constant 0 : i32
    %c0_i32_0 = arith.constant 0 : i32
    %c0_i32_1 = arith.constant 0 : i32
    return %arg0, %c0_i32, %c0_i32_0 : i32, i32, i32
  }
  func.func @transform_1(%arg0: i32) -> (i32, i32, i32) {
    %c0_i32 = arith.constant 0 : i32
    %c0_i32_0 = arith.constant 0 : i32
    %c0_i32_1 = arith.constant 0 : i32
    return %arg0, %c0_i32, %c0_i32_0 : i32, i32, i32
  }
  func.func @transform_2(%arg0: i32) -> (i32, i32, i32) {
    %c0_i32 = arith.constant 0 : i32
    %c0_i32_0 = arith.constant 0 : i32
    %c0_i32_1 = arith.constant 0 : i32
    return %arg0, %c0_i32, %c0_i32_0 : i32, i32, i32
  }
  func.func @transform_3(%arg0: i32) -> (i32, i32, i32) {
    %c0_i32 = arith.constant 0 : i32
    %c0_i32_0 = arith.constant 0 : i32
    %c0_i32_1 = arith.constant 0 : i32
    return %arg0, %c0_i32, %c0_i32_0 : i32, i32, i32
  }
  func.func @transform_4(%arg0: i32) -> (i32, i32, i32) {
    %c0_i32 = arith.constant 0 : i32
    %c0_i32_0 = arith.constant 0 : i32
    %c0_i32_1 = arith.constant 0 : i32
    return %arg0, %c0_i32, %c0_i32_0 : i32, i32, i32
  }
}

module attributes {stable_mosaic.version = 14 : i64} {
  func.func @_fallback_kernel(%arg0: i32, %arg1: memref<1x8192x16xf32, #tpu.memory_space<vmem>>, %arg2: memref<1x1x8192xi32, #tpu.memory_space<vmem>>, %arg3: memref<1x1x8192xi32, #tpu.memory_space<vmem>>, %arg4: memref<1x8192x1xi32, #tpu.memory_space<vmem>>, %arg5: memref<1x8192x1xi32, #tpu.memory_space<vmem>>, %arg6: memref<1x1x1xf32, #tpu.memory_space<vmem>>) attributes {dimension_semantics = [#tpu.dimension_semantics<arbitrary>], iteration_bounds = array<i64: 4>, scalar_prefetch = 0 : i64, scratch_operands = 0 : i64, tpu.core_type = #tpu.core_type<tc>, window_params = [{transform_indices = @transform_0, window_bounds = array<i64: 1, 8192, 16>}, {transform_indices = @transform_1, window_bounds = array<i64: 1, 1, 8192>}, {transform_indices = @transform_2, window_bounds = array<i64: 1, 1, 8192>}, {transform_indices = @transform_3, window_bounds = array<i64: 1, 8192, 1>}, {transform_indices = @transform_4, window_bounds = array<i64: 1, 8192, 1>}, {transform_indices = @transform_5, window_bounds = array<i64: 1, 1, 1>}]} {
    %get3A = arith.constant 0 : index
    %get3A_0 = arith.constant 0 : index
    %get3A_1 = arith.constant 0 : index
    %get3A_2 = vector.load %arg1[%get3A, %get3A_0, %get3A_1] : memref<1x8192x16xf32, #tpu.memory_space<vmem>>, vector<1x8192x16xf32>
    %get3A_3 = vector.shape_cast %get3A_2 : vector<1x8192x16xf32> to vector<8192x16xf32>
    %is_finite3A = tpu.weird %get3A_3 : vector<8192x16xf32> -> vector<8192x16xi1>
    %is_finite3A_4 = arith.constant dense<true> : vector<8192x16xi1>
    %is_finite3A_5 = arith.xori %is_finite3A, %is_finite3A_4 : vector<8192x16xi1>
    %jit3A = arith.constant 0.000000e+00 : f32
    %broadcast_in_dim3A = vector.broadcast %jit3A : f32 to vector<8192x16xf32>
    %select_n3A = arith.select %is_finite3A_5, %get3A_3, %broadcast_in_dim3A : vector<8192x16xi1>, vector<8192x16xf32>
    %broadcast_in_dim3A_6 = arith.constant 1.000000e+00 : f32
    %broadcast_in_dim3A_7 = vector.broadcast %broadcast_in_dim3A_6 : f32 to vector<1x16xf32>
    %mul3A = arith.mulf %select_n3A, %select_n3A : vector<8192x16xf32>
    %dot_general3A = arith.constant dense<0.000000e+00> : vector<1x8192xf32>
    %dot_general3A_8 = tpu.matmul %broadcast_in_dim3A_7, %mul3A, %dot_general3A {dimension_numbers = #tpu.dot_dimension_numbers<[1], [1], [0], [0], [0, 0, 1, 0], [], []>, transpose_lhs_hint = false} : vector<1x16xf32>, vector<8192x16xf32>, vector<1x8192xf32> -> vector<1x8192xf32>
    %get3A_9 = arith.constant 0 : index
    %get3A_10 = arith.constant 0 : index
    %get3A_11 = arith.constant 0 : index
    %get3A_12 = vector.load %arg2[%get3A_9, %get3A_10, %get3A_11] : memref<1x1x8192xi32, #tpu.memory_space<vmem>>, vector<1x1x8192xi32>
    %get3A_13 = vector.shape_cast %get3A_12 : vector<1x1x8192xi32> to vector<1x8192xi32>
    %get3A_14 = arith.constant 0 : index
    %get3A_15 = arith.constant 0 : index
    %get3A_16 = arith.constant 0 : index
    %get3A_17 = vector.load %arg3[%get3A_14, %get3A_15, %get3A_16] : memref<1x1x8192xi32, #tpu.memory_space<vmem>>, vector<1x1x8192xi32>
    %get3A_18 = vector.shape_cast %get3A_17 : vector<1x1x8192xi32> to vector<1x8192xi32>
    %eq3A = arith.constant 1 : i32
    %eq3A_19 = vector.broadcast %eq3A : i32 to vector<1x8192xi32>
    %eq3A_20 = arith.cmpi eq, %get3A_18, %eq3A_19 : vector<1x8192xi32>
    %scan3A = arith.constant 0.000000e+00 : f32
    %scan3A_21 = arith.constant 0 : i32
    %scan3A_22 = arith.constant 32 : i32
    %scan3A_23 = arith.addi %scan3A_21, %scan3A_22 : i32
    %scan3A_24 = arith.constant 1 : i32
    %scan3A_25 = scf.for %scan3A_34 = %scan3A_21 to %scan3A_23 step %scan3A_24 iter_args(%scan3A_35 = %scan3A) -> (f32)  : i32 {
      %mul3A_36 = arith.constant 256 : i32
      %mul3A_37 = arith.muli %scan3A_34, %mul3A_36 : i32
      %get3A_38 = arith.constant 0 : index
      %get3A_39 = arith.index_cast %mul3A_37 : i32 to index
      %get3A_40 = arith.constant 0 : index
      %get3A_41 = vector.load %arg1[%get3A_38, %get3A_39, %get3A_40] : memref<1x8192x16xf32, #tpu.memory_space<vmem>>, vector<1x256x16xf32>
      %get3A_42 = vector.shape_cast %get3A_41 : vector<1x256x16xf32> to vector<256x16xf32>
      %is_finite3A_43 = tpu.weird %get3A_42 : vector<256x16xf32> -> vector<256x16xi1>
      %is_finite3A_44 = arith.constant dense<true> : vector<256x16xi1>
      %is_finite3A_45 = arith.xori %is_finite3A_43, %is_finite3A_44 : vector<256x16xi1>
      %jit3A_46 = arith.constant 0.000000e+00 : f32
      %broadcast_in_dim3A_47 = vector.broadcast %jit3A_46 : f32 to vector<256x16xf32>
      %select_n3A_48 = arith.select %is_finite3A_45, %get3A_42, %broadcast_in_dim3A_47 : vector<256x16xi1>, vector<256x16xf32>
      %dot_general3A_49 = arith.constant dense<0.000000e+00> : vector<256x8192xf32>
      %dot_general3A_50 = tpu.matmul %select_n3A_48, %select_n3A, %dot_general3A_49 {dimension_numbers = #tpu.dot_dimension_numbers<[1], [1], [0], [0], [0, 0, 1, 0], [], []>, transpose_lhs_hint = false} : vector<256x16xf32>, vector<8192x16xf32>, vector<256x8192xf32> -> vector<256x8192xf32>
      %mul3A_51 = arith.mulf %select_n3A_48, %select_n3A_48 : vector<256x16xf32>
      %reduce_sum3A = arith.constant dense<0.000000e+00> : vector<256xf32>
      %reduce_sum3A_52 = vector.multi_reduction <add>, %mul3A_51, %reduce_sum3A [1] : vector<256x16xf32> to vector<256xf32>
      %broadcast_in_dim3A_53 = vector.shape_cast %reduce_sum3A_52 : vector<256xf32> to vector<256x1xf32>
      %add3A = vector.broadcast %broadcast_in_dim3A_53 : vector<256x1xf32> to vector<256x8192xf32>
      %add3A_54 = vector.broadcast %dot_general3A_8 : vector<1x8192xf32> to vector<256x8192xf32>
      %add3A_55 = arith.addf %add3A, %add3A_54 : vector<256x8192xf32>
      %mul3A_56 = arith.constant 2.000000e+00 : f32
      %mul3A_57 = vector.broadcast %mul3A_56 : f32 to vector<256x8192xf32>
      %mul3A_58 = arith.mulf %mul3A_57, %dot_general3A_50 : vector<256x8192xf32>
      %sub3A = arith.subf %add3A_55, %mul3A_58 : vector<256x8192xf32>
      %max3A = arith.constant 0.000000e+00 : f32
      %max3A_59 = vector.broadcast %max3A : f32 to vector<256x8192xf32>
      %max3A_60 = arith.maximumf %sub3A, %max3A_59 : vector<256x8192xf32>
      %min3A = arith.constant 5.000000e+01 : f32
      %min3A_61 = vector.broadcast %min3A : f32 to vector<256x8192xf32>
      %min3A_62 = arith.minimumf %max3A_60, %min3A_61 : vector<256x8192xf32>
      %get3A_63 = arith.constant 0 : index
      %get3A_64 = arith.index_cast %mul3A_37 : i32 to index
      %get3A_65 = arith.constant 0 : index
      %get3A_66 = vector.load %arg5[%get3A_63, %get3A_64, %get3A_65] : memref<1x8192x1xi32, #tpu.memory_space<vmem>>, vector<1x256x1xi32>
      %get3A_67 = vector.shape_cast %get3A_66 : vector<1x256x1xi32> to vector<256x1xi32>
      %eq3A_68 = arith.constant 1 : i32
      %eq3A_69 = vector.broadcast %eq3A_68 : i32 to vector<256x1xi32>
      %eq3A_70 = arith.cmpi eq, %get3A_67, %eq3A_69 : vector<256x1xi32>
      %and3A = vector.broadcast %eq3A_70 : vector<256x1xi1> to vector<256x8192xi1>
      %and3A_71 = vector.broadcast %eq3A_20 : vector<1x8192xi1> to vector<256x8192xi1>
      %and3A_72 = arith.andi %and3A, %and3A_71 : vector<256x8192xi1>
      %get3A_73 = arith.constant 0 : index
      %get3A_74 = arith.index_cast %mul3A_37 : i32 to index
      %get3A_75 = arith.constant 0 : index
      %get3A_76 = vector.load %arg4[%get3A_73, %get3A_74, %get3A_75] : memref<1x8192x1xi32, #tpu.memory_space<vmem>>, vector<1x256x1xi32>
      %get3A_77 = vector.shape_cast %get3A_76 : vector<1x256x1xi32> to vector<256x1xi32>
      %ne3A = vector.broadcast %get3A_77 : vector<256x1xi32> to vector<256x8192xi32>
      %ne3A_78 = vector.broadcast %get3A_13 : vector<1x8192xi32> to vector<256x8192xi32>
      %ne3A_79 = arith.cmpi ne, %ne3A, %ne3A_78 : vector<256x8192xi32>
      %and3A_80 = arith.andi %and3A_72, %ne3A_79 : vector<256x8192xi1>
      %neg3A = arith.constant 0.000000e+00 : f32
      %neg3A_81 = vector.broadcast %neg3A : f32 to vector<256x8192xf32>
      %neg3A_82 = arith.subf %neg3A_81, %min3A_62 : vector<256x8192xf32>
      %exp3A = math.exp %neg3A_82 : vector<256x8192xf32>
      %jit3A_83 = arith.constant 0.000000e+00 : f32
      %broadcast_in_dim3A_84 = vector.broadcast %jit3A_83 : f32 to vector<256x8192xf32>
      %select_n3A_85 = arith.select %and3A_80, %exp3A, %broadcast_in_dim3A_84 : vector<256x8192xi1>, vector<256x8192xf32>
      %reduce_sum3A_86 = vector.shape_cast %select_n3A_85 : vector<256x8192xf32> to vector<1x256x8192xf32>
      %reduce_sum3A_87 = arith.constant dense<0.000000e+00> : vector<1xf32>
      %reduce_sum3A_88 = vector.multi_reduction <add>, %reduce_sum3A_86, %reduce_sum3A_87 [1, 2] : vector<1x256x8192xf32> to vector<1xf32>
      %reduce_sum3A_89 = vector.shape_cast %reduce_sum3A_88 : vector<1xf32> to vector<1x1x1xf32>
      %reduce_sum3A_90 = vector.extract %reduce_sum3A_89[0, 0, 0] : f32 from vector<1x1x1xf32>
      %add3A_91 = arith.addf %scan3A_35, %reduce_sum3A_90 : f32
      scf.yield %add3A_91 : f32
    }
    %scan3A_26 = arith.constant 32 : i32
    %broadcast_in_dim3A_27 = arith.constant 1.000000e+00 : f32
    %broadcast_in_dim3A_28 = vector.broadcast %broadcast_in_dim3A_27 : f32 to vector<1x1x1xf32>
    %mul3A_29 = vector.broadcast %scan3A_25 : f32 to vector<1x1x1xf32>
    %mul3A_30 = arith.mulf %broadcast_in_dim3A_28, %mul3A_29 : vector<1x1x1xf32>
    %swap3A = arith.constant 0 : index
    %swap3A_31 = arith.constant 0 : index
    %swap3A_32 = arith.constant 0 : index
    %swap3A_33 = vector.load %arg6[%swap3A, %swap3A_31, %swap3A_32] : memref<1x1x1xf32, #tpu.memory_space<vmem>>, vector<1x1x1xf32>
    tpu.vector_store %arg6[%swap3A, %swap3A_31, %swap3A_32], %mul3A_30 {strides = array<i32>} : memref<1x1x1xf32, #tpu.memory_space<vmem>>, vector<1x1x1xf32>,
    return
  }
  func.func @transform_0(%arg0: i32) -> (i32, i32, i32) {
    %c0_i32 = arith.constant 0 : i32
    %c0_i32_0 = arith.constant 0 : i32
    %c0_i32_1 = arith.constant 0 : i32
    return %arg0, %c0_i32, %c0_i32_0 : i32, i32, i32
  }
  func.func @transform_1(%arg0: i32) -> (i32, i32, i32) {
    %c0_i32 = arith.constant 0 : i32
    %c0_i32_0 = arith.constant 0 : i32
    %c0_i32_1 = arith.constant 0 : i32
    return %arg0, %c0_i32, %c0_i32_0 : i32, i32, i32
  }
  func.func @transform_2(%arg0: i32) -> (i32, i32, i32) {
    %c0_i32 = arith.constant 0 : i32
    %c0_i32_0 = arith.constant 0 : i32
    %c0_i32_1 = arith.constant 0 : i32
    return %arg0, %c0_i32, %c0_i32_0 : i32, i32, i32
  }
  func.func @transform_3(%arg0: i32) -> (i32, i32, i32) {
    %c0_i32 = arith.constant 0 : i32
    %c0_i32_0 = arith.constant 0 : i32
    %c0_i32_1 = arith.constant 0 : i32
    return %arg0, %c0_i32, %c0_i32_0 : i32, i32, i32
  }
  func.func @transform_4(%arg0: i32) -> (i32, i32, i32) {
    %c0_i32 = arith.constant 0 : i32
    %c0_i32_0 = arith.constant 0 : i32
    %c0_i32_1 = arith.constant 0 : i32
    return %arg0, %c0_i32, %c0_i32_0 : i32, i32, i32
  }
  func.func @transform_5(%arg0: i32) -> (i32, i32, i32) {
    %c0_i32 = arith.constant 0 : i32
    %c0_i32_0 = arith.constant 0 : i32
    %c0_i32_1 = arith.constant 0 : i32
    return %arg0, %c0_i32, %c0_i32_0 : i32, i32, i32
  }
}

module attributes {stable_mosaic.version = 14 : i64} {
  func.func @_rep_kernel(%arg0: i32, %arg1: memref<4x8xf32, #tpu.memory_space<smem>>, %arg2: memref<4xf32, #tpu.memory_space<smem>>, %arg3: memref<1x1280x16xf32, #tpu.memory_space<vmem>>, %arg4: memref<1x1x1280xi32, #tpu.memory_space<vmem>>, %arg5: memref<1x1280x1xi32, #tpu.memory_space<vmem>>, %arg6: memref<1x1xf32, #tpu.memory_space<vmem>>, %arg7: memref<1x1xf32, #tpu.memory_space<vmem>>, %arg8: memref<1x1xf32, #tpu.memory_space<vmem>>, %arg9: memref<1x1xf32, #tpu.memory_space<vmem>>, %arg10: memref<8xf32, #tpu.memory_space<smem>>) attributes {dimension_semantics = [#tpu.dimension_semantics<arbitrary>], iteration_bounds = array<i64: 4>, scalar_prefetch = 0 : i64, scratch_operands = 1 : i64, tpu.core_type = #tpu.core_type<tc>, window_params = [{transform_indices = @transform_0, window_bounds = array<i64: 4, 8>}, {transform_indices = @transform_1, window_bounds = array<i64: 4>}, {transform_indices = @transform_2, window_bounds = array<i64: 1, 1280, 16>}, {transform_indices = @transform_3, window_bounds = array<i64: 1, 1, 1280>}, {transform_indices = @transform_4, window_bounds = array<i64: 1, 1280, 1>}, {pipeline_mode = #tpu.pipeline_mode<synchronous>, transform_indices = @transform_5, window_bounds = array<i64: 1, 1>}, {pipeline_mode = #tpu.pipeline_mode<synchronous>, transform_indices = @transform_6, window_bounds = array<i64: 1, 1>}, {pipeline_mode = #tpu.pipeline_mode<synchronous>, transform_indices = @transform_7, window_bounds = array<i64: 1, 1>}, {pipeline_mode = #tpu.pipeline_mode<synchronous>, transform_indices = @transform_8, window_bounds = array<i64: 1, 1>}]} {
    %eq3A = arith.constant 0 : i32
    %eq3A_0 = arith.cmpi eq, %arg0, %eq3A : i32
    %convert_element_type3A = arith.extui %eq3A_0 : i1 to i32
    %cond3A = arith.constant 0 : i32
    %cond3A_1 = arith.cmpi ne, %convert_element_type3A, %cond3A : i32
    scf.if %cond3A_1 {
      %swap3A_98 = arith.constant 0.000000e+00 : f32
      %swap3A_99 = arith.constant 0 : index
      %swap3A_100 = memref.load %arg10[%swap3A_99] : memref<8xf32, #tpu.memory_space<smem>>
      memref.store %swap3A_98, %arg10[%swap3A_99] : memref<8xf32, #tpu.memory_space<smem>>
      %swap3A_101 = arith.constant 0.000000e+00 : f32
      %swap3A_102 = arith.constant 1 : index
      %swap3A_103 = memref.load %arg10[%swap3A_102] : memref<8xf32, #tpu.memory_space<smem>>
      memref.store %swap3A_101, %arg10[%swap3A_102] : memref<8xf32, #tpu.memory_space<smem>>
      %swap3A_104 = arith.constant 0.000000e+00 : f32
      %swap3A_105 = arith.constant 2 : index
      %swap3A_106 = memref.load %arg10[%swap3A_105] : memref<8xf32, #tpu.memory_space<smem>>
      memref.store %swap3A_104, %arg10[%swap3A_105] : memref<8xf32, #tpu.memory_space<smem>>
      %swap3A_107 = arith.constant 0.000000e+00 : f32
      %swap3A_108 = arith.constant 3 : index
      %swap3A_109 = memref.load %arg10[%swap3A_108] : memref<8xf32, #tpu.memory_space<smem>>
      memref.store %swap3A_107, %arg10[%swap3A_108] : memref<8xf32, #tpu.memory_space<smem>>
      %swap3A_110 = arith.constant 0.000000e+00 : f32
      %swap3A_111 = arith.constant 4 : index
      %swap3A_112 = memref.load %arg10[%swap3A_111] : memref<8xf32, #tpu.memory_space<smem>>
      memref.store %swap3A_110, %arg10[%swap3A_111] : memref<8xf32, #tpu.memory_space<smem>>
      %swap3A_113 = arith.constant 0.000000e+00 : f32
      %swap3A_114 = arith.constant 5 : index
      %swap3A_115 = memref.load %arg10[%swap3A_114] : memref<8xf32, #tpu.memory_space<smem>>
      memref.store %swap3A_113, %arg10[%swap3A_114] : memref<8xf32, #tpu.memory_space<smem>>
      %swap3A_116 = arith.constant 0.000000e+00 : f32
      %swap3A_117 = arith.constant 6 : index
      %swap3A_118 = memref.load %arg10[%swap3A_117] : memref<8xf32, #tpu.memory_space<smem>>
      memref.store %swap3A_116, %arg10[%swap3A_117] : memref<8xf32, #tpu.memory_space<smem>>
      %swap3A_119 = arith.constant 0.000000e+00 : f32
      %swap3A_120 = arith.constant 7 : index
      %swap3A_121 = memref.load %arg10[%swap3A_120] : memref<8xf32, #tpu.memory_space<smem>>
      memref.store %swap3A_119, %arg10[%swap3A_120] : memref<8xf32, #tpu.memory_space<smem>>
    } else {
    }
    %get3A = arith.index_cast %arg0 : i32 to index
    %get3A_2 = arith.constant 3 : index
    %get3A_3 = memref.load %arg1[%get3A, %get3A_2] : memref<4x8xf32, #tpu.memory_space<smem>>
    %get3A_4 = arith.index_cast %arg0 : i32 to index
    %get3A_5 = arith.constant 4 : index
    %get3A_6 = memref.load %arg1[%get3A_4, %get3A_5] : memref<4x8xf32, #tpu.memory_space<smem>>
    %convert_element_type3A_7 = arith.fptosi %get3A_3 : f32 to i32
    %broadcast_in_dim3A = arith.constant 1.000000e+00 : f32
    %broadcast_in_dim3A_8 = vector.broadcast %broadcast_in_dim3A : f32 to vector<1x16xf32>
    %le3A = arith.constant 1024 : i32
    %le3A_9 = arith.cmpi sle, %convert_element_type3A_7, %le3A : i32
    %add3A = arith.constant 256 : i32
    %add3A_10 = arith.addi %convert_element_type3A_7, %add3A : i32
    %sub3A = arith.constant 1 : i32
    %sub3A_11 = arith.subi %add3A_10, %sub3A : i32
    %jit3A = arith.constant 256 : i32
    %div3A = arith.divsi %sub3A_11, %jit3A : i32
    %sign3A = arith.constant 0 : i32
    %sign3A_12 = arith.cmpi sgt, %sub3A_11, %sign3A : i32
    %sign3A_13 = arith.extui %sign3A_12 : i1 to i32
    %sign3A_14 = arith.constant 0 : i32
    %sign3A_15 = arith.cmpi slt, %sub3A_11, %sign3A_14 : i32
    %sign3A_16 = arith.extui %sign3A_15 : i1 to i32
    %sign3A_17 = arith.subi %sign3A_13, %sign3A_16 : i32
    %sign3A_18 = arith.constant 0 : i32
    %sign3A_19 = arith.cmpi sgt, %jit3A, %sign3A_18 : i32
    %sign3A_20 = arith.extui %sign3A_19 : i1 to i32
    %sign3A_21 = arith.constant 0 : i32
    %sign3A_22 = arith.cmpi slt, %jit3A, %sign3A_21 : i32
    %sign3A_23 = arith.extui %sign3A_22 : i1 to i32
    %sign3A_24 = arith.subi %sign3A_20, %sign3A_23 : i32
    %ne3A = arith.cmpi ne, %sign3A_17, %sign3A_24 : i32
    %rem3A = arith.remsi %sub3A_11, %jit3A : i32
    %ne3A_25 = arith.constant 0 : i32
    %ne3A_26 = arith.cmpi ne, %rem3A, %ne3A_25 : i32
    %and3A = arith.andi %ne3A, %ne3A_26 : i1
    %sub3A_27 = arith.constant 1 : i32
    %sub3A_28 = arith.subi %div3A, %sub3A_27 : i32
    %select_n3A = arith.select %and3A, %sub3A_28, %div3A : i32
    %jit3A_29 = arith.constant 0 : i32
    %select_n3A_30 = arith.select %le3A_9, %select_n3A, %jit3A_29 : i32
    %mul3A = arith.muli %select_n3A_30, %select_n3A_30 : i32
    %while3A = arith.constant 0 : i32
    %while3A_31 = arith.constant 0.000000e+00 : f32
    %while3A_32 = arith.subi %mul3A, %while3A : i32
    %while3A_33 = arith.addi %while3A, %while3A_32 : i32
    %while3A_34 = arith.constant 1 : i32
    %while3A_35 = arith.divsi %while3A_32, %while3A_34 : i32
    %while3A_36 = arith.muli %while3A_35, %while3A_34 : i32
    %while3A_37 = arith.addi %while3A, %while3A_36 : i32
    %while3A_38 = arith.constant 1 : i32
    %while3A_39 = scf.for %while3A_98 = %while3A to %while3A_37 step %while3A_38 iter_args(%while3A_99 = %while3A_31) -> (f32)  : i32 {
      %div3A_100 = arith.divsi %while3A_98, %select_n3A_30 : i32
      %sign3A_101 = arith.constant 0 : i32
      %sign3A_102 = arith.cmpi sgt, %while3A_98, %sign3A_101 : i32
      %sign3A_103 = arith.extui %sign3A_102 : i1 to i32
      %sign3A_104 = arith.constant 0 : i32
      %sign3A_105 = arith.cmpi slt, %while3A_98, %sign3A_104 : i32
      %sign3A_106 = arith.extui %sign3A_105 : i1 to i32
      %sign3A_107 = arith.subi %sign3A_103, %sign3A_106 : i32
      %sign3A_108 = arith.constant 0 : i32
      %sign3A_109 = arith.cmpi sgt, %select_n3A_30, %sign3A_108 : i32
      %sign3A_110 = arith.extui %sign3A_109 : i1 to i32
      %sign3A_111 = arith.constant 0 : i32
      %sign3A_112 = arith.cmpi slt, %select_n3A_30, %sign3A_111 : i32
      %sign3A_113 = arith.extui %sign3A_112 : i1 to i32
      %sign3A_114 = arith.subi %sign3A_110, %sign3A_113 : i32
      %ne3A_115 = arith.cmpi ne, %sign3A_107, %sign3A_114 : i32
      %rem3A_116 = arith.remsi %while3A_98, %select_n3A_30 : i32
      %ne3A_117 = arith.constant 0 : i32
      %ne3A_118 = arith.cmpi ne, %rem3A_116, %ne3A_117 : i32
      %and3A_119 = arith.andi %ne3A_115, %ne3A_118 : i1
      %sub3A_120 = arith.constant 1 : i32
      %sub3A_121 = arith.subi %div3A_100, %sub3A_120 : i32
      %select_n3A_122 = arith.select %and3A_119, %sub3A_121, %div3A_100 : i32
      %eq3A_123 = arith.constant 0 : i32
      %eq3A_124 = arith.cmpi eq, %select_n3A_30, %eq3A_123 : i32
      %jit3A_125 = arith.constant 1 : i32
      %select_n3A_126 = arith.select %eq3A_124, %jit3A_125, %select_n3A_30 : i32
      %rem3A_127 = arith.remsi %while3A_98, %select_n3A_126 : i32
      %ne3A_128 = arith.constant 0 : i32
      %ne3A_129 = arith.cmpi ne, %rem3A_127, %ne3A_128 : i32
      %lt3A = arith.constant 0 : i32
      %lt3A_130 = arith.cmpi slt, %rem3A_127, %lt3A : i32
      %lt3A_131 = arith.constant 0 : i32
      %lt3A_132 = arith.cmpi slt, %select_n3A_126, %lt3A_131 : i32
      %ne3A_133 = arith.xori %lt3A_130, %lt3A_132 : i1
      %and3A_134 = arith.andi %ne3A_133, %ne3A_129 : i1
      %add3A_135 = arith.addi %rem3A_127, %select_n3A_126 : i32
      %select_n3A_136 = arith.select %and3A_134, %add3A_135, %rem3A_127 : i32
      %mul3A_137 = arith.constant 256 : i32
      %mul3A_138 = arith.muli %select_n3A_122, %mul3A_137 : i32
      %mul3A_139 = arith.constant 256 : i32
      %mul3A_140 = arith.muli %select_n3A_136, %mul3A_139 : i32
      %get3A_141 = arith.constant 0 : index
      %get3A_142 = arith.index_cast %mul3A_138 : i32 to index
      %get3A_143 = arith.constant 0 : index
      %get3A_144 = vector.load %arg3[%get3A_141, %get3A_142, %get3A_143] : memref<1x1280x16xf32, #tpu.memory_space<vmem>>, vector<1x256x16xf32>
      %get3A_145 = vector.shape_cast %get3A_144 : vector<1x256x16xf32> to vector<256x16xf32>
      %get3A_146 = arith.constant 0 : index
      %get3A_147 = arith.index_cast %mul3A_140 : i32 to index
      %get3A_148 = arith.constant 0 : index
      %get3A_149 = vector.load %arg3[%get3A_146, %get3A_147, %get3A_148] : memref<1x1280x16xf32, #tpu.memory_space<vmem>>, vector<1x256x16xf32>
      %get3A_150 = vector.shape_cast %get3A_149 : vector<1x256x16xf32> to vector<256x16xf32>
      %is_finite3A = tpu.weird %get3A_145 : vector<256x16xf32> -> vector<256x16xi1>
      %is_finite3A_151 = arith.constant dense<true> : vector<256x16xi1>
      %is_finite3A_152 = arith.xori %is_finite3A, %is_finite3A_151 : vector<256x16xi1>
      %jit3A_153 = arith.constant 0.000000e+00 : f32
      %broadcast_in_dim3A_154 = vector.broadcast %jit3A_153 : f32 to vector<256x16xf32>
      %select_n3A_155 = arith.select %is_finite3A_152, %get3A_145, %broadcast_in_dim3A_154 : vector<256x16xi1>, vector<256x16xf32>
      %is_finite3A_156 = tpu.weird %get3A_150 : vector<256x16xf32> -> vector<256x16xi1>
      %is_finite3A_157 = arith.constant dense<true> : vector<256x16xi1>
      %is_finite3A_158 = arith.xori %is_finite3A_156, %is_finite3A_157 : vector<256x16xi1>
      %jit3A_159 = arith.constant 0.000000e+00 : f32
      %broadcast_in_dim3A_160 = vector.broadcast %jit3A_159 : f32 to vector<256x16xf32>
      %select_n3A_161 = arith.select %is_finite3A_158, %get3A_150, %broadcast_in_dim3A_160 : vector<256x16xi1>, vector<256x16xf32>
      %dot_general3A = arith.constant dense<0.000000e+00> : vector<256x256xf32>
      %dot_general3A_162 = tpu.matmul %select_n3A_155, %select_n3A_161, %dot_general3A {dimension_numbers = #tpu.dot_dimension_numbers<[1], [1], [0], [0], [0, 0, 1, 0], [], []>, transpose_lhs_hint = false} : vector<256x16xf32>, vector<256x16xf32>, vector<256x256xf32> -> vector<256x256xf32>
      %mul3A_163 = arith.mulf %select_n3A_155, %select_n3A_155 : vector<256x16xf32>
      %reduce_sum3A = arith.constant dense<0.000000e+00> : vector<256xf32>
      %reduce_sum3A_164 = vector.multi_reduction <add>, %mul3A_163, %reduce_sum3A [1] : vector<256x16xf32> to vector<256xf32>
      %broadcast_in_dim3A_165 = vector.shape_cast %reduce_sum3A_164 : vector<256xf32> to vector<256x1xf32>
      %mul3A_166 = arith.mulf %select_n3A_161, %select_n3A_161 : vector<256x16xf32>
      %dot_general3A_167 = arith.constant dense<0.000000e+00> : vector<1x256xf32>
      %dot_general3A_168 = tpu.matmul %broadcast_in_dim3A_8, %mul3A_166, %dot_general3A_167 {dimension_numbers = #tpu.dot_dimension_numbers<[1], [1], [0], [0], [0, 0, 1, 0], [], []>, transpose_lhs_hint = false} : vector<1x16xf32>, vector<256x16xf32>, vector<1x256xf32> -> vector<1x256xf32>
      %add3A_169 = vector.broadcast %broadcast_in_dim3A_165 : vector<256x1xf32> to vector<256x256xf32>
      %add3A_170 = vector.broadcast %dot_general3A_168 : vector<1x256xf32> to vector<256x256xf32>
      %add3A_171 = arith.addf %add3A_169, %add3A_170 : vector<256x256xf32>
      %mul3A_172 = arith.constant 2.000000e+00 : f32
      %mul3A_173 = vector.broadcast %mul3A_172 : f32 to vector<256x256xf32>
      %mul3A_174 = arith.mulf %mul3A_173, %dot_general3A_162 : vector<256x256xf32>
      %sub3A_175 = arith.subf %add3A_171, %mul3A_174 : vector<256x256xf32>
      %max3A_176 = arith.constant 0.000000e+00 : f32
      %max3A_177 = vector.broadcast %max3A_176 : f32 to vector<256x256xf32>
      %max3A_178 = arith.maximumf %sub3A_175, %max3A_177 : vector<256x256xf32>
      %min3A = arith.constant 5.000000e+01 : f32
      %min3A_179 = vector.broadcast %min3A : f32 to vector<256x256xf32>
      %min3A_180 = arith.minimumf %max3A_178, %min3A_179 : vector<256x256xf32>
      %get3A_181 = arith.constant 0 : index
      %get3A_182 = arith.index_cast %mul3A_138 : i32 to index
      %get3A_183 = arith.constant 0 : index
      %get3A_184 = vector.load %arg5[%get3A_181, %get3A_182, %get3A_183] : memref<1x1280x1xi32, #tpu.memory_space<vmem>>, vector<1x256x1xi32>
      %get3A_185 = vector.shape_cast %get3A_184 : vector<1x256x1xi32> to vector<256x1xi32>
      %get3A_186 = arith.constant 0 : index
      %get3A_187 = arith.constant 0 : index
      %get3A_188 = arith.index_cast %mul3A_140 : i32 to index
      %get3A_189 = vector.load %arg4[%get3A_186, %get3A_187, %get3A_188] : memref<1x1x1280xi32, #tpu.memory_space<vmem>>, vector<1x1x256xi32>
      %get3A_190 = vector.shape_cast %get3A_189 : vector<1x1x256xi32> to vector<1x256xi32>
      %iota3A = tpu.iota {dimensions = array<i32: 0>} : vector<256x1xi32>
      %add3A_191 = vector.broadcast %mul3A_138 : i32 to vector<256x1xi32>
      %add3A_192 = arith.addi %iota3A, %add3A_191 : vector<256x1xi32>
      %iota3A_193 = tpu.iota {dimensions = array<i32: 1>} : vector<1x256xi32>
      %add3A_194 = vector.broadcast %mul3A_140 : i32 to vector<1x256xi32>
      %add3A_195 = arith.addi %iota3A_193, %add3A_194 : vector<1x256xi32>
      %lt3A_196 = vector.broadcast %convert_element_type3A_7 : i32 to vector<256x1xi32>
      %lt3A_197 = arith.cmpi slt, %add3A_192, %lt3A_196 : vector<256x1xi32>
      %lt3A_198 = vector.broadcast %convert_element_type3A_7 : i32 to vector<1x256xi32>
      %lt3A_199 = arith.cmpi slt, %add3A_195, %lt3A_198 : vector<1x256xi32>
      %and3A_200 = vector.broadcast %lt3A_197 : vector<256x1xi1> to vector<256x256xi1>
      %and3A_201 = vector.broadcast %lt3A_199 : vector<1x256xi1> to vector<256x256xi1>
      %and3A_202 = arith.andi %and3A_200, %and3A_201 : vector<256x256xi1>
      %ne3A_203 = vector.broadcast %get3A_185 : vector<256x1xi32> to vector<256x256xi32>
      %ne3A_204 = vector.broadcast %get3A_190 : vector<1x256xi32> to vector<256x256xi32>
      %ne3A_205 = arith.cmpi ne, %ne3A_203, %ne3A_204 : vector<256x256xi32>
      %and3A_206 = arith.andi %and3A_202, %ne3A_205 : vector<256x256xi1>
      %neg3A = arith.constant 0.000000e+00 : f32
      %neg3A_207 = vector.broadcast %neg3A : f32 to vector<256x256xf32>
      %neg3A_208 = arith.subf %neg3A_207, %min3A_180 : vector<256x256xf32>
      %exp3A = math.exp %neg3A_208 : vector<256x256xf32>
      %jit3A_209 = arith.constant 0.000000e+00 : f32
      %broadcast_in_dim3A_210 = vector.broadcast %jit3A_209 : f32 to vector<256x256xf32>
      %select_n3A_211 = arith.select %and3A_206, %exp3A, %broadcast_in_dim3A_210 : vector<256x256xi1>, vector<256x256xf32>
      %reduce_sum3A_212 = vector.shape_cast %select_n3A_211 : vector<256x256xf32> to vector<1x256x256xf32>
      %reduce_sum3A_213 = arith.constant dense<0.000000e+00> : vector<1xf32>
      %reduce_sum3A_214 = vector.multi_reduction <add>, %reduce_sum3A_212, %reduce_sum3A_213 [1, 2] : vector<1x256x256xf32> to vector<1xf32>
      %reduce_sum3A_215 = vector.shape_cast %reduce_sum3A_214 : vector<1xf32> to vector<1x1x1xf32>
      %reduce_sum3A_216 = vector.extract %reduce_sum3A_215[0, 0, 0] : f32 from vector<1x1x1xf32>
      %add3A_217 = arith.addf %while3A_99, %reduce_sum3A_216 : f32
      scf.yield %add3A_217 : f32
    }
    %while3A_40 = arith.constant 1 : i32
    %while3A_41 = scf.for %while3A_98 = %while3A_37 to %while3A_33 step %while3A_40 iter_args(%while3A_99 = %while3A_39) -> (f32)  : i32 {
      %div3A_100 = arith.divsi %while3A_98, %select_n3A_30 : i32
      %sign3A_101 = arith.constant 0 : i32
      %sign3A_102 = arith.cmpi sgt, %while3A_98, %sign3A_101 : i32
      %sign3A_103 = arith.extui %sign3A_102 : i1 to i32
      %sign3A_104 = arith.constant 0 : i32
      %sign3A_105 = arith.cmpi slt, %while3A_98, %sign3A_104 : i32
      %sign3A_106 = arith.extui %sign3A_105 : i1 to i32
      %sign3A_107 = arith.subi %sign3A_103, %sign3A_106 : i32
      %sign3A_108 = arith.constant 0 : i32
      %sign3A_109 = arith.cmpi sgt, %select_n3A_30, %sign3A_108 : i32
      %sign3A_110 = arith.extui %sign3A_109 : i1 to i32
      %sign3A_111 = arith.constant 0 : i32
      %sign3A_112 = arith.cmpi slt, %select_n3A_30, %sign3A_111 : i32
      %sign3A_113 = arith.extui %sign3A_112 : i1 to i32
      %sign3A_114 = arith.subi %sign3A_110, %sign3A_113 : i32
      %ne3A_115 = arith.cmpi ne, %sign3A_107, %sign3A_114 : i32
      %rem3A_116 = arith.remsi %while3A_98, %select_n3A_30 : i32
      %ne3A_117 = arith.constant 0 : i32
      %ne3A_118 = arith.cmpi ne, %rem3A_116, %ne3A_117 : i32
      %and3A_119 = arith.andi %ne3A_115, %ne3A_118 : i1
      %sub3A_120 = arith.constant 1 : i32
      %sub3A_121 = arith.subi %div3A_100, %sub3A_120 : i32
      %select_n3A_122 = arith.select %and3A_119, %sub3A_121, %div3A_100 : i32
      %eq3A_123 = arith.constant 0 : i32
      %eq3A_124 = arith.cmpi eq, %select_n3A_30, %eq3A_123 : i32
      %jit3A_125 = arith.constant 1 : i32
      %select_n3A_126 = arith.select %eq3A_124, %jit3A_125, %select_n3A_30 : i32
      %rem3A_127 = arith.remsi %while3A_98, %select_n3A_126 : i32
      %ne3A_128 = arith.constant 0 : i32
      %ne3A_129 = arith.cmpi ne, %rem3A_127, %ne3A_128 : i32
      %lt3A = arith.constant 0 : i32
      %lt3A_130 = arith.cmpi slt, %rem3A_127, %lt3A : i32
      %lt3A_131 = arith.constant 0 : i32
      %lt3A_132 = arith.cmpi slt, %select_n3A_126, %lt3A_131 : i32
      %ne3A_133 = arith.xori %lt3A_130, %lt3A_132 : i1
      %and3A_134 = arith.andi %ne3A_133, %ne3A_129 : i1
      %add3A_135 = arith.addi %rem3A_127, %select_n3A_126 : i32
      %select_n3A_136 = arith.select %and3A_134, %add3A_135, %rem3A_127 : i32
      %mul3A_137 = arith.constant 256 : i32
      %mul3A_138 = arith.muli %select_n3A_122, %mul3A_137 : i32
      %mul3A_139 = arith.constant 256 : i32
      %mul3A_140 = arith.muli %select_n3A_136, %mul3A_139 : i32
      %get3A_141 = arith.constant 0 : index
      %get3A_142 = arith.index_cast %mul3A_138 : i32 to index
      %get3A_143 = arith.constant 0 : index
      %get3A_144 = vector.load %arg3[%get3A_141, %get3A_142, %get3A_143] : memref<1x1280x16xf32, #tpu.memory_space<vmem>>, vector<1x256x16xf32>
      %get3A_145 = vector.shape_cast %get3A_144 : vector<1x256x16xf32> to vector<256x16xf32>
      %get3A_146 = arith.constant 0 : index
      %get3A_147 = arith.index_cast %mul3A_140 : i32 to index
      %get3A_148 = arith.constant 0 : index
      %get3A_149 = vector.load %arg3[%get3A_146, %get3A_147, %get3A_148] : memref<1x1280x16xf32, #tpu.memory_space<vmem>>, vector<1x256x16xf32>
      %get3A_150 = vector.shape_cast %get3A_149 : vector<1x256x16xf32> to vector<256x16xf32>
      %is_finite3A = tpu.weird %get3A_145 : vector<256x16xf32> -> vector<256x16xi1>
      %is_finite3A_151 = arith.constant dense<true> : vector<256x16xi1>
      %is_finite3A_152 = arith.xori %is_finite3A, %is_finite3A_151 : vector<256x16xi1>
      %jit3A_153 = arith.constant 0.000000e+00 : f32
      %broadcast_in_dim3A_154 = vector.broadcast %jit3A_153 : f32 to vector<256x16xf32>
      %select_n3A_155 = arith.select %is_finite3A_152, %get3A_145, %broadcast_in_dim3A_154 : vector<256x16xi1>, vector<256x16xf32>
      %is_finite3A_156 = tpu.weird %get3A_150 : vector<256x16xf32> -> vector<256x16xi1>
      %is_finite3A_157 = arith.constant dense<true> : vector<256x16xi1>
      %is_finite3A_158 = arith.xori %is_finite3A_156, %is_finite3A_157 : vector<256x16xi1>
      %jit3A_159 = arith.constant 0.000000e+00 : f32
      %broadcast_in_dim3A_160 = vector.broadcast %jit3A_159 : f32 to vector<256x16xf32>
      %select_n3A_161 = arith.select %is_finite3A_158, %get3A_150, %broadcast_in_dim3A_160 : vector<256x16xi1>, vector<256x16xf32>
      %dot_general3A = arith.constant dense<0.000000e+00> : vector<256x256xf32>
      %dot_general3A_162 = tpu.matmul %select_n3A_155, %select_n3A_161, %dot_general3A {dimension_numbers = #tpu.dot_dimension_numbers<[1], [1], [0], [0], [0, 0, 1, 0], [], []>, transpose_lhs_hint = false} : vector<256x16xf32>, vector<256x16xf32>, vector<256x256xf32> -> vector<256x256xf32>
      %mul3A_163 = arith.mulf %select_n3A_155, %select_n3A_155 : vector<256x16xf32>
      %reduce_sum3A = arith.constant dense<0.000000e+00> : vector<256xf32>
      %reduce_sum3A_164 = vector.multi_reduction <add>, %mul3A_163, %reduce_sum3A [1] : vector<256x16xf32> to vector<256xf32>
      %broadcast_in_dim3A_165 = vector.shape_cast %reduce_sum3A_164 : vector<256xf32> to vector<256x1xf32>
      %mul3A_166 = arith.mulf %select_n3A_161, %select_n3A_161 : vector<256x16xf32>
      %dot_general3A_167 = arith.constant dense<0.000000e+00> : vector<1x256xf32>
      %dot_general3A_168 = tpu.matmul %broadcast_in_dim3A_8, %mul3A_166, %dot_general3A_167 {dimension_numbers = #tpu.dot_dimension_numbers<[1], [1], [0], [0], [0, 0, 1, 0], [], []>, transpose_lhs_hint = false} : vector<1x16xf32>, vector<256x16xf32>, vector<1x256xf32> -> vector<1x256xf32>
      %add3A_169 = vector.broadcast %broadcast_in_dim3A_165 : vector<256x1xf32> to vector<256x256xf32>
      %add3A_170 = vector.broadcast %dot_general3A_168 : vector<1x256xf32> to vector<256x256xf32>
      %add3A_171 = arith.addf %add3A_169, %add3A_170 : vector<256x256xf32>
      %mul3A_172 = arith.constant 2.000000e+00 : f32
      %mul3A_173 = vector.broadcast %mul3A_172 : f32 to vector<256x256xf32>
      %mul3A_174 = arith.mulf %mul3A_173, %dot_general3A_162 : vector<256x256xf32>
      %sub3A_175 = arith.subf %add3A_171, %mul3A_174 : vector<256x256xf32>
      %max3A_176 = arith.constant 0.000000e+00 : f32
      %max3A_177 = vector.broadcast %max3A_176 : f32 to vector<256x256xf32>
      %max3A_178 = arith.maximumf %sub3A_175, %max3A_177 : vector<256x256xf32>
      %min3A = arith.constant 5.000000e+01 : f32
      %min3A_179 = vector.broadcast %min3A : f32 to vector<256x256xf32>
      %min3A_180 = arith.minimumf %max3A_178, %min3A_179 : vector<256x256xf32>
      %get3A_181 = arith.constant 0 : index
      %get3A_182 = arith.index_cast %mul3A_138 : i32 to index
      %get3A_183 = arith.constant 0 : index
      %get3A_184 = vector.load %arg5[%get3A_181, %get3A_182, %get3A_183] : memref<1x1280x1xi32, #tpu.memory_space<vmem>>, vector<1x256x1xi32>
      %get3A_185 = vector.shape_cast %get3A_184 : vector<1x256x1xi32> to vector<256x1xi32>
      %get3A_186 = arith.constant 0 : index
      %get3A_187 = arith.constant 0 : index
      %get3A_188 = arith.index_cast %mul3A_140 : i32 to index
      %get3A_189 = vector.load %arg4[%get3A_186, %get3A_187, %get3A_188] : memref<1x1x1280xi32, #tpu.memory_space<vmem>>, vector<1x1x256xi32>
      %get3A_190 = vector.shape_cast %get3A_189 : vector<1x1x256xi32> to vector<1x256xi32>
      %iota3A = tpu.iota {dimensions = array<i32: 0>} : vector<256x1xi32>
      %add3A_191 = vector.broadcast %mul3A_138 : i32 to vector<256x1xi32>
      %add3A_192 = arith.addi %iota3A, %add3A_191 : vector<256x1xi32>
      %iota3A_193 = tpu.iota {dimensions = array<i32: 1>} : vector<1x256xi32>
      %add3A_194 = vector.broadcast %mul3A_140 : i32 to vector<1x256xi32>
      %add3A_195 = arith.addi %iota3A_193, %add3A_194 : vector<1x256xi32>
      %lt3A_196 = vector.broadcast %convert_element_type3A_7 : i32 to vector<256x1xi32>
      %lt3A_197 = arith.cmpi slt, %add3A_192, %lt3A_196 : vector<256x1xi32>
      %lt3A_198 = vector.broadcast %convert_element_type3A_7 : i32 to vector<1x256xi32>
      %lt3A_199 = arith.cmpi slt, %add3A_195, %lt3A_198 : vector<1x256xi32>
      %and3A_200 = vector.broadcast %lt3A_197 : vector<256x1xi1> to vector<256x256xi1>
      %and3A_201 = vector.broadcast %lt3A_199 : vector<1x256xi1> to vector<256x256xi1>
      %and3A_202 = arith.andi %and3A_200, %and3A_201 : vector<256x256xi1>
      %ne3A_203 = vector.broadcast %get3A_185 : vector<256x1xi32> to vector<256x256xi32>
      %ne3A_204 = vector.broadcast %get3A_190 : vector<1x256xi32> to vector<256x256xi32>
      %ne3A_205 = arith.cmpi ne, %ne3A_203, %ne3A_204 : vector<256x256xi32>
      %and3A_206 = arith.andi %and3A_202, %ne3A_205 : vector<256x256xi1>
      %neg3A = arith.constant 0.000000e+00 : f32
      %neg3A_207 = vector.broadcast %neg3A : f32 to vector<256x256xf32>
      %neg3A_208 = arith.subf %neg3A_207, %min3A_180 : vector<256x256xf32>
      %exp3A = math.exp %neg3A_208 : vector<256x256xf32>
      %jit3A_209 = arith.constant 0.000000e+00 : f32
      %broadcast_in_dim3A_210 = vector.broadcast %jit3A_209 : f32 to vector<256x256xf32>
      %select_n3A_211 = arith.select %and3A_206, %exp3A, %broadcast_in_dim3A_210 : vector<256x256xi1>, vector<256x256xf32>
      %reduce_sum3A_212 = vector.shape_cast %select_n3A_211 : vector<256x256xf32> to vector<1x256x256xf32>
      %reduce_sum3A_213 = arith.constant dense<0.000000e+00> : vector<1xf32>
      %reduce_sum3A_214 = vector.multi_reduction <add>, %reduce_sum3A_212, %reduce_sum3A_213 [1, 2] : vector<1x256x256xf32> to vector<1xf32>
      %reduce_sum3A_215 = vector.shape_cast %reduce_sum3A_214 : vector<1xf32> to vector<1x1x1xf32>
      %reduce_sum3A_216 = vector.extract %reduce_sum3A_215[0, 0, 0] : f32 from vector<1x1x1xf32>
      %add3A_217 = arith.addf %while3A_99, %reduce_sum3A_216 : f32
      scf.yield %add3A_217 : f32
    }
    %le3A_42 = arith.constant 1024 : i32
    %le3A_43 = arith.cmpi sle, %convert_element_type3A_7, %le3A_42 : i32
    %get3A_44 = arith.index_cast %arg0 : i32 to index
    %get3A_45 = memref.load %arg2[%get3A_44] : memref<4xf32, #tpu.memory_space<smem>>
    %select_n3A_46 = arith.select %le3A_43, %while3A_41, %get3A_45 : f32
    %gt3A = arith.constant 0.000000e+00 : f32
    %gt3A_47 = arith.cmpf ogt, %get3A_6, %gt3A : f32
    %max3A = arith.constant 1.000000e+00 : f32
    %max3A_48 = arith.maximumf %get3A_6, %max3A : f32
    %div3A_49 = arith.divf %select_n3A_46, %max3A_48 : f32
    %mul3A_50 = arith.constant 1.500000e+00 : f32
    %mul3A_51 = arith.mulf %div3A_49, %mul3A_50 : f32
    %jit3A_52 = arith.constant 0.000000e+00 : f32
    %select_n3A_53 = arith.select %gt3A_47, %mul3A_51, %jit3A_52 : f32
    %get3A_54 = arith.index_cast %arg0 : i32 to index
    %get3A_55 = arith.constant 0 : index
    %get3A_56 = memref.load %arg1[%get3A_54, %get3A_55] : memref<4x8xf32, #tpu.memory_space<smem>>
    %get3A_57 = arith.index_cast %arg0 : i32 to index
    %get3A_58 = arith.constant 1 : index
    %get3A_59 = memref.load %arg1[%get3A_57, %get3A_58] : memref<4x8xf32, #tpu.memory_space<smem>>
    %get3A_60 = arith.index_cast %arg0 : i32 to index
    %get3A_61 = arith.constant 2 : index
    %get3A_62 = memref.load %arg1[%get3A_60, %get3A_61] : memref<4x8xf32, #tpu.memory_space<smem>>
    %get3A_63 = arith.constant 0 : index
    %get3A_64 = memref.load %arg10[%get3A_63] : memref<8xf32, #tpu.memory_space<smem>>
    %add3A_65 = arith.addf %get3A_56, %get3A_59 : f32
    %add3A_66 = arith.addf %add3A_65, %select_n3A_53 : f32
    %mul3A_67 = arith.mulf %get3A_62, %add3A_66 : f32
    %add3A_68 = arith.addf %get3A_64, %mul3A_67 : f32
    %swap3A = arith.constant 0 : index
    %swap3A_69 = memref.load %arg10[%swap3A] : memref<8xf32, #tpu.memory_space<smem>>
    memref.store %add3A_68, %arg10[%swap3A] : memref<8xf32, #tpu.memory_space<smem>>
    %get3A_70 = arith.constant 1 : index
    %get3A_71 = memref.load %arg10[%get3A_70] : memref<8xf32, #tpu.memory_space<smem>>
    %mul3A_72 = arith.mulf %get3A_62, %get3A_56 : f32
    %add3A_73 = arith.addf %get3A_71, %mul3A_72 : f32
    %swap3A_74 = arith.constant 1 : index
    %swap3A_75 = memref.load %arg10[%swap3A_74] : memref<8xf32, #tpu.memory_space<smem>>
    memref.store %add3A_73, %arg10[%swap3A_74] : memref<8xf32, #tpu.memory_space<smem>>
    %get3A_76 = arith.constant 2 : index
    %get3A_77 = memref.load %arg10[%get3A_76] : memref<8xf32, #tpu.memory_space<smem>>
    %mul3A_78 = arith.mulf %get3A_62, %get3A_59 : f32
    %add3A_79 = arith.addf %get3A_77, %mul3A_78 : f32
    %swap3A_80 = arith.constant 2 : index
    %swap3A_81 = memref.load %arg10[%swap3A_80] : memref<8xf32, #tpu.memory_space<smem>>
    memref.store %add3A_79, %arg10[%swap3A_80] : memref<8xf32, #tpu.memory_space<smem>>
    %get3A_82 = arith.constant 3 : index
    %get3A_83 = memref.load %arg10[%get3A_82] : memref<8xf32, #tpu.memory_space<smem>>
    %mul3A_84 = arith.mulf %get3A_62, %select_n3A_53 : f32
    %add3A_85 = arith.addf %get3A_83, %mul3A_84 : f32
    %swap3A_86 = arith.constant 3 : index
    %swap3A_87 = memref.load %arg10[%swap3A_86] : memref<8xf32, #tpu.memory_space<smem>>
    memref.store %add3A_85, %arg10[%swap3A_86] : memref<8xf32, #tpu.memory_space<smem>>
    %get3A_88 = arith.constant 4 : index
    %get3A_89 = memref.load %arg10[%get3A_88] : memref<8xf32, #tpu.memory_space<smem>>
    %add3A_90 = arith.addf %get3A_89, %get3A_62 : f32
    %swap3A_91 = arith.constant 4 : index
    %swap3A_92 = memref.load %arg10[%swap3A_91] : memref<8xf32, #tpu.memory_space<smem>>
    memref.store %add3A_90, %arg10[%swap3A_91] : memref<8xf32, #tpu.memory_space<smem>>
    %eq3A_93 = arith.constant 3 : i32
    %eq3A_94 = arith.cmpi eq, %arg0, %eq3A_93 : i32
    %convert_element_type3A_95 = arith.extui %eq3A_94 : i1 to i32
    %cond3A_96 = arith.constant 0 : i32
    %cond3A_97 = arith.cmpi ne, %convert_element_type3A_95, %cond3A_96 : i32
    scf.if %cond3A_97 {
      %get3A_98 = arith.constant 4 : index
      %get3A_99 = memref.load %arg10[%get3A_98] : memref<8xf32, #tpu.memory_space<smem>>
      %max3A_100 = arith.constant 1.000000e+00 : f32
      %max3A_101 = arith.maximumf %get3A_99, %max3A_100 : f32
      %gt3A_102 = arith.constant 0.000000e+00 : f32
      %gt3A_103 = arith.cmpf ogt, %get3A_99, %gt3A_102 : f32
      %div3A_104 = arith.constant 1.000000e+00 : f32
      %div3A_105 = arith.divf %div3A_104, %max3A_101 : f32
      %jit3A_106 = arith.constant 0.000000e+00 : f32
      %select_n3A_107 = arith.select %gt3A_103, %div3A_105, %jit3A_106 : f32
      %broadcast_in_dim3A_108 = arith.constant 1.000000e+00 : f32
      %broadcast_in_dim3A_109 = vector.broadcast %broadcast_in_dim3A_108 : f32 to vector<1x1xf32>
      %get3A_110 = arith.constant 0 : index
      %get3A_111 = memref.load %arg10[%get3A_110] : memref<8xf32, #tpu.memory_space<smem>>
      %mul3A_112 = arith.mulf %get3A_111, %select_n3A_107 : f32
      %mul3A_113 = vector.broadcast %mul3A_112 : f32 to vector<1x1xf32>
      %mul3A_114 = arith.mulf %broadcast_in_dim3A_109, %mul3A_113 : vector<1x1xf32>
      %swap3A_115 = arith.constant 0 : index
      %swap3A_116 = arith.constant 0 : index
      %swap3A_117 = vector.load %arg6[%swap3A_115, %swap3A_116] : memref<1x1xf32, #tpu.memory_space<vmem>>, vector<1x1xf32>
      tpu.vector_store %arg6[%swap3A_115, %swap3A_116], %mul3A_114 {strides = array<i32>} : memref<1x1xf32, #tpu.memory_space<vmem>>, vector<1x1xf32>,
      %get3A_118 = arith.constant 1 : index
      %get3A_119 = memref.load %arg10[%get3A_118] : memref<8xf32, #tpu.memory_space<smem>>
      %mul3A_120 = arith.mulf %get3A_119, %select_n3A_107 : f32
      %mul3A_121 = vector.broadcast %mul3A_120 : f32 to vector<1x1xf32>
      %mul3A_122 = arith.mulf %broadcast_in_dim3A_109, %mul3A_121 : vector<1x1xf32>
      %swap3A_123 = arith.constant 0 : index
      %swap3A_124 = arith.constant 0 : index
      %swap3A_125 = vector.load %arg7[%swap3A_123, %swap3A_124] : memref<1x1xf32, #tpu.memory_space<vmem>>, vector<1x1xf32>
      tpu.vector_store %arg7[%swap3A_123, %swap3A_124], %mul3A_122 {strides = array<i32>} : memref<1x1xf32, #tpu.memory_space<vmem>>, vector<1x1xf32>,
      %get3A_126 = arith.constant 2 : index
      %get3A_127 = memref.load %arg10[%get3A_126] : memref<8xf32, #tpu.memory_space<smem>>
      %mul3A_128 = arith.mulf %get3A_127, %select_n3A_107 : f32
      %mul3A_129 = vector.broadcast %mul3A_128 : f32 to vector<1x1xf32>
      %mul3A_130 = arith.mulf %broadcast_in_dim3A_109, %mul3A_129 : vector<1x1xf32>
      %swap3A_131 = arith.constant 0 : index
      %swap3A_132 = arith.constant 0 : index
      %swap3A_133 = vector.load %arg8[%swap3A_131, %swap3A_132] : memref<1x1xf32, #tpu.memory_space<vmem>>, vector<1x1xf32>
      tpu.vector_store %arg8[%swap3A_131, %swap3A_132], %mul3A_130 {strides = array<i32>} : memref<1x1xf32, #tpu.memory_space<vmem>>, vector<1x1xf32>,
      %get3A_134 = arith.constant 3 : index
      %get3A_135 = memref.load %arg10[%get3A_134] : memref<8xf32, #tpu.memory_space<smem>>
      %mul3A_136 = arith.mulf %get3A_135, %select_n3A_107 : f32
      %mul3A_137 = vector.broadcast %mul3A_136 : f32 to vector<1x1xf32>
      %mul3A_138 = arith.mulf %broadcast_in_dim3A_109, %mul3A_137 : vector<1x1xf32>
      %swap3A_139 = arith.constant 0 : index
      %swap3A_140 = arith.constant 0 : index
      %swap3A_141 = vector.load %arg9[%swap3A_139, %swap3A_140] : memref<1x1xf32, #tpu.memory_space<vmem>>, vector<1x1xf32>
      tpu.vector_store %arg9[%swap3A_139, %swap3A_140], %mul3A_138 {strides = array<i32>} : memref<1x1xf32, #tpu.memory_space<vmem>>, vector<1x1xf32>,
    } else {
    }
    return
  }
  func.func @transform_0(%arg0: i32) -> (i32, i32) {
    %c0_i32 = arith.constant 0 : i32
    %c0_i32_0 = arith.constant 0 : i32
    %c0_i32_1 = arith.constant 0 : i32
    return %c0_i32, %c0_i32_0 : i32, i32
  }
  func.func @transform_1(%arg0: i32) -> i32 {
    %c0_i32 = arith.constant 0 : i32
    %c0_i32_0 = arith.constant 0 : i32
    return %c0_i32 : i32
  }
  func.func @transform_2(%arg0: i32) -> (i32, i32, i32) {
    %c0_i32 = arith.constant 0 : i32
    %c0_i32_0 = arith.constant 0 : i32
    %c0_i32_1 = arith.constant 0 : i32
    return %arg0, %c0_i32, %c0_i32_0 : i32, i32, i32
  }
  func.func @transform_3(%arg0: i32) -> (i32, i32, i32) {
    %c0_i32 = arith.constant 0 : i32
    %c0_i32_0 = arith.constant 0 : i32
    %c0_i32_1 = arith.constant 0 : i32
    return %arg0, %c0_i32, %c0_i32_0 : i32, i32, i32
  }
  func.func @transform_4(%arg0: i32) -> (i32, i32, i32) {
    %c0_i32 = arith.constant 0 : i32
    %c0_i32_0 = arith.constant 0 : i32
    %c0_i32_1 = arith.constant 0 : i32
    return %arg0, %c0_i32, %c0_i32_0 : i32, i32, i32
  }
  func.func @transform_5(%arg0: i32) -> (i32, i32) {
    %c0_i32 = arith.constant 0 : i32
    %c0_i32_0 = arith.constant 0 : i32
    %c0_i32_1 = arith.constant 0 : i32
    return %c0_i32, %c0_i32_0 : i32, i32
  }
  func.func @transform_6(%arg0: i32) -> (i32, i32) {
    %c0_i32 = arith.constant 0 : i32
    %c0_i32_0 = arith.constant 0 : i32
    %c0_i32_1 = arith.constant 0 : i32
    return %c0_i32, %c0_i32_0 : i32, i32
  }
  func.func @transform_7(%arg0: i32) -> (i32, i32) {
    %c0_i32 = arith.constant 0 : i32
    %c0_i32_0 = arith.constant 0 : i32
    %c0_i32_1 = arith.constant 0 : i32
    return %c0_i32, %c0_i32_0 : i32, i32
  }
  func.func @transform_8(%arg0: i32) -> (i32, i32) {
    %c0_i32 = arith.constant 0 : i32
    %c0_i32_0 = arith.constant 0 : i32
    %c0_i32_1 = arith.constant 0 : i32
    return %c0_i32, %c0_i32_0 : i32, i32
  }
}

</mosaic_0001>

<sc_bundles>
// kernel: kernel.5.cloned.1.call-start
scs
__scs_entry_jumppad:
0x0: {  	(pc) =	sbr.rel $0x88, $3  }
0x1: {  	(tag) =	ssettag $0x0;
	lr =	simm.s32 $0x1  }
0x2: {  	[smem:$0x3F9D] =	sst lr;
	_ =	strace $0xD0000000  }
0x3: {  	_ = 	snop  }
0x4: {  	_ = 	snop  }
0x5: {  	_ = 	snop  }
0x6: {  	_ = 	snop  }
0x7: {  	_ = 	snop  }
__scs_overlays_trampoline_lowered:
0x8: {  	[smem:$0x3FAC] =	sst s0  }
0x9: {  	[smem:$0x3FAD] =	sst s1  }
0xa: {  	[smem:$0x3FAE] =	sst s2  }
0xb: {  	[smem:$0x3FAF] =	sst s3  }
0xc: {  	[smem:$0x3FB0] =	sst s4  }
0xd: {  	[smem:$0x3FB1] =	sst s5  }
0xe: {  	[smem:$0x3FB2] =	sst s6  }
0xf: {  	[smem:$0x3FB3] =	sst s7  }
0x10: {  	[smem:$0x3FB4] =	sst s8  }
0x11: {  	[smem:$0x3FB5] =	sst s9;
	s0 =	simm.s32 @!p0 $0x0  }
0x12: {  	s1 =	sld [smem:$0x3F9B];
	s0 =	simm.s32 @p0 $0x1  }
0x13: {  	[smem:$0x3FB6] =	sst s0;
	s0 =	simm.s32 @!p1 $0x0  }
0x14: {  	s2 =	sld [smem:$0x3F9A];
	s0 =	simm.s32 @p1 $0x1  }
0x15: {  	[smem:$0x3FB7] =	sst s0;
	s0 =	simm.s32 @!p2 $0x0  }
0x16: {  	s3 =	sld [smem:$0x3FDB];
	s0 =	simm.s32 @p2 $0x1  }
0x17: {  	s4 =	simm.s32 $0x1BF5;
	[smem:$0x3FB9] =	sst s0  }
0x18: {  	s0 =	sld [smem:$0x3F9C];
	_ =	swait.ge [sflag:s4], $0x0  }
0x19: {  	s7 =	sld [smem:$0x3F9D]  }
0x1a: {  	s8 =	sadd.s32 $0xFFFFE003, lr  }
0x1b: {  	s9 =	sadd.s32 $0xFFFFFEF7, lr;
	s5 =	simm.s32 $0xFFFFFFFF;
	p2 =	slt.u32 s8, $0xFFFFF086  }
0x1c: {  	p1 =	slt.u32 s9, $0xF7A;
	s5 =	simm.s32 @!p2 $0x0  }
0x1d: {  	s5 =	simm.s32 @p1 $0x1;
	p0 =	seq.s32 s7, s2  }
0x1e: {  	s7 =	smul.u32 @!p0 $0xF7A, s2;
	p2 =	seq.s32 @!p0 s5, $0x0  }
0x1f: {  	s9 =	smul.u32 $0xF7A, s1;
	s8 =	simm.s32 @!p0 $0x1BF5;
	p2 =	por !p2, p0  }
0x20: {  	[sflag:s8] =	ssyncset.s32 @!p0 $0xFFFFF086;
	s6 =	sadd.s32 @!p0 s3, s7;
	s7 =	simm.s32 @!p0 $0x108  }
0x21: {  	s3 =	sadd.s32 s3, s9;
	s6 =	sadd.s32 @!p0 $0x88, s6;
	s7 =	simm.s32 @p2 $0x1082  }
0x22: {  	[simem:s7], [sflag:s8] =	dma.local @!p0 [hbm:s6], $0xF7A  }
0x23: {  	s9 =	sor.u32 $0xD0000000, s2;
	s6 =	simm.s32 $0x108;
	_ =	swait.ge @!p0 [sflag:s8], $0x0  }
0x24: {  	s3 =	sadd.s32 $0x88, s3;
	s6 =	simm.s32 @!p1 $0x1082;
	[sflag:s4] =	ssyncset.s32 $0xFFFFF086  }
0x25: {  	[simem:s6], [sflag:s4] =	dma.local [hbm:s3], $0xF7A  }
0x26: {  	[smem:$0x3F9D] =	sst s1;
	(tag) =	ssettag s2;
	_ =	strace s9  }
0x27: {  	s1 =	sld [smem:$0x3FAD]  }
0x28: {  	s2 =	sld [smem:$0x3FAE]  }
0x29: {  	s4 =	sld [smem:$0x3FB0]  }
0x2a: {  	p0 =	seq.s32 s5, $0x0;
	s5 =	sld [smem:$0x3FB1]  }
0x2b: {  	s6 =	sld [smem:$0x3FB2]  }
0x2c: {  	s7 =	sld [smem:$0x3FB3]  }
0x2d: {  	s3 =	simm.s32 $0x108;
	s8 =	sld [smem:$0x3FB4]  }
0x2e: {  	s3 =	simm.s32 @!p0 $0x1082;
	s9 =	sld [smem:$0x3FB5]  }
0x2f: {  	lr =	sadd.s32 s0, s3;
	s0 =	sld [smem:$0x3FAC]  }
0x30: {  	s3 =	sld [smem:$0x3FAF]  }
0x31: {  	[smem:$0x3FB8] =	sst s10  }
0x32: {  	s10 =	sld [smem:$0x3FB6];
	_ =	sdelay $0x3  }
0x33: {  	p0 =	seq.s32 s10, $0x1;
	s10 =	sld [smem:$0x3FB8];
	_ =	sdelay $0x3  }
0x34: {  	[smem:$0x3FB8] =	sst s10  }
0x35: {  	s10 =	sld [smem:$0x3FB7];
	_ =	sdelay $0x3  }
0x36: {  	p1 =	seq.s32 s10, $0x1;
	s10 =	sld [smem:$0x3FB8];
	_ =	sdelay $0x3  }
0x37: {  	[smem:$0x3FB8] =	sst s10  }
0x38: {  	s10 =	sld [smem:$0x3FB9]  }
0x39: {  	_ = 	snop;
	(pc) =	sbr.ind lr, $3  }
0x3a: {  	_ = 	snop  }
0x3b: {  	_ = 	snop  }
0x3c: {  	p2 =	seq.s32 s10, $0x1;
	s10 =	sld [smem:$0x3FB8]  }
0x3d: {  	_ =	shalt  }
0x3e: {  	_ =	shalt  }
0x3f: {  	_ =	shalt  }
0x40: {  	_ =	shalt  }
0x41: {  	_ =	shalt  }
0x42: {  	_ =	shalt  }
0x43: {  	_ =	shalt  }
0x44: {  	_ =	shalt  }
0x45: {  	_ =	shalt  }
0x46: {  	_ =	shalt  }
0x47: {  	_ =	shalt  }
0x48: {  	_ =	shalt  }
0x49: {  	_ =	shalt  }
0x4a: {  	_ =	shalt  }
0x4b: {  	_ =	shalt  }
0x4c: {  	_ =	shalt  }
0x4d: {  	_ =	shalt  }
0x4e: {  	_ =	shalt  }
0x4f: {  	_ =	shalt  }
0x50: {  	_ =	shalt  }
0x51: {  	_ =	shalt  }
0x52: {  	_ =	shalt  }
0x53: {  	_ =	shalt  }
0x54: {  	_ =	shalt  }
0x55: {  	_ =	shalt  }
0x56: {  	_ =	shalt  }
0x57: {  	_ =	shalt  }
0x58: {  	_ =	shalt  }
0x59: {  	_ =	shalt  }
0x5a: {  	_ =	shalt  }
0x5b: {  	_ =	shalt  }
0x5c: {  	_ =	shalt  }
0x5d: {  	_ =	shalt  }
0x5e: {  	_ =	shalt  }
0x5f: {  	_ =	shalt  }
0x60: {  	_ =	shalt  }
0x61: {  	_ =	shalt  }
0x62: {  	_ =	shalt  }
0x63: {  	_ =	shalt  }
0x64: {  	_ =	shalt  }
0x65: {  	_ =	shalt  }
0x66: {  	_ =	shalt  }
0x67: {  	_ =	shalt  }
0x68: {  	_ =	shalt  }
0x69: {  	_ =	shalt  }
0x6a: {  	_ =	shalt  }
0x6b: {  	_ =	shalt  }
0x6c: {  	_ =	shalt  }
0x6d: {  	_ =	shalt  }
0x6e: {  	_ =	shalt  }
0x6f: {  	_ =	shalt  }
0x70: {  	_ =	shalt  }
0x71: {  	_ =	shalt  }
0x72: {  	_ =	shalt  }
0x73: {  	_ =	shalt  }
0x74: {  	_ =	shalt  }
0x75: {  	_ =	shalt  }
0x76: {  	_ =	shalt  }
0x77: {  	_ =	shalt  }
0x78: {  	_ =	shalt  }
0x79: {  	_ =	shalt  }
0x7a: {  	_ =	shalt  }
0x7b: {  	_ =	shalt  }
0x7c: {  	_ =	shalt  }
0x7d: {  	_ =	shalt  }
0x7e: {  	_ =	shalt  }
0x7f: {  	_ =	shalt  }
0x80: {  	_ =	shalt  }
0x81: {  	_ =	shalt  }
0x82: {  	_ =	shalt  }
0x83: {  	_ =	shalt  }
0x84: {  	_ =	shalt  }
0x85: {  	_ =	shalt  }
0x86: {  	_ =	shalt  }
0x87: {  	_ =	shalt  }
.Lfunc_end0:
.L_simem_size_0:
called_computation_lowered:
.L_overlay_start_0:
0x88: {  	s2 =	sld [smem:$0x3FD9]  }
0x89: {  	s3 =	sld [smem:$0x3FFE];
	_ =	sdelay $0x1  }
0x8a: {  	s1 =	srdreg.scid  }
0x8b: {  	s0 =	sand.u32 $0x1, s1  }
0x8c: {  	s16 =	sshll.u32 s0, $0xA;
	s2 =	sadd.s32 s3, s2  }
0x8d: {  	s2 =	sadd.s32 s2, s16  }
0x8e: {  	[smem:$0x3FC4] =	sst s2  }
0x8f: {  	_ = 	snop  }
0x90: {  	(tm) =	ssettm $0x1  }
0x91: {  	s17 =	sld [smem:$0x3FFB];
	_ =	sdelay $0x3  }
0x92: {  	_ =	strace s17  }
0x93: {  	s2 =	sld [smem:$0x3FFC];
	_ =	sdelay $0x3  }
0x94: {  	_ =	strace s2  }
0x95: {  	s2 =	sld [smem:$0x3FFD];
	_ =	sdelay $0x3  }
0x96: {  	_ =	strace s2  }
0x97: {  	_ =	strace $0x8FFFFFFF  }
0x98: {  	s18 =	sld [smem:$0x3FDB];
	_ =	sdelay $0x1  }
0x99: {  	s19 =	simm.s32 $_scs_section_size  }
0x9a: {  	s4 =	simm.s32 $_size__tile_overlayer_lowered;
	s5 =	simm.s32 $_tile_overlayer_lowered  }
0x9b: {  	s22 =	simm.s32 $0x1BFF;
	s21 =	sshll.u32 s5, $0x1;
	s2 =	sadd.s32 s19, s18  }
0x9c: {  	s6 =	simm.s32 $0x0;
	s20 =	sshll.u32 s4, $0x1;
	s4 =	sadd.s32 s21, s2  }
0x9d: {  	[timem:s6], [sflag:s22] =	dma.local [hbm:s4], s20  }
0x9e: {  	_ =	swait.ge [sflag:s22], s20  }
0x9f: {  	s3 =	ssub.s32 $0x0, s20;
	[sflag:s22] =	ssyncset.done $0x0  }
0xa0: {  	[sflag:s22] =	ssyncadd.s32 s3;
	_ =	sdelay $0x1  }
0xa1: {  	s23 =	simm.s32 $0x1B8B  }
0xa2: {  	_ =	swait.ge [sflag:s23], $0x1  }
0xa3: {  	[sflag:s23] =	ssyncset.done $0x0  }
0xa4: {  	s25 =	simm.s32 $0x1B8E;
	s24 =	sld [smem:$0x3FFE];
	[sflag:s23] =	ssyncadd.s32 $0xFFFFFFFF  }
0xa5: {  	s26 =	simm.s32 $execute0_lowered;
	[smem:$0x3FD2] =	sst s25  }
0xa6: {  	s4 =	sshll.u32 s26, $0x1;
	_ =	strace $0x80000046;
	[dreg:$0x1] =	wrdreg $0xFFFFFFFF  }
0xa7: {  	s28 =	simm.s32 $_size_execute0_lowered;
	s2 =	sadd.s32 s2, s4;
	[dreg:$0x0] =	wrdreg $0x0  }
0xa8: {  	s4 =	sshll.u32 s28, $0x1;
	[dreg:$0x2] =	wrdreg s2  }
0xa9: {  	[dreg:$0x3] =	wrdreg s4  }
0xaa: {  	[dreg:$0x4] =	wrdreg $0xC0  }
0xab: {  	_ =	task [dreg:s6], $0x5FFFF  }
0xac: {  	[dreg:$0x1] =	wrdreg $0xFFFFFFFF  }
0xad: {  	[dreg:$0x0] =	wrdreg $0x60  }
0xae: {  	[dreg:$0x2] =	wrdreg s24  }
0xaf: {  	[dreg:$0x3] =	wrdreg $0x10100  }
0xb0: {  	[dreg:$0x4] =	wrdreg $0x9  }
0xb1: {  	_ =	task.clear_ibuf [dreg:s6], $0x5FFFF;
	_ =	strace $0x90000046  }
0xb2: {  	s29 =	simm.s32 $0x9;
	_ =	strace $0x80000048  }
0xb3: {  	_ =	swait.ge [sflag:s29], $0x1  }
0xb4: {  	[sflag:s29] =	ssyncadd.s32 $0xFFFFFFFF  }
0xb5: {  	_ =	strace $0x90000048  }
0xb6: {  	_ =	sfence  }
0xb7: {  	s30 =	sld [smem:$0x0];
	_ =	sdelay $0x2  }
0xb8: {  	s31 =	sshll.u32 s1, $0xD;
	s1 =	sshrl.u32 s1, $0x2  }
0xb9: {  	s3 =	sand.u32 $0x4000, s31;
	s1 =	sadd.s32 s1, s30  }
0xba: {  	s0 =	sor.u32 s3, s0;
	s1 =	sshll.u32 s1, $0x11  }
0xbb: {  	s0 =	sor.u32 s1, s0  }
0xbc: {  	s0 =	sadd.s32 $0x8F2B, s0  }
0xbd: {  	[sflag:s0] =	ssyncadd.remote.s32 $0x1  }
0xbe: {  	_ =	sfence.sel $0xFFFF  }
0xbf: {  	[dreg:$0x0] =	wrdreg $0xFFFFFFFF;
	(pc) =	sbr.abs _section_cstart, $3  }
0xc0: {  	[dreg:$0x1] =	wrdreg $0xFFFFFFFF  }
0xc1: {  	_ =	task.clear_ibuf [dreg:s6], $0x2FFFF;
	_ =	strace $0x9FFFFFFF  }
0xc2: {  	(tm) =	ssettm $0x7FFFFFFF  }
0xc3: {  	_ =	shalt  }
tec
execute0_lowered:
.L_overlay_start_1:
0x0: {  	(tag) =	ssettag $0x1  }
0x1: {  	s1 =	srdreg.scid  }
0x2: {  	s0 =	stileid.u32;
	s7 =	rddreg [dreg:$0x0];
	s4 =	simm.s32 $0x0  }
0x3: {  	s14 =	simm.s32 $0x400;
	s15 =	simm.s32 $0x800;
	s16 =	simm.s32 $0xC00  }
0x4: {  	s18 =	simm.s32 $0x2;
	s19 =	simm.s32 $0x1020;
	s23 =	simm.s32 $0x11A0  }
0x5: {  	s24 =	simm.s32 $0x1A20;
	s25 =	simm.s32 $0x0;
	s5 =	sand.u32 $0x1, s1  }
0x6: {  	s2 =	sshrl.u32 s0, $0x3;
	s17 =	sand.u32 $0x7, s0;
	[smem:$0x7FF] =	sst s4  }
0x7: {  	s31 =	sshll.u32 s0, $0x4;
	s13 =	sand.u32 $0x8, s0;
	s1 =	sshll.u32 s5, $0x1  }
0x8: {  	s3 =	sshll.u32 s17, $0xA;
	s9 =	ssub.s32 $0x2, s5;
	s5 =	sadd.s32 $0x2E00, s7  }
0x9: {  	v0 =	vlaneseq.u32;
	v2 =	vmov s13;
	s13 =	simm.s32 $0x1;
	v6 =	vmov s17;
	s17 =	simm.s32 $0x1000;
	s8 =	sor.u32 s2, s1  }
0xa: {  	v1 =	vand.u32 $0x7, v0;
	s2 =	rddreg [dreg:$0x1];
	_ =	strace $0x80000047;
	s11 =	sshrl.u32 s9, $0x1  }
0xb: {  	v1 =	vmul.u32 $0x10, v1;
	s20 =	sshll.u32 s8, $0xD;
	s12 =	ssub.s32 s9, s11;
	s8 =	smul.u32 $0x500, s8  }
.Ltmp0:
0xc: {  	v2 =	vshll.u32 v2, $0x4;
	s11 =	sadd.s32 s31, s2;
	s6 =	sor.u32 s3, s20;
	(pc) =	sbr.rel .LBB2_1-.Ltmp0, $4  }
0xd: {  	v1 =	vor.u32 v1, v2;
	s12 =	smax.u32 s12, $0x1;
	v2 =	vmov s20;
	s20 =	simm.s32 $0x80;
	s6 =	sshrl.u32 s6, $0x3  }
0xe: {  	s21 =	sadd.s32 $0x400, s8;
	s22 =	sadd.s32 $0x4FF, s8;
	s10 =	sadd.s32 s6, s7  }
0xf: {  	v5 =	vimm.s32 $0x0;
	s6 =	sadd.s32 $0x12E00, s7;
	s7 =	sadd.s32 $0x15600, s7;
	v3 =	vmov s21;
	s21 =	simm.s32 $0x1120  }
0x10: {  	vm1 =	vmmov $0xff;
	vm0 =	vgt.u32 v6, v0;
	v4 =	vmov s22;
	s22 =	simm.s32 $0x1220;
	s9 =	sadd.s32 $0xE00, s10;
	s10 =	sadd.s32 $0x1E00, s10  }
.LBB2_5:
0x11: {  	s25 =	sadd.s32 $0x1, s25  }
0x12: {  	p0 =	sne.s32 s25, s12  }
.Ltmp1:
0x13: {  	_ = 	snop;
	(pc) =	sbr.rel @!p0 .LBB2_6-.Ltmp1, $1  }
0x14: {  	_ =	sdelay $0x3  }
.LBB2_1:
0x15: {  	[tilespmem:s4], [sflag:$0x1] =	stream.linear.gather [hbm4b:s9+s4], $0x400, $0x38;
	[tilespmem:$0x1AA0] =	vst v63  }
0x16: {  	_ =	swait.ge [sflag:s13], $0x400  }
0x17: {  	[sflag:s13] =	ssyncset.done $0x0  }
0x18: {  	[sflag:s13] =	ssyncadd.s32 $0xFFFFFC00  }
0x19: {  	[tilespmem:s14], [sflag:$0x1] =	stream.linear.gather [hbm4b:s10+s4], $0x400, $0x38;
	[tilespmem:$0x1AA0] =	vst v63  }
0x1a: {  	_ =	swait.ge [sflag:s13], $0x400  }
0x1b: {  	[sflag:s13] =	ssyncset.done $0x0  }
0x1c: {  	s26 =	simm.s32 $0x0;
	[sflag:s13] =	ssyncadd.s32 $0xFFFFFC00  }
0x1d: {  	v6 =	vld [tilespmem:s26+$0x0];
	_ =	sdelay $0x4  }
0x1e: {  	vm2 =	veq.s32 v6, $0x1  }
0x1f: {  	v6 =	vsel vm2, $0x1, v5  }
0x20: {  	(xrf0) =	vadd.scan.msk.s32 $0xffff, v6;
	_ =	sdelay $0x4  }
0x21: {  	v6 =	vsel vm2, $0xFFFFFFFF, v5  }
0x22: {  	v6 =	vadd.s32 s4, v6;
	v7, _, _ =	vpop (xrf0)  }
0x23: {  	v6 =	vadd.s32 v7, v6;
	(v2sf) =	vpush v7, $0xF  }
0x24: {  	v8 =	vld [tilespmem:s26+$0x400];
	_ =	sdelay $0x1  }
0x25: {  	[tilespmem:s26+$0x800] =	vst v5  }
0x26: {  	v9 =	vor.u32 s3, v0;
	[tilespmem:s26+$0xC00] =	vst v5  }
0x27: {  	s30 =	simm.s32 $0x80;
	[tilespmem:v6+s15+$0x0] =	vst.idx.msk vm2, v9  }
0x28: {  	s29 =	simm.s32 $0x0;
	s28 =	smov.u32 s3;
	s26 =	simm.s32 $0x10;
	[tilespmem:v6+s16+$0x0] =	vst.idx.msk vm2, v8  }
.LBB2_2:
0x29: {  	p0 =	sne.s32 s30, $0xFC0;
	v6 =	vld [tilespmem:s26+$0x0];
	_ =	sdelay $0x4  }
0x2a: {  	vm2 =	veq.s32 v6, $0x1  }
0x2b: {  	v6 =	vsel vm2, $0xFFFFFFFF, v5;
	v7 =	vsel vm2, $0x1, v5  }
0x2c: {  	(xrf0) =	vadd.scan.msk.s32 $0xffff, v7  }
0x2d: {  	s31 =	spop (v2sf)  }
0x2e: {  	s29 =	sadd.s32 s29, s31  }
0x2f: {  	v6 =	vadd.s32 s29, v6;
	_ =	sdelay $0x2  }
0x30: {  	v7, _, _ =	vpop (xrf0)  }
0x31: {  	v6 =	vadd.s32 v7, v6;
	(v2sf) =	vpush v7, $0xF  }
0x32: {  	v7 =	vld [tilespmem:s26+$0x400]  }
.Ltmp2:
0x33: {  	(pc) =	sbr.rel @p0 .LBB2_2-.Ltmp2, $4  }
0x34: {  	s28 =	sadd.s32 $0x10, s28;
	[tilespmem:s26+$0x800] =	vst v5  }
0x35: {  	v8 =	vor.u32 s28, v0;
	[tilespmem:s26+$0xC00] =	vst v5  }
0x36: {  	[tilespmem:v6+s15+$0x0] =	vst.idx.msk vm2, v8  }
0x37: {  	s26 =	sshra.s32 s30, $0x2;
	s30 =	sadd.s32 $0x40, s30;
	[tilespmem:v6+s16+$0x0] =	vst.idx.msk vm2, v7  }
0x38: {  	v6 =	vld [tilespmem:s26+$0x0];
	_ =	sdelay $0x4  }
0x39: {  	vm2 =	veq.s32 v6, $0x1  }
0x3a: {  	v6 =	vsel vm2, $0x1, v5  }
0x3b: {  	(xrf0) =	vadd.scan.msk.s32 $0xffff, v6;
	_ =	sdelay $0x5  }
0x3c: {  	v6, _, _ =	vpop (xrf0)  }
0x3d: {  	(v2sf) =	vpush v6, $0xF;
	_ =	sdelay $0x7  }
0x3e: {  	s30 =	spop (v2sf)  }
0x3f: {  	v7 =	vsel vm2, $0xFFFFFFFF, v5;
	s29 =	sadd.s32 s29, s30  }
0x40: {  	v7 =	vadd.s32 s29, v7  }
0x41: {  	v6 =	vadd.s32 v6, v7  }
0x42: {  	v7 =	vld [tilespmem:s26+$0x400];
	_ =	sdelay $0x1  }
0x43: {  	[tilespmem:s26+$0x800] =	vst v5;
	s28 =	sadd.s32 $0x10, s28  }
0x44: {  	[tilespmem:s26+$0xC00] =	vst v5;
	v8 =	vor.u32 s28, v0;
	s30 =	spop (v2sf)  }
0x45: {  	[tilespmem:v6+s15+$0x0] =	vst.idx.msk vm2, v8;
	s28 =	sadd.s32 s29, s30  }
0x46: {  	[tilespmem:v6+s16+$0x0] =	vst.idx.msk vm2, v7;
	v6 =	vmov s28  }
0x47: {  	[tilespmem:$0x1000] =	vst v6  }
0x48: {  	[spmem:s11] =	stream.linear.scatter [tilespmem:s17], [sflag:$0x2], $0x10, $0x38;
	[tilespmem:$0x1AA0] =	vst v63  }
0x49: {  	_ =	swait.ge [sflag:s18], $0x10  }
0x4a: {  	[sflag:s18] =	ssyncset.done $0x0  }
0x4b: {  	[sflag:s18] =	ssyncadd.s32 $0xFFFFFFF0  }
0x4c: {  	[bflag:$0x0] =	sbarrier.arrive $0xFFFF  }
0x4d: {  	[tilespmem:s19], [sflag:$0x2] =	stream.linear.gather [spmem:s2], $0x100, $0x38;
	[tilespmem:$0x1AA0] =	vst v63  }
0x4e: {  	_ =	swait.ge [sflag:s18], $0x100  }
0x4f: {  	[sflag:s18] =	ssyncset.done $0x0  }
0x50: {  	[sflag:s18] =	ssyncadd.s32 $0xFFFFFF00  }
0x51: {  	v7 =	vld.idx.msk [tilespmem:v1+s19+$0x0], $0xffff;
	_ =	sdelay $0x4  }
0x52: {  	v7 =	vnsel vm1, $0x0, v7  }
0x53: {  	v7 =	vnsel vm0, $0x0, v7  }
0x54: {  	(xrf0) =	vadd.scan.msk.s32 $0xffff, v7;
	_ =	sdelay $0x5  }
0x55: {  	v7, _, _ =	vpop (xrf0)  }
0x56: {  	(v2sf) =	vpush v7, $0xF;
	_ =	sdelay $0xc  }
0x57: {  	p0 =	slt.s32 s28, $0x1  }
0x58: {  	v7 =	vld @!p0 [tilespmem:$0x800]  }
0x59: {  	s31 =	spop (v2sf)  }
0x5a: {  	v9 =	vlaneseq.u32 @!p0;
	v8 =	vld @!p0 [tilespmem:$0xC00];
	s26 =	sadd.s32 s8, s31  }
0x5b: {  	vm2 =	vgt.s32 @!p0 v6, v9;
	v11 =	vld @!p0 [tilespmem:$0x810];
	v10 =	vadd.s32 @!p0 s26, v9  }
0x5c: {  	v10 =	vsel @!p0 vm2, v10, v3  }
0x5d: {  	v13 =	vor.u32 @!p0 $0x10, v9;
	v12 =	vld @!p0 [tilespmem:$0xC10];
	v7 =	vadd.s32 @!p0 v2, v7;
	s29 =	sadd.s32 @!p0 $0x10, s26;
	vm2 =	vlt.s32 @!p0 v10, v4  }
0x5e: {  	[tilespmem:$0x1120] =	vst @!p0 v7;
	v7 =	vsel @!p0 vm2, v10, v4;
	vm2 =	vgt.s32 @!p0 v6, v13;
	v10 =	vadd.s32 @!p0 s29, v9;
	v13 =	vld @!p0 [tilespmem:$0x820]  }
0x5f: {  	[tilespmem:$0x11A0] =	vst @!p0 v7;
	v7 =	vsel @!p0 vm2, v10, v3  }
0x60: {  	[tilespmem:$0x1A20] =	vst @!p0 v8;
	v8 =	vadd.s32 @!p0 v2, v11;
	v11 =	vor.u32 @!p0 $0x20, v9;
	s29 =	sadd.s32 @!p0 $0x20, s26;
	v10 =	vld @!p0 [tilespmem:$0xC20];
	vm2 =	vlt.s32 @!p0 v7, v4  }
0x61: {  	[tilespmem:$0x1130] =	vst @!p0 v8;
	v8 =	vadd.s32 @!p0 s29, v9;
	v7 =	vsel @!p0 vm2, v7, v4;
	vm2 =	vgt.s32 @!p0 v6, v11;
	v11 =	vld @!p0 [tilespmem:$0x830]  }
0x62: {  	[tilespmem:$0x11B0] =	vst @!p0 v7;
	v7 =	vsel @!p0 vm2, v8, v3  }
0x63: {  	[tilespmem:$0x1A30] =	vst @!p0 v12;
	v12 =	vld @!p0 [tilespmem:$0xC30];
	s29 =	sadd.s32 @!p0 $0x30, s26;
	v8 =	vadd.s32 @!p0 v2, v13;
	vm2 =	vlt.s32 @!p0 v7, v4;
	v13 =	vor.u32 @!p0 $0x30, v9  }
0x64: {  	[tilespmem:$0x1140] =	vst @!p0 v8;
	v7 =	vsel @!p0 vm2, v7, v4;
	vm2 =	vgt.s32 @!p0 v6, v13;
	v8 =	vadd.s32 @!p0 s29, v9;
	v13 =	vld @!p0 [tilespmem:$0x840]  }
0x65: {  	[tilespmem:$0x11C0] =	vst @!p0 v7;
	v7 =	vsel @!p0 vm2, v8, v3  }
0x66: {  	[tilespmem:$0x1A40] =	vst @!p0 v10;
	v10 =	vld @!p0 [tilespmem:$0xC40];
	s29 =	sadd.s32 @!p0 $0x40, s26;
	v8 =	vadd.s32 @!p0 v2, v11;
	vm2 =	vlt.s32 @!p0 v7, v4;
	v11 =	vor.u32 @!p0 $0x40, v9  }
0x67: {  	[tilespmem:$0x1150] =	vst @!p0 v8;
	v7 =	vsel @!p0 vm2, v7, v4;
	vm2 =	vgt.s32 @!p0 v6, v11;
	v8 =	vadd.s32 @!p0 s29, v9;
	v11 =	vld @!p0 [tilespmem:$0x850]  }
0x68: {  	[tilespmem:$0x11D0] =	vst @!p0 v7;
	v7 =	vsel @!p0 vm2, v8, v3  }
0x69: {  	[tilespmem:$0x1A50] =	vst @!p0 v12;
	v12 =	vld @!p0 [tilespmem:$0xC50];
	s29 =	sadd.s32 @!p0 $0x50, s26;
	v8 =	vadd.s32 @!p0 v2, v13;
	vm2 =	vlt.s32 @!p0 v7, v4;
	v13 =	vor.u32 @!p0 $0x50, v9  }
0x6a: {  	[tilespmem:$0x1160] =	vst @!p0 v8;
	v7 =	vsel @!p0 vm2, v7, v4;
	vm2 =	vgt.s32 @!p0 v6, v13;
	v8 =	vadd.s32 @!p0 s29, v9;
	v13 =	vld @!p0 [tilespmem:$0x860]  }
0x6b: {  	[tilespmem:$0x11E0] =	vst @!p0 v7;
	v7 =	vsel @!p0 vm2, v8, v3  }
0x6c: {  	[tilespmem:$0x1A60] =	vst @!p0 v10;
	v10 =	vld @!p0 [tilespmem:$0xC60];
	s29 =	sadd.s32 @!p0 $0x60, s26;
	v8 =	vadd.s32 @!p0 v2, v11;
	vm2 =	vlt.s32 @!p0 v7, v4;
	v11 =	vor.u32 @!p0 $0x60, v9  }
0x6d: {  	[tilespmem:$0x1170] =	vst @!p0 v8;
	v7 =	vsel @!p0 vm2, v7, v4;
	vm2 =	vgt.s32 @!p0 v6, v11;
	v8 =	vadd.s32 @!p0 s29, v9;
	v11 =	vld @!p0 [tilespmem:$0x870]  }
0x6e: {  	[tilespmem:$0x11F0] =	vst @!p0 v7;
	v7 =	vsel @!p0 vm2, v8, v3  }
0x6f: {  	[tilespmem:$0x1A70] =	vst @!p0 v12;
	v12 =	vor.u32 @!p0 $0x70, v9;
	s29 =	sadd.s32 @!p0 $0x70, s26;
	v8 =	vadd.s32 @!p0 v2, v13;
	vm2 =	vlt.s32 @!p0 v7, v4  }
0x70: {  	v9 =	vadd.s32 @!p0 s29, v9;
	[tilespmem:$0x1180] =	vst @!p0 v8;
	v7 =	vsel @!p0 vm2, v7, v4;
	v8 =	vld @!p0 [tilespmem:$0xC70];
	vm2 =	vgt.s32 @!p0 v6, v12  }
0x71: {  	[tilespmem:$0x1200] =	vst @!p0 v7;
	v7 =	vsel @!p0 vm2, v9, v3  }
0x72: {  	[tilespmem:$0x1A80] =	vst @!p0 v10;
	v9 =	vadd.s32 @!p0 v2, v11;
	vm2 =	vlt.s32 @!p0 v7, v4  }
0x73: {  	[tilespmem:$0x1190] =	vst @!p0 v9;
	v7 =	vsel @!p0 vm2, v7, v4  }
0x74: {  	[tilespmem:$0x1210] =	vst @!p0 v7  }
0x75: {  	s30 =	simm.s32 @!p0 $0x1120;
	s31 =	simm.s32 @!p0 $0x1220;
	s29 =	simm.s32 @!p0 $0x80;
	[tilespmem:$0x1A90] =	vst @!p0 v8  }
0x76: {  	[tilespmem:s31], [sflag:$0x1] =	stream.indirect.gather @!p0 [hbm4b:s5+s29], $0x10, s30, s29, $0xb8;
	[tilespmem:$0x1AA0] =	vst v63  }
0x77: {  	s30 =	simm.s32 @!p0 $0x1  }
0x78: {  	_ =	swait.ge @!p0 [sflag:s30], $0x800  }
0x79: {  	[sflag:s30] =	ssyncset.done @!p0 $0x0  }
0x7a: {  	s1 =	simm.s32 @!p0 $0x11A0;
	[sflag:s30] =	ssyncadd.s32 @!p0 $0xFFFFF800  }
0x7b: {  	[hbm4b:s6+s29] =	stream.indirect.scatter @!p0 [tilespmem:s31], [sflag:$0x1], $0x10, s1, s29, $0xb8;
	[tilespmem:$0x1AA0] =	vst v63  }
0x7c: {  	_ =	swait.ge @!p0 [sflag:s30], $0x800  }
0x7d: {  	[sflag:s30] =	ssyncset.done @!p0 $0x0  }
0x7e: {  	s31 =	simm.s32 @!p0 $0x1A20;
	[sflag:s30] =	ssyncadd.s32 @!p0 $0xFFFFF800  }
0x7f: {  	[hbm4b:s7+s29] =	stream.indirect.scatter @!p0 [tilespmem:s31], [sflag:$0x1], $0x1, s1, s29, $0xb8;
	[tilespmem:$0x1AA0] =	vst v63  }
0x80: {  	_ =	swait.ge @!p0 [sflag:s30], $0x80  }
0x81: {  	p1 =	slt.u32 @!p0 s28, $0x81;
	[sflag:s30] =	ssyncset.done @!p0 $0x0  }
0x82: {  	[sflag:s30] =	ssyncadd.s32 @!p0 $0xFFFFFF80;
	p0 =	por p0, p1  }
0x83: {  	v7 =	vld @!p0 [tilespmem:$0x880]  }
0x84: {  	v8 =	vlaneseq.u32 @!p0  }
0x85: {  	v9 =	vld @!p0 [tilespmem:$0xC80];
	s1 =	sadd.s32 @!p0 $0x80, s26;
	v10 =	vor.u32 @!p0 $0x80, v8  }
0x86: {  	v11 =	vld @!p0 [tilespmem:$0x890];
	vm2 =	vgt.s32 @!p0 v6, v10;
	v10 =	vadd.s32 @!p0 s1, v8  }
0x87: {  	v10 =	vsel @!p0 vm2, v10, v3  }
0x88: {  	v12 =	vld @!p0 [tilespmem:$0xC90];
	v13 =	vor.u32 @!p0 $0x90, v8;
	s1 =	sadd.s32 @!p0 $0x90, s26;
	vm2 =	vlt.s32 @!p0 v10, v4;
	v7 =	vadd.s32 @!p0 v2, v7  }
0x89: {  	[tilespmem:$0x1120] =	vst @!p0 v7;
	v7 =	vsel @!p0 vm2, v10, v4;
	vm2 =	vgt.s32 @!p0 v6, v13;
	v10 =	vadd.s32 @!p0 s1, v8;
	v13 =	vld @!p0 [tilespmem:$0x8A0]  }
0x8a: {  	[tilespmem:$0x11A0] =	vst @!p0 v7;
	v7 =	vsel @!p0 vm2, v10, v3  }
0x8b: {  	[tilespmem:$0x1A20] =	vst @!p0 v9;
	v9 =	vadd.s32 @!p0 v2, v11;
	v11 =	vor.u32 @!p0 $0xA0, v8;
	s1 =	sadd.s32 @!p0 $0xA0, s26;
	v10 =	vld @!p0 [tilespmem:$0xCA0];
	vm2 =	vlt.s32 @!p0 v7, v4  }
0x8c: {  	[tilespmem:$0x1130] =	vst @!p0 v9;
	v9 =	vadd.s32 @!p0 s1, v8;
	v7 =	vsel @!p0 vm2, v7, v4;
	vm2 =	vgt.s32 @!p0 v6, v11;
	v11 =	vld @!p0 [tilespmem:$0x8B0]  }
0x8d: {  	[tilespmem:$0x11B0] =	vst @!p0 v7;
	v7 =	vsel @!p0 vm2, v9, v3  }
0x8e: {  	[tilespmem:$0x1A30] =	vst @!p0 v12;
	v12 =	vld @!p0 [tilespmem:$0xCB0];
	s1 =	sadd.s32 @!p0 $0xB0, s26;
	v9 =	vadd.s32 @!p0 v2, v13;
	vm2 =	vlt.s32 @!p0 v7, v4;
	v13 =	vor.u32 @!p0 $0xB0, v8  }
0x8f: {  	[tilespmem:$0x1140] =	vst @!p0 v9;
	v7 =	vsel @!p0 vm2, v7, v4;
	vm2 =	vgt.s32 @!p0 v6, v13;
	v9 =	vadd.s32 @!p0 s1, v8;
	v13 =	vld @!p0 [tilespmem:$0x8C0]  }
0x90: {  	[tilespmem:$0x11C0] =	vst @!p0 v7;
	v7 =	vsel @!p0 vm2, v9, v3  }
0x91: {  	[tilespmem:$0x1A40] =	vst @!p0 v10;
	v10 =	vld @!p0 [tilespmem:$0xCC0];
	s1 =	sadd.s32 @!p0 $0xC0, s26;
	v9 =	vadd.s32 @!p0 v2, v11;
	vm2 =	vlt.s32 @!p0 v7, v4;
	v11 =	vor.u32 @!p0 $0xC0, v8  }
0x92: {  	[tilespmem:$0x1150] =	vst @!p0 v9;
	v7 =	vsel @!p0 vm2, v7, v4;
	vm2 =	vgt.s32 @!p0 v6, v11;
	v9 =	vadd.s32 @!p0 s1, v8;
	v11 =	vld @!p0 [tilespmem:$0x8D0]  }
0x93: {  	[tilespmem:$0x11D0] =	vst @!p0 v7;
	v7 =	vsel @!p0 vm2, v9, v3  }
0x94: {  	[tilespmem:$0x1A50] =	vst @!p0 v12;
	v12 =	vld @!p0 [tilespmem:$0xCD0];
	s1 =	sadd.s32 @!p0 $0xD0, s26;
	v9 =	vadd.s32 @!p0 v2, v13;
	vm2 =	vlt.s32 @!p0 v7, v4;
	v13 =	vor.u32 @!p0 $0xD0, v8  }
0x95: {  	[tilespmem:$0x1160] =	vst @!p0 v9;
	v7 =	vsel @!p0 vm2, v7, v4;
	vm2 =	vgt.s32 @!p0 v6, v13;
	v9 =	vadd.s32 @!p0 s1, v8;
	v13 =	vld @!p0 [tilespmem:$0x8E0]  }
0x96: {  	[tilespmem:$0x11E0] =	vst @!p0 v7;
	v7 =	vsel @!p0 vm2, v9, v3  }
0x97: {  	[tilespmem:$0x1A60] =	vst @!p0 v10;
	v10 =	vld @!p0 [tilespmem:$0xCE0];
	s1 =	sadd.s32 @!p0 $0xE0, s26;
	v9 =	vadd.s32 @!p0 v2, v11;
	vm2 =	vlt.s32 @!p0 v7, v4;
	v11 =	vor.u32 @!p0 $0xE0, v8  }
0x98: {  	[tilespmem:$0x1170] =	vst @!p0 v9;
	v7 =	vsel @!p0 vm2, v7, v4;
	vm2 =	vgt.s32 @!p0 v6, v11;
	v9 =	vadd.s32 @!p0 s1, v8;
	v11 =	vld @!p0 [tilespmem:$0x8F0]  }
0x99: {  	[tilespmem:$0x11F0] =	vst @!p0 v7;
	v7 =	vsel @!p0 vm2, v9, v3  }
0x9a: {  	[tilespmem:$0x1A70] =	vst @!p0 v12;
	v12 =	vor.u32 @!p0 $0xF0, v8;
	s1 =	sadd.s32 @!p0 $0xF0, s26;
	v9 =	vadd.s32 @!p0 v2, v13;
	vm2 =	vlt.s32 @!p0 v7, v4  }
0x9b: {  	v8 =	vadd.s32 @!p0 s1, v8;
	[tilespmem:$0x1180] =	vst @!p0 v9;
	v7 =	vsel @!p0 vm2, v7, v4;
	v9 =	vld @!p0 [tilespmem:$0xCF0];
	vm2 =	vgt.s32 @!p0 v6, v12  }
0x9c: {  	[tilespmem:$0x1200] =	vst @!p0 v7;
	v7 =	vsel @!p0 vm2, v8, v3  }
0x9d: {  	[tilespmem:$0x1A80] =	vst @!p0 v10;
	v8 =	vadd.s32 @!p0 v2, v11;
	vm2 =	vlt.s32 @!p0 v7, v4  }
0x9e: {  	[tilespmem:$0x1190] =	vst @!p0 v8;
	v7 =	vsel @!p0 vm2, v7, v4  }
0x9f: {  	[tilespmem:$0x1210] =	vst @!p0 v7  }
0xa0: {  	s29 =	simm.s32 @!p0 $0x1120;
	s30 =	simm.s32 @!p0 $0x1220;
	s1 =	simm.s32 @!p0 $0x80;
	[tilespmem:$0x1A90] =	vst @!p0 v9  }
0xa1: {  	[tilespmem:s30], [sflag:$0x1] =	stream.indirect.gather @!p0 [hbm4b:s5+s1], $0x10, s29, s1, $0xb8;
	[tilespmem:$0x1AA0] =	vst v63  }
0xa2: {  	s29 =	simm.s32 @!p0 $0x1  }
0xa3: {  	_ =	swait.ge @!p0 [sflag:s29], $0x800  }
0xa4: {  	[sflag:s29] =	ssyncset.done @!p0 $0x0  }
0xa5: {  	s31 =	simm.s32 @!p0 $0x11A0;
	[sflag:s29] =	ssyncadd.s32 @!p0 $0xFFFFF800  }
0xa6: {  	[hbm4b:s6+s1] =	stream.indirect.scatter @!p0 [tilespmem:s30], [sflag:$0x1], $0x10, s31, s1, $0xb8;
	[tilespmem:$0x1AA0] =	vst v63  }
0xa7: {  	_ =	swait.ge @!p0 [sflag:s29], $0x800  }
0xa8: {  	[sflag:s29] =	ssyncset.done @!p0 $0x0  }
0xa9: {  	s30 =	simm.s32 @!p0 $0x1A20;
	[sflag:s29] =	ssyncadd.s32 @!p0 $0xFFFFF800  }
0xaa: {  	[hbm4b:s7+s1] =	stream.indirect.scatter @!p0 [tilespmem:s30], [sflag:$0x1], $0x1, s31, s1, $0xb8;
	[tilespmem:$0x1AA0] =	vst v63  }
0xab: {  	_ =	swait.ge @!p0 [sflag:s29], $0x80  }
0xac: {  	p1 =	slt.u32 @!p0 s28, $0x101;
	[sflag:s29] =	ssyncset.done @!p0 $0x0  }
0xad: {  	[sflag:s29] =	ssyncadd.s32 @!p0 $0xFFFFFF80;
	p0 =	por p0, p1  }
0xae: {  	v7 =	vld @!p0 [tilespmem:$0x900]  }
0xaf: {  	v8 =	vlaneseq.u32 @!p0  }
0xb0: {  	v9 =	vld @!p0 [tilespmem:$0xD00];
	s1 =	sadd.s32 @!p0 $0x100, s26;
	v10 =	vor.u32 @!p0 $0x100, v8  }
0xb1: {  	v11 =	vld @!p0 [tilespmem:$0x910];
	vm2 =	vgt.s32 @!p0 v6, v10;
	v10 =	vadd.s32 @!p0 s1, v8  }
0xb2: {  	v10 =	vsel @!p0 vm2, v10, v3  }
0xb3: {  	v12 =	vld @!p0 [tilespmem:$0xD10];
	v13 =	vor.u32 @!p0 $0x110, v8;
	s1 =	sadd.s32 @!p0 $0x110, s26;
	vm2 =	vlt.s32 @!p0 v10, v4;
	v7 =	vadd.s32 @!p0 v2, v7  }
0xb4: {  	[tilespmem:$0x1120] =	vst @!p0 v7;
	v7 =	vsel @!p0 vm2, v10, v4;
	vm2 =	vgt.s32 @!p0 v6, v13;
	v10 =	vadd.s32 @!p0 s1, v8;
	v13 =	vld @!p0 [tilespmem:$0x920]  }
0xb5: {  	[tilespmem:$0x11A0] =	vst @!p0 v7;
	v7 =	vsel @!p0 vm2, v10, v3  }
0xb6: {  	[tilespmem:$0x1A20] =	vst @!p0 v9;
	v9 =	vadd.s32 @!p0 v2, v11;
	v11 =	vor.u32 @!p0 $0x120, v8;
	s1 =	sadd.s32 @!p0 $0x120, s26;
	v10 =	vld @!p0 [tilespmem:$0xD20];
	vm2 =	vlt.s32 @!p0 v7, v4  }
0xb7: {  	[tilespmem:$0x1130] =	vst @!p0 v9;
	v9 =	vadd.s32 @!p0 s1, v8;
	v7 =	vsel @!p0 vm2, v7, v4;
	vm2 =	vgt.s32 @!p0 v6, v11;
	v11 =	vld @!p0 [tilespmem:$0x930]  }
0xb8: {  	[tilespmem:$0x11B0] =	vst @!p0 v7;
	v7 =	vsel @!p0 vm2, v9, v3  }
0xb9: {  	[tilespmem:$0x1A30] =	vst @!p0 v12;
	v12 =	vld @!p0 [tilespmem:$0xD30];
	s1 =	sadd.s32 @!p0 $0x130, s26;
	v9 =	vadd.s32 @!p0 v2, v13;
	vm2 =	vlt.s32 @!p0 v7, v4;
	v13 =	vor.u32 @!p0 $0x130, v8  }
0xba: {  	[tilespmem:$0x1140] =	vst @!p0 v9;
	v7 =	vsel @!p0 vm2, v7, v4;
	vm2 =	vgt.s32 @!p0 v6, v13;
	v9 =	vadd.s32 @!p0 s1, v8;
	v13 =	vld @!p0 [tilespmem:$0x940]  }
0xbb: {  	[tilespmem:$0x11C0] =	vst @!p0 v7;
	v7 =	vsel @!p0 vm2, v9, v3  }
0xbc: {  	[tilespmem:$0x1A40] =	vst @!p0 v10;
	v10 =	vld @!p0 [tilespmem:$0xD40];
	s1 =	sadd.s32 @!p0 $0x140, s26;
	v9 =	vadd.s32 @!p0 v2, v11;
	vm2 =	vlt.s32 @!p0 v7, v4;
	v11 =	vor.u32 @!p0 $0x140, v8  }
0xbd: {  	[tilespmem:$0x1150] =	vst @!p0 v9;
	v7 =	vsel @!p0 vm2, v7, v4;
	vm2 =	vgt.s32 @!p0 v6, v11;
	v9 =	vadd.s32 @!p0 s1, v8;
	v11 =	vld @!p0 [tilespmem:$0x950]  }
0xbe: {  	[tilespmem:$0x11D0] =	vst @!p0 v7;
	v7 =	vsel @!p0 vm2, v9, v3  }
0xbf: {  	[tilespmem:$0x1A50] =	vst @!p0 v12;
	v12 =	vld @!p0 [tilespmem:$0xD50];
	s1 =	sadd.s32 @!p0 $0x150, s26;
	v9 =	vadd.s32 @!p0 v2, v13;
	vm2 =	vlt.s32 @!p0 v7, v4;
	v13 =	vor.u32 @!p0 $0x150, v8  }
0xc0: {  	[tilespmem:$0x1160] =	vst @!p0 v9;
	v7 =	vsel @!p0 vm2, v7, v4;
	vm2 =	vgt.s32 @!p0 v6, v13;
	v9 =	vadd.s32 @!p0 s1, v8;
	v13 =	vld @!p0 [tilespmem:$0x960]  }
0xc1: {  	[tilespmem:$0x11E0] =	vst @!p0 v7;
	v7 =	vsel @!p0 vm2, v9, v3  }
0xc2: {  	[tilespmem:$0x1A60] =	vst @!p0 v10;
	v10 =	vld @!p0 [tilespmem:$0xD60];
	s1 =	sadd.s32 @!p0 $0x160, s26;
	v9 =	vadd.s32 @!p0 v2, v11;
	vm2 =	vlt.s32 @!p0 v7, v4;
	v11 =	vor.u32 @!p0 $0x160, v8  }
0xc3: {  	[tilespmem:$0x1170] =	vst @!p0 v9;
	v7 =	vsel @!p0 vm2, v7, v4;
	vm2 =	vgt.s32 @!p0 v6, v11;
	v9 =	vadd.s32 @!p0 s1, v8;
	v11 =	vld @!p0 [tilespmem:$0x970]  }
0xc4: {  	[tilespmem:$0x11F0] =	vst @!p0 v7;
	v7 =	vsel @!p0 vm2, v9, v3  }
0xc5: {  	[tilespmem:$0x1A70] =	vst @!p0 v12;
	v12 =	vor.u32 @!p0 $0x170, v8;
	s1 =	sadd.s32 @!p0 $0x170, s26;
	v9 =	vadd.s32 @!p0 v2, v13;
	vm2 =	vlt.s32 @!p0 v7, v4  }
0xc6: {  	v8 =	vadd.s32 @!p0 s1, v8;
	[tilespmem:$0x1180] =	vst @!p0 v9;
	v7 =	vsel @!p0 vm2, v7, v4;
	v9 =	vld @!p0 [tilespmem:$0xD70];
	vm2 =	vgt.s32 @!p0 v6, v12  }
0xc7: {  	[tilespmem:$0x1200] =	vst @!p0 v7;
	v7 =	vsel @!p0 vm2, v8, v3  }
0xc8: {  	[tilespmem:$0x1A80] =	vst @!p0 v10;
	v8 =	vadd.s32 @!p0 v2, v11;
	vm2 =	vlt.s32 @!p0 v7, v4  }
0xc9: {  	[tilespmem:$0x1190] =	vst @!p0 v8;
	v7 =	vsel @!p0 vm2, v7, v4  }
0xca: {  	[tilespmem:$0x1210] =	vst @!p0 v7  }
0xcb: {  	s29 =	simm.s32 @!p0 $0x1120;
	s30 =	simm.s32 @!p0 $0x1220;
	s1 =	simm.s32 @!p0 $0x80;
	[tilespmem:$0x1A90] =	vst @!p0 v9  }
0xcc: {  	[tilespmem:s30], [sflag:$0x1] =	stream.indirect.gather @!p0 [hbm4b:s5+s1], $0x10, s29, s1, $0xb8;
	[tilespmem:$0x1AA0] =	vst v63  }
0xcd: {  	s29 =	simm.s32 @!p0 $0x1  }
0xce: {  	_ =	swait.ge @!p0 [sflag:s29], $0x800  }
0xcf: {  	[sflag:s29] =	ssyncset.done @!p0 $0x0  }
0xd0: {  	s31 =	simm.s32 @!p0 $0x11A0;
	[sflag:s29] =	ssyncadd.s32 @!p0 $0xFFFFF800  }
0xd1: {  	[hbm4b:s6+s1] =	stream.indirect.scatter @!p0 [tilespmem:s30], [sflag:$0x1], $0x10, s31, s1, $0xb8;
	[tilespmem:$0x1AA0] =	vst v63  }
0xd2: {  	_ =	swait.ge @!p0 [sflag:s29], $0x800  }
0xd3: {  	[sflag:s29] =	ssyncset.done @!p0 $0x0  }
0xd4: {  	s30 =	simm.s32 @!p0 $0x1A20;
	[sflag:s29] =	ssyncadd.s32 @!p0 $0xFFFFF800  }
0xd5: {  	[hbm4b:s7+s1] =	stream.indirect.scatter @!p0 [tilespmem:s30], [sflag:$0x1], $0x1, s31, s1, $0xb8;
	[tilespmem:$0x1AA0] =	vst v63  }
0xd6: {  	_ =	swait.ge @!p0 [sflag:s29], $0x80  }
0xd7: {  	p1 =	slt.u32 @!p0 s28, $0x181;
	[sflag:s29] =	ssyncset.done @!p0 $0x0  }
0xd8: {  	[sflag:s29] =	ssyncadd.s32 @!p0 $0xFFFFFF80;
	p0 =	por p0, p1  }
0xd9: {  	v7 =	vld @!p0 [tilespmem:$0x980]  }
0xda: {  	v8 =	vlaneseq.u32 @!p0  }
0xdb: {  	v9 =	vld @!p0 [tilespmem:$0xD80];
	s1 =	sadd.s32 @!p0 $0x180, s26;
	v10 =	vor.u32 @!p0 $0x180, v8  }
0xdc: {  	v11 =	vld @!p0 [tilespmem:$0x990];
	vm2 =	vgt.s32 @!p0 v6, v10;
	v10 =	vadd.s32 @!p0 s1, v8  }
0xdd: {  	v10 =	vsel @!p0 vm2, v10, v3  }
0xde: {  	v12 =	vld @!p0 [tilespmem:$0xD90];
	v13 =	vor.u32 @!p0 $0x190, v8;
	s1 =	sadd.s32 @!p0 $0x190, s26;
	vm2 =	vlt.s32 @!p0 v10, v4;
	v7 =	vadd.s32 @!p0 v2, v7  }
0xdf: {  	[tilespmem:$0x1120] =	vst @!p0 v7;
	v7 =	vsel @!p0 vm2, v10, v4;
	vm2 =	vgt.s32 @!p0 v6, v13;
	v10 =	vadd.s32 @!p0 s1, v8;
	v13 =	vld @!p0 [tilespmem:$0x9A0]  }
0xe0: {  	[tilespmem:$0x11A0] =	vst @!p0 v7;
	v7 =	vsel @!p0 vm2, v10, v3  }
0xe1: {  	[tilespmem:$0x1A20] =	vst @!p0 v9;
	v9 =	vadd.s32 @!p0 v2, v11;
	v11 =	vor.u32 @!p0 $0x1A0, v8;
	s1 =	sadd.s32 @!p0 $0x1A0, s26;
	v10 =	vld @!p0 [tilespmem:$0xDA0];
	vm2 =	vlt.s32 @!p0 v7, v4  }
0xe2: {  	[tilespmem:$0x1130] =	vst @!p0 v9;
	v9 =	vadd.s32 @!p0 s1, v8;
	v7 =	vsel @!p0 vm2, v7, v4;
	vm2 =	vgt.s32 @!p0 v6, v11;
	v11 =	vld @!p0 [tilespmem:$0x9B0]  }
0xe3: {  	[tilespmem:$0x11B0] =	vst @!p0 v7;
	v7 =	vsel @!p0 vm2, v9, v3  }
0xe4: {  	[tilespmem:$0x1A30] =	vst @!p0 v12;
	v12 =	vld @!p0 [tilespmem:$0xDB0];
	s1 =	sadd.s32 @!p0 $0x1B0, s26;
	v9 =	vadd.s32 @!p0 v2, v13;
	vm2 =	vlt.s32 @!p0 v7, v4;
	v13 =	vor.u32 @!p0 $0x1B0, v8  }
0xe5: {  	[tilespmem:$0x1140] =	vst @!p0 v9;
	v7 =	vsel @!p0 vm2, v7, v4;
	vm2 =	vgt.s32 @!p0 v6, v13;
	v9 =	vadd.s32 @!p0 s1, v8;
	v13 =	vld @!p0 [tilespmem:$0x9C0]  }
0xe6: {  	[tilespmem:$0x11C0] =	vst @!p0 v7;
	v7 =	vsel @!p0 vm2, v9, v3  }
0xe7: {  	[tilespmem:$0x1A40] =	vst @!p0 v10;
	v10 =	vld @!p0 [tilespmem:$0xDC0];
	s1 =	sadd.s32 @!p0 $0x1C0, s26;
	v9 =	vadd.s32 @!p0 v2, v11;
	vm2 =	vlt.s32 @!p0 v7, v4;
	v11 =	vor.u32 @!p0 $0x1C0, v8  }
0xe8: {  	[tilespmem:$0x1150] =	vst @!p0 v9;
	v7 =	vsel @!p0 vm2, v7, v4;
	vm2 =	vgt.s32 @!p0 v6, v11;
	v9 =	vadd.s32 @!p0 s1, v8;
	v11 =	vld @!p0 [tilespmem:$0x9D0]  }
0xe9: {  	[tilespmem:$0x11D0] =	vst @!p0 v7;
	v7 =	vsel @!p0 vm2, v9, v3  }
0xea: {  	[tilespmem:$0x1A50] =	vst @!p0 v12;
	v12 =	vld @!p0 [tilespmem:$0xDD0];
	s1 =	sadd.s32 @!p0 $0x1D0, s26;
	v9 =	vadd.s32 @!p0 v2, v13;
	vm2 =	vlt.s32 @!p0 v7, v4;
	v13 =	vor.u32 @!p0 $0x1D0, v8  }
0xeb: {  	[tilespmem:$0x1160] =	vst @!p0 v9;
	v7 =	vsel @!p0 vm2, v7, v4;
	vm2 =	vgt.s32 @!p0 v6, v13;
	v9 =	vadd.s32 @!p0 s1, v8;
	v13 =	vld @!p0 [tilespmem:$0x9E0]  }
0xec: {  	[tilespmem:$0x11E0] =	vst @!p0 v7;
	v7 =	vsel @!p0 vm2, v9, v3  }
0xed: {  	[tilespmem:$0x1A60] =	vst @!p0 v10;
	v10 =	vld @!p0 [tilespmem:$0xDE0];
	s1 =	sadd.s32 @!p0 $0x1E0, s26;
	v9 =	vadd.s32 @!p0 v2, v11;
	vm2 =	vlt.s32 @!p0 v7, v4;
	v11 =	vor.u32 @!p0 $0x1E0, v8  }
0xee: {  	[tilespmem:$0x1170] =	vst @!p0 v9;
	v7 =	vsel @!p0 vm2, v7, v4;
	vm2 =	vgt.s32 @!p0 v6, v11;
	v9 =	vadd.s32 @!p0 s1, v8;
	v11 =	vld @!p0 [tilespmem:$0x9F0]  }
0xef: {  	[tilespmem:$0x11F0] =	vst @!p0 v7;
	v7 =	vsel @!p0 vm2, v9, v3  }
0xf0: {  	[tilespmem:$0x1A70] =	vst @!p0 v12;
	v12 =	vor.u32 @!p0 $0x1F0, v8;
	s1 =	sadd.s32 @!p0 $0x1F0, s26;
	v9 =	vadd.s32 @!p0 v2, v13;
	vm2 =	vlt.s32 @!p0 v7, v4  }
0xf1: {  	v8 =	vadd.s32 @!p0 s1, v8;
	[tilespmem:$0x1180] =	vst @!p0 v9;
	v7 =	vsel @!p0 vm2, v7, v4;
	v9 =	vld @!p0 [tilespmem:$0xDF0];
	vm2 =	vgt.s32 @!p0 v6, v12  }
0xf2: {  	[tilespmem:$0x1200] =	vst @!p0 v7;
	v7 =	vsel @!p0 vm2, v8, v3  }
0xf3: {  	[tilespmem:$0x1A80] =	vst @!p0 v10;
	v8 =	vadd.s32 @!p0 v2, v11;
	vm2 =	vlt.s32 @!p0 v7, v4  }
0xf4: {  	[tilespmem:$0x1190] =	vst @!p0 v8;
	v7 =	vsel @!p0 vm2, v7, v4  }
0xf5: {  	[tilespmem:$0x1210] =	vst @!p0 v7  }
0xf6: {  	s29 =	simm.s32 @!p0 $0x1120;
	s30 =	simm.s32 @!p0 $0x1220;
	s1 =	simm.s32 @!p0 $0x80;
	[tilespmem:$0x1A90] =	vst @!p0 v9  }
0xf7: {  	[tilespmem:s30], [sflag:$0x1] =	stream.indirect.gather @!p0 [hbm4b:s5+s1], $0x10, s29, s1, $0xb8;
	[tilespmem:$0x1AA0] =	vst v63  }
0xf8: {  	s29 =	simm.s32 @!p0 $0x1  }
0xf9: {  	_ =	swait.ge @!p0 [sflag:s29], $0x800  }
0xfa: {  	[sflag:s29] =	ssyncset.done @!p0 $0x0  }
0xfb: {  	s31 =	simm.s32 @!p0 $0x11A0;
	[sflag:s29] =	ssyncadd.s32 @!p0 $0xFFFFF800  }
0xfc: {  	[hbm4b:s6+s1] =	stream.indirect.scatter @!p0 [tilespmem:s30], [sflag:$0x1], $0x10, s31, s1, $0xb8;
	[tilespmem:$0x1AA0] =	vst v63  }
0xfd: {  	_ =	swait.ge @!p0 [sflag:s29], $0x800  }
0xfe: {  	[sflag:s29] =	ssyncset.done @!p0 $0x0  }
0xff: {  	s30 =	simm.s32 @!p0 $0x1A20;
	[sflag:s29] =	ssyncadd.s32 @!p0 $0xFFFFF800  }
0x100: {  	[hbm4b:s7+s1] =	stream.indirect.scatter @!p0 [tilespmem:s30], [sflag:$0x1], $0x1, s31, s1, $0xb8;
	[tilespmem:$0x1AA0] =	vst v63  }
0x101: {  	_ =	swait.ge @!p0 [sflag:s29], $0x80  }
0x102: {  	p1 =	slt.u32 @!p0 s28, $0x201;
	[sflag:s29] =	ssyncset.done @!p0 $0x0  }
0x103: {  	[sflag:s29] =	ssyncadd.s32 @!p0 $0xFFFFFF80;
	p0 =	por p0, p1  }
0x104: {  	v7 =	vld @!p0 [tilespmem:$0xA00]  }
0x105: {  	v8 =	vlaneseq.u32 @!p0  }
0x106: {  	v9 =	vld @!p0 [tilespmem:$0xE00];
	s1 =	sadd.s32 @!p0 $0x200, s26;
	v10 =	vor.u32 @!p0 $0x200, v8  }
0x107: {  	v11 =	vld @!p0 [tilespmem:$0xA10];
	vm2 =	vgt.s32 @!p0 v6, v10;
	v10 =	vadd.s32 @!p0 s1, v8  }
0x108: {  	v10 =	vsel @!p0 vm2, v10, v3  }
0x109: {  	v12 =	vld @!p0 [tilespmem:$0xE10];
	v13 =	vor.u32 @!p0 $0x210, v8;
	s1 =	sadd.s32 @!p0 $0x210, s26;
	vm2 =	vlt.s32 @!p0 v10, v4;
	v7 =	vadd.s32 @!p0 v2, v7  }
0x10a: {  	[tilespmem:$0x1120] =	vst @!p0 v7;
	v7 =	vsel @!p0 vm2, v10, v4;
	vm2 =	vgt.s32 @!p0 v6, v13;
	v10 =	vadd.s32 @!p0 s1, v8;
	v13 =	vld @!p0 [tilespmem:$0xA20]  }
0x10b: {  	[tilespmem:$0x11A0] =	vst @!p0 v7;
	v7 =	vsel @!p0 vm2, v10, v3  }
0x10c: {  	[tilespmem:$0x1A20] =	vst @!p0 v9;
	v9 =	vadd.s32 @!p0 v2, v11;
	v11 =	vor.u32 @!p0 $0x220, v8;
	s1 =	sadd.s32 @!p0 $0x220, s26;
	v10 =	vld @!p0 [tilespmem:$0xE20];
	vm2 =	vlt.s32 @!p0 v7, v4  }
0x10d: {  	[tilespmem:$0x1130] =	vst @!p0 v9;
	v9 =	vadd.s32 @!p0 s1, v8;
	v7 =	vsel @!p0 vm2, v7, v4;
	vm2 =	vgt.s32 @!p0 v6, v11;
	v11 =	vld @!p0 [tilespmem:$0xA30]  }
0x10e: {  	[tilespmem:$0x11B0] =	vst @!p0 v7;
	v7 =	vsel @!p0 vm2, v9, v3  }
0x10f: {  	[tilespmem:$0x1A30] =	vst @!p0 v12;
	v12 =	vld @!p0 [tilespmem:$0xE30];
	s1 =	sadd.s32 @!p0 $0x230, s26;
	v9 =	vadd.s32 @!p0 v2, v13;
	vm2 =	vlt.s32 @!p0 v7, v4;
	v13 =	vor.u32 @!p0 $0x230, v8  }
0x110: {  	[tilespmem:$0x1140] =	vst @!p0 v9;
	v7 =	vsel @!p0 vm2, v7, v4;
	vm2 =	vgt.s32 @!p0 v6, v13;
	v9 =	vadd.s32 @!p0 s1, v8;
	v13 =	vld @!p0 [tilespmem:$0xA40]  }
0x111: {  	[tilespmem:$0x11C0] =	vst @!p0 v7;
	v7 =	vsel @!p0 vm2, v9, v3  }
0x112: {  	[tilespmem:$0x1A40] =	vst @!p0 v10;
	v10 =	vld @!p0 [tilespmem:$0xE40];
	s1 =	sadd.s32 @!p0 $0x240, s26;
	v9 =	vadd.s32 @!p0 v2, v11;
	vm2 =	vlt.s32 @!p0 v7, v4;
	v11 =	vor.u32 @!p0 $0x240, v8  }
0x113: {  	[tilespmem:$0x1150] =	vst @!p0 v9;
	v7 =	vsel @!p0 vm2, v7, v4;
	vm2 =	vgt.s32 @!p0 v6, v11;
	v9 =	vadd.s32 @!p0 s1, v8;
	v11 =	vld @!p0 [tilespmem:$0xA50]  }
0x114: {  	[tilespmem:$0x11D0] =	vst @!p0 v7;
	v7 =	vsel @!p0 vm2, v9, v3  }
0x115: {  	[tilespmem:$0x1A50] =	vst @!p0 v12;
	v12 =	vld @!p0 [tilespmem:$0xE50];
	s1 =	sadd.s32 @!p0 $0x250, s26;
	v9 =	vadd.s32 @!p0 v2, v13;
	vm2 =	vlt.s32 @!p0 v7, v4;
	v13 =	vor.u32 @!p0 $0x250, v8  }
0x116: {  	[tilespmem:$0x1160] =	vst @!p0 v9;
	v7 =	vsel @!p0 vm2, v7, v4;
	vm2 =	vgt.s32 @!p0 v6, v13;
	v9 =	vadd.s32 @!p0 s1, v8;
	v13 =	vld @!p0 [tilespmem:$0xA60]  }
0x117: {  	[tilespmem:$0x11E0] =	vst @!p0 v7;
	v7 =	vsel @!p0 vm2, v9, v3  }
0x118: {  	[tilespmem:$0x1A60] =	vst @!p0 v10;
	v10 =	vld @!p0 [tilespmem:$0xE60];
	s1 =	sadd.s32 @!p0 $0x260, s26;
	v9 =	vadd.s32 @!p0 v2, v11;
	vm2 =	vlt.s32 @!p0 v7, v4;
	v11 =	vor.u32 @!p0 $0x260, v8  }
0x119: {  	[tilespmem:$0x1170] =	vst @!p0 v9;
	v7 =	vsel @!p0 vm2, v7, v4;
	vm2 =	vgt.s32 @!p0 v6, v11;
	v9 =	vadd.s32 @!p0 s1, v8;
	v11 =	vld @!p0 [tilespmem:$0xA70]  }
0x11a: {  	[tilespmem:$0x11F0] =	vst @!p0 v7;
	v7 =	vsel @!p0 vm2, v9, v3  }
0x11b: {  	[tilespmem:$0x1A70] =	vst @!p0 v12;
	v12 =	vor.u32 @!p0 $0x270, v8;
	s1 =	sadd.s32 @!p0 $0x270, s26;
	v9 =	vadd.s32 @!p0 v2, v13;
	vm2 =	vlt.s32 @!p0 v7, v4  }
0x11c: {  	v8 =	vadd.s32 @!p0 s1, v8;
	[tilespmem:$0x1180] =	vst @!p0 v9;
	v7 =	vsel @!p0 vm2, v7, v4;
	v9 =	vld @!p0 [tilespmem:$0xE70];
	vm2 =	vgt.s32 @!p0 v6, v12  }
0x11d: {  	[tilespmem:$0x1200] =	vst @!p0 v7;
	v7 =	vsel @!p0 vm2, v8, v3  }
0x11e: {  	[tilespmem:$0x1A80] =	vst @!p0 v10;
	v8 =	vadd.s32 @!p0 v2, v11;
	vm2 =	vlt.s32 @!p0 v7, v4  }
0x11f: {  	[tilespmem:$0x1190] =	vst @!p0 v8;
	v7 =	vsel @!p0 vm2, v7, v4  }
0x120: {  	[tilespmem:$0x1210] =	vst @!p0 v7  }
0x121: {  	s29 =	simm.s32 @!p0 $0x1120;
	s30 =	simm.s32 @!p0 $0x1220;
	s1 =	simm.s32 @!p0 $0x80;
	[tilespmem:$0x1A90] =	vst @!p0 v9  }
0x122: {  	[tilespmem:s30], [sflag:$0x1] =	stream.indirect.gather @!p0 [hbm4b:s5+s1], $0x10, s29, s1, $0xb8;
	[tilespmem:$0x1AA0] =	vst v63  }
0x123: {  	s29 =	simm.s32 @!p0 $0x1  }
0x124: {  	_ =	swait.ge @!p0 [sflag:s29], $0x800  }
0x125: {  	[sflag:s29] =	ssyncset.done @!p0 $0x0  }
0x126: {  	s31 =	simm.s32 @!p0 $0x11A0;
	[sflag:s29] =	ssyncadd.s32 @!p0 $0xFFFFF800  }
0x127: {  	[hbm4b:s6+s1] =	stream.indirect.scatter @!p0 [tilespmem:s30], [sflag:$0x1], $0x10, s31, s1, $0xb8;
	[tilespmem:$0x1AA0] =	vst v63  }
0x128: {  	_ =	swait.ge @!p0 [sflag:s29], $0x800  }
0x129: {  	[sflag:s29] =	ssyncset.done @!p0 $0x0  }
0x12a: {  	s30 =	simm.s32 @!p0 $0x1A20;
	[sflag:s29] =	ssyncadd.s32 @!p0 $0xFFFFF800  }
0x12b: {  	[hbm4b:s7+s1] =	stream.indirect.scatter @!p0 [tilespmem:s30], [sflag:$0x1], $0x1, s31, s1, $0xb8;
	[tilespmem:$0x1AA0] =	vst v63  }
0x12c: {  	_ =	swait.ge @!p0 [sflag:s29], $0x80  }
0x12d: {  	p1 =	slt.u32 @!p0 s28, $0x281;
	[sflag:s29] =	ssyncset.done @!p0 $0x0  }
0x12e: {  	[sflag:s29] =	ssyncadd.s32 @!p0 $0xFFFFFF80;
	p0 =	por p0, p1  }
0x12f: {  	v7 =	vld @!p0 [tilespmem:$0xA80]  }
0x130: {  	v8 =	vlaneseq.u32 @!p0  }
0x131: {  	v9 =	vld @!p0 [tilespmem:$0xE80];
	s1 =	sadd.s32 @!p0 $0x280, s26;
	v10 =	vor.u32 @!p0 $0x280, v8  }
0x132: {  	v11 =	vld @!p0 [tilespmem:$0xA90];
	vm2 =	vgt.s32 @!p0 v6, v10;
	v10 =	vadd.s32 @!p0 s1, v8  }
0x133: {  	v10 =	vsel @!p0 vm2, v10, v3  }
0x134: {  	v12 =	vld @!p0 [tilespmem:$0xE90];
	v13 =	vor.u32 @!p0 $0x290, v8;
	s1 =	sadd.s32 @!p0 $0x290, s26;
	vm2 =	vlt.s32 @!p0 v10, v4;
	v7 =	vadd.s32 @!p0 v2, v7  }
0x135: {  	[tilespmem:$0x1120] =	vst @!p0 v7;
	v7 =	vsel @!p0 vm2, v10, v4;
	vm2 =	vgt.s32 @!p0 v6, v13;
	v10 =	vadd.s32 @!p0 s1, v8;
	v13 =	vld @!p0 [tilespmem:$0xAA0]  }
0x136: {  	[tilespmem:$0x11A0] =	vst @!p0 v7;
	v7 =	vsel @!p0 vm2, v10, v3  }
0x137: {  	[tilespmem:$0x1A20] =	vst @!p0 v9;
	v9 =	vadd.s32 @!p0 v2, v11;
	v11 =	vor.u32 @!p0 $0x2A0, v8;
	s1 =	sadd.s32 @!p0 $0x2A0, s26;
	v10 =	vld @!p0 [tilespmem:$0xEA0];
	vm2 =	vlt.s32 @!p0 v7, v4  }
0x138: {  	[tilespmem:$0x1130] =	vst @!p0 v9;
	v9 =	vadd.s32 @!p0 s1, v8;
	v7 =	vsel @!p0 vm2, v7, v4;
	vm2 =	vgt.s32 @!p0 v6, v11;
	v11 =	vld @!p0 [tilespmem:$0xAB0]  }
0x139: {  	[tilespmem:$0x11B0] =	vst @!p0 v7;
	v7 =	vsel @!p0 vm2, v9, v3  }
0x13a: {  	[tilespmem:$0x1A30] =	vst @!p0 v12;
	v12 =	vld @!p0 [tilespmem:$0xEB0];
	s1 =	sadd.s32 @!p0 $0x2B0, s26;
	v9 =	vadd.s32 @!p0 v2, v13;
	vm2 =	vlt.s32 @!p0 v7, v4;
	v13 =	vor.u32 @!p0 $0x2B0, v8  }
0x13b: {  	[tilespmem:$0x1140] =	vst @!p0 v9;
	v7 =	vsel @!p0 vm2, v7, v4;
	vm2 =	vgt.s32 @!p0 v6, v13;
	v9 =	vadd.s32 @!p0 s1, v8;
	v13 =	vld @!p0 [tilespmem:$0xAC0]  }
0x13c: {  	[tilespmem:$0x11C0] =	vst @!p0 v7;
	v7 =	vsel @!p0 vm2, v9, v3  }
0x13d: {  	[tilespmem:$0x1A40] =	vst @!p0 v10;
	v10 =	vld @!p0 [tilespmem:$0xEC0];
	s1 =	sadd.s32 @!p0 $0x2C0, s26;
	v9 =	vadd.s32 @!p0 v2, v11;
	vm2 =	vlt.s32 @!p0 v7, v4;
	v11 =	vor.u32 @!p0 $0x2C0, v8  }
0x13e: {  	[tilespmem:$0x1150] =	vst @!p0 v9;
	v7 =	vsel @!p0 vm2, v7, v4;
	vm2 =	vgt.s32 @!p0 v6, v11;
	v9 =	vadd.s32 @!p0 s1, v8;
	v11 =	vld @!p0 [tilespmem:$0xAD0]  }
0x13f: {  	[tilespmem:$0x11D0] =	vst @!p0 v7;
	v7 =	vsel @!p0 vm2, v9, v3  }
0x140: {  	[tilespmem:$0x1A50] =	vst @!p0 v12;
	v12 =	vld @!p0 [tilespmem:$0xED0];
	s1 =	sadd.s32 @!p0 $0x2D0, s26;
	v9 =	vadd.s32 @!p0 v2, v13;
	vm2 =	vlt.s32 @!p0 v7, v4;
	v13 =	vor.u32 @!p0 $0x2D0, v8  }
0x141: {  	[tilespmem:$0x1160] =	vst @!p0 v9;
	v7 =	vsel @!p0 vm2, v7, v4;
	vm2 =	vgt.s32 @!p0 v6, v13;
	v9 =	vadd.s32 @!p0 s1, v8;
	v13 =	vld @!p0 [tilespmem:$0xAE0]  }
0x142: {  	[tilespmem:$0x11E0] =	vst @!p0 v7;
	v7 =	vsel @!p0 vm2, v9, v3  }
0x143: {  	[tilespmem:$0x1A60] =	vst @!p0 v10;
	v10 =	vld @!p0 [tilespmem:$0xEE0];
	s1 =	sadd.s32 @!p0 $0x2E0, s26;
	v9 =	vadd.s32 @!p0 v2, v11;
	vm2 =	vlt.s32 @!p0 v7, v4;
	v11 =	vor.u32 @!p0 $0x2E0, v8  }
0x144: {  	[tilespmem:$0x1170] =	vst @!p0 v9;
	v7 =	vsel @!p0 vm2, v7, v4;
	vm2 =	vgt.s32 @!p0 v6, v11;
	v9 =	vadd.s32 @!p0 s1, v8;
	v11 =	vld @!p0 [tilespmem:$0xAF0]  }
0x145: {  	[tilespmem:$0x11F0] =	vst @!p0 v7;
	v7 =	vsel @!p0 vm2, v9, v3  }
0x146: {  	[tilespmem:$0x1A70] =	vst @!p0 v12;
	v12 =	vor.u32 @!p0 $0x2F0, v8;
	s1 =	sadd.s32 @!p0 $0x2F0, s26;
	v9 =	vadd.s32 @!p0 v2, v13;
	vm2 =	vlt.s32 @!p0 v7, v4  }
0x147: {  	v8 =	vadd.s32 @!p0 s1, v8;
	[tilespmem:$0x1180] =	vst @!p0 v9;
	v7 =	vsel @!p0 vm2, v7, v4;
	v9 =	vld @!p0 [tilespmem:$0xEF0];
	vm2 =	vgt.s32 @!p0 v6, v12  }
0x148: {  	[tilespmem:$0x1200] =	vst @!p0 v7;
	v7 =	vsel @!p0 vm2, v8, v3  }
0x149: {  	[tilespmem:$0x1A80] =	vst @!p0 v10;
	v8 =	vadd.s32 @!p0 v2, v11;
	vm2 =	vlt.s32 @!p0 v7, v4  }
0x14a: {  	[tilespmem:$0x1190] =	vst @!p0 v8;
	v7 =	vsel @!p0 vm2, v7, v4  }
0x14b: {  	[tilespmem:$0x1210] =	vst @!p0 v7  }
0x14c: {  	s29 =	simm.s32 @!p0 $0x1120;
	s30 =	simm.s32 @!p0 $0x1220;
	s1 =	simm.s32 @!p0 $0x80;
	[tilespmem:$0x1A90] =	vst @!p0 v9  }
0x14d: {  	[tilespmem:s30], [sflag:$0x1] =	stream.indirect.gather @!p0 [hbm4b:s5+s1], $0x10, s29, s1, $0xb8;
	[tilespmem:$0x1AA0] =	vst v63  }
0x14e: {  	s29 =	simm.s32 @!p0 $0x1  }
0x14f: {  	_ =	swait.ge @!p0 [sflag:s29], $0x800  }
0x150: {  	[sflag:s29] =	ssyncset.done @!p0 $0x0  }
0x151: {  	s31 =	simm.s32 @!p0 $0x11A0;
	[sflag:s29] =	ssyncadd.s32 @!p0 $0xFFFFF800  }
0x152: {  	[hbm4b:s6+s1] =	stream.indirect.scatter @!p0 [tilespmem:s30], [sflag:$0x1], $0x10, s31, s1, $0xb8;
	[tilespmem:$0x1AA0] =	vst v63  }
0x153: {  	_ =	swait.ge @!p0 [sflag:s29], $0x800  }
0x154: {  	[sflag:s29] =	ssyncset.done @!p0 $0x0  }
0x155: {  	s30 =	simm.s32 @!p0 $0x1A20;
	[sflag:s29] =	ssyncadd.s32 @!p0 $0xFFFFF800  }
0x156: {  	[hbm4b:s7+s1] =	stream.indirect.scatter @!p0 [tilespmem:s30], [sflag:$0x1], $0x1, s31, s1, $0xb8;
	[tilespmem:$0x1AA0] =	vst v63  }
0x157: {  	_ =	swait.ge @!p0 [sflag:s29], $0x80  }
0x158: {  	p1 =	slt.u32 @!p0 s28, $0x301;
	[sflag:s29] =	ssyncset.done @!p0 $0x0  }
0x159: {  	[sflag:s29] =	ssyncadd.s32 @!p0 $0xFFFFFF80;
	p0 =	por p0, p1  }
0x15a: {  	v7 =	vld @!p0 [tilespmem:$0xB00]  }
0x15b: {  	v8 =	vlaneseq.u32 @!p0  }
0x15c: {  	v9 =	vld @!p0 [tilespmem:$0xF00];
	s1 =	sadd.s32 @!p0 $0x300, s26;
	v10 =	vor.u32 @!p0 $0x300, v8  }
0x15d: {  	v11 =	vld @!p0 [tilespmem:$0xB10];
	vm2 =	vgt.s32 @!p0 v6, v10;
	v10 =	vadd.s32 @!p0 s1, v8  }
0x15e: {  	v10 =	vsel @!p0 vm2, v10, v3  }
0x15f: {  	v12 =	vld @!p0 [tilespmem:$0xF10];
	v13 =	vor.u32 @!p0 $0x310, v8;
	s1 =	sadd.s32 @!p0 $0x310, s26;
	vm2 =	vlt.s32 @!p0 v10, v4;
	v7 =	vadd.s32 @!p0 v2, v7  }
0x160: {  	[tilespmem:$0x1120] =	vst @!p0 v7;
	v7 =	vsel @!p0 vm2, v10, v4;
	vm2 =	vgt.s32 @!p0 v6, v13;
	v10 =	vadd.s32 @!p0 s1, v8;
	v13 =	vld @!p0 [tilespmem:$0xB20]  }
0x161: {  	[tilespmem:$0x11A0] =	vst @!p0 v7;
	v7 =	vsel @!p0 vm2, v10, v3  }
0x162: {  	[tilespmem:$0x1A20] =	vst @!p0 v9;
	v9 =	vadd.s32 @!p0 v2, v11;
	v11 =	vor.u32 @!p0 $0x320, v8;
	s1 =	sadd.s32 @!p0 $0x320, s26;
	v10 =	vld @!p0 [tilespmem:$0xF20];
	vm2 =	vlt.s32 @!p0 v7, v4  }
0x163: {  	[tilespmem:$0x1130] =	vst @!p0 v9;
	v9 =	vadd.s32 @!p0 s1, v8;
	v7 =	vsel @!p0 vm2, v7, v4;
	vm2 =	vgt.s32 @!p0 v6, v11;
	v11 =	vld @!p0 [tilespmem:$0xB30]  }
0x164: {  	[tilespmem:$0x11B0] =	vst @!p0 v7;
	v7 =	vsel @!p0 vm2, v9, v3  }
0x165: {  	[tilespmem:$0x1A30] =	vst @!p0 v12;
	v12 =	vld @!p0 [tilespmem:$0xF30];
	s1 =	sadd.s32 @!p0 $0x330, s26;
	v9 =	vadd.s32 @!p0 v2, v13;
	vm2 =	vlt.s32 @!p0 v7, v4;
	v13 =	vor.u32 @!p0 $0x330, v8  }
0x166: {  	[tilespmem:$0x1140] =	vst @!p0 v9;
	v7 =	vsel @!p0 vm2, v7, v4;
	vm2 =	vgt.s32 @!p0 v6, v13;
	v9 =	vadd.s32 @!p0 s1, v8;
	v13 =	vld @!p0 [tilespmem:$0xB40]  }
0x167: {  	[tilespmem:$0x11C0] =	vst @!p0 v7;
	v7 =	vsel @!p0 vm2, v9, v3  }
0x168: {  	[tilespmem:$0x1A40] =	vst @!p0 v10;
	v10 =	vld @!p0 [tilespmem:$0xF40];
	s1 =	sadd.s32 @!p0 $0x340, s26;
	v9 =	vadd.s32 @!p0 v2, v11;
	vm2 =	vlt.s32 @!p0 v7, v4;
	v11 =	vor.u32 @!p0 $0x340, v8  }
0x169: {  	[tilespmem:$0x1150] =	vst @!p0 v9;
	v7 =	vsel @!p0 vm2, v7, v4;
	vm2 =	vgt.s32 @!p0 v6, v11;
	v9 =	vadd.s32 @!p0 s1, v8;
	v11 =	vld @!p0 [tilespmem:$0xB50]  }
0x16a: {  	[tilespmem:$0x11D0] =	vst @!p0 v7;
	v7 =	vsel @!p0 vm2, v9, v3  }
0x16b: {  	[tilespmem:$0x1A50] =	vst @!p0 v12;
	v12 =	vld @!p0 [tilespmem:$0xF50];
	s1 =	sadd.s32 @!p0 $0x350, s26;
	v9 =	vadd.s32 @!p0 v2, v13;
	vm2 =	vlt.s32 @!p0 v7, v4;
	v13 =	vor.u32 @!p0 $0x350, v8  }
0x16c: {  	[tilespmem:$0x1160] =	vst @!p0 v9;
	v7 =	vsel @!p0 vm2, v7, v4;
	vm2 =	vgt.s32 @!p0 v6, v13;
	v9 =	vadd.s32 @!p0 s1, v8;
	v13 =	vld @!p0 [tilespmem:$0xB60]  }
0x16d: {  	[tilespmem:$0x11E0] =	vst @!p0 v7;
	v7 =	vsel @!p0 vm2, v9, v3  }
0x16e: {  	[tilespmem:$0x1A60] =	vst @!p0 v10;
	v10 =	vld @!p0 [tilespmem:$0xF60];
	s1 =	sadd.s32 @!p0 $0x360, s26;
	v9 =	vadd.s32 @!p0 v2, v11;
	vm2 =	vlt.s32 @!p0 v7, v4;
	v11 =	vor.u32 @!p0 $0x360, v8  }
0x16f: {  	[tilespmem:$0x1170] =	vst @!p0 v9;
	v7 =	vsel @!p0 vm2, v7, v4;
	vm2 =	vgt.s32 @!p0 v6, v11;
	v9 =	vadd.s32 @!p0 s1, v8;
	v11 =	vld @!p0 [tilespmem:$0xB70]  }
0x170: {  	[tilespmem:$0x11F0] =	vst @!p0 v7;
	v7 =	vsel @!p0 vm2, v9, v3  }
0x171: {  	[tilespmem:$0x1A70] =	vst @!p0 v12;
	v12 =	vor.u32 @!p0 $0x370, v8;
	s1 =	sadd.s32 @!p0 $0x370, s26;
	v9 =	vadd.s32 @!p0 v2, v13;
	vm2 =	vlt.s32 @!p0 v7, v4  }
0x172: {  	v8 =	vadd.s32 @!p0 s1, v8;
	[tilespmem:$0x1180] =	vst @!p0 v9;
	v7 =	vsel @!p0 vm2, v7, v4;
	vm2 =	vgt.s32 @!p0 v6, v12;
	v9 =	vld @!p0 [tilespmem:$0xF70]  }
0x173: {  	[tilespmem:$0x1200] =	vst @!p0 v7;
	v7 =	vsel @!p0 vm2, v8, v3  }
0x174: {  	[tilespmem:$0x1A80] =	vst @!p0 v10;
	v8 =	vadd.s32 @!p0 v2, v11;
	vm2 =	vlt.s32 @!p0 v7, v4  }
0x175: {  	[tilespmem:$0x1190] =	vst @!p0 v8;
	v7 =	vsel @!p0 vm2, v7, v4  }
0x176: {  	[tilespmem:$0x1210] =	vst @!p0 v7  }
0x177: {  	s29 =	simm.s32 @!p0 $0x1120;
	s30 =	simm.s32 @!p0 $0x1220;
	s1 =	simm.s32 @!p0 $0x80;
	[tilespmem:$0x1A90] =	vst @!p0 v9  }
0x178: {  	[tilespmem:s30], [sflag:$0x1] =	stream.indirect.gather @!p0 [hbm4b:s5+s1], $0x10, s29, s1, $0xb8;
	[tilespmem:$0x1AA0] =	vst v63  }
0x179: {  	s29 =	simm.s32 @!p0 $0x1  }
0x17a: {  	_ =	swait.ge @!p0 [sflag:s29], $0x800  }
0x17b: {  	[sflag:s29] =	ssyncset.done @!p0 $0x0  }
0x17c: {  	s31 =	simm.s32 @!p0 $0x11A0;
	[sflag:s29] =	ssyncadd.s32 @!p0 $0xFFFFF800  }
0x17d: {  	[hbm4b:s6+s1] =	stream.indirect.scatter @!p0 [tilespmem:s30], [sflag:$0x1], $0x10, s31, s1, $0xb8;
	[tilespmem:$0x1AA0] =	vst v63  }
0x17e: {  	p1 =	slt.u32 @!p0 s28, $0x381;
	_ =	swait.ge @!p0 [sflag:s29], $0x800  }
0x17f: {  	p1 =	por p0, p1;
	[sflag:s29] =	ssyncset.done @!p0 $0x0  }
.Ltmp3:
0x180: {  	s30 =	simm.s32 @!p0 $0x1A20;
	[sflag:s29] =	ssyncadd.s32 @!p0 $0xFFFFF800;
	(pc) =	sbr.rel @p1 .LBB2_5-.Ltmp3, $4  }
0x181: {  	[hbm4b:s7+s1] =	stream.indirect.scatter @!p0 [tilespmem:s30], [sflag:$0x1], $0x1, s31, s1, $0xb8;
	[tilespmem:$0x1AA0] =	vst v63  }
0x182: {  	_ =	swait.ge @!p0 [sflag:s29], $0x80  }
0x183: {  	[sflag:s29] =	ssyncset.done @!p0 $0x0  }
0x184: {  	[sflag:s29] =	ssyncadd.s32 @!p0 $0xFFFFFF80  }
0x185: {  	v7 =	vld [tilespmem:$0xB80];
	_ =	sdelay $0x1  }
0x186: {  	v9 =	vor.u32 $0x380, v0;
	s1 =	sadd.s32 $0x380, s26  }
0x187: {  	v8 =	vld [tilespmem:$0xF80];
	vm2 =	vgt.s32 v6, v9;
	v32 =	vadd.s32 s1, v0  }
0x188: {  	v11 =	vld [tilespmem:$0xF90];
	v9 =	vsel vm2, v32, v3  }
0x189: {  	v12 =	vor.u32 $0x390, v0;
	s29 =	sadd.s32 $0x390, s26;
	vm2 =	vlt.s32 v9, v4;
	v7 =	vadd.s32 v2, v7  }
0x18a: {  	v36 =	vld [tilespmem:$0xFA0];
	v33 =	vadd.s32 s29, v0;
	[tilespmem:$0x1120] =	vst v7;
	v7 =	vsel vm2, v9, v4;
	vm2 =	vgt.s32 v6, v12  }
0x18b: {  	v41 =	vld [tilespmem:$0xFB0];
	[tilespmem:$0x11A0] =	vst v7;
	v7 =	vsel vm2, v33, v3  }
0x18c: {  	v37 =	vor.u32 $0x3A0, v0;
	s30 =	sadd.s32 $0x3A0, s26;
	[tilespmem:$0x1A20] =	vst v8;
	vm2 =	vlt.s32 v7, v4  }
0x18d: {  	v46 =	vld [tilespmem:$0xFC0];
	v38 =	vadd.s32 s30, v0;
	[tilespmem:$0x1A30] =	vst v11;
	v7 =	vsel vm2, v7, v4;
	vm2 =	vgt.s32 v6, v37  }
0x18e: {  	v51 =	vld [tilespmem:$0xFD0];
	[tilespmem:$0x11B0] =	vst v7;
	v7 =	vsel vm2, v38, v3  }
0x18f: {  	v10 =	vld [tilespmem:$0xB90];
	v42 =	vor.u32 $0x3B0, v0;
	s31 =	sadd.s32 $0x3B0, s26;
	[tilespmem:$0x1A40] =	vst v36;
	vm2 =	vlt.s32 v7, v4  }
0x190: {  	v56 =	vld [tilespmem:$0xFE0];
	v43 =	vadd.s32 s31, v0;
	[tilespmem:$0x1A50] =	vst v41;
	v7 =	vsel vm2, v7, v4;
	vm2 =	vgt.s32 v6, v42  }
0x191: {  	[tilespmem:$0x11C0] =	vst v7;
	v7 =	vsel vm2, v43, v3  }
0x192: {  	v34 =	vld [tilespmem:$0xBA0];
	v47 =	vor.u32 $0x3C0, v0;
	s28 =	sadd.s32 $0x3C0, s26;
	[tilespmem:$0x1A60] =	vst v46;
	vm2 =	vlt.s32 v7, v4  }
0x193: {  	v39 =	vld [tilespmem:$0xBB0];
	v48 =	vadd.s32 s28, v0;
	[tilespmem:$0x1A70] =	vst v51;
	v7 =	vsel vm2, v7, v4;
	vm2 =	vgt.s32 v6, v47  }
0x194: {  	[tilespmem:$0x11D0] =	vst v7;
	v7 =	vsel vm2, v48, v3  }
0x195: {  	v44 =	vld [tilespmem:$0xBC0];
	v52 =	vor.u32 $0x3D0, v0;
	s29 =	sadd.s32 $0x3D0, s26;
	v35 =	vadd.s32 v2, v10;
	[tilespmem:$0x1A80] =	vst v56;
	vm2 =	vlt.s32 v7, v4  }
0x196: {  	v49 =	vld [tilespmem:$0xBD0];
	v53 =	vadd.s32 s29, v0;
	[tilespmem:$0x1130] =	vst v35;
	v7 =	vsel vm2, v7, v4;
	vm2 =	vgt.s32 v6, v52  }
0x197: {  	v40 =	vadd.s32 v2, v34;
	[tilespmem:$0x11E0] =	vst v7;
	v7 =	vsel vm2, v53, v3  }
0x198: {  	v54 =	vld [tilespmem:$0xBE0];
	v57 =	vor.u32 $0x3E0, v0;
	s30 =	sadd.s32 $0x3E0, s26;
	v45 =	vadd.s32 v2, v39;
	[tilespmem:$0x1140] =	vst v40;
	vm2 =	vlt.s32 v7, v4  }
0x199: {  	v59 =	vld [tilespmem:$0xBF0];
	v58 =	vadd.s32 s30, v0;
	[tilespmem:$0x1150] =	vst v45;
	v7 =	vsel vm2, v7, v4;
	vm2 =	vgt.s32 v6, v57  }
0x19a: {  	v50 =	vadd.s32 v2, v44;
	[tilespmem:$0x11F0] =	vst v7;
	v7 =	vsel vm2, v58, v3  }
0x19b: {  	v61 =	vor.u32 $0x3F0, v0;
	s31 =	sadd.s32 $0x3F0, s26;
	v55 =	vadd.s32 v2, v49;
	[tilespmem:$0x1160] =	vst v50;
	vm2 =	vlt.s32 v7, v4  }
0x19c: {  	v62 =	vadd.s32 s31, v0;
	[tilespmem:$0x1170] =	vst v55;
	v7 =	vsel vm2, v7, v4;
	vm2 =	vgt.s32 v6, v61;
	v6 =	vld [tilespmem:$0xFF0]  }
0x19d: {  	v60 =	vadd.s32 v2, v54;
	[tilespmem:$0x1200] =	vst v7;
	v7 =	vsel vm2, v62, v3  }
0x19e: {  	v63 =	vadd.s32 v2, v59;
	[tilespmem:$0x1180] =	vst v60;
	vm2 =	vlt.s32 v7, v4  }
0x19f: {  	[tilespmem:$0x1190] =	vst v63;
	v7 =	vsel vm2, v7, v4  }
0x1a0: {  	[tilespmem:$0x1210] =	vst v7  }
0x1a1: {  	[tilespmem:$0x1A90] =	vst v6  }
0x1a2: {  	[tilespmem:s22], [sflag:$0x1] =	stream.indirect.gather [hbm4b:s5+s20], $0x10, s21, s20, $0xb8;
	[tilespmem:$0x1AA0] =	vst v63  }
0x1a3: {  	_ =	swait.ge [sflag:s13], $0x800  }
0x1a4: {  	[sflag:s13] =	ssyncset.done $0x0  }
0x1a5: {  	[sflag:s13] =	ssyncadd.s32 $0xFFFFF800  }
0x1a6: {  	[hbm4b:s6+s20] =	stream.indirect.scatter [tilespmem:s22], [sflag:$0x1], $0x10, s23, s20, $0xb8;
	[tilespmem:$0x1AA0] =	vst v63  }
0x1a7: {  	_ =	swait.ge [sflag:s13], $0x800  }
0x1a8: {  	[sflag:s13] =	ssyncset.done $0x0  }
.Ltmp4:
0x1a9: {  	[sflag:s13] =	ssyncadd.s32 $0xFFFFF800;
	(pc) =	sbr.rel .LBB2_5-.Ltmp4, $4  }
0x1aa: {  	[hbm4b:s7+s20] =	stream.indirect.scatter [tilespmem:s24], [sflag:$0x1], $0x1, s23, s20, $0xb8;
	[tilespmem:$0x1AA0] =	vst v63  }
0x1ab: {  	_ =	swait.ge [sflag:s13], $0x80  }
0x1ac: {  	[sflag:s13] =	ssyncset.done $0x0  }
0x1ad: {  	[sflag:s13] =	ssyncadd.s32 $0xFFFFFF80  }
.LBB2_6:
0x1ae: {  	_ =	sfence.sel $0x180000  }
0x1af: {  	[bflag:$0x0] =	sbarrier.arrive $0xFFFF  }
0x1b0: {  	_ =	strace $0x90000047  }
0x1b1: {  	[bflag:$0x2] =	sbarrier.arrive $0xFFFF  }
0x1b2: {  	p0 =	sne.s32 s0, $0x0;
	s0 =	rddreg [dreg:$0x2]  }
0x1b3: {  	s0 =	sadd.s32 @!p0 $0x100000, s0  }
0x1b4: {  	[sflag:s0] =	ssyncadd.tile.s32 @!p0 $0x1;
	_ =	shalt  }
.Lfunc_end2:
_tile_overlayer_lowered:
.L_overlay_start_2:
0x1b5: {  	(tag) =	ssettag $0x2  }
0x1b6: {  	s0 =	rddreg [dreg:$0x0];
	s2 =	stileid.u32  }
0x1b7: {  	s1 =	rddreg [dreg:$0x1];
	p0 =	sne.s32 s2, $0x0  }
0x1b8: {  	s3 =	rddreg [dreg:$0x2];
	[bflag:$0x3] =	sbarrier.arrive $0xFFFF;
	s2 =	simm.s32 @!p0 $0x1C02  }
0x1b9: {  	[timem:s3], [sflag:s2] =	dma.local @!p0 [hbm:s0], s1  }
0x1ba: {  	s0 =	simm.s32 @!p0 $0x2  }
0x1bb: {  	_ =	swait.ge @!p0 [sflag:s0], s1  }
0x1bc: {  	s1 =	ssub.s32 @!p0 $0x0, s1;
	[sflag:s0] =	ssyncset.done @!p0 $0x0  }
0x1bd: {  	[sflag:s0] =	ssyncadd.s32 @!p0 s1  }
0x1be: {  	[bflag:$0x3] =	sbarrier.arrive $0xFFFF  }
0x1bf: {  	_ =	shalt  }

</sc_bundles>
